<compile_context>
chip_gen: v7x
topology: tpu7x:2x2x1
jax: 0.10.2.dev20260603
libtpu: 0.0.44.dev20260713+nightly
codegen_flags: <defaults>
</compile_context>

<pallas_src>
import functools

import jax
import jax.numpy as jnp
from jax import lax
from jax.experimental import pallas as pl
from jax.experimental.pallas import tpu as pltpu
from jax.experimental.pallas import tpu_sc as plsc

_B = 1024
_N = 256
_L = 16
_NV = _N // _L
_NC = 2
_NS = 16
_NW = _NC * _NS
_BSC = 128
_RPW = _BSC // _NW


def _wht256(vs, idxs, signs):
    for sv in (1, 2, 4, 8):
        for v in range(_NV):
            if v & sv:
                continue
            a, b = vs[v], vs[v | sv]
            vs[v] = a + b
            vs[v | sv] = a - b
    for s in (1, 2, 4, 8):
        idx, sgn = idxs[s], signs[s]
        for v in range(_NV):
            x = vs[v]
            partner = x.at[idx].get(mode="promise_in_bounds")
            vs[v] = sgn * x + partner
    return vs


def _sc_body(p1_hbm, p2_hbm, out_hbm, p1_v, p2_v, out_v, sem1, sem2):
    wid = lax.axis_index("s") * _NC + lax.axis_index("c")
    base = wid * _RPW
    c1 = pltpu.async_copy(p1_hbm.at[pl.ds(base, _RPW)], p1_v, sem1)
    c2 = pltpu.async_copy(p2_hbm.at[pl.ds(base, _RPW)], p2_v, sem2)
    c1.wait()
    c2.wait()

    lane = lax.iota(jnp.int32, _L)
    idxs = {s: lane ^ s for s in (1, 2, 4, 8)}
    signs = {
        s: jnp.where((lane & s) == 0, jnp.float32(1), jnp.float32(-1))
        for s in (1, 2, 4, 8)
    }

    def row(r, carry):
        t1 = [p1_v[r, pl.ds(v * _L, _L)] for v in range(_NV)]
        t2 = [p2_v[r, pl.ds(v * _L, _L)] for v in range(_NV)]
        t1 = _wht256(t1, idxs, signs)
        t2 = _wht256(t2, idxs, signs)
        t = [a * b * (1.0 / _N) for a, b in zip(t1, t2)]
        t = _wht256(t, idxs, signs)
        for v in range(_NV):
            out_v[r, pl.ds(v * _L, _L)] = t[v]
        return carry

    lax.fori_loop(0, _RPW, row, 0)
    pltpu.sync_copy(out_v, out_hbm.at[pl.ds(base, _RPW)])


_sc_kernel = functools.partial(
    pl.kernel,
    mesh=plsc.VectorSubcoreMesh(core_axis_name="c", subcore_axis_name="s"),
    out_type=jax.ShapeDtypeStruct((_BSC, _N), jnp.float32),
    scratch_types=[
        pltpu.VMEM((_RPW, _N), jnp.float32),
        pltpu.VMEM((_RPW, _N), jnp.float32),
        pltpu.VMEM((_RPW, _N), jnp.float32),
        pltpu.SemaphoreType.DMA,
        pltpu.SemaphoreType.DMA,
    ],
)(_sc_body)


def _split_dot(x, hb):
    hi = x.astype(jnp.bfloat16)
    lo = (x - hi.astype(jnp.float32)).astype(jnp.bfloat16)
    return (jnp.dot(hi, hb, preferred_element_type=jnp.float32)
            + jnp.dot(lo, hb, preferred_element_type=jnp.float32))


def _tc_body(p1_ref, p2_ref, h_ref, out_ref):
    hb = h_ref[...].astype(jnp.bfloat16)
    t1 = _split_dot(p1_ref[...], hb)
    t2 = _split_dot(p2_ref[...], hb)
    out_ref[...] = _split_dot(t1 * t2 * (1.0 / _N), hb)


def kernel(pred1, pred2, mapping1, mapping2):
    del mapping1, mapping2
    sc_out = _sc_kernel(pred1, pred2)
    i = jnp.arange(_N, dtype=jnp.int32)
    parity = jax.lax.population_count(i[:, None] & i[None, :]) & 1
    h = (1 - 2 * parity).astype(jnp.float32)
    tc_out = pl.pallas_call(
        _tc_body,
        out_shape=jax.ShapeDtypeStruct((_B, _N), jnp.float32),
    )(pred1, pred2, h)
    return jax.lax.dynamic_update_slice(tc_out, sc_out, (0, 0))

# --- scband reference (transcript-rebuilt; emitter-appended) ---
"""Pipeline reference for scband-xor-layer-24635932410330 (READ-ONLY COPY).

The authoritative reference and input builder live on the scoring server;
editing this copy changes nothing except your own understanding.
"""

import jax, jax.numpy as jnp
import numpy as np

CLASSES = 256
BATCH = 1024

def _build_xor_mappings(classes):
    # all_maps[c, i, j] == 1 iff i XOR j == c. np.where over that mask (sorted
    # lexicographically by i then j) yields mapping1[c] = arange(classes) and
    # mapping2[c] = c XOR arange(classes). Reconstruct directly.
    i = jnp.arange(classes, dtype=jnp.int32)
    mapping1 = jnp.broadcast_to(i[None, :], (classes, classes))
    mapping2 = jnp.bitwise_xor(jnp.arange(classes, dtype=jnp.int32)[:, None], i[None, :])
    return mapping1, mapping2

def setup_inputs(seed: int = 0) -> dict:
    key = jax.random.key(seed)
    k1, k2 = jax.random.split(key)
    pred1 = jax.random.uniform(k1, (BATCH, CLASSES), dtype=jnp.float32)
    pred2 = jax.random.uniform(k2, (BATCH, CLASSES), dtype=jnp.float32)
    mapping1, mapping2 = _build_xor_mappings(CLASSES)
    return {"pred1": pred1, "pred2": pred2, "mapping1": mapping1, "mapping2": mapping2}

def reference(pred1, pred2, mapping1, mapping2):
    # p1 = pred1[:, mapping1] -> [B, classes, classes] gather along class axis
    p1 = jnp.take(pred1, mapping1, axis=1)
    p2 = jnp.take(pred2, mapping2, axis=1)
    res = jnp.sum(p1 * p2, axis=2)
    return res

if __name__ == "__main__":
    import jax
    _d = setup_inputs()
    print(jax.jit(kernel)(*tuple(_d.values())))

</pallas_src>

<mosaic_0001>
#map = affine_map<(d0, d1) -> (0, 0)>
module attributes {stable_mosaic.version = 14 : i64} {
  func.func @_sc_body(%arg0: i32, %arg1: i32, %arg2: memref<1024x256xf32, #tpu.memory_space<hbm>>, %arg3: memref<1024x256xf32, #tpu.memory_space<hbm>>, %arg4: memref<128x256xf32, #tpu.memory_space<hbm>>, %arg5: memref<4x256xf32, #tpu.memory_space<vmem>>, %arg6: memref<4x256xf32, #tpu.memory_space<vmem>>, %arg7: memref<4x256xf32, #tpu.memory_space<vmem>>, %arg8: memref<!tpu.dma_semaphore, #tpu.memory_space<semaphore_mem>>, %arg9: memref<!tpu.dma_semaphore, #tpu.memory_space<semaphore_mem>>) attributes {dimension_semantics = [#tpu.dimension_semantics<core_parallel>, #tpu.dimension_semantics<subcore_parallel>], iteration_bounds = array<i64: 2, 16>, scalar_prefetch = 0 : i64, scratch_operands = 5 : i64, tpu.core_type = #tpu.core_type<sc_vector_subcore>, window_params = [{transform_indices = #map}, {transform_indices = #map}, {transform_indices = #map}]} {
    %mul3A = arith.constant 2 : i32
    %mul3A_0 = arith.muli %arg1, %mul3A : i32
    %add3A = arith.addi %mul3A_0, %arg0 : i32
    %mul3A_1 = arith.constant 4 : i32
    %mul3A_2 = arith.muli %add3A, %mul3A_1 : i32
    %dma_start3A = arith.constant 0 : i32
    %dma_start3A_3 = tpu.memref_slice %arg2[%mul3A_2, %dma_start3A] : memref<1024x256xf32, #tpu.memory_space<hbm>> -> memref<4x256xf32, #tpu.memory_space<hbm>>
    %dma_start3A_4 = arith.constant 0 : i32
    %dma_start3A_5 = tpu.memref_slice %arg2[%mul3A_2, %dma_start3A_4] : memref<1024x256xf32, #tpu.memory_space<hbm>> -> memref<4x256xf32, #tpu.memory_space<hbm>>
    tpu.enqueue_dma source(%dma_start3A_5 : memref<4x256xf32, #tpu.memory_space<hbm>>) target(%arg5 : memref<4x256xf32, #tpu.memory_space<vmem>>) target_semaphore(%arg8 : memref<!tpu.dma_semaphore, #tpu.memory_space<semaphore_mem>>)
    %dma_start3A_6 = arith.constant 0 : i32
    %dma_start3A_7 = tpu.memref_slice %arg3[%mul3A_2, %dma_start3A_6] : memref<1024x256xf32, #tpu.memory_space<hbm>> -> memref<4x256xf32, #tpu.memory_space<hbm>>
    %dma_start3A_8 = arith.constant 0 : i32
    %dma_start3A_9 = tpu.memref_slice %arg3[%mul3A_2, %dma_start3A_8] : memref<1024x256xf32, #tpu.memory_space<hbm>> -> memref<4x256xf32, #tpu.memory_space<hbm>>
    tpu.enqueue_dma source(%dma_start3A_9 : memref<4x256xf32, #tpu.memory_space<hbm>>) target(%arg6 : memref<4x256xf32, #tpu.memory_space<vmem>>) target_semaphore(%arg9 : memref<!tpu.dma_semaphore, #tpu.memory_space<semaphore_mem>>)
    %dma_wait3A = arith.constant 0 : i32
    %dma_wait3A_10 = tpu.memref_slice %arg2[%mul3A_2, %dma_wait3A] : memref<1024x256xf32, #tpu.memory_space<hbm>> -> memref<4x256xf32, #tpu.memory_space<hbm>>
    %dma_wait3A_11 = arith.constant 0 : i32
    %dma_wait3A_12 = tpu.memref_slice %arg2[%mul3A_2, %dma_wait3A_11] : memref<1024x256xf32, #tpu.memory_space<hbm>> -> memref<4x256xf32, #tpu.memory_space<hbm>>
    tpu.wait_dma2 semaphore(%arg8 : memref<!tpu.dma_semaphore, #tpu.memory_space<semaphore_mem>>) src(%dma_wait3A_12 : memref<4x256xf32, #tpu.memory_space<hbm>>) dst(%arg5 : memref<4x256xf32, #tpu.memory_space<vmem>>)
    %dma_wait3A_13 = arith.constant 0 : i32
    %dma_wait3A_14 = tpu.memref_slice %arg3[%mul3A_2, %dma_wait3A_13] : memref<1024x256xf32, #tpu.memory_space<hbm>> -> memref<4x256xf32, #tpu.memory_space<hbm>>
    %dma_wait3A_15 = arith.constant 0 : i32
    %dma_wait3A_16 = tpu.memref_slice %arg3[%mul3A_2, %dma_wait3A_15] : memref<1024x256xf32, #tpu.memory_space<hbm>> -> memref<4x256xf32, #tpu.memory_space<hbm>>
    tpu.wait_dma2 semaphore(%arg9 : memref<!tpu.dma_semaphore, #tpu.memory_space<semaphore_mem>>) src(%dma_wait3A_16 : memref<4x256xf32, #tpu.memory_space<hbm>>) dst(%arg6 : memref<4x256xf32, #tpu.memory_space<vmem>>)
    %iota3A = tpu.iota {dimensions = array<i32: 0>} : vector<16xi32>
    %xor3A = arith.constant 1 : i32
    %xor3A_17 = vector.broadcast %xor3A : i32 to vector<16xi32>
    %xor3A_18 = arith.xori %iota3A, %xor3A_17 : vector<16xi32>
    %xor3A_19 = arith.constant 2 : i32
    %xor3A_20 = vector.broadcast %xor3A_19 : i32 to vector<16xi32>
    %xor3A_21 = arith.xori %iota3A, %xor3A_20 : vector<16xi32>
    %xor3A_22 = arith.constant 4 : i32
    %xor3A_23 = vector.broadcast %xor3A_22 : i32 to vector<16xi32>
    %xor3A_24 = arith.xori %iota3A, %xor3A_23 : vector<16xi32>
    %xor3A_25 = arith.constant 8 : i32
    %xor3A_26 = vector.broadcast %xor3A_25 : i32 to vector<16xi32>
    %xor3A_27 = arith.xori %iota3A, %xor3A_26 : vector<16xi32>
    %and3A = arith.constant 1 : i32
    %and3A_28 = vector.broadcast %and3A : i32 to vector<16xi32>
    %and3A_29 = arith.andi %iota3A, %and3A_28 : vector<16xi32>
    %eq3A = arith.constant 0 : i32
    %eq3A_30 = vector.broadcast %eq3A : i32 to vector<16xi32>
    %eq3A_31 = arith.cmpi eq, %and3A_29, %eq3A_30 : vector<16xi32>
    %jit3A = arith.constant 1.000000e+00 : f32
    %jit3A_32 = arith.constant -1.000000e+00 : f32
    %broadcast_in_dim3A = vector.broadcast %jit3A : f32 to vector<16xf32>
    %broadcast_in_dim3A_33 = vector.broadcast %jit3A_32 : f32 to vector<16xf32>
    %select_n3A = arith.select %eq3A_31, %broadcast_in_dim3A, %broadcast_in_dim3A_33 : vector<16xi1>, vector<16xf32>
    %and3A_34 = arith.constant 2 : i32
    %and3A_35 = vector.broadcast %and3A_34 : i32 to vector<16xi32>
    %and3A_36 = arith.andi %iota3A, %and3A_35 : vector<16xi32>
    %eq3A_37 = arith.constant 0 : i32
    %eq3A_38 = vector.broadcast %eq3A_37 : i32 to vector<16xi32>
    %eq3A_39 = arith.cmpi eq, %and3A_36, %eq3A_38 : vector<16xi32>
    %jit3A_40 = arith.constant 1.000000e+00 : f32
    %jit3A_41 = arith.constant -1.000000e+00 : f32
    %broadcast_in_dim3A_42 = vector.broadcast %jit3A_40 : f32 to vector<16xf32>
    %broadcast_in_dim3A_43 = vector.broadcast %jit3A_41 : f32 to vector<16xf32>
    %select_n3A_44 = arith.select %eq3A_39, %broadcast_in_dim3A_42, %broadcast_in_dim3A_43 : vector<16xi1>, vector<16xf32>
    %and3A_45 = arith.constant 4 : i32
    %and3A_46 = vector.broadcast %and3A_45 : i32 to vector<16xi32>
    %and3A_47 = arith.andi %iota3A, %and3A_46 : vector<16xi32>
    %eq3A_48 = arith.constant 0 : i32
    %eq3A_49 = vector.broadcast %eq3A_48 : i32 to vector<16xi32>
    %eq3A_50 = arith.cmpi eq, %and3A_47, %eq3A_49 : vector<16xi32>
    %jit3A_51 = arith.constant 1.000000e+00 : f32
    %jit3A_52 = arith.constant -1.000000e+00 : f32
    %broadcast_in_dim3A_53 = vector.broadcast %jit3A_51 : f32 to vector<16xf32>
    %broadcast_in_dim3A_54 = vector.broadcast %jit3A_52 : f32 to vector<16xf32>
    %select_n3A_55 = arith.select %eq3A_50, %broadcast_in_dim3A_53, %broadcast_in_dim3A_54 : vector<16xi1>, vector<16xf32>
    %and3A_56 = arith.constant 8 : i32
    %and3A_57 = vector.broadcast %and3A_56 : i32 to vector<16xi32>
    %and3A_58 = arith.andi %iota3A, %and3A_57 : vector<16xi32>
    %eq3A_59 = arith.constant 0 : i32
    %eq3A_60 = vector.broadcast %eq3A_59 : i32 to vector<16xi32>
    %eq3A_61 = arith.cmpi eq, %and3A_58, %eq3A_60 : vector<16xi32>
    %jit3A_62 = arith.constant 1.000000e+00 : f32
    %jit3A_63 = arith.constant -1.000000e+00 : f32
    %broadcast_in_dim3A_64 = vector.broadcast %jit3A_62 : f32 to vector<16xf32>
    %broadcast_in_dim3A_65 = vector.broadcast %jit3A_63 : f32 to vector<16xf32>
    %select_n3A_66 = arith.select %eq3A_61, %broadcast_in_dim3A_64, %broadcast_in_dim3A_65 : vector<16xi1>, vector<16xf32>
    %scan3A = arith.constant 0 : i32
    %scan3A_67 = arith.constant 0 : i32
    %scan3A_68 = arith.constant 4 : i32
    %scan3A_69 = arith.addi %scan3A_67, %scan3A_68 : i32
    %scan3A_70 = arith.constant 1 : i32
    scf.for %scan3A_72 = %scan3A_67 to %scan3A_69 step %scan3A_70  : i32 {
      %get3A = arith.index_cast %scan3A_72 : i32 to index
      %get3A_73 = arith.constant 0 : index
      %get3A_74 = tpu.vector_load %arg5[%get3A, %get3A_73] {strides = array<i32>} : memref<4x256xf32, #tpu.memory_space<vmem>>, vector<1x16xf32>,
      %get3A_75 = vector.shape_cast %get3A_74 : vector<1x16xf32> to vector<16xf32>
      %get3A_76 = arith.index_cast %scan3A_72 : i32 to index
      %get3A_77 = arith.constant 16 : index
      %get3A_78 = tpu.vector_load %arg5[%get3A_76, %get3A_77] {strides = array<i32>} : memref<4x256xf32, #tpu.memory_space<vmem>>, vector<1x16xf32>,
      %get3A_79 = vector.shape_cast %get3A_78 : vector<1x16xf32> to vector<16xf32>
      %get3A_80 = arith.index_cast %scan3A_72 : i32 to index
      %get3A_81 = arith.constant 32 : index
      %get3A_82 = tpu.vector_load %arg5[%get3A_80, %get3A_81] {strides = array<i32>} : memref<4x256xf32, #tpu.memory_space<vmem>>, vector<1x16xf32>,
      %get3A_83 = vector.shape_cast %get3A_82 : vector<1x16xf32> to vector<16xf32>
      %get3A_84 = arith.index_cast %scan3A_72 : i32 to index
      %get3A_85 = arith.constant 48 : index
      %get3A_86 = tpu.vector_load %arg5[%get3A_84, %get3A_85] {strides = array<i32>} : memref<4x256xf32, #tpu.memory_space<vmem>>, vector<1x16xf32>,
      %get3A_87 = vector.shape_cast %get3A_86 : vector<1x16xf32> to vector<16xf32>
      %get3A_88 = arith.index_cast %scan3A_72 : i32 to index
      %get3A_89 = arith.constant 64 : index
      %get3A_90 = tpu.vector_load %arg5[%get3A_88, %get3A_89] {strides = array<i32>} : memref<4x256xf32, #tpu.memory_space<vmem>>, vector<1x16xf32>,
      %get3A_91 = vector.shape_cast %get3A_90 : vector<1x16xf32> to vector<16xf32>
      %get3A_92 = arith.index_cast %scan3A_72 : i32 to index
      %get3A_93 = arith.constant 80 : index
      %get3A_94 = tpu.vector_load %arg5[%get3A_92, %get3A_93] {strides = array<i32>} : memref<4x256xf32, #tpu.memory_space<vmem>>, vector<1x16xf32>,
      %get3A_95 = vector.shape_cast %get3A_94 : vector<1x16xf32> to vector<16xf32>
      %get3A_96 = arith.index_cast %scan3A_72 : i32 to index
      %get3A_97 = arith.constant 96 : index
      %get3A_98 = tpu.vector_load %arg5[%get3A_96, %get3A_97] {strides = array<i32>} : memref<4x256xf32, #tpu.memory_space<vmem>>, vector<1x16xf32>,
      %get3A_99 = vector.shape_cast %get3A_98 : vector<1x16xf32> to vector<16xf32>
      %get3A_100 = arith.index_cast %scan3A_72 : i32 to index
      %get3A_101 = arith.constant 112 : index
      %get3A_102 = tpu.vector_load %arg5[%get3A_100, %get3A_101] {strides = array<i32>} : memref<4x256xf32, #tpu.memory_space<vmem>>, vector<1x16xf32>,
      %get3A_103 = vector.shape_cast %get3A_102 : vector<1x16xf32> to vector<16xf32>
      %get3A_104 = arith.index_cast %scan3A_72 : i32 to index
      %get3A_105 = arith.constant 128 : index
      %get3A_106 = tpu.vector_load %arg5[%get3A_104, %get3A_105] {strides = array<i32>} : memref<4x256xf32, #tpu.memory_space<vmem>>, vector<1x16xf32>,
      %get3A_107 = vector.shape_cast %get3A_106 : vector<1x16xf32> to vector<16xf32>
      %get3A_108 = arith.index_cast %scan3A_72 : i32 to index
      %get3A_109 = arith.constant 144 : index
      %get3A_110 = tpu.vector_load %arg5[%get3A_108, %get3A_109] {strides = array<i32>} : memref<4x256xf32, #tpu.memory_space<vmem>>, vector<1x16xf32>,
      %get3A_111 = vector.shape_cast %get3A_110 : vector<1x16xf32> to vector<16xf32>
      %get3A_112 = arith.index_cast %scan3A_72 : i32 to index
      %get3A_113 = arith.constant 160 : index
      %get3A_114 = tpu.vector_load %arg5[%get3A_112, %get3A_113] {strides = array<i32>} : memref<4x256xf32, #tpu.memory_space<vmem>>, vector<1x16xf32>,
      %get3A_115 = vector.shape_cast %get3A_114 : vector<1x16xf32> to vector<16xf32>
      %get3A_116 = arith.index_cast %scan3A_72 : i32 to index
      %get3A_117 = arith.constant 176 : index
      %get3A_118 = tpu.vector_load %arg5[%get3A_116, %get3A_117] {strides = array<i32>} : memref<4x256xf32, #tpu.memory_space<vmem>>, vector<1x16xf32>,
      %get3A_119 = vector.shape_cast %get3A_118 : vector<1x16xf32> to vector<16xf32>
      %get3A_120 = arith.index_cast %scan3A_72 : i32 to index
      %get3A_121 = arith.constant 192 : index
      %get3A_122 = tpu.vector_load %arg5[%get3A_120, %get3A_121] {strides = array<i32>} : memref<4x256xf32, #tpu.memory_space<vmem>>, vector<1x16xf32>,
      %get3A_123 = vector.shape_cast %get3A_122 : vector<1x16xf32> to vector<16xf32>
      %get3A_124 = arith.index_cast %scan3A_72 : i32 to index
      %get3A_125 = arith.constant 208 : index
      %get3A_126 = tpu.vector_load %arg5[%get3A_124, %get3A_125] {strides = array<i32>} : memref<4x256xf32, #tpu.memory_space<vmem>>, vector<1x16xf32>,
      %get3A_127 = vector.shape_cast %get3A_126 : vector<1x16xf32> to vector<16xf32>
      %get3A_128 = arith.index_cast %scan3A_72 : i32 to index
      %get3A_129 = arith.constant 224 : index
      %get3A_130 = tpu.vector_load %arg5[%get3A_128, %get3A_129] {strides = array<i32>} : memref<4x256xf32, #tpu.memory_space<vmem>>, vector<1x16xf32>,
      %get3A_131 = vector.shape_cast %get3A_130 : vector<1x16xf32> to vector<16xf32>
      %get3A_132 = arith.index_cast %scan3A_72 : i32 to index
      %get3A_133 = arith.constant 240 : index
      %get3A_134 = tpu.vector_load %arg5[%get3A_132, %get3A_133] {strides = array<i32>} : memref<4x256xf32, #tpu.memory_space<vmem>>, vector<1x16xf32>,
      %get3A_135 = vector.shape_cast %get3A_134 : vector<1x16xf32> to vector<16xf32>
      %get3A_136 = arith.index_cast %scan3A_72 : i32 to index
      %get3A_137 = arith.constant 0 : index
      %get3A_138 = tpu.vector_load %arg6[%get3A_136, %get3A_137] {strides = array<i32>} : memref<4x256xf32, #tpu.memory_space<vmem>>, vector<1x16xf32>,
      %get3A_139 = vector.shape_cast %get3A_138 : vector<1x16xf32> to vector<16xf32>
      %get3A_140 = arith.index_cast %scan3A_72 : i32 to index
      %get3A_141 = arith.constant 16 : index
      %get3A_142 = tpu.vector_load %arg6[%get3A_140, %get3A_141] {strides = array<i32>} : memref<4x256xf32, #tpu.memory_space<vmem>>, vector<1x16xf32>,
      %get3A_143 = vector.shape_cast %get3A_142 : vector<1x16xf32> to vector<16xf32>
      %get3A_144 = arith.index_cast %scan3A_72 : i32 to index
      %get3A_145 = arith.constant 32 : index
      %get3A_146 = tpu.vector_load %arg6[%get3A_144, %get3A_145] {strides = array<i32>} : memref<4x256xf32, #tpu.memory_space<vmem>>, vector<1x16xf32>,
      %get3A_147 = vector.shape_cast %get3A_146 : vector<1x16xf32> to vector<16xf32>
      %get3A_148 = arith.index_cast %scan3A_72 : i32 to index
      %get3A_149 = arith.constant 48 : index
      %get3A_150 = tpu.vector_load %arg6[%get3A_148, %get3A_149] {strides = array<i32>} : memref<4x256xf32, #tpu.memory_space<vmem>>, vector<1x16xf32>,
      %get3A_151 = vector.shape_cast %get3A_150 : vector<1x16xf32> to vector<16xf32>
      %get3A_152 = arith.index_cast %scan3A_72 : i32 to index
      %get3A_153 = arith.constant 64 : index
      %get3A_154 = tpu.vector_load %arg6[%get3A_152, %get3A_153] {strides = array<i32>} : memref<4x256xf32, #tpu.memory_space<vmem>>, vector<1x16xf32>,
      %get3A_155 = vector.shape_cast %get3A_154 : vector<1x16xf32> to vector<16xf32>
      %get3A_156 = arith.index_cast %scan3A_72 : i32 to index
      %get3A_157 = arith.constant 80 : index
      %get3A_158 = tpu.vector_load %arg6[%get3A_156, %get3A_157] {strides = array<i32>} : memref<4x256xf32, #tpu.memory_space<vmem>>, vector<1x16xf32>,
      %get3A_159 = vector.shape_cast %get3A_158 : vector<1x16xf32> to vector<16xf32>
      %get3A_160 = arith.index_cast %scan3A_72 : i32 to index
      %get3A_161 = arith.constant 96 : index
      %get3A_162 = tpu.vector_load %arg6[%get3A_160, %get3A_161] {strides = array<i32>} : memref<4x256xf32, #tpu.memory_space<vmem>>, vector<1x16xf32>,
      %get3A_163 = vector.shape_cast %get3A_162 : vector<1x16xf32> to vector<16xf32>
      %get3A_164 = arith.index_cast %scan3A_72 : i32 to index
      %get3A_165 = arith.constant 112 : index
      %get3A_166 = tpu.vector_load %arg6[%get3A_164, %get3A_165] {strides = array<i32>} : memref<4x256xf32, #tpu.memory_space<vmem>>, vector<1x16xf32>,
      %get3A_167 = vector.shape_cast %get3A_166 : vector<1x16xf32> to vector<16xf32>
      %get3A_168 = arith.index_cast %scan3A_72 : i32 to index
      %get3A_169 = arith.constant 128 : index
      %get3A_170 = tpu.vector_load %arg6[%get3A_168, %get3A_169] {strides = array<i32>} : memref<4x256xf32, #tpu.memory_space<vmem>>, vector<1x16xf32>,
      %get3A_171 = vector.shape_cast %get3A_170 : vector<1x16xf32> to vector<16xf32>
      %get3A_172 = arith.index_cast %scan3A_72 : i32 to index
      %get3A_173 = arith.constant 144 : index
      %get3A_174 = tpu.vector_load %arg6[%get3A_172, %get3A_173] {strides = array<i32>} : memref<4x256xf32, #tpu.memory_space<vmem>>, vector<1x16xf32>,
      %get3A_175 = vector.shape_cast %get3A_174 : vector<1x16xf32> to vector<16xf32>
      %get3A_176 = arith.index_cast %scan3A_72 : i32 to index
      %get3A_177 = arith.constant 160 : index
      %get3A_178 = tpu.vector_load %arg6[%get3A_176, %get3A_177] {strides = array<i32>} : memref<4x256xf32, #tpu.memory_space<vmem>>, vector<1x16xf32>,
      %get3A_179 = vector.shape_cast %get3A_178 : vector<1x16xf32> to vector<16xf32>
      %get3A_180 = arith.index_cast %scan3A_72 : i32 to index
      %get3A_181 = arith.constant 176 : index
      %get3A_182 = tpu.vector_load %arg6[%get3A_180, %get3A_181] {strides = array<i32>} : memref<4x256xf32, #tpu.memory_space<vmem>>, vector<1x16xf32>,
      %get3A_183 = vector.shape_cast %get3A_182 : vector<1x16xf32> to vector<16xf32>
      %get3A_184 = arith.index_cast %scan3A_72 : i32 to index
      %get3A_185 = arith.constant 192 : index
      %get3A_186 = tpu.vector_load %arg6[%get3A_184, %get3A_185] {strides = array<i32>} : memref<4x256xf32, #tpu.memory_space<vmem>>, vector<1x16xf32>,
      %get3A_187 = vector.shape_cast %get3A_186 : vector<1x16xf32> to vector<16xf32>
      %get3A_188 = arith.index_cast %scan3A_72 : i32 to index
      %get3A_189 = arith.constant 208 : index
      %get3A_190 = tpu.vector_load %arg6[%get3A_188, %get3A_189] {strides = array<i32>} : memref<4x256xf32, #tpu.memory_space<vmem>>, vector<1x16xf32>,
      %get3A_191 = vector.shape_cast %get3A_190 : vector<1x16xf32> to vector<16xf32>
      %get3A_192 = arith.index_cast %scan3A_72 : i32 to index
      %get3A_193 = arith.constant 224 : index
      %get3A_194 = tpu.vector_load %arg6[%get3A_192, %get3A_193] {strides = array<i32>} : memref<4x256xf32, #tpu.memory_space<vmem>>, vector<1x16xf32>,
      %get3A_195 = vector.shape_cast %get3A_194 : vector<1x16xf32> to vector<16xf32>
      %get3A_196 = arith.index_cast %scan3A_72 : i32 to index
      %get3A_197 = arith.constant 240 : index
      %get3A_198 = tpu.vector_load %arg6[%get3A_196, %get3A_197] {strides = array<i32>} : memref<4x256xf32, #tpu.memory_space<vmem>>, vector<1x16xf32>,
      %get3A_199 = vector.shape_cast %get3A_198 : vector<1x16xf32> to vector<16xf32>
      %add3A_200 = arith.addf %get3A_75, %get3A_79 : vector<16xf32>
      %sub3A = arith.subf %get3A_75, %get3A_79 : vector<16xf32>
      %add3A_201 = arith.addf %get3A_83, %get3A_87 : vector<16xf32>
      %sub3A_202 = arith.subf %get3A_83, %get3A_87 : vector<16xf32>
      %add3A_203 = arith.addf %get3A_91, %get3A_95 : vector<16xf32>
      %sub3A_204 = arith.subf %get3A_91, %get3A_95 : vector<16xf32>
      %add3A_205 = arith.addf %get3A_99, %get3A_103 : vector<16xf32>
      %sub3A_206 = arith.subf %get3A_99, %get3A_103 : vector<16xf32>
      %add3A_207 = arith.addf %get3A_107, %get3A_111 : vector<16xf32>
      %sub3A_208 = arith.subf %get3A_107, %get3A_111 : vector<16xf32>
      %add3A_209 = arith.addf %get3A_115, %get3A_119 : vector<16xf32>
      %sub3A_210 = arith.subf %get3A_115, %get3A_119 : vector<16xf32>
      %add3A_211 = arith.addf %get3A_123, %get3A_127 : vector<16xf32>
      %sub3A_212 = arith.subf %get3A_123, %get3A_127 : vector<16xf32>
      %add3A_213 = arith.addf %get3A_131, %get3A_135 : vector<16xf32>
      %sub3A_214 = arith.subf %get3A_131, %get3A_135 : vector<16xf32>
      %add3A_215 = arith.addf %add3A_200, %add3A_201 : vector<16xf32>
      %sub3A_216 = arith.subf %add3A_200, %add3A_201 : vector<16xf32>
      %add3A_217 = arith.addf %sub3A, %sub3A_202 : vector<16xf32>
      %sub3A_218 = arith.subf %sub3A, %sub3A_202 : vector<16xf32>
      %add3A_219 = arith.addf %add3A_203, %add3A_205 : vector<16xf32>
      %sub3A_220 = arith.subf %add3A_203, %add3A_205 : vector<16xf32>
      %add3A_221 = arith.addf %sub3A_204, %sub3A_206 : vector<16xf32>
      %sub3A_222 = arith.subf %sub3A_204, %sub3A_206 : vector<16xf32>
      %add3A_223 = arith.addf %add3A_207, %add3A_209 : vector<16xf32>
      %sub3A_224 = arith.subf %add3A_207, %add3A_209 : vector<16xf32>
      %add3A_225 = arith.addf %sub3A_208, %sub3A_210 : vector<16xf32>
      %sub3A_226 = arith.subf %sub3A_208, %sub3A_210 : vector<16xf32>
      %add3A_227 = arith.addf %add3A_211, %add3A_213 : vector<16xf32>
      %sub3A_228 = arith.subf %add3A_211, %add3A_213 : vector<16xf32>
      %add3A_229 = arith.addf %sub3A_212, %sub3A_214 : vector<16xf32>
      %sub3A_230 = arith.subf %sub3A_212, %sub3A_214 : vector<16xf32>
      %add3A_231 = arith.addf %add3A_215, %add3A_219 : vector<16xf32>
      %sub3A_232 = arith.subf %add3A_215, %add3A_219 : vector<16xf32>
      %add3A_233 = arith.addf %add3A_217, %add3A_221 : vector<16xf32>
      %sub3A_234 = arith.subf %add3A_217, %add3A_221 : vector<16xf32>
      %add3A_235 = arith.addf %sub3A_216, %sub3A_220 : vector<16xf32>
      %sub3A_236 = arith.subf %sub3A_216, %sub3A_220 : vector<16xf32>
      %add3A_237 = arith.addf %sub3A_218, %sub3A_222 : vector<16xf32>
      %sub3A_238 = arith.subf %sub3A_218, %sub3A_222 : vector<16xf32>
      %add3A_239 = arith.addf %add3A_223, %add3A_227 : vector<16xf32>
      %sub3A_240 = arith.subf %add3A_223, %add3A_227 : vector<16xf32>
      %add3A_241 = arith.addf %add3A_225, %add3A_229 : vector<16xf32>
      %sub3A_242 = arith.subf %add3A_225, %add3A_229 : vector<16xf32>
      %add3A_243 = arith.addf %sub3A_224, %sub3A_228 : vector<16xf32>
      %sub3A_244 = arith.subf %sub3A_224, %sub3A_228 : vector<16xf32>
      %add3A_245 = arith.addf %sub3A_226, %sub3A_230 : vector<16xf32>
      %sub3A_246 = arith.subf %sub3A_226, %sub3A_230 : vector<16xf32>
      %add3A_247 = arith.addf %add3A_231, %add3A_239 : vector<16xf32>
      %sub3A_248 = arith.subf %add3A_231, %add3A_239 : vector<16xf32>
      %add3A_249 = arith.addf %add3A_233, %add3A_241 : vector<16xf32>
      %sub3A_250 = arith.subf %add3A_233, %add3A_241 : vector<16xf32>
      %add3A_251 = arith.addf %add3A_235, %add3A_243 : vector<16xf32>
      %sub3A_252 = arith.subf %add3A_235, %add3A_243 : vector<16xf32>
      %add3A_253 = arith.addf %add3A_237, %add3A_245 : vector<16xf32>
      %sub3A_254 = arith.subf %add3A_237, %add3A_245 : vector<16xf32>
      %add3A_255 = arith.addf %sub3A_232, %sub3A_240 : vector<16xf32>
      %sub3A_256 = arith.subf %sub3A_232, %sub3A_240 : vector<16xf32>
      %add3A_257 = arith.addf %sub3A_234, %sub3A_242 : vector<16xf32>
      %sub3A_258 = arith.subf %sub3A_234, %sub3A_242 : vector<16xf32>
      %add3A_259 = arith.addf %sub3A_236, %sub3A_244 : vector<16xf32>
      %sub3A_260 = arith.subf %sub3A_236, %sub3A_244 : vector<16xf32>
      %add3A_261 = arith.addf %sub3A_238, %sub3A_246 : vector<16xf32>
      %sub3A_262 = arith.subf %sub3A_238, %sub3A_246 : vector<16xf32>
      %lt3A = arith.constant 0 : i32
      %lt3A_263 = vector.broadcast %lt3A : i32 to vector<16xi32>
      %lt3A_264 = arith.cmpi slt, %xor3A_18, %lt3A_263 : vector<16xi32>
      %add3A_265 = arith.constant 16 : i32
      %add3A_266 = vector.broadcast %add3A_265 : i32 to vector<16xi32>
      %add3A_267 = arith.addi %xor3A_18, %add3A_266 : vector<16xi32>
      %select_n3A_268 = arith.select %lt3A_264, %add3A_267, %xor3A_18 : vector<16xi1>, vector<16xi32>
      %broadcast_in_dim3A_269 = vector.shape_cast %select_n3A_268 : vector<16xi32> to vector<16x1xi32>
      %gather3A = vector.shape_cast %broadcast_in_dim3A_269 : vector<16x1xi32> to vector<16xi32>
      %gather3A_270 = tpu.dynamic_gather %add3A_247[%gather3A] in [0] : vector<16xf32>, vector<16xi32> -> vector<16xf32>
      %mul3A_271 = arith.mulf %select_n3A, %add3A_247 : vector<16xf32>
      %add3A_272 = arith.addf %mul3A_271, %gather3A_270 : vector<16xf32>
      %lt3A_273 = arith.constant 0 : i32
      %lt3A_274 = vector.broadcast %lt3A_273 : i32 to vector<16xi32>
      %lt3A_275 = arith.cmpi slt, %xor3A_18, %lt3A_274 : vector<16xi32>
      %add3A_276 = arith.constant 16 : i32
      %add3A_277 = vector.broadcast %add3A_276 : i32 to vector<16xi32>
      %add3A_278 = arith.addi %xor3A_18, %add3A_277 : vector<16xi32>
      %select_n3A_279 = arith.select %lt3A_275, %add3A_278, %xor3A_18 : vector<16xi1>, vector<16xi32>
      %broadcast_in_dim3A_280 = vector.shape_cast %select_n3A_279 : vector<16xi32> to vector<16x1xi32>
      %gather3A_281 = vector.shape_cast %broadcast_in_dim3A_280 : vector<16x1xi32> to vector<16xi32>
      %gather3A_282 = tpu.dynamic_gather %add3A_249[%gather3A_281] in [0] : vector<16xf32>, vector<16xi32> -> vector<16xf32>
      %mul3A_283 = arith.mulf %select_n3A, %add3A_249 : vector<16xf32>
      %add3A_284 = arith.addf %mul3A_283, %gather3A_282 : vector<16xf32>
      %lt3A_285 = arith.constant 0 : i32
      %lt3A_286 = vector.broadcast %lt3A_285 : i32 to vector<16xi32>
      %lt3A_287 = arith.cmpi slt, %xor3A_18, %lt3A_286 : vector<16xi32>
      %add3A_288 = arith.constant 16 : i32
      %add3A_289 = vector.broadcast %add3A_288 : i32 to vector<16xi32>
      %add3A_290 = arith.addi %xor3A_18, %add3A_289 : vector<16xi32>
      %select_n3A_291 = arith.select %lt3A_287, %add3A_290, %xor3A_18 : vector<16xi1>, vector<16xi32>
      %broadcast_in_dim3A_292 = vector.shape_cast %select_n3A_291 : vector<16xi32> to vector<16x1xi32>
      %gather3A_293 = vector.shape_cast %broadcast_in_dim3A_292 : vector<16x1xi32> to vector<16xi32>
      %gather3A_294 = tpu.dynamic_gather %add3A_251[%gather3A_293] in [0] : vector<16xf32>, vector<16xi32> -> vector<16xf32>
      %mul3A_295 = arith.mulf %select_n3A, %add3A_251 : vector<16xf32>
      %add3A_296 = arith.addf %mul3A_295, %gather3A_294 : vector<16xf32>
      %lt3A_297 = arith.constant 0 : i32
      %lt3A_298 = vector.broadcast %lt3A_297 : i32 to vector<16xi32>
      %lt3A_299 = arith.cmpi slt, %xor3A_18, %lt3A_298 : vector<16xi32>
      %add3A_300 = arith.constant 16 : i32
      %add3A_301 = vector.broadcast %add3A_300 : i32 to vector<16xi32>
      %add3A_302 = arith.addi %xor3A_18, %add3A_301 : vector<16xi32>
      %select_n3A_303 = arith.select %lt3A_299, %add3A_302, %xor3A_18 : vector<16xi1>, vector<16xi32>
      %broadcast_in_dim3A_304 = vector.shape_cast %select_n3A_303 : vector<16xi32> to vector<16x1xi32>
      %gather3A_305 = vector.shape_cast %broadcast_in_dim3A_304 : vector<16x1xi32> to vector<16xi32>
      %gather3A_306 = tpu.dynamic_gather %add3A_253[%gather3A_305] in [0] : vector<16xf32>, vector<16xi32> -> vector<16xf32>
      %mul3A_307 = arith.mulf %select_n3A, %add3A_253 : vector<16xf32>
      %add3A_308 = arith.addf %mul3A_307, %gather3A_306 : vector<16xf32>
      %lt3A_309 = arith.constant 0 : i32
      %lt3A_310 = vector.broadcast %lt3A_309 : i32 to vector<16xi32>
      %lt3A_311 = arith.cmpi slt, %xor3A_18, %lt3A_310 : vector<16xi32>
      %add3A_312 = arith.constant 16 : i32
      %add3A_313 = vector.broadcast %add3A_312 : i32 to vector<16xi32>
      %add3A_314 = arith.addi %xor3A_18, %add3A_313 : vector<16xi32>
      %select_n3A_315 = arith.select %lt3A_311, %add3A_314, %xor3A_18 : vector<16xi1>, vector<16xi32>
      %broadcast_in_dim3A_316 = vector.shape_cast %select_n3A_315 : vector<16xi32> to vector<16x1xi32>
      %gather3A_317 = vector.shape_cast %broadcast_in_dim3A_316 : vector<16x1xi32> to vector<16xi32>
      %gather3A_318 = tpu.dynamic_gather %add3A_255[%gather3A_317] in [0] : vector<16xf32>, vector<16xi32> -> vector<16xf32>
      %mul3A_319 = arith.mulf %select_n3A, %add3A_255 : vector<16xf32>
      %add3A_320 = arith.addf %mul3A_319, %gather3A_318 : vector<16xf32>
      %lt3A_321 = arith.constant 0 : i32
      %lt3A_322 = vector.broadcast %lt3A_321 : i32 to vector<16xi32>
      %lt3A_323 = arith.cmpi slt, %xor3A_18, %lt3A_322 : vector<16xi32>
      %add3A_324 = arith.constant 16 : i32
      %add3A_325 = vector.broadcast %add3A_324 : i32 to vector<16xi32>
      %add3A_326 = arith.addi %xor3A_18, %add3A_325 : vector<16xi32>
      %select_n3A_327 = arith.select %lt3A_323, %add3A_326, %xor3A_18 : vector<16xi1>, vector<16xi32>
      %broadcast_in_dim3A_328 = vector.shape_cast %select_n3A_327 : vector<16xi32> to vector<16x1xi32>
      %gather3A_329 = vector.shape_cast %broadcast_in_dim3A_328 : vector<16x1xi32> to vector<16xi32>
      %gather3A_330 = tpu.dynamic_gather %add3A_257[%gather3A_329] in [0] : vector<16xf32>, vector<16xi32> -> vector<16xf32>
      %mul3A_331 = arith.mulf %select_n3A, %add3A_257 : vector<16xf32>
      %add3A_332 = arith.addf %mul3A_331, %gather3A_330 : vector<16xf32>
      %lt3A_333 = arith.constant 0 : i32
      %lt3A_334 = vector.broadcast %lt3A_333 : i32 to vector<16xi32>
      %lt3A_335 = arith.cmpi slt, %xor3A_18, %lt3A_334 : vector<16xi32>
      %add3A_336 = arith.constant 16 : i32
      %add3A_337 = vector.broadcast %add3A_336 : i32 to vector<16xi32>
      %add3A_338 = arith.addi %xor3A_18, %add3A_337 : vector<16xi32>
      %select_n3A_339 = arith.select %lt3A_335, %add3A_338, %xor3A_18 : vector<16xi1>, vector<16xi32>
      %broadcast_in_dim3A_340 = vector.shape_cast %select_n3A_339 : vector<16xi32> to vector<16x1xi32>
      %gather3A_341 = vector.shape_cast %broadcast_in_dim3A_340 : vector<16x1xi32> to vector<16xi32>
      %gather3A_342 = tpu.dynamic_gather %add3A_259[%gather3A_341] in [0] : vector<16xf32>, vector<16xi32> -> vector<16xf32>
      %mul3A_343 = arith.mulf %select_n3A, %add3A_259 : vector<16xf32>
      %add3A_344 = arith.addf %mul3A_343, %gather3A_342 : vector<16xf32>
      %lt3A_345 = arith.constant 0 : i32
      %lt3A_346 = vector.broadcast %lt3A_345 : i32 to vector<16xi32>
      %lt3A_347 = arith.cmpi slt, %xor3A_18, %lt3A_346 : vector<16xi32>
      %add3A_348 = arith.constant 16 : i32
      %add3A_349 = vector.broadcast %add3A_348 : i32 to vector<16xi32>
      %add3A_350 = arith.addi %xor3A_18, %add3A_349 : vector<16xi32>
      %select_n3A_351 = arith.select %lt3A_347, %add3A_350, %xor3A_18 : vector<16xi1>, vector<16xi32>
      %broadcast_in_dim3A_352 = vector.shape_cast %select_n3A_351 : vector<16xi32> to vector<16x1xi32>
      %gather3A_353 = vector.shape_cast %broadcast_in_dim3A_352 : vector<16x1xi32> to vector<16xi32>
      %gather3A_354 = tpu.dynamic_gather %add3A_261[%gather3A_353] in [0] : vector<16xf32>, vector<16xi32> -> vector<16xf32>
      %mul3A_355 = arith.mulf %select_n3A, %add3A_261 : vector<16xf32>
      %add3A_356 = arith.addf %mul3A_355, %gather3A_354 : vector<16xf32>
      %lt3A_357 = arith.constant 0 : i32
      %lt3A_358 = vector.broadcast %lt3A_357 : i32 to vector<16xi32>
      %lt3A_359 = arith.cmpi slt, %xor3A_18, %lt3A_358 : vector<16xi32>
      %add3A_360 = arith.constant 16 : i32
      %add3A_361 = vector.broadcast %add3A_360 : i32 to vector<16xi32>
      %add3A_362 = arith.addi %xor3A_18, %add3A_361 : vector<16xi32>
      %select_n3A_363 = arith.select %lt3A_359, %add3A_362, %xor3A_18 : vector<16xi1>, vector<16xi32>
      %broadcast_in_dim3A_364 = vector.shape_cast %select_n3A_363 : vector<16xi32> to vector<16x1xi32>
      %gather3A_365 = vector.shape_cast %broadcast_in_dim3A_364 : vector<16x1xi32> to vector<16xi32>
      %gather3A_366 = tpu.dynamic_gather %sub3A_248[%gather3A_365] in [0] : vector<16xf32>, vector<16xi32> -> vector<16xf32>
      %mul3A_367 = arith.mulf %select_n3A, %sub3A_248 : vector<16xf32>
      %add3A_368 = arith.addf %mul3A_367, %gather3A_366 : vector<16xf32>
      %lt3A_369 = arith.constant 0 : i32
      %lt3A_370 = vector.broadcast %lt3A_369 : i32 to vector<16xi32>
      %lt3A_371 = arith.cmpi slt, %xor3A_18, %lt3A_370 : vector<16xi32>
      %add3A_372 = arith.constant 16 : i32
      %add3A_373 = vector.broadcast %add3A_372 : i32 to vector<16xi32>
      %add3A_374 = arith.addi %xor3A_18, %add3A_373 : vector<16xi32>
      %select_n3A_375 = arith.select %lt3A_371, %add3A_374, %xor3A_18 : vector<16xi1>, vector<16xi32>
      %broadcast_in_dim3A_376 = vector.shape_cast %select_n3A_375 : vector<16xi32> to vector<16x1xi32>
      %gather3A_377 = vector.shape_cast %broadcast_in_dim3A_376 : vector<16x1xi32> to vector<16xi32>
      %gather3A_378 = tpu.dynamic_gather %sub3A_250[%gather3A_377] in [0] : vector<16xf32>, vector<16xi32> -> vector<16xf32>
      %mul3A_379 = arith.mulf %select_n3A, %sub3A_250 : vector<16xf32>
      %add3A_380 = arith.addf %mul3A_379, %gather3A_378 : vector<16xf32>
      %lt3A_381 = arith.constant 0 : i32
      %lt3A_382 = vector.broadcast %lt3A_381 : i32 to vector<16xi32>
      %lt3A_383 = arith.cmpi slt, %xor3A_18, %lt3A_382 : vector<16xi32>
      %add3A_384 = arith.constant 16 : i32
      %add3A_385 = vector.broadcast %add3A_384 : i32 to vector<16xi32>
      %add3A_386 = arith.addi %xor3A_18, %add3A_385 : vector<16xi32>
      %select_n3A_387 = arith.select %lt3A_383, %add3A_386, %xor3A_18 : vector<16xi1>, vector<16xi32>
      %broadcast_in_dim3A_388 = vector.shape_cast %select_n3A_387 : vector<16xi32> to vector<16x1xi32>
      %gather3A_389 = vector.shape_cast %broadcast_in_dim3A_388 : vector<16x1xi32> to vector<16xi32>
      %gather3A_390 = tpu.dynamic_gather %sub3A_252[%gather3A_389] in [0] : vector<16xf32>, vector<16xi32> -> vector<16xf32>
      %mul3A_391 = arith.mulf %select_n3A, %sub3A_252 : vector<16xf32>
      %add3A_392 = arith.addf %mul3A_391, %gather3A_390 : vector<16xf32>
      %lt3A_393 = arith.constant 0 : i32
      %lt3A_394 = vector.broadcast %lt3A_393 : i32 to vector<16xi32>
      %lt3A_395 = arith.cmpi slt, %xor3A_18, %lt3A_394 : vector<16xi32>
      %add3A_396 = arith.constant 16 : i32
      %add3A_397 = vector.broadcast %add3A_396 : i32 to vector<16xi32>
      %add3A_398 = arith.addi %xor3A_18, %add3A_397 : vector<16xi32>
      %select_n3A_399 = arith.select %lt3A_395, %add3A_398, %xor3A_18 : vector<16xi1>, vector<16xi32>
      %broadcast_in_dim3A_400 = vector.shape_cast %select_n3A_399 : vector<16xi32> to vector<16x1xi32>
      %gather3A_401 = vector.shape_cast %broadcast_in_dim3A_400 : vector<16x1xi32> to vector<16xi32>
      %gather3A_402 = tpu.dynamic_gather %sub3A_254[%gather3A_401] in [0] : vector<16xf32>, vector<16xi32> -> vector<16xf32>
      %mul3A_403 = arith.mulf %select_n3A, %sub3A_254 : vector<16xf32>
      %add3A_404 = arith.addf %mul3A_403, %gather3A_402 : vector<16xf32>
      %lt3A_405 = arith.constant 0 : i32
      %lt3A_406 = vector.broadcast %lt3A_405 : i32 to vector<16xi32>
      %lt3A_407 = arith.cmpi slt, %xor3A_18, %lt3A_406 : vector<16xi32>
      %add3A_408 = arith.constant 16 : i32
      %add3A_409 = vector.broadcast %add3A_408 : i32 to vector<16xi32>
      %add3A_410 = arith.addi %xor3A_18, %add3A_409 : vector<16xi32>
      %select_n3A_411 = arith.select %lt3A_407, %add3A_410, %xor3A_18 : vector<16xi1>, vector<16xi32>
      %broadcast_in_dim3A_412 = vector.shape_cast %select_n3A_411 : vector<16xi32> to vector<16x1xi32>
      %gather3A_413 = vector.shape_cast %broadcast_in_dim3A_412 : vector<16x1xi32> to vector<16xi32>
      %gather3A_414 = tpu.dynamic_gather %sub3A_256[%gather3A_413] in [0] : vector<16xf32>, vector<16xi32> -> vector<16xf32>
      %mul3A_415 = arith.mulf %select_n3A, %sub3A_256 : vector<16xf32>
      %add3A_416 = arith.addf %mul3A_415, %gather3A_414 : vector<16xf32>
      %lt3A_417 = arith.constant 0 : i32
      %lt3A_418 = vector.broadcast %lt3A_417 : i32 to vector<16xi32>
      %lt3A_419 = arith.cmpi slt, %xor3A_18, %lt3A_418 : vector<16xi32>
      %add3A_420 = arith.constant 16 : i32
      %add3A_421 = vector.broadcast %add3A_420 : i32 to vector<16xi32>
      %add3A_422 = arith.addi %xor3A_18, %add3A_421 : vector<16xi32>
      %select_n3A_423 = arith.select %lt3A_419, %add3A_422, %xor3A_18 : vector<16xi1>, vector<16xi32>
      %broadcast_in_dim3A_424 = vector.shape_cast %select_n3A_423 : vector<16xi32> to vector<16x1xi32>
      %gather3A_425 = vector.shape_cast %broadcast_in_dim3A_424 : vector<16x1xi32> to vector<16xi32>
      %gather3A_426 = tpu.dynamic_gather %sub3A_258[%gather3A_425] in [0] : vector<16xf32>, vector<16xi32> -> vector<16xf32>
      %mul3A_427 = arith.mulf %select_n3A, %sub3A_258 : vector<16xf32>
      %add3A_428 = arith.addf %mul3A_427, %gather3A_426 : vector<16xf32>
      %lt3A_429 = arith.constant 0 : i32
      %lt3A_430 = vector.broadcast %lt3A_429 : i32 to vector<16xi32>
      %lt3A_431 = arith.cmpi slt, %xor3A_18, %lt3A_430 : vector<16xi32>
      %add3A_432 = arith.constant 16 : i32
      %add3A_433 = vector.broadcast %add3A_432 : i32 to vector<16xi32>
      %add3A_434 = arith.addi %xor3A_18, %add3A_433 : vector<16xi32>
      %select_n3A_435 = arith.select %lt3A_431, %add3A_434, %xor3A_18 : vector<16xi1>, vector<16xi32>
      %broadcast_in_dim3A_436 = vector.shape_cast %select_n3A_435 : vector<16xi32> to vector<16x1xi32>
      %gather3A_437 = vector.shape_cast %broadcast_in_dim3A_436 : vector<16x1xi32> to vector<16xi32>
      %gather3A_438 = tpu.dynamic_gather %sub3A_260[%gather3A_437] in [0] : vector<16xf32>, vector<16xi32> -> vector<16xf32>
      %mul3A_439 = arith.mulf %select_n3A, %sub3A_260 : vector<16xf32>
      %add3A_440 = arith.addf %mul3A_439, %gather3A_438 : vector<16xf32>
      %lt3A_441 = arith.constant 0 : i32
      %lt3A_442 = vector.broadcast %lt3A_441 : i32 to vector<16xi32>
      %lt3A_443 = arith.cmpi slt, %xor3A_18, %lt3A_442 : vector<16xi32>
      %add3A_444 = arith.constant 16 : i32
      %add3A_445 = vector.broadcast %add3A_444 : i32 to vector<16xi32>
      %add3A_446 = arith.addi %xor3A_18, %add3A_445 : vector<16xi32>
      %select_n3A_447 = arith.select %lt3A_443, %add3A_446, %xor3A_18 : vector<16xi1>, vector<16xi32>
      %broadcast_in_dim3A_448 = vector.shape_cast %select_n3A_447 : vector<16xi32> to vector<16x1xi32>
      %gather3A_449 = vector.shape_cast %broadcast_in_dim3A_448 : vector<16x1xi32> to vector<16xi32>
      %gather3A_450 = tpu.dynamic_gather %sub3A_262[%gather3A_449] in [0] : vector<16xf32>, vector<16xi32> -> vector<16xf32>
      %mul3A_451 = arith.mulf %select_n3A, %sub3A_262 : vector<16xf32>
      %add3A_452 = arith.addf %mul3A_451, %gather3A_450 : vector<16xf32>
      %lt3A_453 = arith.constant 0 : i32
      %lt3A_454 = vector.broadcast %lt3A_453 : i32 to vector<16xi32>
      %lt3A_455 = arith.cmpi slt, %xor3A_21, %lt3A_454 : vector<16xi32>
      %add3A_456 = arith.constant 16 : i32
      %add3A_457 = vector.broadcast %add3A_456 : i32 to vector<16xi32>
      %add3A_458 = arith.addi %xor3A_21, %add3A_457 : vector<16xi32>
      %select_n3A_459 = arith.select %lt3A_455, %add3A_458, %xor3A_21 : vector<16xi1>, vector<16xi32>
      %broadcast_in_dim3A_460 = vector.shape_cast %select_n3A_459 : vector<16xi32> to vector<16x1xi32>
      %gather3A_461 = vector.shape_cast %broadcast_in_dim3A_460 : vector<16x1xi32> to vector<16xi32>
      %gather3A_462 = tpu.dynamic_gather %add3A_272[%gather3A_461] in [0] : vector<16xf32>, vector<16xi32> -> vector<16xf32>
      %mul3A_463 = arith.mulf %select_n3A_44, %add3A_272 : vector<16xf32>
      %add3A_464 = arith.addf %mul3A_463, %gather3A_462 : vector<16xf32>
      %lt3A_465 = arith.constant 0 : i32
      %lt3A_466 = vector.broadcast %lt3A_465 : i32 to vector<16xi32>
      %lt3A_467 = arith.cmpi slt, %xor3A_21, %lt3A_466 : vector<16xi32>
      %add3A_468 = arith.constant 16 : i32
      %add3A_469 = vector.broadcast %add3A_468 : i32 to vector<16xi32>
      %add3A_470 = arith.addi %xor3A_21, %add3A_469 : vector<16xi32>
      %select_n3A_471 = arith.select %lt3A_467, %add3A_470, %xor3A_21 : vector<16xi1>, vector<16xi32>
      %broadcast_in_dim3A_472 = vector.shape_cast %select_n3A_471 : vector<16xi32> to vector<16x1xi32>
      %gather3A_473 = vector.shape_cast %broadcast_in_dim3A_472 : vector<16x1xi32> to vector<16xi32>
      %gather3A_474 = tpu.dynamic_gather %add3A_284[%gather3A_473] in [0] : vector<16xf32>, vector<16xi32> -> vector<16xf32>
      %mul3A_475 = arith.mulf %select_n3A_44, %add3A_284 : vector<16xf32>
      %add3A_476 = arith.addf %mul3A_475, %gather3A_474 : vector<16xf32>
      %lt3A_477 = arith.constant 0 : i32
      %lt3A_478 = vector.broadcast %lt3A_477 : i32 to vector<16xi32>
      %lt3A_479 = arith.cmpi slt, %xor3A_21, %lt3A_478 : vector<16xi32>
      %add3A_480 = arith.constant 16 : i32
      %add3A_481 = vector.broadcast %add3A_480 : i32 to vector<16xi32>
      %add3A_482 = arith.addi %xor3A_21, %add3A_481 : vector<16xi32>
      %select_n3A_483 = arith.select %lt3A_479, %add3A_482, %xor3A_21 : vector<16xi1>, vector<16xi32>
      %broadcast_in_dim3A_484 = vector.shape_cast %select_n3A_483 : vector<16xi32> to vector<16x1xi32>
      %gather3A_485 = vector.shape_cast %broadcast_in_dim3A_484 : vector<16x1xi32> to vector<16xi32>
      %gather3A_486 = tpu.dynamic_gather %add3A_296[%gather3A_485] in [0] : vector<16xf32>, vector<16xi32> -> vector<16xf32>
      %mul3A_487 = arith.mulf %select_n3A_44, %add3A_296 : vector<16xf32>
      %add3A_488 = arith.addf %mul3A_487, %gather3A_486 : vector<16xf32>
      %lt3A_489 = arith.constant 0 : i32
      %lt3A_490 = vector.broadcast %lt3A_489 : i32 to vector<16xi32>
      %lt3A_491 = arith.cmpi slt, %xor3A_21, %lt3A_490 : vector<16xi32>
      %add3A_492 = arith.constant 16 : i32
      %add3A_493 = vector.broadcast %add3A_492 : i32 to vector<16xi32>
      %add3A_494 = arith.addi %xor3A_21, %add3A_493 : vector<16xi32>
      %select_n3A_495 = arith.select %lt3A_491, %add3A_494, %xor3A_21 : vector<16xi1>, vector<16xi32>
      %broadcast_in_dim3A_496 = vector.shape_cast %select_n3A_495 : vector<16xi32> to vector<16x1xi32>
      %gather3A_497 = vector.shape_cast %broadcast_in_dim3A_496 : vector<16x1xi32> to vector<16xi32>
      %gather3A_498 = tpu.dynamic_gather %add3A_308[%gather3A_497] in [0] : vector<16xf32>, vector<16xi32> -> vector<16xf32>
      %mul3A_499 = arith.mulf %select_n3A_44, %add3A_308 : vector<16xf32>
      %add3A_500 = arith.addf %mul3A_499, %gather3A_498 : vector<16xf32>
      %lt3A_501 = arith.constant 0 : i32
      %lt3A_502 = vector.broadcast %lt3A_501 : i32 to vector<16xi32>
      %lt3A_503 = arith.cmpi slt, %xor3A_21, %lt3A_502 : vector<16xi32>
      %add3A_504 = arith.constant 16 : i32
      %add3A_505 = vector.broadcast %add3A_504 : i32 to vector<16xi32>
      %add3A_506 = arith.addi %xor3A_21, %add3A_505 : vector<16xi32>
      %select_n3A_507 = arith.select %lt3A_503, %add3A_506, %xor3A_21 : vector<16xi1>, vector<16xi32>
      %broadcast_in_dim3A_508 = vector.shape_cast %select_n3A_507 : vector<16xi32> to vector<16x1xi32>
      %gather3A_509 = vector.shape_cast %broadcast_in_dim3A_508 : vector<16x1xi32> to vector<16xi32>
      %gather3A_510 = tpu.dynamic_gather %add3A_320[%gather3A_509] in [0] : vector<16xf32>, vector<16xi32> -> vector<16xf32>
      %mul3A_511 = arith.mulf %select_n3A_44, %add3A_320 : vector<16xf32>
      %add3A_512 = arith.addf %mul3A_511, %gather3A_510 : vector<16xf32>
      %lt3A_513 = arith.constant 0 : i32
      %lt3A_514 = vector.broadcast %lt3A_513 : i32 to vector<16xi32>
      %lt3A_515 = arith.cmpi slt, %xor3A_21, %lt3A_514 : vector<16xi32>
      %add3A_516 = arith.constant 16 : i32
      %add3A_517 = vector.broadcast %add3A_516 : i32 to vector<16xi32>
      %add3A_518 = arith.addi %xor3A_21, %add3A_517 : vector<16xi32>
      %select_n3A_519 = arith.select %lt3A_515, %add3A_518, %xor3A_21 : vector<16xi1>, vector<16xi32>
      %broadcast_in_dim3A_520 = vector.shape_cast %select_n3A_519 : vector<16xi32> to vector<16x1xi32>
      %gather3A_521 = vector.shape_cast %broadcast_in_dim3A_520 : vector<16x1xi32> to vector<16xi32>
      %gather3A_522 = tpu.dynamic_gather %add3A_332[%gather3A_521] in [0] : vector<16xf32>, vector<16xi32> -> vector<16xf32>
      %mul3A_523 = arith.mulf %select_n3A_44, %add3A_332 : vector<16xf32>
      %add3A_524 = arith.addf %mul3A_523, %gather3A_522 : vector<16xf32>
      %lt3A_525 = arith.constant 0 : i32
      %lt3A_526 = vector.broadcast %lt3A_525 : i32 to vector<16xi32>
      %lt3A_527 = arith.cmpi slt, %xor3A_21, %lt3A_526 : vector<16xi32>
      %add3A_528 = arith.constant 16 : i32
      %add3A_529 = vector.broadcast %add3A_528 : i32 to vector<16xi32>
      %add3A_530 = arith.addi %xor3A_21, %add3A_529 : vector<16xi32>
      %select_n3A_531 = arith.select %lt3A_527, %add3A_530, %xor3A_21 : vector<16xi1>, vector<16xi32>
      %broadcast_in_dim3A_532 = vector.shape_cast %select_n3A_531 : vector<16xi32> to vector<16x1xi32>
      %gather3A_533 = vector.shape_cast %broadcast_in_dim3A_532 : vector<16x1xi32> to vector<16xi32>
      %gather3A_534 = tpu.dynamic_gather %add3A_344[%gather3A_533] in [0] : vector<16xf32>, vector<16xi32> -> vector<16xf32>
      %mul3A_535 = arith.mulf %select_n3A_44, %add3A_344 : vector<16xf32>
      %add3A_536 = arith.addf %mul3A_535, %gather3A_534 : vector<16xf32>
      %lt3A_537 = arith.constant 0 : i32
      %lt3A_538 = vector.broadcast %lt3A_537 : i32 to vector<16xi32>
      %lt3A_539 = arith.cmpi slt, %xor3A_21, %lt3A_538 : vector<16xi32>
      %add3A_540 = arith.constant 16 : i32
      %add3A_541 = vector.broadcast %add3A_540 : i32 to vector<16xi32>
      %add3A_542 = arith.addi %xor3A_21, %add3A_541 : vector<16xi32>
      %select_n3A_543 = arith.select %lt3A_539, %add3A_542, %xor3A_21 : vector<16xi1>, vector<16xi32>
      %broadcast_in_dim3A_544 = vector.shape_cast %select_n3A_543 : vector<16xi32> to vector<16x1xi32>
      %gather3A_545 = vector.shape_cast %broadcast_in_dim3A_544 : vector<16x1xi32> to vector<16xi32>
      %gather3A_546 = tpu.dynamic_gather %add3A_356[%gather3A_545] in [0] : vector<16xf32>, vector<16xi32> -> vector<16xf32>
      %mul3A_547 = arith.mulf %select_n3A_44, %add3A_356 : vector<16xf32>
      %add3A_548 = arith.addf %mul3A_547, %gather3A_546 : vector<16xf32>
      %lt3A_549 = arith.constant 0 : i32
      %lt3A_550 = vector.broadcast %lt3A_549 : i32 to vector<16xi32>
      %lt3A_551 = arith.cmpi slt, %xor3A_21, %lt3A_550 : vector<16xi32>
      %add3A_552 = arith.constant 16 : i32
      %add3A_553 = vector.broadcast %add3A_552 : i32 to vector<16xi32>
      %add3A_554 = arith.addi %xor3A_21, %add3A_553 : vector<16xi32>
      %select_n3A_555 = arith.select %lt3A_551, %add3A_554, %xor3A_21 : vector<16xi1>, vector<16xi32>
      %broadcast_in_dim3A_556 = vector.shape_cast %select_n3A_555 : vector<16xi32> to vector<16x1xi32>
      %gather3A_557 = vector.shape_cast %broadcast_in_dim3A_556 : vector<16x1xi32> to vector<16xi32>
      %gather3A_558 = tpu.dynamic_gather %add3A_368[%gather3A_557] in [0] : vector<16xf32>, vector<16xi32> -> vector<16xf32>
      %mul3A_559 = arith.mulf %select_n3A_44, %add3A_368 : vector<16xf32>
      %add3A_560 = arith.addf %mul3A_559, %gather3A_558 : vector<16xf32>
      %lt3A_561 = arith.constant 0 : i32
      %lt3A_562 = vector.broadcast %lt3A_561 : i32 to vector<16xi32>
      %lt3A_563 = arith.cmpi slt, %xor3A_21, %lt3A_562 : vector<16xi32>
      %add3A_564 = arith.constant 16 : i32
      %add3A_565 = vector.broadcast %add3A_564 : i32 to vector<16xi32>
      %add3A_566 = arith.addi %xor3A_21, %add3A_565 : vector<16xi32>
      %select_n3A_567 = arith.select %lt3A_563, %add3A_566, %xor3A_21 : vector<16xi1>, vector<16xi32>
      %broadcast_in_dim3A_568 = vector.shape_cast %select_n3A_567 : vector<16xi32> to vector<16x1xi32>
      %gather3A_569 = vector.shape_cast %broadcast_in_dim3A_568 : vector<16x1xi32> to vector<16xi32>
      %gather3A_570 = tpu.dynamic_gather %add3A_380[%gather3A_569] in [0] : vector<16xf32>, vector<16xi32> -> vector<16xf32>
      %mul3A_571 = arith.mulf %select_n3A_44, %add3A_380 : vector<16xf32>
      %add3A_572 = arith.addf %mul3A_571, %gather3A_570 : vector<16xf32>
      %lt3A_573 = arith.constant 0 : i32
      %lt3A_574 = vector.broadcast %lt3A_573 : i32 to vector<16xi32>
      %lt3A_575 = arith.cmpi slt, %xor3A_21, %lt3A_574 : vector<16xi32>
      %add3A_576 = arith.constant 16 : i32
      %add3A_577 = vector.broadcast %add3A_576 : i32 to vector<16xi32>
      %add3A_578 = arith.addi %xor3A_21, %add3A_577 : vector<16xi32>
      %select_n3A_579 = arith.select %lt3A_575, %add3A_578, %xor3A_21 : vector<16xi1>, vector<16xi32>
      %broadcast_in_dim3A_580 = vector.shape_cast %select_n3A_579 : vector<16xi32> to vector<16x1xi32>
      %gather3A_581 = vector.shape_cast %broadcast_in_dim3A_580 : vector<16x1xi32> to vector<16xi32>
      %gather3A_582 = tpu.dynamic_gather %add3A_392[%gather3A_581] in [0] : vector<16xf32>, vector<16xi32> -> vector<16xf32>
      %mul3A_583 = arith.mulf %select_n3A_44, %add3A_392 : vector<16xf32>
      %add3A_584 = arith.addf %mul3A_583, %gather3A_582 : vector<16xf32>
      %lt3A_585 = arith.constant 0 : i32
      %lt3A_586 = vector.broadcast %lt3A_585 : i32 to vector<16xi32>
      %lt3A_587 = arith.cmpi slt, %xor3A_21, %lt3A_586 : vector<16xi32>
      %add3A_588 = arith.constant 16 : i32
      %add3A_589 = vector.broadcast %add3A_588 : i32 to vector<16xi32>
      %add3A_590 = arith.addi %xor3A_21, %add3A_589 : vector<16xi32>
      %select_n3A_591 = arith.select %lt3A_587, %add3A_590, %xor3A_21 : vector<16xi1>, vector<16xi32>
      %broadcast_in_dim3A_592 = vector.shape_cast %select_n3A_591 : vector<16xi32> to vector<16x1xi32>
      %gather3A_593 = vector.shape_cast %broadcast_in_dim3A_592 : vector<16x1xi32> to vector<16xi32>
      %gather3A_594 = tpu.dynamic_gather %add3A_404[%gather3A_593] in [0] : vector<16xf32>, vector<16xi32> -> vector<16xf32>
      %mul3A_595 = arith.mulf %select_n3A_44, %add3A_404 : vector<16xf32>
      %add3A_596 = arith.addf %mul3A_595, %gather3A_594 : vector<16xf32>
      %lt3A_597 = arith.constant 0 : i32
      %lt3A_598 = vector.broadcast %lt3A_597 : i32 to vector<16xi32>
      %lt3A_599 = arith.cmpi slt, %xor3A_21, %lt3A_598 : vector<16xi32>
      %add3A_600 = arith.constant 16 : i32
      %add3A_601 = vector.broadcast %add3A_600 : i32 to vector<16xi32>
      %add3A_602 = arith.addi %xor3A_21, %add3A_601 : vector<16xi32>
      %select_n3A_603 = arith.select %lt3A_599, %add3A_602, %xor3A_21 : vector<16xi1>, vector<16xi32>
      %broadcast_in_dim3A_604 = vector.shape_cast %select_n3A_603 : vector<16xi32> to vector<16x1xi32>
      %gather3A_605 = vector.shape_cast %broadcast_in_dim3A_604 : vector<16x1xi32> to vector<16xi32>
      %gather3A_606 = tpu.dynamic_gather %add3A_416[%gather3A_605] in [0] : vector<16xf32>, vector<16xi32> -> vector<16xf32>
      %mul3A_607 = arith.mulf %select_n3A_44, %add3A_416 : vector<16xf32>
      %add3A_608 = arith.addf %mul3A_607, %gather3A_606 : vector<16xf32>
      %lt3A_609 = arith.constant 0 : i32
      %lt3A_610 = vector.broadcast %lt3A_609 : i32 to vector<16xi32>
      %lt3A_611 = arith.cmpi slt, %xor3A_21, %lt3A_610 : vector<16xi32>
      %add3A_612 = arith.constant 16 : i32
      %add3A_613 = vector.broadcast %add3A_612 : i32 to vector<16xi32>
      %add3A_614 = arith.addi %xor3A_21, %add3A_613 : vector<16xi32>
      %select_n3A_615 = arith.select %lt3A_611, %add3A_614, %xor3A_21 : vector<16xi1>, vector<16xi32>
      %broadcast_in_dim3A_616 = vector.shape_cast %select_n3A_615 : vector<16xi32> to vector<16x1xi32>
      %gather3A_617 = vector.shape_cast %broadcast_in_dim3A_616 : vector<16x1xi32> to vector<16xi32>
      %gather3A_618 = tpu.dynamic_gather %add3A_428[%gather3A_617] in [0] : vector<16xf32>, vector<16xi32> -> vector<16xf32>
      %mul3A_619 = arith.mulf %select_n3A_44, %add3A_428 : vector<16xf32>
      %add3A_620 = arith.addf %mul3A_619, %gather3A_618 : vector<16xf32>
      %lt3A_621 = arith.constant 0 : i32
      %lt3A_622 = vector.broadcast %lt3A_621 : i32 to vector<16xi32>
      %lt3A_623 = arith.cmpi slt, %xor3A_21, %lt3A_622 : vector<16xi32>
      %add3A_624 = arith.constant 16 : i32
      %add3A_625 = vector.broadcast %add3A_624 : i32 to vector<16xi32>
      %add3A_626 = arith.addi %xor3A_21, %add3A_625 : vector<16xi32>
      %select_n3A_627 = arith.select %lt3A_623, %add3A_626, %xor3A_21 : vector<16xi1>, vector<16xi32>
      %broadcast_in_dim3A_628 = vector.shape_cast %select_n3A_627 : vector<16xi32> to vector<16x1xi32>
      %gather3A_629 = vector.shape_cast %broadcast_in_dim3A_628 : vector<16x1xi32> to vector<16xi32>
      %gather3A_630 = tpu.dynamic_gather %add3A_440[%gather3A_629] in [0] : vector<16xf32>, vector<16xi32> -> vector<16xf32>
      %mul3A_631 = arith.mulf %select_n3A_44, %add3A_440 : vector<16xf32>
      %add3A_632 = arith.addf %mul3A_631, %gather3A_630 : vector<16xf32>
      %lt3A_633 = arith.constant 0 : i32
      %lt3A_634 = vector.broadcast %lt3A_633 : i32 to vector<16xi32>
      %lt3A_635 = arith.cmpi slt, %xor3A_21, %lt3A_634 : vector<16xi32>
      %add3A_636 = arith.constant 16 : i32
      %add3A_637 = vector.broadcast %add3A_636 : i32 to vector<16xi32>
      %add3A_638 = arith.addi %xor3A_21, %add3A_637 : vector<16xi32>
      %select_n3A_639 = arith.select %lt3A_635, %add3A_638, %xor3A_21 : vector<16xi1>, vector<16xi32>
      %broadcast_in_dim3A_640 = vector.shape_cast %select_n3A_639 : vector<16xi32> to vector<16x1xi32>
      %gather3A_641 = vector.shape_cast %broadcast_in_dim3A_640 : vector<16x1xi32> to vector<16xi32>
      %gather3A_642 = tpu.dynamic_gather %add3A_452[%gather3A_641] in [0] : vector<16xf32>, vector<16xi32> -> vector<16xf32>
      %mul3A_643 = arith.mulf %select_n3A_44, %add3A_452 : vector<16xf32>
      %add3A_644 = arith.addf %mul3A_643, %gather3A_642 : vector<16xf32>
      %lt3A_645 = arith.constant 0 : i32
      %lt3A_646 = vector.broadcast %lt3A_645 : i32 to vector<16xi32>
      %lt3A_647 = arith.cmpi slt, %xor3A_24, %lt3A_646 : vector<16xi32>
      %add3A_648 = arith.constant 16 : i32
      %add3A_649 = vector.broadcast %add3A_648 : i32 to vector<16xi32>
      %add3A_650 = arith.addi %xor3A_24, %add3A_649 : vector<16xi32>
      %select_n3A_651 = arith.select %lt3A_647, %add3A_650, %xor3A_24 : vector<16xi1>, vector<16xi32>
      %broadcast_in_dim3A_652 = vector.shape_cast %select_n3A_651 : vector<16xi32> to vector<16x1xi32>
      %gather3A_653 = vector.shape_cast %broadcast_in_dim3A_652 : vector<16x1xi32> to vector<16xi32>
      %gather3A_654 = tpu.dynamic_gather %add3A_464[%gather3A_653] in [0] : vector<16xf32>, vector<16xi32> -> vector<16xf32>
      %mul3A_655 = arith.mulf %select_n3A_55, %add3A_464 : vector<16xf32>
      %add3A_656 = arith.addf %mul3A_655, %gather3A_654 : vector<16xf32>
      %lt3A_657 = arith.constant 0 : i32
      %lt3A_658 = vector.broadcast %lt3A_657 : i32 to vector<16xi32>
      %lt3A_659 = arith.cmpi slt, %xor3A_24, %lt3A_658 : vector<16xi32>
      %add3A_660 = arith.constant 16 : i32
      %add3A_661 = vector.broadcast %add3A_660 : i32 to vector<16xi32>
      %add3A_662 = arith.addi %xor3A_24, %add3A_661 : vector<16xi32>
      %select_n3A_663 = arith.select %lt3A_659, %add3A_662, %xor3A_24 : vector<16xi1>, vector<16xi32>
      %broadcast_in_dim3A_664 = vector.shape_cast %select_n3A_663 : vector<16xi32> to vector<16x1xi32>
      %gather3A_665 = vector.shape_cast %broadcast_in_dim3A_664 : vector<16x1xi32> to vector<16xi32>
      %gather3A_666 = tpu.dynamic_gather %add3A_476[%gather3A_665] in [0] : vector<16xf32>, vector<16xi32> -> vector<16xf32>
      %mul3A_667 = arith.mulf %select_n3A_55, %add3A_476 : vector<16xf32>
      %add3A_668 = arith.addf %mul3A_667, %gather3A_666 : vector<16xf32>
      %lt3A_669 = arith.constant 0 : i32
      %lt3A_670 = vector.broadcast %lt3A_669 : i32 to vector<16xi32>
      %lt3A_671 = arith.cmpi slt, %xor3A_24, %lt3A_670 : vector<16xi32>
      %add3A_672 = arith.constant 16 : i32
      %add3A_673 = vector.broadcast %add3A_672 : i32 to vector<16xi32>
      %add3A_674 = arith.addi %xor3A_24, %add3A_673 : vector<16xi32>
      %select_n3A_675 = arith.select %lt3A_671, %add3A_674, %xor3A_24 : vector<16xi1>, vector<16xi32>
      %broadcast_in_dim3A_676 = vector.shape_cast %select_n3A_675 : vector<16xi32> to vector<16x1xi32>
      %gather3A_677 = vector.shape_cast %broadcast_in_dim3A_676 : vector<16x1xi32> to vector<16xi32>
      %gather3A_678 = tpu.dynamic_gather %add3A_488[%gather3A_677] in [0] : vector<16xf32>, vector<16xi32> -> vector<16xf32>
      %mul3A_679 = arith.mulf %select_n3A_55, %add3A_488 : vector<16xf32>
      %add3A_680 = arith.addf %mul3A_679, %gather3A_678 : vector<16xf32>
      %lt3A_681 = arith.constant 0 : i32
      %lt3A_682 = vector.broadcast %lt3A_681 : i32 to vector<16xi32>
      %lt3A_683 = arith.cmpi slt, %xor3A_24, %lt3A_682 : vector<16xi32>
      %add3A_684 = arith.constant 16 : i32
      %add3A_685 = vector.broadcast %add3A_684 : i32 to vector<16xi32>
      %add3A_686 = arith.addi %xor3A_24, %add3A_685 : vector<16xi32>
      %select_n3A_687 = arith.select %lt3A_683, %add3A_686, %xor3A_24 : vector<16xi1>, vector<16xi32>
      %broadcast_in_dim3A_688 = vector.shape_cast %select_n3A_687 : vector<16xi32> to vector<16x1xi32>
      %gather3A_689 = vector.shape_cast %broadcast_in_dim3A_688 : vector<16x1xi32> to vector<16xi32>
      %gather3A_690 = tpu.dynamic_gather %add3A_500[%gather3A_689] in [0] : vector<16xf32>, vector<16xi32> -> vector<16xf32>
      %mul3A_691 = arith.mulf %select_n3A_55, %add3A_500 : vector<16xf32>
      %add3A_692 = arith.addf %mul3A_691, %gather3A_690 : vector<16xf32>
      %lt3A_693 = arith.constant 0 : i32
      %lt3A_694 = vector.broadcast %lt3A_693 : i32 to vector<16xi32>
      %lt3A_695 = arith.cmpi slt, %xor3A_24, %lt3A_694 : vector<16xi32>
      %add3A_696 = arith.constant 16 : i32
      %add3A_697 = vector.broadcast %add3A_696 : i32 to vector<16xi32>
      %add3A_698 = arith.addi %xor3A_24, %add3A_697 : vector<16xi32>
      %select_n3A_699 = arith.select %lt3A_695, %add3A_698, %xor3A_24 : vector<16xi1>, vector<16xi32>
      %broadcast_in_dim3A_700 = vector.shape_cast %select_n3A_699 : vector<16xi32> to vector<16x1xi32>
      %gather3A_701 = vector.shape_cast %broadcast_in_dim3A_700 : vector<16x1xi32> to vector<16xi32>
      %gather3A_702 = tpu.dynamic_gather %add3A_512[%gather3A_701] in [0] : vector<16xf32>, vector<16xi32> -> vector<16xf32>
      %mul3A_703 = arith.mulf %select_n3A_55, %add3A_512 : vector<16xf32>
      %add3A_704 = arith.addf %mul3A_703, %gather3A_702 : vector<16xf32>
      %lt3A_705 = arith.constant 0 : i32
      %lt3A_706 = vector.broadcast %lt3A_705 : i32 to vector<16xi32>
      %lt3A_707 = arith.cmpi slt, %xor3A_24, %lt3A_706 : vector<16xi32>
      %add3A_708 = arith.constant 16 : i32
      %add3A_709 = vector.broadcast %add3A_708 : i32 to vector<16xi32>
      %add3A_710 = arith.addi %xor3A_24, %add3A_709 : vector<16xi32>
      %select_n3A_711 = arith.select %lt3A_707, %add3A_710, %xor3A_24 : vector<16xi1>, vector<16xi32>
      %broadcast_in_dim3A_712 = vector.shape_cast %select_n3A_711 : vector<16xi32> to vector<16x1xi32>
      %gather3A_713 = vector.shape_cast %broadcast_in_dim3A_712 : vector<16x1xi32> to vector<16xi32>
      %gather3A_714 = tpu.dynamic_gather %add3A_524[%gather3A_713] in [0] : vector<16xf32>, vector<16xi32> -> vector<16xf32>
      %mul3A_715 = arith.mulf %select_n3A_55, %add3A_524 : vector<16xf32>
      %add3A_716 = arith.addf %mul3A_715, %gather3A_714 : vector<16xf32>
      %lt3A_717 = arith.constant 0 : i32
      %lt3A_718 = vector.broadcast %lt3A_717 : i32 to vector<16xi32>
      %lt3A_719 = arith.cmpi slt, %xor3A_24, %lt3A_718 : vector<16xi32>
      %add3A_720 = arith.constant 16 : i32
      %add3A_721 = vector.broadcast %add3A_720 : i32 to vector<16xi32>
      %add3A_722 = arith.addi %xor3A_24, %add3A_721 : vector<16xi32>
      %select_n3A_723 = arith.select %lt3A_719, %add3A_722, %xor3A_24 : vector<16xi1>, vector<16xi32>
      %broadcast_in_dim3A_724 = vector.shape_cast %select_n3A_723 : vector<16xi32> to vector<16x1xi32>
      %gather3A_725 = vector.shape_cast %broadcast_in_dim3A_724 : vector<16x1xi32> to vector<16xi32>
      %gather3A_726 = tpu.dynamic_gather %add3A_536[%gather3A_725] in [0] : vector<16xf32>, vector<16xi32> -> vector<16xf32>
      %mul3A_727 = arith.mulf %select_n3A_55, %add3A_536 : vector<16xf32>
      %add3A_728 = arith.addf %mul3A_727, %gather3A_726 : vector<16xf32>
      %lt3A_729 = arith.constant 0 : i32
      %lt3A_730 = vector.broadcast %lt3A_729 : i32 to vector<16xi32>
      %lt3A_731 = arith.cmpi slt, %xor3A_24, %lt3A_730 : vector<16xi32>
      %add3A_732 = arith.constant 16 : i32
      %add3A_733 = vector.broadcast %add3A_732 : i32 to vector<16xi32>
      %add3A_734 = arith.addi %xor3A_24, %add3A_733 : vector<16xi32>
      %select_n3A_735 = arith.select %lt3A_731, %add3A_734, %xor3A_24 : vector<16xi1>, vector<16xi32>
      %broadcast_in_dim3A_736 = vector.shape_cast %select_n3A_735 : vector<16xi32> to vector<16x1xi32>
      %gather3A_737 = vector.shape_cast %broadcast_in_dim3A_736 : vector<16x1xi32> to vector<16xi32>
      %gather3A_738 = tpu.dynamic_gather %add3A_548[%gather3A_737] in [0] : vector<16xf32>, vector<16xi32> -> vector<16xf32>
      %mul3A_739 = arith.mulf %select_n3A_55, %add3A_548 : vector<16xf32>
      %add3A_740 = arith.addf %mul3A_739, %gather3A_738 : vector<16xf32>
      %lt3A_741 = arith.constant 0 : i32
      %lt3A_742 = vector.broadcast %lt3A_741 : i32 to vector<16xi32>
      %lt3A_743 = arith.cmpi slt, %xor3A_24, %lt3A_742 : vector<16xi32>
      %add3A_744 = arith.constant 16 : i32
      %add3A_745 = vector.broadcast %add3A_744 : i32 to vector<16xi32>
      %add3A_746 = arith.addi %xor3A_24, %add3A_745 : vector<16xi32>
      %select_n3A_747 = arith.select %lt3A_743, %add3A_746, %xor3A_24 : vector<16xi1>, vector<16xi32>
      %broadcast_in_dim3A_748 = vector.shape_cast %select_n3A_747 : vector<16xi32> to vector<16x1xi32>
      %gather3A_749 = vector.shape_cast %broadcast_in_dim3A_748 : vector<16x1xi32> to vector<16xi32>
      %gather3A_750 = tpu.dynamic_gather %add3A_560[%gather3A_749] in [0] : vector<16xf32>, vector<16xi32> -> vector<16xf32>
      %mul3A_751 = arith.mulf %select_n3A_55, %add3A_560 : vector<16xf32>
      %add3A_752 = arith.addf %mul3A_751, %gather3A_750 : vector<16xf32>
      %lt3A_753 = arith.constant 0 : i32
      %lt3A_754 = vector.broadcast %lt3A_753 : i32 to vector<16xi32>
      %lt3A_755 = arith.cmpi slt, %xor3A_24, %lt3A_754 : vector<16xi32>
      %add3A_756 = arith.constant 16 : i32
      %add3A_757 = vector.broadcast %add3A_756 : i32 to vector<16xi32>
      %add3A_758 = arith.addi %xor3A_24, %add3A_757 : vector<16xi32>
      %select_n3A_759 = arith.select %lt3A_755, %add3A_758, %xor3A_24 : vector<16xi1>, vector<16xi32>
      %broadcast_in_dim3A_760 = vector.shape_cast %select_n3A_759 : vector<16xi32> to vector<16x1xi32>
      %gather3A_761 = vector.shape_cast %broadcast_in_dim3A_760 : vector<16x1xi32> to vector<16xi32>
      %gather3A_762 = tpu.dynamic_gather %add3A_572[%gather3A_761] in [0] : vector<16xf32>, vector<16xi32> -> vector<16xf32>
      %mul3A_763 = arith.mulf %select_n3A_55, %add3A_572 : vector<16xf32>
      %add3A_764 = arith.addf %mul3A_763, %gather3A_762 : vector<16xf32>
      %lt3A_765 = arith.constant 0 : i32
      %lt3A_766 = vector.broadcast %lt3A_765 : i32 to vector<16xi32>
      %lt3A_767 = arith.cmpi slt, %xor3A_24, %lt3A_766 : vector<16xi32>
      %add3A_768 = arith.constant 16 : i32
      %add3A_769 = vector.broadcast %add3A_768 : i32 to vector<16xi32>
      %add3A_770 = arith.addi %xor3A_24, %add3A_769 : vector<16xi32>
      %select_n3A_771 = arith.select %lt3A_767, %add3A_770, %xor3A_24 : vector<16xi1>, vector<16xi32>
      %broadcast_in_dim3A_772 = vector.shape_cast %select_n3A_771 : vector<16xi32> to vector<16x1xi32>
      %gather3A_773 = vector.shape_cast %broadcast_in_dim3A_772 : vector<16x1xi32> to vector<16xi32>
      %gather3A_774 = tpu.dynamic_gather %add3A_584[%gather3A_773] in [0] : vector<16xf32>, vector<16xi32> -> vector<16xf32>
      %mul3A_775 = arith.mulf %select_n3A_55, %add3A_584 : vector<16xf32>
      %add3A_776 = arith.addf %mul3A_775, %gather3A_774 : vector<16xf32>
      %lt3A_777 = arith.constant 0 : i32
      %lt3A_778 = vector.broadcast %lt3A_777 : i32 to vector<16xi32>
      %lt3A_779 = arith.cmpi slt, %xor3A_24, %lt3A_778 : vector<16xi32>
      %add3A_780 = arith.constant 16 : i32
      %add3A_781 = vector.broadcast %add3A_780 : i32 to vector<16xi32>
      %add3A_782 = arith.addi %xor3A_24, %add3A_781 : vector<16xi32>
      %select_n3A_783 = arith.select %lt3A_779, %add3A_782, %xor3A_24 : vector<16xi1>, vector<16xi32>
      %broadcast_in_dim3A_784 = vector.shape_cast %select_n3A_783 : vector<16xi32> to vector<16x1xi32>
      %gather3A_785 = vector.shape_cast %broadcast_in_dim3A_784 : vector<16x1xi32> to vector<16xi32>
      %gather3A_786 = tpu.dynamic_gather %add3A_596[%gather3A_785] in [0] : vector<16xf32>, vector<16xi32> -> vector<16xf32>
      %mul3A_787 = arith.mulf %select_n3A_55, %add3A_596 : vector<16xf32>
      %add3A_788 = arith.addf %mul3A_787, %gather3A_786 : vector<16xf32>
      %lt3A_789 = arith.constant 0 : i32
      %lt3A_790 = vector.broadcast %lt3A_789 : i32 to vector<16xi32>
      %lt3A_791 = arith.cmpi slt, %xor3A_24, %lt3A_790 : vector<16xi32>
      %add3A_792 = arith.constant 16 : i32
      %add3A_793 = vector.broadcast %add3A_792 : i32 to vector<16xi32>
      %add3A_794 = arith.addi %xor3A_24, %add3A_793 : vector<16xi32>
      %select_n3A_795 = arith.select %lt3A_791, %add3A_794, %xor3A_24 : vector<16xi1>, vector<16xi32>
      %broadcast_in_dim3A_796 = vector.shape_cast %select_n3A_795 : vector<16xi32> to vector<16x1xi32>
      %gather3A_797 = vector.shape_cast %broadcast_in_dim3A_796 : vector<16x1xi32> to vector<16xi32>
      %gather3A_798 = tpu.dynamic_gather %add3A_608[%gather3A_797] in [0] : vector<16xf32>, vector<16xi32> -> vector<16xf32>
      %mul3A_799 = arith.mulf %select_n3A_55, %add3A_608 : vector<16xf32>
      %add3A_800 = arith.addf %mul3A_799, %gather3A_798 : vector<16xf32>
      %lt3A_801 = arith.constant 0 : i32
      %lt3A_802 = vector.broadcast %lt3A_801 : i32 to vector<16xi32>
      %lt3A_803 = arith.cmpi slt, %xor3A_24, %lt3A_802 : vector<16xi32>
      %add3A_804 = arith.constant 16 : i32
      %add3A_805 = vector.broadcast %add3A_804 : i32 to vector<16xi32>
      %add3A_806 = arith.addi %xor3A_24, %add3A_805 : vector<16xi32>
      %select_n3A_807 = arith.select %lt3A_803, %add3A_806, %xor3A_24 : vector<16xi1>, vector<16xi32>
      %broadcast_in_dim3A_808 = vector.shape_cast %select_n3A_807 : vector<16xi32> to vector<16x1xi32>
      %gather3A_809 = vector.shape_cast %broadcast_in_dim3A_808 : vector<16x1xi32> to vector<16xi32>
      %gather3A_810 = tpu.dynamic_gather %add3A_620[%gather3A_809] in [0] : vector<16xf32>, vector<16xi32> -> vector<16xf32>
      %mul3A_811 = arith.mulf %select_n3A_55, %add3A_620 : vector<16xf32>
      %add3A_812 = arith.addf %mul3A_811, %gather3A_810 : vector<16xf32>
      %lt3A_813 = arith.constant 0 : i32
      %lt3A_814 = vector.broadcast %lt3A_813 : i32 to vector<16xi32>
      %lt3A_815 = arith.cmpi slt, %xor3A_24, %lt3A_814 : vector<16xi32>
      %add3A_816 = arith.constant 16 : i32
      %add3A_817 = vector.broadcast %add3A_816 : i32 to vector<16xi32>
      %add3A_818 = arith.addi %xor3A_24, %add3A_817 : vector<16xi32>
      %select_n3A_819 = arith.select %lt3A_815, %add3A_818, %xor3A_24 : vector<16xi1>, vector<16xi32>
      %broadcast_in_dim3A_820 = vector.shape_cast %select_n3A_819 : vector<16xi32> to vector<16x1xi32>
      %gather3A_821 = vector.shape_cast %broadcast_in_dim3A_820 : vector<16x1xi32> to vector<16xi32>
      %gather3A_822 = tpu.dynamic_gather %add3A_632[%gather3A_821] in [0] : vector<16xf32>, vector<16xi32> -> vector<16xf32>
      %mul3A_823 = arith.mulf %select_n3A_55, %add3A_632 : vector<16xf32>
      %add3A_824 = arith.addf %mul3A_823, %gather3A_822 : vector<16xf32>
      %lt3A_825 = arith.constant 0 : i32
      %lt3A_826 = vector.broadcast %lt3A_825 : i32 to vector<16xi32>
      %lt3A_827 = arith.cmpi slt, %xor3A_24, %lt3A_826 : vector<16xi32>
      %add3A_828 = arith.constant 16 : i32
      %add3A_829 = vector.broadcast %add3A_828 : i32 to vector<16xi32>
      %add3A_830 = arith.addi %xor3A_24, %add3A_829 : vector<16xi32>
      %select_n3A_831 = arith.select %lt3A_827, %add3A_830, %xor3A_24 : vector<16xi1>, vector<16xi32>
      %broadcast_in_dim3A_832 = vector.shape_cast %select_n3A_831 : vector<16xi32> to vector<16x1xi32>
      %gather3A_833 = vector.shape_cast %broadcast_in_dim3A_832 : vector<16x1xi32> to vector<16xi32>
      %gather3A_834 = tpu.dynamic_gather %add3A_644[%gather3A_833] in [0] : vector<16xf32>, vector<16xi32> -> vector<16xf32>
      %mul3A_835 = arith.mulf %select_n3A_55, %add3A_644 : vector<16xf32>
      %add3A_836 = arith.addf %mul3A_835, %gather3A_834 : vector<16xf32>
      %lt3A_837 = arith.constant 0 : i32
      %lt3A_838 = vector.broadcast %lt3A_837 : i32 to vector<16xi32>
      %lt3A_839 = arith.cmpi slt, %xor3A_27, %lt3A_838 : vector<16xi32>
      %add3A_840 = arith.constant 16 : i32
      %add3A_841 = vector.broadcast %add3A_840 : i32 to vector<16xi32>
      %add3A_842 = arith.addi %xor3A_27, %add3A_841 : vector<16xi32>
      %select_n3A_843 = arith.select %lt3A_839, %add3A_842, %xor3A_27 : vector<16xi1>, vector<16xi32>
      %broadcast_in_dim3A_844 = vector.shape_cast %select_n3A_843 : vector<16xi32> to vector<16x1xi32>
      %gather3A_845 = vector.shape_cast %broadcast_in_dim3A_844 : vector<16x1xi32> to vector<16xi32>
      %gather3A_846 = tpu.dynamic_gather %add3A_656[%gather3A_845] in [0] : vector<16xf32>, vector<16xi32> -> vector<16xf32>
      %mul3A_847 = arith.mulf %select_n3A_66, %add3A_656 : vector<16xf32>
      %add3A_848 = arith.addf %mul3A_847, %gather3A_846 : vector<16xf32>
      %lt3A_849 = arith.constant 0 : i32
      %lt3A_850 = vector.broadcast %lt3A_849 : i32 to vector<16xi32>
      %lt3A_851 = arith.cmpi slt, %xor3A_27, %lt3A_850 : vector<16xi32>
      %add3A_852 = arith.constant 16 : i32
      %add3A_853 = vector.broadcast %add3A_852 : i32 to vector<16xi32>
      %add3A_854 = arith.addi %xor3A_27, %add3A_853 : vector<16xi32>
      %select_n3A_855 = arith.select %lt3A_851, %add3A_854, %xor3A_27 : vector<16xi1>, vector<16xi32>
      %broadcast_in_dim3A_856 = vector.shape_cast %select_n3A_855 : vector<16xi32> to vector<16x1xi32>
      %gather3A_857 = vector.shape_cast %broadcast_in_dim3A_856 : vector<16x1xi32> to vector<16xi32>
      %gather3A_858 = tpu.dynamic_gather %add3A_668[%gather3A_857] in [0] : vector<16xf32>, vector<16xi32> -> vector<16xf32>
      %mul3A_859 = arith.mulf %select_n3A_66, %add3A_668 : vector<16xf32>
      %add3A_860 = arith.addf %mul3A_859, %gather3A_858 : vector<16xf32>
      %lt3A_861 = arith.constant 0 : i32
      %lt3A_862 = vector.broadcast %lt3A_861 : i32 to vector<16xi32>
      %lt3A_863 = arith.cmpi slt, %xor3A_27, %lt3A_862 : vector<16xi32>
      %add3A_864 = arith.constant 16 : i32
      %add3A_865 = vector.broadcast %add3A_864 : i32 to vector<16xi32>
      %add3A_866 = arith.addi %xor3A_27, %add3A_865 : vector<16xi32>
      %select_n3A_867 = arith.select %lt3A_863, %add3A_866, %xor3A_27 : vector<16xi1>, vector<16xi32>
      %broadcast_in_dim3A_868 = vector.shape_cast %select_n3A_867 : vector<16xi32> to vector<16x1xi32>
      %gather3A_869 = vector.shape_cast %broadcast_in_dim3A_868 : vector<16x1xi32> to vector<16xi32>
      %gather3A_870 = tpu.dynamic_gather %add3A_680[%gather3A_869] in [0] : vector<16xf32>, vector<16xi32> -> vector<16xf32>
      %mul3A_871 = arith.mulf %select_n3A_66, %add3A_680 : vector<16xf32>
      %add3A_872 = arith.addf %mul3A_871, %gather3A_870 : vector<16xf32>
      %lt3A_873 = arith.constant 0 : i32
      %lt3A_874 = vector.broadcast %lt3A_873 : i32 to vector<16xi32>
      %lt3A_875 = arith.cmpi slt, %xor3A_27, %lt3A_874 : vector<16xi32>
      %add3A_876 = arith.constant 16 : i32
      %add3A_877 = vector.broadcast %add3A_876 : i32 to vector<16xi32>
      %add3A_878 = arith.addi %xor3A_27, %add3A_877 : vector<16xi32>
      %select_n3A_879 = arith.select %lt3A_875, %add3A_878, %xor3A_27 : vector<16xi1>, vector<16xi32>
      %broadcast_in_dim3A_880 = vector.shape_cast %select_n3A_879 : vector<16xi32> to vector<16x1xi32>
      %gather3A_881 = vector.shape_cast %broadcast_in_dim3A_880 : vector<16x1xi32> to vector<16xi32>
      %gather3A_882 = tpu.dynamic_gather %add3A_692[%gather3A_881] in [0] : vector<16xf32>, vector<16xi32> -> vector<16xf32>
      %mul3A_883 = arith.mulf %select_n3A_66, %add3A_692 : vector<16xf32>
      %add3A_884 = arith.addf %mul3A_883, %gather3A_882 : vector<16xf32>
      %lt3A_885 = arith.constant 0 : i32
      %lt3A_886 = vector.broadcast %lt3A_885 : i32 to vector<16xi32>
      %lt3A_887 = arith.cmpi slt, %xor3A_27, %lt3A_886 : vector<16xi32>
      %add3A_888 = arith.constant 16 : i32
      %add3A_889 = vector.broadcast %add3A_888 : i32 to vector<16xi32>
      %add3A_890 = arith.addi %xor3A_27, %add3A_889 : vector<16xi32>
      %select_n3A_891 = arith.select %lt3A_887, %add3A_890, %xor3A_27 : vector<16xi1>, vector<16xi32>
      %broadcast_in_dim3A_892 = vector.shape_cast %select_n3A_891 : vector<16xi32> to vector<16x1xi32>
      %gather3A_893 = vector.shape_cast %broadcast_in_dim3A_892 : vector<16x1xi32> to vector<16xi32>
      %gather3A_894 = tpu.dynamic_gather %add3A_704[%gather3A_893] in [0] : vector<16xf32>, vector<16xi32> -> vector<16xf32>
      %mul3A_895 = arith.mulf %select_n3A_66, %add3A_704 : vector<16xf32>
      %add3A_896 = arith.addf %mul3A_895, %gather3A_894 : vector<16xf32>
      %lt3A_897 = arith.constant 0 : i32
      %lt3A_898 = vector.broadcast %lt3A_897 : i32 to vector<16xi32>
      %lt3A_899 = arith.cmpi slt, %xor3A_27, %lt3A_898 : vector<16xi32>
      %add3A_900 = arith.constant 16 : i32
      %add3A_901 = vector.broadcast %add3A_900 : i32 to vector<16xi32>
      %add3A_902 = arith.addi %xor3A_27, %add3A_901 : vector<16xi32>
      %select_n3A_903 = arith.select %lt3A_899, %add3A_902, %xor3A_27 : vector<16xi1>, vector<16xi32>
      %broadcast_in_dim3A_904 = vector.shape_cast %select_n3A_903 : vector<16xi32> to vector<16x1xi32>
      %gather3A_905 = vector.shape_cast %broadcast_in_dim3A_904 : vector<16x1xi32> to vector<16xi32>
      %gather3A_906 = tpu.dynamic_gather %add3A_716[%gather3A_905] in [0] : vector<16xf32>, vector<16xi32> -> vector<16xf32>
      %mul3A_907 = arith.mulf %select_n3A_66, %add3A_716 : vector<16xf32>
      %add3A_908 = arith.addf %mul3A_907, %gather3A_906 : vector<16xf32>
      %lt3A_909 = arith.constant 0 : i32
      %lt3A_910 = vector.broadcast %lt3A_909 : i32 to vector<16xi32>
      %lt3A_911 = arith.cmpi slt, %xor3A_27, %lt3A_910 : vector<16xi32>
      %add3A_912 = arith.constant 16 : i32
      %add3A_913 = vector.broadcast %add3A_912 : i32 to vector<16xi32>
      %add3A_914 = arith.addi %xor3A_27, %add3A_913 : vector<16xi32>
      %select_n3A_915 = arith.select %lt3A_911, %add3A_914, %xor3A_27 : vector<16xi1>, vector<16xi32>
      %broadcast_in_dim3A_916 = vector.shape_cast %select_n3A_915 : vector<16xi32> to vector<16x1xi32>
      %gather3A_917 = vector.shape_cast %broadcast_in_dim3A_916 : vector<16x1xi32> to vector<16xi32>
      %gather3A_918 = tpu.dynamic_gather %add3A_728[%gather3A_917] in [0] : vector<16xf32>, vector<16xi32> -> vector<16xf32>
      %mul3A_919 = arith.mulf %select_n3A_66, %add3A_728 : vector<16xf32>
      %add3A_920 = arith.addf %mul3A_919, %gather3A_918 : vector<16xf32>
      %lt3A_921 = arith.constant 0 : i32
      %lt3A_922 = vector.broadcast %lt3A_921 : i32 to vector<16xi32>
      %lt3A_923 = arith.cmpi slt, %xor3A_27, %lt3A_922 : vector<16xi32>
      %add3A_924 = arith.constant 16 : i32
      %add3A_925 = vector.broadcast %add3A_924 : i32 to vector<16xi32>
      %add3A_926 = arith.addi %xor3A_27, %add3A_925 : vector<16xi32>
      %select_n3A_927 = arith.select %lt3A_923, %add3A_926, %xor3A_27 : vector<16xi1>, vector<16xi32>
      %broadcast_in_dim3A_928 = vector.shape_cast %select_n3A_927 : vector<16xi32> to vector<16x1xi32>
      %gather3A_929 = vector.shape_cast %broadcast_in_dim3A_928 : vector<16x1xi32> to vector<16xi32>
      %gather3A_930 = tpu.dynamic_gather %add3A_740[%gather3A_929] in [0] : vector<16xf32>, vector<16xi32> -> vector<16xf32>
      %mul3A_931 = arith.mulf %select_n3A_66, %add3A_740 : vector<16xf32>
      %add3A_932 = arith.addf %mul3A_931, %gather3A_930 : vector<16xf32>
      %lt3A_933 = arith.constant 0 : i32
      %lt3A_934 = vector.broadcast %lt3A_933 : i32 to vector<16xi32>
      %lt3A_935 = arith.cmpi slt, %xor3A_27, %lt3A_934 : vector<16xi32>
      %add3A_936 = arith.constant 16 : i32
      %add3A_937 = vector.broadcast %add3A_936 : i32 to vector<16xi32>
      %add3A_938 = arith.addi %xor3A_27, %add3A_937 : vector<16xi32>
      %select_n3A_939 = arith.select %lt3A_935, %add3A_938, %xor3A_27 : vector<16xi1>, vector<16xi32>
      %broadcast_in_dim3A_940 = vector.shape_cast %select_n3A_939 : vector<16xi32> to vector<16x1xi32>
      %gather3A_941 = vector.shape_cast %broadcast_in_dim3A_940 : vector<16x1xi32> to vector<16xi32>
      %gather3A_942 = tpu.dynamic_gather %add3A_752[%gather3A_941] in [0] : vector<16xf32>, vector<16xi32> -> vector<16xf32>
      %mul3A_943 = arith.mulf %select_n3A_66, %add3A_752 : vector<16xf32>
      %add3A_944 = arith.addf %mul3A_943, %gather3A_942 : vector<16xf32>
      %lt3A_945 = arith.constant 0 : i32
      %lt3A_946 = vector.broadcast %lt3A_945 : i32 to vector<16xi32>
      %lt3A_947 = arith.cmpi slt, %xor3A_27, %lt3A_946 : vector<16xi32>
      %add3A_948 = arith.constant 16 : i32
      %add3A_949 = vector.broadcast %add3A_948 : i32 to vector<16xi32>
      %add3A_950 = arith.addi %xor3A_27, %add3A_949 : vector<16xi32>
      %select_n3A_951 = arith.select %lt3A_947, %add3A_950, %xor3A_27 : vector<16xi1>, vector<16xi32>
      %broadcast_in_dim3A_952 = vector.shape_cast %select_n3A_951 : vector<16xi32> to vector<16x1xi32>
      %gather3A_953 = vector.shape_cast %broadcast_in_dim3A_952 : vector<16x1xi32> to vector<16xi32>
      %gather3A_954 = tpu.dynamic_gather %add3A_764[%gather3A_953] in [0] : vector<16xf32>, vector<16xi32> -> vector<16xf32>
      %mul3A_955 = arith.mulf %select_n3A_66, %add3A_764 : vector<16xf32>
      %add3A_956 = arith.addf %mul3A_955, %gather3A_954 : vector<16xf32>
      %lt3A_957 = arith.constant 0 : i32
      %lt3A_958 = vector.broadcast %lt3A_957 : i32 to vector<16xi32>
      %lt3A_959 = arith.cmpi slt, %xor3A_27, %lt3A_958 : vector<16xi32>
      %add3A_960 = arith.constant 16 : i32
      %add3A_961 = vector.broadcast %add3A_960 : i32 to vector<16xi32>
      %add3A_962 = arith.addi %xor3A_27, %add3A_961 : vector<16xi32>
      %select_n3A_963 = arith.select %lt3A_959, %add3A_962, %xor3A_27 : vector<16xi1>, vector<16xi32>
      %broadcast_in_dim3A_964 = vector.shape_cast %select_n3A_963 : vector<16xi32> to vector<16x1xi32>
      %gather3A_965 = vector.shape_cast %broadcast_in_dim3A_964 : vector<16x1xi32> to vector<16xi32>
      %gather3A_966 = tpu.dynamic_gather %add3A_776[%gather3A_965] in [0] : vector<16xf32>, vector<16xi32> -> vector<16xf32>
      %mul3A_967 = arith.mulf %select_n3A_66, %add3A_776 : vector<16xf32>
      %add3A_968 = arith.addf %mul3A_967, %gather3A_966 : vector<16xf32>
      %lt3A_969 = arith.constant 0 : i32
      %lt3A_970 = vector.broadcast %lt3A_969 : i32 to vector<16xi32>
      %lt3A_971 = arith.cmpi slt, %xor3A_27, %lt3A_970 : vector<16xi32>
      %add3A_972 = arith.constant 16 : i32
      %add3A_973 = vector.broadcast %add3A_972 : i32 to vector<16xi32>
      %add3A_974 = arith.addi %xor3A_27, %add3A_973 : vector<16xi32>
      %select_n3A_975 = arith.select %lt3A_971, %add3A_974, %xor3A_27 : vector<16xi1>, vector<16xi32>
      %broadcast_in_dim3A_976 = vector.shape_cast %select_n3A_975 : vector<16xi32> to vector<16x1xi32>
      %gather3A_977 = vector.shape_cast %broadcast_in_dim3A_976 : vector<16x1xi32> to vector<16xi32>
      %gather3A_978 = tpu.dynamic_gather %add3A_788[%gather3A_977] in [0] : vector<16xf32>, vector<16xi32> -> vector<16xf32>
      %mul3A_979 = arith.mulf %select_n3A_66, %add3A_788 : vector<16xf32>
      %add3A_980 = arith.addf %mul3A_979, %gather3A_978 : vector<16xf32>
      %lt3A_981 = arith.constant 0 : i32
      %lt3A_982 = vector.broadcast %lt3A_981 : i32 to vector<16xi32>
      %lt3A_983 = arith.cmpi slt, %xor3A_27, %lt3A_982 : vector<16xi32>
      %add3A_984 = arith.constant 16 : i32
      %add3A_985 = vector.broadcast %add3A_984 : i32 to vector<16xi32>
      %add3A_986 = arith.addi %xor3A_27, %add3A_985 : vector<16xi32>
      %select_n3A_987 = arith.select %lt3A_983, %add3A_986, %xor3A_27 : vector<16xi1>, vector<16xi32>
      %broadcast_in_dim3A_988 = vector.shape_cast %select_n3A_987 : vector<16xi32> to vector<16x1xi32>
      %gather3A_989 = vector.shape_cast %broadcast_in_dim3A_988 : vector<16x1xi32> to vector<16xi32>
      %gather3A_990 = tpu.dynamic_gather %add3A_800[%gather3A_989] in [0] : vector<16xf32>, vector<16xi32> -> vector<16xf32>
      %mul3A_991 = arith.mulf %select_n3A_66, %add3A_800 : vector<16xf32>
      %add3A_992 = arith.addf %mul3A_991, %gather3A_990 : vector<16xf32>
      %lt3A_993 = arith.constant 0 : i32
      %lt3A_994 = vector.broadcast %lt3A_993 : i32 to vector<16xi32>
      %lt3A_995 = arith.cmpi slt, %xor3A_27, %lt3A_994 : vector<16xi32>
      %add3A_996 = arith.constant 16 : i32
      %add3A_997 = vector.broadcast %add3A_996 : i32 to vector<16xi32>
      %add3A_998 = arith.addi %xor3A_27, %add3A_997 : vector<16xi32>
      %select_n3A_999 = arith.select %lt3A_995, %add3A_998, %xor3A_27 : vector<16xi1>, vector<16xi32>
      %broadcast_in_dim3A_1000 = vector.shape_cast %select_n3A_999 : vector<16xi32> to vector<16x1xi32>
      %gather3A_1001 = vector.shape_cast %broadcast_in_dim3A_1000 : vector<16x1xi32> to vector<16xi32>
      %gather3A_1002 = tpu.dynamic_gather %add3A_812[%gather3A_1001] in [0] : vector<16xf32>, vector<16xi32> -> vector<16xf32>
      %mul3A_1003 = arith.mulf %select_n3A_66, %add3A_812 : vector<16xf32>
      %add3A_1004 = arith.addf %mul3A_1003, %gather3A_1002 : vector<16xf32>
      %lt3A_1005 = arith.constant 0 : i32
      %lt3A_1006 = vector.broadcast %lt3A_1005 : i32 to vector<16xi32>
      %lt3A_1007 = arith.cmpi slt, %xor3A_27, %lt3A_1006 : vector<16xi32>
      %add3A_1008 = arith.constant 16 : i32
      %add3A_1009 = vector.broadcast %add3A_1008 : i32 to vector<16xi32>
      %add3A_1010 = arith.addi %xor3A_27, %add3A_1009 : vector<16xi32>
      %select_n3A_1011 = arith.select %lt3A_1007, %add3A_1010, %xor3A_27 : vector<16xi1>, vector<16xi32>
      %broadcast_in_dim3A_1012 = vector.shape_cast %select_n3A_1011 : vector<16xi32> to vector<16x1xi32>
      %gather3A_1013 = vector.shape_cast %broadcast_in_dim3A_1012 : vector<16x1xi32> to vector<16xi32>
      %gather3A_1014 = tpu.dynamic_gather %add3A_824[%gather3A_1013] in [0] : vector<16xf32>, vector<16xi32> -> vector<16xf32>
      %mul3A_1015 = arith.mulf %select_n3A_66, %add3A_824 : vector<16xf32>
      %add3A_1016 = arith.addf %mul3A_1015, %gather3A_1014 : vector<16xf32>
      %lt3A_1017 = arith.constant 0 : i32
      %lt3A_1018 = vector.broadcast %lt3A_1017 : i32 to vector<16xi32>
      %lt3A_1019 = arith.cmpi slt, %xor3A_27, %lt3A_1018 : vector<16xi32>
      %add3A_1020 = arith.constant 16 : i32
      %add3A_1021 = vector.broadcast %add3A_1020 : i32 to vector<16xi32>
      %add3A_1022 = arith.addi %xor3A_27, %add3A_1021 : vector<16xi32>
      %select_n3A_1023 = arith.select %lt3A_1019, %add3A_1022, %xor3A_27 : vector<16xi1>, vector<16xi32>
      %broadcast_in_dim3A_1024 = vector.shape_cast %select_n3A_1023 : vector<16xi32> to vector<16x1xi32>
      %gather3A_1025 = vector.shape_cast %broadcast_in_dim3A_1024 : vector<16x1xi32> to vector<16xi32>
      %gather3A_1026 = tpu.dynamic_gather %add3A_836[%gather3A_1025] in [0] : vector<16xf32>, vector<16xi32> -> vector<16xf32>
      %mul3A_1027 = arith.mulf %select_n3A_66, %add3A_836 : vector<16xf32>
      %add3A_1028 = arith.addf %mul3A_1027, %gather3A_1026 : vector<16xf32>
      %add3A_1029 = arith.addf %get3A_139, %get3A_143 : vector<16xf32>
      %sub3A_1030 = arith.subf %get3A_139, %get3A_143 : vector<16xf32>
      %add3A_1031 = arith.addf %get3A_147, %get3A_151 : vector<16xf32>
      %sub3A_1032 = arith.subf %get3A_147, %get3A_151 : vector<16xf32>
      %add3A_1033 = arith.addf %get3A_155, %get3A_159 : vector<16xf32>
      %sub3A_1034 = arith.subf %get3A_155, %get3A_159 : vector<16xf32>
      %add3A_1035 = arith.addf %get3A_163, %get3A_167 : vector<16xf32>
      %sub3A_1036 = arith.subf %get3A_163, %get3A_167 : vector<16xf32>
      %add3A_1037 = arith.addf %get3A_171, %get3A_175 : vector<16xf32>
      %sub3A_1038 = arith.subf %get3A_171, %get3A_175 : vector<16xf32>
      %add3A_1039 = arith.addf %get3A_179, %get3A_183 : vector<16xf32>
      %sub3A_1040 = arith.subf %get3A_179, %get3A_183 : vector<16xf32>
      %add3A_1041 = arith.addf %get3A_187, %get3A_191 : vector<16xf32>
      %sub3A_1042 = arith.subf %get3A_187, %get3A_191 : vector<16xf32>
      %add3A_1043 = arith.addf %get3A_195, %get3A_199 : vector<16xf32>
      %sub3A_1044 = arith.subf %get3A_195, %get3A_199 : vector<16xf32>
      %add3A_1045 = arith.addf %add3A_1029, %add3A_1031 : vector<16xf32>
      %sub3A_1046 = arith.subf %add3A_1029, %add3A_1031 : vector<16xf32>
      %add3A_1047 = arith.addf %sub3A_1030, %sub3A_1032 : vector<16xf32>
      %sub3A_1048 = arith.subf %sub3A_1030, %sub3A_1032 : vector<16xf32>
      %add3A_1049 = arith.addf %add3A_1033, %add3A_1035 : vector<16xf32>
      %sub3A_1050 = arith.subf %add3A_1033, %add3A_1035 : vector<16xf32>
      %add3A_1051 = arith.addf %sub3A_1034, %sub3A_1036 : vector<16xf32>
      %sub3A_1052 = arith.subf %sub3A_1034, %sub3A_1036 : vector<16xf32>
      %add3A_1053 = arith.addf %add3A_1037, %add3A_1039 : vector<16xf32>
      %sub3A_1054 = arith.subf %add3A_1037, %add3A_1039 : vector<16xf32>
      %add3A_1055 = arith.addf %sub3A_1038, %sub3A_1040 : vector<16xf32>
      %sub3A_1056 = arith.subf %sub3A_1038, %sub3A_1040 : vector<16xf32>
      %add3A_1057 = arith.addf %add3A_1041, %add3A_1043 : vector<16xf32>
      %sub3A_1058 = arith.subf %add3A_1041, %add3A_1043 : vector<16xf32>
      %add3A_1059 = arith.addf %sub3A_1042, %sub3A_1044 : vector<16xf32>
      %sub3A_1060 = arith.subf %sub3A_1042, %sub3A_1044 : vector<16xf32>
      %add3A_1061 = arith.addf %add3A_1045, %add3A_1049 : vector<16xf32>
      %sub3A_1062 = arith.subf %add3A_1045, %add3A_1049 : vector<16xf32>
      %add3A_1063 = arith.addf %add3A_1047, %add3A_1051 : vector<16xf32>
      %sub3A_1064 = arith.subf %add3A_1047, %add3A_1051 : vector<16xf32>
      %add3A_1065 = arith.addf %sub3A_1046, %sub3A_1050 : vector<16xf32>
      %sub3A_1066 = arith.subf %sub3A_1046, %sub3A_1050 : vector<16xf32>
      %add3A_1067 = arith.addf %sub3A_1048, %sub3A_1052 : vector<16xf32>
      %sub3A_1068 = arith.subf %sub3A_1048, %sub3A_1052 : vector<16xf32>
      %add3A_1069 = arith.addf %add3A_1053, %add3A_1057 : vector<16xf32>
      %sub3A_1070 = arith.subf %add3A_1053, %add3A_1057 : vector<16xf32>
      %add3A_1071 = arith.addf %add3A_1055, %add3A_1059 : vector<16xf32>
      %sub3A_1072 = arith.subf %add3A_1055, %add3A_1059 : vector<16xf32>
      %add3A_1073 = arith.addf %sub3A_1054, %sub3A_1058 : vector<16xf32>
      %sub3A_1074 = arith.subf %sub3A_1054, %sub3A_1058 : vector<16xf32>
      %add3A_1075 = arith.addf %sub3A_1056, %sub3A_1060 : vector<16xf32>
      %sub3A_1076 = arith.subf %sub3A_1056, %sub3A_1060 : vector<16xf32>
      %add3A_1077 = arith.addf %add3A_1061, %add3A_1069 : vector<16xf32>
      %sub3A_1078 = arith.subf %add3A_1061, %add3A_1069 : vector<16xf32>
      %add3A_1079 = arith.addf %add3A_1063, %add3A_1071 : vector<16xf32>
      %sub3A_1080 = arith.subf %add3A_1063, %add3A_1071 : vector<16xf32>
      %add3A_1081 = arith.addf %add3A_1065, %add3A_1073 : vector<16xf32>
      %sub3A_1082 = arith.subf %add3A_1065, %add3A_1073 : vector<16xf32>
      %add3A_1083 = arith.addf %add3A_1067, %add3A_1075 : vector<16xf32>
      %sub3A_1084 = arith.subf %add3A_1067, %add3A_1075 : vector<16xf32>
      %add3A_1085 = arith.addf %sub3A_1062, %sub3A_1070 : vector<16xf32>
      %sub3A_1086 = arith.subf %sub3A_1062, %sub3A_1070 : vector<16xf32>
      %add3A_1087 = arith.addf %sub3A_1064, %sub3A_1072 : vector<16xf32>
      %sub3A_1088 = arith.subf %sub3A_1064, %sub3A_1072 : vector<16xf32>
      %add3A_1089 = arith.addf %sub3A_1066, %sub3A_1074 : vector<16xf32>
      %sub3A_1090 = arith.subf %sub3A_1066, %sub3A_1074 : vector<16xf32>
      %add3A_1091 = arith.addf %sub3A_1068, %sub3A_1076 : vector<16xf32>
      %sub3A_1092 = arith.subf %sub3A_1068, %sub3A_1076 : vector<16xf32>
      %lt3A_1093 = arith.constant 0 : i32
      %lt3A_1094 = vector.broadcast %lt3A_1093 : i32 to vector<16xi32>
      %lt3A_1095 = arith.cmpi slt, %xor3A_18, %lt3A_1094 : vector<16xi32>
      %add3A_1096 = arith.constant 16 : i32
      %add3A_1097 = vector.broadcast %add3A_1096 : i32 to vector<16xi32>
      %add3A_1098 = arith.addi %xor3A_18, %add3A_1097 : vector<16xi32>
      %select_n3A_1099 = arith.select %lt3A_1095, %add3A_1098, %xor3A_18 : vector<16xi1>, vector<16xi32>
      %broadcast_in_dim3A_1100 = vector.shape_cast %select_n3A_1099 : vector<16xi32> to vector<16x1xi32>
      %gather3A_1101 = vector.shape_cast %broadcast_in_dim3A_1100 : vector<16x1xi32> to vector<16xi32>
      %gather3A_1102 = tpu.dynamic_gather %add3A_1077[%gather3A_1101] in [0] : vector<16xf32>, vector<16xi32> -> vector<16xf32>
      %mul3A_1103 = arith.mulf %select_n3A, %add3A_1077 : vector<16xf32>
      %add3A_1104 = arith.addf %mul3A_1103, %gather3A_1102 : vector<16xf32>
      %lt3A_1105 = arith.constant 0 : i32
      %lt3A_1106 = vector.broadcast %lt3A_1105 : i32 to vector<16xi32>
      %lt3A_1107 = arith.cmpi slt, %xor3A_18, %lt3A_1106 : vector<16xi32>
      %add3A_1108 = arith.constant 16 : i32
      %add3A_1109 = vector.broadcast %add3A_1108 : i32 to vector<16xi32>
      %add3A_1110 = arith.addi %xor3A_18, %add3A_1109 : vector<16xi32>
      %select_n3A_1111 = arith.select %lt3A_1107, %add3A_1110, %xor3A_18 : vector<16xi1>, vector<16xi32>
      %broadcast_in_dim3A_1112 = vector.shape_cast %select_n3A_1111 : vector<16xi32> to vector<16x1xi32>
      %gather3A_1113 = vector.shape_cast %broadcast_in_dim3A_1112 : vector<16x1xi32> to vector<16xi32>
      %gather3A_1114 = tpu.dynamic_gather %add3A_1079[%gather3A_1113] in [0] : vector<16xf32>, vector<16xi32> -> vector<16xf32>
      %mul3A_1115 = arith.mulf %select_n3A, %add3A_1079 : vector<16xf32>
      %add3A_1116 = arith.addf %mul3A_1115, %gather3A_1114 : vector<16xf32>
      %lt3A_1117 = arith.constant 0 : i32
      %lt3A_1118 = vector.broadcast %lt3A_1117 : i32 to vector<16xi32>
      %lt3A_1119 = arith.cmpi slt, %xor3A_18, %lt3A_1118 : vector<16xi32>
      %add3A_1120 = arith.constant 16 : i32
      %add3A_1121 = vector.broadcast %add3A_1120 : i32 to vector<16xi32>
      %add3A_1122 = arith.addi %xor3A_18, %add3A_1121 : vector<16xi32>
      %select_n3A_1123 = arith.select %lt3A_1119, %add3A_1122, %xor3A_18 : vector<16xi1>, vector<16xi32>
      %broadcast_in_dim3A_1124 = vector.shape_cast %select_n3A_1123 : vector<16xi32> to vector<16x1xi32>
      %gather3A_1125 = vector.shape_cast %broadcast_in_dim3A_1124 : vector<16x1xi32> to vector<16xi32>
      %gather3A_1126 = tpu.dynamic_gather %add3A_1081[%gather3A_1125] in [0] : vector<16xf32>, vector<16xi32> -> vector<16xf32>
      %mul3A_1127 = arith.mulf %select_n3A, %add3A_1081 : vector<16xf32>
      %add3A_1128 = arith.addf %mul3A_1127, %gather3A_1126 : vector<16xf32>
      %lt3A_1129 = arith.constant 0 : i32
      %lt3A_1130 = vector.broadcast %lt3A_1129 : i32 to vector<16xi32>
      %lt3A_1131 = arith.cmpi slt, %xor3A_18, %lt3A_1130 : vector<16xi32>
      %add3A_1132 = arith.constant 16 : i32
      %add3A_1133 = vector.broadcast %add3A_1132 : i32 to vector<16xi32>
      %add3A_1134 = arith.addi %xor3A_18, %add3A_1133 : vector<16xi32>
      %select_n3A_1135 = arith.select %lt3A_1131, %add3A_1134, %xor3A_18 : vector<16xi1>, vector<16xi32>
      %broadcast_in_dim3A_1136 = vector.shape_cast %select_n3A_1135 : vector<16xi32> to vector<16x1xi32>
      %gather3A_1137 = vector.shape_cast %broadcast_in_dim3A_1136 : vector<16x1xi32> to vector<16xi32>
      %gather3A_1138 = tpu.dynamic_gather %add3A_1083[%gather3A_1137] in [0] : vector<16xf32>, vector<16xi32> -> vector<16xf32>
      %mul3A_1139 = arith.mulf %select_n3A, %add3A_1083 : vector<16xf32>
      %add3A_1140 = arith.addf %mul3A_1139, %gather3A_1138 : vector<16xf32>
      %lt3A_1141 = arith.constant 0 : i32
      %lt3A_1142 = vector.broadcast %lt3A_1141 : i32 to vector<16xi32>
      %lt3A_1143 = arith.cmpi slt, %xor3A_18, %lt3A_1142 : vector<16xi32>
      %add3A_1144 = arith.constant 16 : i32
      %add3A_1145 = vector.broadcast %add3A_1144 : i32 to vector<16xi32>
      %add3A_1146 = arith.addi %xor3A_18, %add3A_1145 : vector<16xi32>
      %select_n3A_1147 = arith.select %lt3A_1143, %add3A_1146, %xor3A_18 : vector<16xi1>, vector<16xi32>
      %broadcast_in_dim3A_1148 = vector.shape_cast %select_n3A_1147 : vector<16xi32> to vector<16x1xi32>
      %gather3A_1149 = vector.shape_cast %broadcast_in_dim3A_1148 : vector<16x1xi32> to vector<16xi32>
      %gather3A_1150 = tpu.dynamic_gather %add3A_1085[%gather3A_1149] in [0] : vector<16xf32>, vector<16xi32> -> vector<16xf32>
      %mul3A_1151 = arith.mulf %select_n3A, %add3A_1085 : vector<16xf32>
      %add3A_1152 = arith.addf %mul3A_1151, %gather3A_1150 : vector<16xf32>
      %lt3A_1153 = arith.constant 0 : i32
      %lt3A_1154 = vector.broadcast %lt3A_1153 : i32 to vector<16xi32>
      %lt3A_1155 = arith.cmpi slt, %xor3A_18, %lt3A_1154 : vector<16xi32>
      %add3A_1156 = arith.constant 16 : i32
      %add3A_1157 = vector.broadcast %add3A_1156 : i32 to vector<16xi32>
      %add3A_1158 = arith.addi %xor3A_18, %add3A_1157 : vector<16xi32>
      %select_n3A_1159 = arith.select %lt3A_1155, %add3A_1158, %xor3A_18 : vector<16xi1>, vector<16xi32>
      %broadcast_in_dim3A_1160 = vector.shape_cast %select_n3A_1159 : vector<16xi32> to vector<16x1xi32>
      %gather3A_1161 = vector.shape_cast %broadcast_in_dim3A_1160 : vector<16x1xi32> to vector<16xi32>
      %gather3A_1162 = tpu.dynamic_gather %add3A_1087[%gather3A_1161] in [0] : vector<16xf32>, vector<16xi32> -> vector<16xf32>
      %mul3A_1163 = arith.mulf %select_n3A, %add3A_1087 : vector<16xf32>
      %add3A_1164 = arith.addf %mul3A_1163, %gather3A_1162 : vector<16xf32>
      %lt3A_1165 = arith.constant 0 : i32
      %lt3A_1166 = vector.broadcast %lt3A_1165 : i32 to vector<16xi32>
      %lt3A_1167 = arith.cmpi slt, %xor3A_18, %lt3A_1166 : vector<16xi32>
      %add3A_1168 = arith.constant 16 : i32
      %add3A_1169 = vector.broadcast %add3A_1168 : i32 to vector<16xi32>
      %add3A_1170 = arith.addi %xor3A_18, %add3A_1169 : vector<16xi32>
      %select_n3A_1171 = arith.select %lt3A_1167, %add3A_1170, %xor3A_18 : vector<16xi1>, vector<16xi32>
      %broadcast_in_dim3A_1172 = vector.shape_cast %select_n3A_1171 : vector<16xi32> to vector<16x1xi32>
      %gather3A_1173 = vector.shape_cast %broadcast_in_dim3A_1172 : vector<16x1xi32> to vector<16xi32>
      %gather3A_1174 = tpu.dynamic_gather %add3A_1089[%gather3A_1173] in [0] : vector<16xf32>, vector<16xi32> -> vector<16xf32>
      %mul3A_1175 = arith.mulf %select_n3A, %add3A_1089 : vector<16xf32>
      %add3A_1176 = arith.addf %mul3A_1175, %gather3A_1174 : vector<16xf32>
      %lt3A_1177 = arith.constant 0 : i32
      %lt3A_1178 = vector.broadcast %lt3A_1177 : i32 to vector<16xi32>
      %lt3A_1179 = arith.cmpi slt, %xor3A_18, %lt3A_1178 : vector<16xi32>
      %add3A_1180 = arith.constant 16 : i32
      %add3A_1181 = vector.broadcast %add3A_1180 : i32 to vector<16xi32>
      %add3A_1182 = arith.addi %xor3A_18, %add3A_1181 : vector<16xi32>
      %select_n3A_1183 = arith.select %lt3A_1179, %add3A_1182, %xor3A_18 : vector<16xi1>, vector<16xi32>
      %broadcast_in_dim3A_1184 = vector.shape_cast %select_n3A_1183 : vector<16xi32> to vector<16x1xi32>
      %gather3A_1185 = vector.shape_cast %broadcast_in_dim3A_1184 : vector<16x1xi32> to vector<16xi32>
      %gather3A_1186 = tpu.dynamic_gather %add3A_1091[%gather3A_1185] in [0] : vector<16xf32>, vector<16xi32> -> vector<16xf32>
      %mul3A_1187 = arith.mulf %select_n3A, %add3A_1091 : vector<16xf32>
      %add3A_1188 = arith.addf %mul3A_1187, %gather3A_1186 : vector<16xf32>
      %lt3A_1189 = arith.constant 0 : i32
      %lt3A_1190 = vector.broadcast %lt3A_1189 : i32 to vector<16xi32>
      %lt3A_1191 = arith.cmpi slt, %xor3A_18, %lt3A_1190 : vector<16xi32>
      %add3A_1192 = arith.constant 16 : i32
      %add3A_1193 = vector.broadcast %add3A_1192 : i32 to vector<16xi32>
      %add3A_1194 = arith.addi %xor3A_18, %add3A_1193 : vector<16xi32>
      %select_n3A_1195 = arith.select %lt3A_1191, %add3A_1194, %xor3A_18 : vector<16xi1>, vector<16xi32>
      %broadcast_in_dim3A_1196 = vector.shape_cast %select_n3A_1195 : vector<16xi32> to vector<16x1xi32>
      %gather3A_1197 = vector.shape_cast %broadcast_in_dim3A_1196 : vector<16x1xi32> to vector<16xi32>
      %gather3A_1198 = tpu.dynamic_gather %sub3A_1078[%gather3A_1197] in [0] : vector<16xf32>, vector<16xi32> -> vector<16xf32>
      %mul3A_1199 = arith.mulf %select_n3A, %sub3A_1078 : vector<16xf32>
      %add3A_1200 = arith.addf %mul3A_1199, %gather3A_1198 : vector<16xf32>
      %lt3A_1201 = arith.constant 0 : i32
      %lt3A_1202 = vector.broadcast %lt3A_1201 : i32 to vector<16xi32>
      %lt3A_1203 = arith.cmpi slt, %xor3A_18, %lt3A_1202 : vector<16xi32>
      %add3A_1204 = arith.constant 16 : i32
      %add3A_1205 = vector.broadcast %add3A_1204 : i32 to vector<16xi32>
      %add3A_1206 = arith.addi %xor3A_18, %add3A_1205 : vector<16xi32>
      %select_n3A_1207 = arith.select %lt3A_1203, %add3A_1206, %xor3A_18 : vector<16xi1>, vector<16xi32>
      %broadcast_in_dim3A_1208 = vector.shape_cast %select_n3A_1207 : vector<16xi32> to vector<16x1xi32>
      %gather3A_1209 = vector.shape_cast %broadcast_in_dim3A_1208 : vector<16x1xi32> to vector<16xi32>
      %gather3A_1210 = tpu.dynamic_gather %sub3A_1080[%gather3A_1209] in [0] : vector<16xf32>, vector<16xi32> -> vector<16xf32>
      %mul3A_1211 = arith.mulf %select_n3A, %sub3A_1080 : vector<16xf32>
      %add3A_1212 = arith.addf %mul3A_1211, %gather3A_1210 : vector<16xf32>
      %lt3A_1213 = arith.constant 0 : i32
      %lt3A_1214 = vector.broadcast %lt3A_1213 : i32 to vector<16xi32>
      %lt3A_1215 = arith.cmpi slt, %xor3A_18, %lt3A_1214 : vector<16xi32>
      %add3A_1216 = arith.constant 16 : i32
      %add3A_1217 = vector.broadcast %add3A_1216 : i32 to vector<16xi32>
      %add3A_1218 = arith.addi %xor3A_18, %add3A_1217 : vector<16xi32>
      %select_n3A_1219 = arith.select %lt3A_1215, %add3A_1218, %xor3A_18 : vector<16xi1>, vector<16xi32>
      %broadcast_in_dim3A_1220 = vector.shape_cast %select_n3A_1219 : vector<16xi32> to vector<16x1xi32>
      %gather3A_1221 = vector.shape_cast %broadcast_in_dim3A_1220 : vector<16x1xi32> to vector<16xi32>
      %gather3A_1222 = tpu.dynamic_gather %sub3A_1082[%gather3A_1221] in [0] : vector<16xf32>, vector<16xi32> -> vector<16xf32>
      %mul3A_1223 = arith.mulf %select_n3A, %sub3A_1082 : vector<16xf32>
      %add3A_1224 = arith.addf %mul3A_1223, %gather3A_1222 : vector<16xf32>
      %lt3A_1225 = arith.constant 0 : i32
      %lt3A_1226 = vector.broadcast %lt3A_1225 : i32 to vector<16xi32>
      %lt3A_1227 = arith.cmpi slt, %xor3A_18, %lt3A_1226 : vector<16xi32>
      %add3A_1228 = arith.constant 16 : i32
      %add3A_1229 = vector.broadcast %add3A_1228 : i32 to vector<16xi32>
      %add3A_1230 = arith.addi %xor3A_18, %add3A_1229 : vector<16xi32>
      %select_n3A_1231 = arith.select %lt3A_1227, %add3A_1230, %xor3A_18 : vector<16xi1>, vector<16xi32>
      %broadcast_in_dim3A_1232 = vector.shape_cast %select_n3A_1231 : vector<16xi32> to vector<16x1xi32>
      %gather3A_1233 = vector.shape_cast %broadcast_in_dim3A_1232 : vector<16x1xi32> to vector<16xi32>
      %gather3A_1234 = tpu.dynamic_gather %sub3A_1084[%gather3A_1233] in [0] : vector<16xf32>, vector<16xi32> -> vector<16xf32>
      %mul3A_1235 = arith.mulf %select_n3A, %sub3A_1084 : vector<16xf32>
      %add3A_1236 = arith.addf %mul3A_1235, %gather3A_1234 : vector<16xf32>
      %lt3A_1237 = arith.constant 0 : i32
      %lt3A_1238 = vector.broadcast %lt3A_1237 : i32 to vector<16xi32>
      %lt3A_1239 = arith.cmpi slt, %xor3A_18, %lt3A_1238 : vector<16xi32>
      %add3A_1240 = arith.constant 16 : i32
      %add3A_1241 = vector.broadcast %add3A_1240 : i32 to vector<16xi32>
      %add3A_1242 = arith.addi %xor3A_18, %add3A_1241 : vector<16xi32>
      %select_n3A_1243 = arith.select %lt3A_1239, %add3A_1242, %xor3A_18 : vector<16xi1>, vector<16xi32>
      %broadcast_in_dim3A_1244 = vector.shape_cast %select_n3A_1243 : vector<16xi32> to vector<16x1xi32>
      %gather3A_1245 = vector.shape_cast %broadcast_in_dim3A_1244 : vector<16x1xi32> to vector<16xi32>
      %gather3A_1246 = tpu.dynamic_gather %sub3A_1086[%gather3A_1245] in [0] : vector<16xf32>, vector<16xi32> -> vector<16xf32>
      %mul3A_1247 = arith.mulf %select_n3A, %sub3A_1086 : vector<16xf32>
      %add3A_1248 = arith.addf %mul3A_1247, %gather3A_1246 : vector<16xf32>
      %lt3A_1249 = arith.constant 0 : i32
      %lt3A_1250 = vector.broadcast %lt3A_1249 : i32 to vector<16xi32>
      %lt3A_1251 = arith.cmpi slt, %xor3A_18, %lt3A_1250 : vector<16xi32>
      %add3A_1252 = arith.constant 16 : i32
      %add3A_1253 = vector.broadcast %add3A_1252 : i32 to vector<16xi32>
      %add3A_1254 = arith.addi %xor3A_18, %add3A_1253 : vector<16xi32>
      %select_n3A_1255 = arith.select %lt3A_1251, %add3A_1254, %xor3A_18 : vector<16xi1>, vector<16xi32>
      %broadcast_in_dim3A_1256 = vector.shape_cast %select_n3A_1255 : vector<16xi32> to vector<16x1xi32>
      %gather3A_1257 = vector.shape_cast %broadcast_in_dim3A_1256 : vector<16x1xi32> to vector<16xi32>
      %gather3A_1258 = tpu.dynamic_gather %sub3A_1088[%gather3A_1257] in [0] : vector<16xf32>, vector<16xi32> -> vector<16xf32>
      %mul3A_1259 = arith.mulf %select_n3A, %sub3A_1088 : vector<16xf32>
      %add3A_1260 = arith.addf %mul3A_1259, %gather3A_1258 : vector<16xf32>
      %lt3A_1261 = arith.constant 0 : i32
      %lt3A_1262 = vector.broadcast %lt3A_1261 : i32 to vector<16xi32>
      %lt3A_1263 = arith.cmpi slt, %xor3A_18, %lt3A_1262 : vector<16xi32>
      %add3A_1264 = arith.constant 16 : i32
      %add3A_1265 = vector.broadcast %add3A_1264 : i32 to vector<16xi32>
      %add3A_1266 = arith.addi %xor3A_18, %add3A_1265 : vector<16xi32>
      %select_n3A_1267 = arith.select %lt3A_1263, %add3A_1266, %xor3A_18 : vector<16xi1>, vector<16xi32>
      %broadcast_in_dim3A_1268 = vector.shape_cast %select_n3A_1267 : vector<16xi32> to vector<16x1xi32>
      %gather3A_1269 = vector.shape_cast %broadcast_in_dim3A_1268 : vector<16x1xi32> to vector<16xi32>
      %gather3A_1270 = tpu.dynamic_gather %sub3A_1090[%gather3A_1269] in [0] : vector<16xf32>, vector<16xi32> -> vector<16xf32>
      %mul3A_1271 = arith.mulf %select_n3A, %sub3A_1090 : vector<16xf32>
      %add3A_1272 = arith.addf %mul3A_1271, %gather3A_1270 : vector<16xf32>
      %lt3A_1273 = arith.constant 0 : i32
      %lt3A_1274 = vector.broadcast %lt3A_1273 : i32 to vector<16xi32>
      %lt3A_1275 = arith.cmpi slt, %xor3A_18, %lt3A_1274 : vector<16xi32>
      %add3A_1276 = arith.constant 16 : i32
      %add3A_1277 = vector.broadcast %add3A_1276 : i32 to vector<16xi32>
      %add3A_1278 = arith.addi %xor3A_18, %add3A_1277 : vector<16xi32>
      %select_n3A_1279 = arith.select %lt3A_1275, %add3A_1278, %xor3A_18 : vector<16xi1>, vector<16xi32>
      %broadcast_in_dim3A_1280 = vector.shape_cast %select_n3A_1279 : vector<16xi32> to vector<16x1xi32>
      %gather3A_1281 = vector.shape_cast %broadcast_in_dim3A_1280 : vector<16x1xi32> to vector<16xi32>
      %gather3A_1282 = tpu.dynamic_gather %sub3A_1092[%gather3A_1281] in [0] : vector<16xf32>, vector<16xi32> -> vector<16xf32>
      %mul3A_1283 = arith.mulf %select_n3A, %sub3A_1092 : vector<16xf32>
      %add3A_1284 = arith.addf %mul3A_1283, %gather3A_1282 : vector<16xf32>
      %lt3A_1285 = arith.constant 0 : i32
      %lt3A_1286 = vector.broadcast %lt3A_1285 : i32 to vector<16xi32>
      %lt3A_1287 = arith.cmpi slt, %xor3A_21, %lt3A_1286 : vector<16xi32>
      %add3A_1288 = arith.constant 16 : i32
      %add3A_1289 = vector.broadcast %add3A_1288 : i32 to vector<16xi32>
      %add3A_1290 = arith.addi %xor3A_21, %add3A_1289 : vector<16xi32>
      %select_n3A_1291 = arith.select %lt3A_1287, %add3A_1290, %xor3A_21 : vector<16xi1>, vector<16xi32>
      %broadcast_in_dim3A_1292 = vector.shape_cast %select_n3A_1291 : vector<16xi32> to vector<16x1xi32>
      %gather3A_1293 = vector.shape_cast %broadcast_in_dim3A_1292 : vector<16x1xi32> to vector<16xi32>
      %gather3A_1294 = tpu.dynamic_gather %add3A_1104[%gather3A_1293] in [0] : vector<16xf32>, vector<16xi32> -> vector<16xf32>
      %mul3A_1295 = arith.mulf %select_n3A_44, %add3A_1104 : vector<16xf32>
      %add3A_1296 = arith.addf %mul3A_1295, %gather3A_1294 : vector<16xf32>
      %lt3A_1297 = arith.constant 0 : i32
      %lt3A_1298 = vector.broadcast %lt3A_1297 : i32 to vector<16xi32>
      %lt3A_1299 = arith.cmpi slt, %xor3A_21, %lt3A_1298 : vector<16xi32>
      %add3A_1300 = arith.constant 16 : i32
      %add3A_1301 = vector.broadcast %add3A_1300 : i32 to vector<16xi32>
      %add3A_1302 = arith.addi %xor3A_21, %add3A_1301 : vector<16xi32>
      %select_n3A_1303 = arith.select %lt3A_1299, %add3A_1302, %xor3A_21 : vector<16xi1>, vector<16xi32>
      %broadcast_in_dim3A_1304 = vector.shape_cast %select_n3A_1303 : vector<16xi32> to vector<16x1xi32>
      %gather3A_1305 = vector.shape_cast %broadcast_in_dim3A_1304 : vector<16x1xi32> to vector<16xi32>
      %gather3A_1306 = tpu.dynamic_gather %add3A_1116[%gather3A_1305] in [0] : vector<16xf32>, vector<16xi32> -> vector<16xf32>
      %mul3A_1307 = arith.mulf %select_n3A_44, %add3A_1116 : vector<16xf32>
      %add3A_1308 = arith.addf %mul3A_1307, %gather3A_1306 : vector<16xf32>
      %lt3A_1309 = arith.constant 0 : i32
      %lt3A_1310 = vector.broadcast %lt3A_1309 : i32 to vector<16xi32>
      %lt3A_1311 = arith.cmpi slt, %xor3A_21, %lt3A_1310 : vector<16xi32>
      %add3A_1312 = arith.constant 16 : i32
      %add3A_1313 = vector.broadcast %add3A_1312 : i32 to vector<16xi32>
      %add3A_1314 = arith.addi %xor3A_21, %add3A_1313 : vector<16xi32>
      %select_n3A_1315 = arith.select %lt3A_1311, %add3A_1314, %xor3A_21 : vector<16xi1>, vector<16xi32>
      %broadcast_in_dim3A_1316 = vector.shape_cast %select_n3A_1315 : vector<16xi32> to vector<16x1xi32>
      %gather3A_1317 = vector.shape_cast %broadcast_in_dim3A_1316 : vector<16x1xi32> to vector<16xi32>
      %gather3A_1318 = tpu.dynamic_gather %add3A_1128[%gather3A_1317] in [0] : vector<16xf32>, vector<16xi32> -> vector<16xf32>
      %mul3A_1319 = arith.mulf %select_n3A_44, %add3A_1128 : vector<16xf32>
      %add3A_1320 = arith.addf %mul3A_1319, %gather3A_1318 : vector<16xf32>
      %lt3A_1321 = arith.constant 0 : i32
      %lt3A_1322 = vector.broadcast %lt3A_1321 : i32 to vector<16xi32>
      %lt3A_1323 = arith.cmpi slt, %xor3A_21, %lt3A_1322 : vector<16xi32>
      %add3A_1324 = arith.constant 16 : i32
      %add3A_1325 = vector.broadcast %add3A_1324 : i32 to vector<16xi32>
      %add3A_1326 = arith.addi %xor3A_21, %add3A_1325 : vector<16xi32>
      %select_n3A_1327 = arith.select %lt3A_1323, %add3A_1326, %xor3A_21 : vector<16xi1>, vector<16xi32>
      %broadcast_in_dim3A_1328 = vector.shape_cast %select_n3A_1327 : vector<16xi32> to vector<16x1xi32>
      %gather3A_1329 = vector.shape_cast %broadcast_in_dim3A_1328 : vector<16x1xi32> to vector<16xi32>
      %gather3A_1330 = tpu.dynamic_gather %add3A_1140[%gather3A_1329] in [0] : vector<16xf32>, vector<16xi32> -> vector<16xf32>
      %mul3A_1331 = arith.mulf %select_n3A_44, %add3A_1140 : vector<16xf32>
      %add3A_1332 = arith.addf %mul3A_1331, %gather3A_1330 : vector<16xf32>
      %lt3A_1333 = arith.constant 0 : i32
      %lt3A_1334 = vector.broadcast %lt3A_1333 : i32 to vector<16xi32>
      %lt3A_1335 = arith.cmpi slt, %xor3A_21, %lt3A_1334 : vector<16xi32>
      %add3A_1336 = arith.constant 16 : i32
      %add3A_1337 = vector.broadcast %add3A_1336 : i32 to vector<16xi32>
      %add3A_1338 = arith.addi %xor3A_21, %add3A_1337 : vector<16xi32>
      %select_n3A_1339 = arith.select %lt3A_1335, %add3A_1338, %xor3A_21 : vector<16xi1>, vector<16xi32>
      %broadcast_in_dim3A_1340 = vector.shape_cast %select_n3A_1339 : vector<16xi32> to vector<16x1xi32>
      %gather3A_1341 = vector.shape_cast %broadcast_in_dim3A_1340 : vector<16x1xi32> to vector<16xi32>
      %gather3A_1342 = tpu.dynamic_gather %add3A_1152[%gather3A_1341] in [0] : vector<16xf32>, vector<16xi32> -> vector<16xf32>
      %mul3A_1343 = arith.mulf %select_n3A_44, %add3A_1152 : vector<16xf32>
      %add3A_1344 = arith.addf %mul3A_1343, %gather3A_1342 : vector<16xf32>
      %lt3A_1345 = arith.constant 0 : i32
      %lt3A_1346 = vector.broadcast %lt3A_1345 : i32 to vector<16xi32>
      %lt3A_1347 = arith.cmpi slt, %xor3A_21, %lt3A_1346 : vector<16xi32>
      %add3A_1348 = arith.constant 16 : i32
      %add3A_1349 = vector.broadcast %add3A_1348 : i32 to vector<16xi32>
      %add3A_1350 = arith.addi %xor3A_21, %add3A_1349 : vector<16xi32>
      %select_n3A_1351 = arith.select %lt3A_1347, %add3A_1350, %xor3A_21 : vector<16xi1>, vector<16xi32>
      %broadcast_in_dim3A_1352 = vector.shape_cast %select_n3A_1351 : vector<16xi32> to vector<16x1xi32>
      %gather3A_1353 = vector.shape_cast %broadcast_in_dim3A_1352 : vector<16x1xi32> to vector<16xi32>
      %gather3A_1354 = tpu.dynamic_gather %add3A_1164[%gather3A_1353] in [0] : vector<16xf32>, vector<16xi32> -> vector<16xf32>
      %mul3A_1355 = arith.mulf %select_n3A_44, %add3A_1164 : vector<16xf32>
      %add3A_1356 = arith.addf %mul3A_1355, %gather3A_1354 : vector<16xf32>
      %lt3A_1357 = arith.constant 0 : i32
      %lt3A_1358 = vector.broadcast %lt3A_1357 : i32 to vector<16xi32>
      %lt3A_1359 = arith.cmpi slt, %xor3A_21, %lt3A_1358 : vector<16xi32>
      %add3A_1360 = arith.constant 16 : i32
      %add3A_1361 = vector.broadcast %add3A_1360 : i32 to vector<16xi32>
      %add3A_1362 = arith.addi %xor3A_21, %add3A_1361 : vector<16xi32>
      %select_n3A_1363 = arith.select %lt3A_1359, %add3A_1362, %xor3A_21 : vector<16xi1>, vector<16xi32>
      %broadcast_in_dim3A_1364 = vector.shape_cast %select_n3A_1363 : vector<16xi32> to vector<16x1xi32>
      %gather3A_1365 = vector.shape_cast %broadcast_in_dim3A_1364 : vector<16x1xi32> to vector<16xi32>
      %gather3A_1366 = tpu.dynamic_gather %add3A_1176[%gather3A_1365] in [0] : vector<16xf32>, vector<16xi32> -> vector<16xf32>
      %mul3A_1367 = arith.mulf %select_n3A_44, %add3A_1176 : vector<16xf32>
      %add3A_1368 = arith.addf %mul3A_1367, %gather3A_1366 : vector<16xf32>
      %lt3A_1369 = arith.constant 0 : i32
      %lt3A_1370 = vector.broadcast %lt3A_1369 : i32 to vector<16xi32>
      %lt3A_1371 = arith.cmpi slt, %xor3A_21, %lt3A_1370 : vector<16xi32>
      %add3A_1372 = arith.constant 16 : i32
      %add3A_1373 = vector.broadcast %add3A_1372 : i32 to vector<16xi32>
      %add3A_1374 = arith.addi %xor3A_21, %add3A_1373 : vector<16xi32>
      %select_n3A_1375 = arith.select %lt3A_1371, %add3A_1374, %xor3A_21 : vector<16xi1>, vector<16xi32>
      %broadcast_in_dim3A_1376 = vector.shape_cast %select_n3A_1375 : vector<16xi32> to vector<16x1xi32>
      %gather3A_1377 = vector.shape_cast %broadcast_in_dim3A_1376 : vector<16x1xi32> to vector<16xi32>
      %gather3A_1378 = tpu.dynamic_gather %add3A_1188[%gather3A_1377] in [0] : vector<16xf32>, vector<16xi32> -> vector<16xf32>
      %mul3A_1379 = arith.mulf %select_n3A_44, %add3A_1188 : vector<16xf32>
      %add3A_1380 = arith.addf %mul3A_1379, %gather3A_1378 : vector<16xf32>
      %lt3A_1381 = arith.constant 0 : i32
      %lt3A_1382 = vector.broadcast %lt3A_1381 : i32 to vector<16xi32>
      %lt3A_1383 = arith.cmpi slt, %xor3A_21, %lt3A_1382 : vector<16xi32>
      %add3A_1384 = arith.constant 16 : i32
      %add3A_1385 = vector.broadcast %add3A_1384 : i32 to vector<16xi32>
      %add3A_1386 = arith.addi %xor3A_21, %add3A_1385 : vector<16xi32>
      %select_n3A_1387 = arith.select %lt3A_1383, %add3A_1386, %xor3A_21 : vector<16xi1>, vector<16xi32>
      %broadcast_in_dim3A_1388 = vector.shape_cast %select_n3A_1387 : vector<16xi32> to vector<16x1xi32>
      %gather3A_1389 = vector.shape_cast %broadcast_in_dim3A_1388 : vector<16x1xi32> to vector<16xi32>
      %gather3A_1390 = tpu.dynamic_gather %add3A_1200[%gather3A_1389] in [0] : vector<16xf32>, vector<16xi32> -> vector<16xf32>
      %mul3A_1391 = arith.mulf %select_n3A_44, %add3A_1200 : vector<16xf32>
      %add3A_1392 = arith.addf %mul3A_1391, %gather3A_1390 : vector<16xf32>
      %lt3A_1393 = arith.constant 0 : i32
      %lt3A_1394 = vector.broadcast %lt3A_1393 : i32 to vector<16xi32>
      %lt3A_1395 = arith.cmpi slt, %xor3A_21, %lt3A_1394 : vector<16xi32>
      %add3A_1396 = arith.constant 16 : i32
      %add3A_1397 = vector.broadcast %add3A_1396 : i32 to vector<16xi32>
      %add3A_1398 = arith.addi %xor3A_21, %add3A_1397 : vector<16xi32>
      %select_n3A_1399 = arith.select %lt3A_1395, %add3A_1398, %xor3A_21 : vector<16xi1>, vector<16xi32>
      %broadcast_in_dim3A_1400 = vector.shape_cast %select_n3A_1399 : vector<16xi32> to vector<16x1xi32>
      %gather3A_1401 = vector.shape_cast %broadcast_in_dim3A_1400 : vector<16x1xi32> to vector<16xi32>
      %gather3A_1402 = tpu.dynamic_gather %add3A_1212[%gather3A_1401] in [0] : vector<16xf32>, vector<16xi32> -> vector<16xf32>
      %mul3A_1403 = arith.mulf %select_n3A_44, %add3A_1212 : vector<16xf32>
      %add3A_1404 = arith.addf %mul3A_1403, %gather3A_1402 : vector<16xf32>
      %lt3A_1405 = arith.constant 0 : i32
      %lt3A_1406 = vector.broadcast %lt3A_1405 : i32 to vector<16xi32>
      %lt3A_1407 = arith.cmpi slt, %xor3A_21, %lt3A_1406 : vector<16xi32>
      %add3A_1408 = arith.constant 16 : i32
      %add3A_1409 = vector.broadcast %add3A_1408 : i32 to vector<16xi32>
      %add3A_1410 = arith.addi %xor3A_21, %add3A_1409 : vector<16xi32>
      %select_n3A_1411 = arith.select %lt3A_1407, %add3A_1410, %xor3A_21 : vector<16xi1>, vector<16xi32>
      %broadcast_in_dim3A_1412 = vector.shape_cast %select_n3A_1411 : vector<16xi32> to vector<16x1xi32>
      %gather3A_1413 = vector.shape_cast %broadcast_in_dim3A_1412 : vector<16x1xi32> to vector<16xi32>
      %gather3A_1414 = tpu.dynamic_gather %add3A_1224[%gather3A_1413] in [0] : vector<16xf32>, vector<16xi32> -> vector<16xf32>
      %mul3A_1415 = arith.mulf %select_n3A_44, %add3A_1224 : vector<16xf32>
      %add3A_1416 = arith.addf %mul3A_1415, %gather3A_1414 : vector<16xf32>
      %lt3A_1417 = arith.constant 0 : i32
      %lt3A_1418 = vector.broadcast %lt3A_1417 : i32 to vector<16xi32>
      %lt3A_1419 = arith.cmpi slt, %xor3A_21, %lt3A_1418 : vector<16xi32>
      %add3A_1420 = arith.constant 16 : i32
      %add3A_1421 = vector.broadcast %add3A_1420 : i32 to vector<16xi32>
      %add3A_1422 = arith.addi %xor3A_21, %add3A_1421 : vector<16xi32>
      %select_n3A_1423 = arith.select %lt3A_1419, %add3A_1422, %xor3A_21 : vector<16xi1>, vector<16xi32>
      %broadcast_in_dim3A_1424 = vector.shape_cast %select_n3A_1423 : vector<16xi32> to vector<16x1xi32>
      %gather3A_1425 = vector.shape_cast %broadcast_in_dim3A_1424 : vector<16x1xi32> to vector<16xi32>
      %gather3A_1426 = tpu.dynamic_gather %add3A_1236[%gather3A_1425] in [0] : vector<16xf32>, vector<16xi32> -> vector<16xf32>
      %mul3A_1427 = arith.mulf %select_n3A_44, %add3A_1236 : vector<16xf32>
      %add3A_1428 = arith.addf %mul3A_1427, %gather3A_1426 : vector<16xf32>
      %lt3A_1429 = arith.constant 0 : i32
      %lt3A_1430 = vector.broadcast %lt3A_1429 : i32 to vector<16xi32>
      %lt3A_1431 = arith.cmpi slt, %xor3A_21, %lt3A_1430 : vector<16xi32>
      %add3A_1432 = arith.constant 16 : i32
      %add3A_1433 = vector.broadcast %add3A_1432 : i32 to vector<16xi32>
      %add3A_1434 = arith.addi %xor3A_21, %add3A_1433 : vector<16xi32>
      %select_n3A_1435 = arith.select %lt3A_1431, %add3A_1434, %xor3A_21 : vector<16xi1>, vector<16xi32>
      %broadcast_in_dim3A_1436 = vector.shape_cast %select_n3A_1435 : vector<16xi32> to vector<16x1xi32>
      %gather3A_1437 = vector.shape_cast %broadcast_in_dim3A_1436 : vector<16x1xi32> to vector<16xi32>
      %gather3A_1438 = tpu.dynamic_gather %add3A_1248[%gather3A_1437] in [0] : vector<16xf32>, vector<16xi32> -> vector<16xf32>
      %mul3A_1439 = arith.mulf %select_n3A_44, %add3A_1248 : vector<16xf32>
      %add3A_1440 = arith.addf %mul3A_1439, %gather3A_1438 : vector<16xf32>
      %lt3A_1441 = arith.constant 0 : i32
      %lt3A_1442 = vector.broadcast %lt3A_1441 : i32 to vector<16xi32>
      %lt3A_1443 = arith.cmpi slt, %xor3A_21, %lt3A_1442 : vector<16xi32>
      %add3A_1444 = arith.constant 16 : i32
      %add3A_1445 = vector.broadcast %add3A_1444 : i32 to vector<16xi32>
      %add3A_1446 = arith.addi %xor3A_21, %add3A_1445 : vector<16xi32>
      %select_n3A_1447 = arith.select %lt3A_1443, %add3A_1446, %xor3A_21 : vector<16xi1>, vector<16xi32>
      %broadcast_in_dim3A_1448 = vector.shape_cast %select_n3A_1447 : vector<16xi32> to vector<16x1xi32>
      %gather3A_1449 = vector.shape_cast %broadcast_in_dim3A_1448 : vector<16x1xi32> to vector<16xi32>
      %gather3A_1450 = tpu.dynamic_gather %add3A_1260[%gather3A_1449] in [0] : vector<16xf32>, vector<16xi32> -> vector<16xf32>
      %mul3A_1451 = arith.mulf %select_n3A_44, %add3A_1260 : vector<16xf32>
      %add3A_1452 = arith.addf %mul3A_1451, %gather3A_1450 : vector<16xf32>
      %lt3A_1453 = arith.constant 0 : i32
      %lt3A_1454 = vector.broadcast %lt3A_1453 : i32 to vector<16xi32>
      %lt3A_1455 = arith.cmpi slt, %xor3A_21, %lt3A_1454 : vector<16xi32>
      %add3A_1456 = arith.constant 16 : i32
      %add3A_1457 = vector.broadcast %add3A_1456 : i32 to vector<16xi32>
      %add3A_1458 = arith.addi %xor3A_21, %add3A_1457 : vector<16xi32>
      %select_n3A_1459 = arith.select %lt3A_1455, %add3A_1458, %xor3A_21 : vector<16xi1>, vector<16xi32>
      %broadcast_in_dim3A_1460 = vector.shape_cast %select_n3A_1459 : vector<16xi32> to vector<16x1xi32>
      %gather3A_1461 = vector.shape_cast %broadcast_in_dim3A_1460 : vector<16x1xi32> to vector<16xi32>
      %gather3A_1462 = tpu.dynamic_gather %add3A_1272[%gather3A_1461] in [0] : vector<16xf32>, vector<16xi32> -> vector<16xf32>
      %mul3A_1463 = arith.mulf %select_n3A_44, %add3A_1272 : vector<16xf32>
      %add3A_1464 = arith.addf %mul3A_1463, %gather3A_1462 : vector<16xf32>
      %lt3A_1465 = arith.constant 0 : i32
      %lt3A_1466 = vector.broadcast %lt3A_1465 : i32 to vector<16xi32>
      %lt3A_1467 = arith.cmpi slt, %xor3A_21, %lt3A_1466 : vector<16xi32>
      %add3A_1468 = arith.constant 16 : i32
      %add3A_1469 = vector.broadcast %add3A_1468 : i32 to vector<16xi32>
      %add3A_1470 = arith.addi %xor3A_21, %add3A_1469 : vector<16xi32>
      %select_n3A_1471 = arith.select %lt3A_1467, %add3A_1470, %xor3A_21 : vector<16xi1>, vector<16xi32>
      %broadcast_in_dim3A_1472 = vector.shape_cast %select_n3A_1471 : vector<16xi32> to vector<16x1xi32>
      %gather3A_1473 = vector.shape_cast %broadcast_in_dim3A_1472 : vector<16x1xi32> to vector<16xi32>
      %gather3A_1474 = tpu.dynamic_gather %add3A_1284[%gather3A_1473] in [0] : vector<16xf32>, vector<16xi32> -> vector<16xf32>
      %mul3A_1475 = arith.mulf %select_n3A_44, %add3A_1284 : vector<16xf32>
      %add3A_1476 = arith.addf %mul3A_1475, %gather3A_1474 : vector<16xf32>
      %lt3A_1477 = arith.constant 0 : i32
      %lt3A_1478 = vector.broadcast %lt3A_1477 : i32 to vector<16xi32>
      %lt3A_1479 = arith.cmpi slt, %xor3A_24, %lt3A_1478 : vector<16xi32>
      %add3A_1480 = arith.constant 16 : i32
      %add3A_1481 = vector.broadcast %add3A_1480 : i32 to vector<16xi32>
      %add3A_1482 = arith.addi %xor3A_24, %add3A_1481 : vector<16xi32>
      %select_n3A_1483 = arith.select %lt3A_1479, %add3A_1482, %xor3A_24 : vector<16xi1>, vector<16xi32>
      %broadcast_in_dim3A_1484 = vector.shape_cast %select_n3A_1483 : vector<16xi32> to vector<16x1xi32>
      %gather3A_1485 = vector.shape_cast %broadcast_in_dim3A_1484 : vector<16x1xi32> to vector<16xi32>
      %gather3A_1486 = tpu.dynamic_gather %add3A_1296[%gather3A_1485] in [0] : vector<16xf32>, vector<16xi32> -> vector<16xf32>
      %mul3A_1487 = arith.mulf %select_n3A_55, %add3A_1296 : vector<16xf32>
      %add3A_1488 = arith.addf %mul3A_1487, %gather3A_1486 : vector<16xf32>
      %lt3A_1489 = arith.constant 0 : i32
      %lt3A_1490 = vector.broadcast %lt3A_1489 : i32 to vector<16xi32>
      %lt3A_1491 = arith.cmpi slt, %xor3A_24, %lt3A_1490 : vector<16xi32>
      %add3A_1492 = arith.constant 16 : i32
      %add3A_1493 = vector.broadcast %add3A_1492 : i32 to vector<16xi32>
      %add3A_1494 = arith.addi %xor3A_24, %add3A_1493 : vector<16xi32>
      %select_n3A_1495 = arith.select %lt3A_1491, %add3A_1494, %xor3A_24 : vector<16xi1>, vector<16xi32>
      %broadcast_in_dim3A_1496 = vector.shape_cast %select_n3A_1495 : vector<16xi32> to vector<16x1xi32>
      %gather3A_1497 = vector.shape_cast %broadcast_in_dim3A_1496 : vector<16x1xi32> to vector<16xi32>
      %gather3A_1498 = tpu.dynamic_gather %add3A_1308[%gather3A_1497] in [0] : vector<16xf32>, vector<16xi32> -> vector<16xf32>
      %mul3A_1499 = arith.mulf %select_n3A_55, %add3A_1308 : vector<16xf32>
      %add3A_1500 = arith.addf %mul3A_1499, %gather3A_1498 : vector<16xf32>
      %lt3A_1501 = arith.constant 0 : i32
      %lt3A_1502 = vector.broadcast %lt3A_1501 : i32 to vector<16xi32>
      %lt3A_1503 = arith.cmpi slt, %xor3A_24, %lt3A_1502 : vector<16xi32>
      %add3A_1504 = arith.constant 16 : i32
      %add3A_1505 = vector.broadcast %add3A_1504 : i32 to vector<16xi32>
      %add3A_1506 = arith.addi %xor3A_24, %add3A_1505 : vector<16xi32>
      %select_n3A_1507 = arith.select %lt3A_1503, %add3A_1506, %xor3A_24 : vector<16xi1>, vector<16xi32>
      %broadcast_in_dim3A_1508 = vector.shape_cast %select_n3A_1507 : vector<16xi32> to vector<16x1xi32>
      %gather3A_1509 = vector.shape_cast %broadcast_in_dim3A_1508 : vector<16x1xi32> to vector<16xi32>
      %gather3A_1510 = tpu.dynamic_gather %add3A_1320[%gather3A_1509] in [0] : vector<16xf32>, vector<16xi32> -> vector<16xf32>
      %mul3A_1511 = arith.mulf %select_n3A_55, %add3A_1320 : vector<16xf32>
      %add3A_1512 = arith.addf %mul3A_1511, %gather3A_1510 : vector<16xf32>
      %lt3A_1513 = arith.constant 0 : i32
      %lt3A_1514 = vector.broadcast %lt3A_1513 : i32 to vector<16xi32>
      %lt3A_1515 = arith.cmpi slt, %xor3A_24, %lt3A_1514 : vector<16xi32>
      %add3A_1516 = arith.constant 16 : i32
      %add3A_1517 = vector.broadcast %add3A_1516 : i32 to vector<16xi32>
      %add3A_1518 = arith.addi %xor3A_24, %add3A_1517 : vector<16xi32>
      %select_n3A_1519 = arith.select %lt3A_1515, %add3A_1518, %xor3A_24 : vector<16xi1>, vector<16xi32>
      %broadcast_in_dim3A_1520 = vector.shape_cast %select_n3A_1519 : vector<16xi32> to vector<16x1xi32>
      %gather3A_1521 = vector.shape_cast %broadcast_in_dim3A_1520 : vector<16x1xi32> to vector<16xi32>
      %gather3A_1522 = tpu.dynamic_gather %add3A_1332[%gather3A_1521] in [0] : vector<16xf32>, vector<16xi32> -> vector<16xf32>
      %mul3A_1523 = arith.mulf %select_n3A_55, %add3A_1332 : vector<16xf32>
      %add3A_1524 = arith.addf %mul3A_1523, %gather3A_1522 : vector<16xf32>
      %lt3A_1525 = arith.constant 0 : i32
      %lt3A_1526 = vector.broadcast %lt3A_1525 : i32 to vector<16xi32>
      %lt3A_1527 = arith.cmpi slt, %xor3A_24, %lt3A_1526 : vector<16xi32>
      %add3A_1528 = arith.constant 16 : i32
      %add3A_1529 = vector.broadcast %add3A_1528 : i32 to vector<16xi32>
      %add3A_1530 = arith.addi %xor3A_24, %add3A_1529 : vector<16xi32>
      %select_n3A_1531 = arith.select %lt3A_1527, %add3A_1530, %xor3A_24 : vector<16xi1>, vector<16xi32>
      %broadcast_in_dim3A_1532 = vector.shape_cast %select_n3A_1531 : vector<16xi32> to vector<16x1xi32>
      %gather3A_1533 = vector.shape_cast %broadcast_in_dim3A_1532 : vector<16x1xi32> to vector<16xi32>
      %gather3A_1534 = tpu.dynamic_gather %add3A_1344[%gather3A_1533] in [0] : vector<16xf32>, vector<16xi32> -> vector<16xf32>
      %mul3A_1535 = arith.mulf %select_n3A_55, %add3A_1344 : vector<16xf32>
      %add3A_1536 = arith.addf %mul3A_1535, %gather3A_1534 : vector<16xf32>
      %lt3A_1537 = arith.constant 0 : i32
      %lt3A_1538 = vector.broadcast %lt3A_1537 : i32 to vector<16xi32>
      %lt3A_1539 = arith.cmpi slt, %xor3A_24, %lt3A_1538 : vector<16xi32>
      %add3A_1540 = arith.constant 16 : i32
      %add3A_1541 = vector.broadcast %add3A_1540 : i32 to vector<16xi32>
      %add3A_1542 = arith.addi %xor3A_24, %add3A_1541 : vector<16xi32>
      %select_n3A_1543 = arith.select %lt3A_1539, %add3A_1542, %xor3A_24 : vector<16xi1>, vector<16xi32>
      %broadcast_in_dim3A_1544 = vector.shape_cast %select_n3A_1543 : vector<16xi32> to vector<16x1xi32>
      %gather3A_1545 = vector.shape_cast %broadcast_in_dim3A_1544 : vector<16x1xi32> to vector<16xi32>
      %gather3A_1546 = tpu.dynamic_gather %add3A_1356[%gather3A_1545] in [0] : vector<16xf32>, vector<16xi32> -> vector<16xf32>
      %mul3A_1547 = arith.mulf %select_n3A_55, %add3A_1356 : vector<16xf32>
      %add3A_1548 = arith.addf %mul3A_1547, %gather3A_1546 : vector<16xf32>
      %lt3A_1549 = arith.constant 0 : i32
      %lt3A_1550 = vector.broadcast %lt3A_1549 : i32 to vector<16xi32>
      %lt3A_1551 = arith.cmpi slt, %xor3A_24, %lt3A_1550 : vector<16xi32>
      %add3A_1552 = arith.constant 16 : i32
      %add3A_1553 = vector.broadcast %add3A_1552 : i32 to vector<16xi32>
      %add3A_1554 = arith.addi %xor3A_24, %add3A_1553 : vector<16xi32>
      %select_n3A_1555 = arith.select %lt3A_1551, %add3A_1554, %xor3A_24 : vector<16xi1>, vector<16xi32>
      %broadcast_in_dim3A_1556 = vector.shape_cast %select_n3A_1555 : vector<16xi32> to vector<16x1xi32>
      %gather3A_1557 = vector.shape_cast %broadcast_in_dim3A_1556 : vector<16x1xi32> to vector<16xi32>
      %gather3A_1558 = tpu.dynamic_gather %add3A_1368[%gather3A_1557] in [0] : vector<16xf32>, vector<16xi32> -> vector<16xf32>
      %mul3A_1559 = arith.mulf %select_n3A_55, %add3A_1368 : vector<16xf32>
      %add3A_1560 = arith.addf %mul3A_1559, %gather3A_1558 : vector<16xf32>
      %lt3A_1561 = arith.constant 0 : i32
      %lt3A_1562 = vector.broadcast %lt3A_1561 : i32 to vector<16xi32>
      %lt3A_1563 = arith.cmpi slt, %xor3A_24, %lt3A_1562 : vector<16xi32>
      %add3A_1564 = arith.constant 16 : i32
      %add3A_1565 = vector.broadcast %add3A_1564 : i32 to vector<16xi32>
      %add3A_1566 = arith.addi %xor3A_24, %add3A_1565 : vector<16xi32>
      %select_n3A_1567 = arith.select %lt3A_1563, %add3A_1566, %xor3A_24 : vector<16xi1>, vector<16xi32>
      %broadcast_in_dim3A_1568 = vector.shape_cast %select_n3A_1567 : vector<16xi32> to vector<16x1xi32>
      %gather3A_1569 = vector.shape_cast %broadcast_in_dim3A_1568 : vector<16x1xi32> to vector<16xi32>
      %gather3A_1570 = tpu.dynamic_gather %add3A_1380[%gather3A_1569] in [0] : vector<16xf32>, vector<16xi32> -> vector<16xf32>
      %mul3A_1571 = arith.mulf %select_n3A_55, %add3A_1380 : vector<16xf32>
      %add3A_1572 = arith.addf %mul3A_1571, %gather3A_1570 : vector<16xf32>
      %lt3A_1573 = arith.constant 0 : i32
      %lt3A_1574 = vector.broadcast %lt3A_1573 : i32 to vector<16xi32>
      %lt3A_1575 = arith.cmpi slt, %xor3A_24, %lt3A_1574 : vector<16xi32>
      %add3A_1576 = arith.constant 16 : i32
      %add3A_1577 = vector.broadcast %add3A_1576 : i32 to vector<16xi32>
      %add3A_1578 = arith.addi %xor3A_24, %add3A_1577 : vector<16xi32>
      %select_n3A_1579 = arith.select %lt3A_1575, %add3A_1578, %xor3A_24 : vector<16xi1>, vector<16xi32>
      %broadcast_in_dim3A_1580 = vector.shape_cast %select_n3A_1579 : vector<16xi32> to vector<16x1xi32>
      %gather3A_1581 = vector.shape_cast %broadcast_in_dim3A_1580 : vector<16x1xi32> to vector<16xi32>
      %gather3A_1582 = tpu.dynamic_gather %add3A_1392[%gather3A_1581] in [0] : vector<16xf32>, vector<16xi32> -> vector<16xf32>
      %mul3A_1583 = arith.mulf %select_n3A_55, %add3A_1392 : vector<16xf32>
      %add3A_1584 = arith.addf %mul3A_1583, %gather3A_1582 : vector<16xf32>
      %lt3A_1585 = arith.constant 0 : i32
      %lt3A_1586 = vector.broadcast %lt3A_1585 : i32 to vector<16xi32>
      %lt3A_1587 = arith.cmpi slt, %xor3A_24, %lt3A_1586 : vector<16xi32>
      %add3A_1588 = arith.constant 16 : i32
      %add3A_1589 = vector.broadcast %add3A_1588 : i32 to vector<16xi32>
      %add3A_1590 = arith.addi %xor3A_24, %add3A_1589 : vector<16xi32>
      %select_n3A_1591 = arith.select %lt3A_1587, %add3A_1590, %xor3A_24 : vector<16xi1>, vector<16xi32>
      %broadcast_in_dim3A_1592 = vector.shape_cast %select_n3A_1591 : vector<16xi32> to vector<16x1xi32>
      %gather3A_1593 = vector.shape_cast %broadcast_in_dim3A_1592 : vector<16x1xi32> to vector<16xi32>
      %gather3A_1594 = tpu.dynamic_gather %add3A_1404[%gather3A_1593] in [0] : vector<16xf32>, vector<16xi32> -> vector<16xf32>
      %mul3A_1595 = arith.mulf %select_n3A_55, %add3A_1404 : vector<16xf32>
      %add3A_1596 = arith.addf %mul3A_1595, %gather3A_1594 : vector<16xf32>
      %lt3A_1597 = arith.constant 0 : i32
      %lt3A_1598 = vector.broadcast %lt3A_1597 : i32 to vector<16xi32>
      %lt3A_1599 = arith.cmpi slt, %xor3A_24, %lt3A_1598 : vector<16xi32>
      %add3A_1600 = arith.constant 16 : i32
      %add3A_1601 = vector.broadcast %add3A_1600 : i32 to vector<16xi32>
      %add3A_1602 = arith.addi %xor3A_24, %add3A_1601 : vector<16xi32>
      %select_n3A_1603 = arith.select %lt3A_1599, %add3A_1602, %xor3A_24 : vector<16xi1>, vector<16xi32>
      %broadcast_in_dim3A_1604 = vector.shape_cast %select_n3A_1603 : vector<16xi32> to vector<16x1xi32>
      %gather3A_1605 = vector.shape_cast %broadcast_in_dim3A_1604 : vector<16x1xi32> to vector<16xi32>
      %gather3A_1606 = tpu.dynamic_gather %add3A_1416[%gather3A_1605] in [0] : vector<16xf32>, vector<16xi32> -> vector<16xf32>
      %mul3A_1607 = arith.mulf %select_n3A_55, %add3A_1416 : vector<16xf32>
      %add3A_1608 = arith.addf %mul3A_1607, %gather3A_1606 : vector<16xf32>
      %lt3A_1609 = arith.constant 0 : i32
      %lt3A_1610 = vector.broadcast %lt3A_1609 : i32 to vector<16xi32>
      %lt3A_1611 = arith.cmpi slt, %xor3A_24, %lt3A_1610 : vector<16xi32>
      %add3A_1612 = arith.constant 16 : i32
      %add3A_1613 = vector.broadcast %add3A_1612 : i32 to vector<16xi32>
      %add3A_1614 = arith.addi %xor3A_24, %add3A_1613 : vector<16xi32>
      %select_n3A_1615 = arith.select %lt3A_1611, %add3A_1614, %xor3A_24 : vector<16xi1>, vector<16xi32>
      %broadcast_in_dim3A_1616 = vector.shape_cast %select_n3A_1615 : vector<16xi32> to vector<16x1xi32>
      %gather3A_1617 = vector.shape_cast %broadcast_in_dim3A_1616 : vector<16x1xi32> to vector<16xi32>
      %gather3A_1618 = tpu.dynamic_gather %add3A_1428[%gather3A_1617] in [0] : vector<16xf32>, vector<16xi32> -> vector<16xf32>
      %mul3A_1619 = arith.mulf %select_n3A_55, %add3A_1428 : vector<16xf32>
      %add3A_1620 = arith.addf %mul3A_1619, %gather3A_1618 : vector<16xf32>
      %lt3A_1621 = arith.constant 0 : i32
      %lt3A_1622 = vector.broadcast %lt3A_1621 : i32 to vector<16xi32>
      %lt3A_1623 = arith.cmpi slt, %xor3A_24, %lt3A_1622 : vector<16xi32>
      %add3A_1624 = arith.constant 16 : i32
      %add3A_1625 = vector.broadcast %add3A_1624 : i32 to vector<16xi32>
      %add3A_1626 = arith.addi %xor3A_24, %add3A_1625 : vector<16xi32>
      %select_n3A_1627 = arith.select %lt3A_1623, %add3A_1626, %xor3A_24 : vector<16xi1>, vector<16xi32>
      %broadcast_in_dim3A_1628 = vector.shape_cast %select_n3A_1627 : vector<16xi32> to vector<16x1xi32>
      %gather3A_1629 = vector.shape_cast %broadcast_in_dim3A_1628 : vector<16x1xi32> to vector<16xi32>
      %gather3A_1630 = tpu.dynamic_gather %add3A_1440[%gather3A_1629] in [0] : vector<16xf32>, vector<16xi32> -> vector<16xf32>
      %mul3A_1631 = arith.mulf %select_n3A_55, %add3A_1440 : vector<16xf32>
      %add3A_1632 = arith.addf %mul3A_1631, %gather3A_1630 : vector<16xf32>
      %lt3A_1633 = arith.constant 0 : i32
      %lt3A_1634 = vector.broadcast %lt3A_1633 : i32 to vector<16xi32>
      %lt3A_1635 = arith.cmpi slt, %xor3A_24, %lt3A_1634 : vector<16xi32>
      %add3A_1636 = arith.constant 16 : i32
      %add3A_1637 = vector.broadcast %add3A_1636 : i32 to vector<16xi32>
      %add3A_1638 = arith.addi %xor3A_24, %add3A_1637 : vector<16xi32>
      %select_n3A_1639 = arith.select %lt3A_1635, %add3A_1638, %xor3A_24 : vector<16xi1>, vector<16xi32>
      %broadcast_in_dim3A_1640 = vector.shape_cast %select_n3A_1639 : vector<16xi32> to vector<16x1xi32>
      %gather3A_1641 = vector.shape_cast %broadcast_in_dim3A_1640 : vector<16x1xi32> to vector<16xi32>
      %gather3A_1642 = tpu.dynamic_gather %add3A_1452[%gather3A_1641] in [0] : vector<16xf32>, vector<16xi32> -> vector<16xf32>
      %mul3A_1643 = arith.mulf %select_n3A_55, %add3A_1452 : vector<16xf32>
      %add3A_1644 = arith.addf %mul3A_1643, %gather3A_1642 : vector<16xf32>
      %lt3A_1645 = arith.constant 0 : i32
      %lt3A_1646 = vector.broadcast %lt3A_1645 : i32 to vector<16xi32>
      %lt3A_1647 = arith.cmpi slt, %xor3A_24, %lt3A_1646 : vector<16xi32>
      %add3A_1648 = arith.constant 16 : i32
      %add3A_1649 = vector.broadcast %add3A_1648 : i32 to vector<16xi32>
      %add3A_1650 = arith.addi %xor3A_24, %add3A_1649 : vector<16xi32>
      %select_n3A_1651 = arith.select %lt3A_1647, %add3A_1650, %xor3A_24 : vector<16xi1>, vector<16xi32>
      %broadcast_in_dim3A_1652 = vector.shape_cast %select_n3A_1651 : vector<16xi32> to vector<16x1xi32>
      %gather3A_1653 = vector.shape_cast %broadcast_in_dim3A_1652 : vector<16x1xi32> to vector<16xi32>
      %gather3A_1654 = tpu.dynamic_gather %add3A_1464[%gather3A_1653] in [0] : vector<16xf32>, vector<16xi32> -> vector<16xf32>
      %mul3A_1655 = arith.mulf %select_n3A_55, %add3A_1464 : vector<16xf32>
      %add3A_1656 = arith.addf %mul3A_1655, %gather3A_1654 : vector<16xf32>
      %lt3A_1657 = arith.constant 0 : i32
      %lt3A_1658 = vector.broadcast %lt3A_1657 : i32 to vector<16xi32>
      %lt3A_1659 = arith.cmpi slt, %xor3A_24, %lt3A_1658 : vector<16xi32>
      %add3A_1660 = arith.constant 16 : i32
      %add3A_1661 = vector.broadcast %add3A_1660 : i32 to vector<16xi32>
      %add3A_1662 = arith.addi %xor3A_24, %add3A_1661 : vector<16xi32>
      %select_n3A_1663 = arith.select %lt3A_1659, %add3A_1662, %xor3A_24 : vector<16xi1>, vector<16xi32>
      %broadcast_in_dim3A_1664 = vector.shape_cast %select_n3A_1663 : vector<16xi32> to vector<16x1xi32>
      %gather3A_1665 = vector.shape_cast %broadcast_in_dim3A_1664 : vector<16x1xi32> to vector<16xi32>
      %gather3A_1666 = tpu.dynamic_gather %add3A_1476[%gather3A_1665] in [0] : vector<16xf32>, vector<16xi32> -> vector<16xf32>
      %mul3A_1667 = arith.mulf %select_n3A_55, %add3A_1476 : vector<16xf32>
      %add3A_1668 = arith.addf %mul3A_1667, %gather3A_1666 : vector<16xf32>
      %lt3A_1669 = arith.constant 0 : i32
      %lt3A_1670 = vector.broadcast %lt3A_1669 : i32 to vector<16xi32>
      %lt3A_1671 = arith.cmpi slt, %xor3A_27, %lt3A_1670 : vector<16xi32>
      %add3A_1672 = arith.constant 16 : i32
      %add3A_1673 = vector.broadcast %add3A_1672 : i32 to vector<16xi32>
      %add3A_1674 = arith.addi %xor3A_27, %add3A_1673 : vector<16xi32>
      %select_n3A_1675 = arith.select %lt3A_1671, %add3A_1674, %xor3A_27 : vector<16xi1>, vector<16xi32>
      %broadcast_in_dim3A_1676 = vector.shape_cast %select_n3A_1675 : vector<16xi32> to vector<16x1xi32>
      %gather3A_1677 = vector.shape_cast %broadcast_in_dim3A_1676 : vector<16x1xi32> to vector<16xi32>
      %gather3A_1678 = tpu.dynamic_gather %add3A_1488[%gather3A_1677] in [0] : vector<16xf32>, vector<16xi32> -> vector<16xf32>
      %mul3A_1679 = arith.mulf %select_n3A_66, %add3A_1488 : vector<16xf32>
      %add3A_1680 = arith.addf %mul3A_1679, %gather3A_1678 : vector<16xf32>
      %lt3A_1681 = arith.constant 0 : i32
      %lt3A_1682 = vector.broadcast %lt3A_1681 : i32 to vector<16xi32>
      %lt3A_1683 = arith.cmpi slt, %xor3A_27, %lt3A_1682 : vector<16xi32>
      %add3A_1684 = arith.constant 16 : i32
      %add3A_1685 = vector.broadcast %add3A_1684 : i32 to vector<16xi32>
      %add3A_1686 = arith.addi %xor3A_27, %add3A_1685 : vector<16xi32>
      %select_n3A_1687 = arith.select %lt3A_1683, %add3A_1686, %xor3A_27 : vector<16xi1>, vector<16xi32>
      %broadcast_in_dim3A_1688 = vector.shape_cast %select_n3A_1687 : vector<16xi32> to vector<16x1xi32>
      %gather3A_1689 = vector.shape_cast %broadcast_in_dim3A_1688 : vector<16x1xi32> to vector<16xi32>
      %gather3A_1690 = tpu.dynamic_gather %add3A_1500[%gather3A_1689] in [0] : vector<16xf32>, vector<16xi32> -> vector<16xf32>
      %mul3A_1691 = arith.mulf %select_n3A_66, %add3A_1500 : vector<16xf32>
      %add3A_1692 = arith.addf %mul3A_1691, %gather3A_1690 : vector<16xf32>
      %lt3A_1693 = arith.constant 0 : i32
      %lt3A_1694 = vector.broadcast %lt3A_1693 : i32 to vector<16xi32>
      %lt3A_1695 = arith.cmpi slt, %xor3A_27, %lt3A_1694 : vector<16xi32>
      %add3A_1696 = arith.constant 16 : i32
      %add3A_1697 = vector.broadcast %add3A_1696 : i32 to vector<16xi32>
      %add3A_1698 = arith.addi %xor3A_27, %add3A_1697 : vector<16xi32>
      %select_n3A_1699 = arith.select %lt3A_1695, %add3A_1698, %xor3A_27 : vector<16xi1>, vector<16xi32>
      %broadcast_in_dim3A_1700 = vector.shape_cast %select_n3A_1699 : vector<16xi32> to vector<16x1xi32>
      %gather3A_1701 = vector.shape_cast %broadcast_in_dim3A_1700 : vector<16x1xi32> to vector<16xi32>
      %gather3A_1702 = tpu.dynamic_gather %add3A_1512[%gather3A_1701] in [0] : vector<16xf32>, vector<16xi32> -> vector<16xf32>
      %mul3A_1703 = arith.mulf %select_n3A_66, %add3A_1512 : vector<16xf32>
      %add3A_1704 = arith.addf %mul3A_1703, %gather3A_1702 : vector<16xf32>
      %lt3A_1705 = arith.constant 0 : i32
      %lt3A_1706 = vector.broadcast %lt3A_1705 : i32 to vector<16xi32>
      %lt3A_1707 = arith.cmpi slt, %xor3A_27, %lt3A_1706 : vector<16xi32>
      %add3A_1708 = arith.constant 16 : i32
      %add3A_1709 = vector.broadcast %add3A_1708 : i32 to vector<16xi32>
      %add3A_1710 = arith.addi %xor3A_27, %add3A_1709 : vector<16xi32>
      %select_n3A_1711 = arith.select %lt3A_1707, %add3A_1710, %xor3A_27 : vector<16xi1>, vector<16xi32>
      %broadcast_in_dim3A_1712 = vector.shape_cast %select_n3A_1711 : vector<16xi32> to vector<16x1xi32>
      %gather3A_1713 = vector.shape_cast %broadcast_in_dim3A_1712 : vector<16x1xi32> to vector<16xi32>
      %gather3A_1714 = tpu.dynamic_gather %add3A_1524[%gather3A_1713] in [0] : vector<16xf32>, vector<16xi32> -> vector<16xf32>
      %mul3A_1715 = arith.mulf %select_n3A_66, %add3A_1524 : vector<16xf32>
      %add3A_1716 = arith.addf %mul3A_1715, %gather3A_1714 : vector<16xf32>
      %lt3A_1717 = arith.constant 0 : i32
      %lt3A_1718 = vector.broadcast %lt3A_1717 : i32 to vector<16xi32>
      %lt3A_1719 = arith.cmpi slt, %xor3A_27, %lt3A_1718 : vector<16xi32>
      %add3A_1720 = arith.constant 16 : i32
      %add3A_1721 = vector.broadcast %add3A_1720 : i32 to vector<16xi32>
      %add3A_1722 = arith.addi %xor3A_27, %add3A_1721 : vector<16xi32>
      %select_n3A_1723 = arith.select %lt3A_1719, %add3A_1722, %xor3A_27 : vector<16xi1>, vector<16xi32>
      %broadcast_in_dim3A_1724 = vector.shape_cast %select_n3A_1723 : vector<16xi32> to vector<16x1xi32>
      %gather3A_1725 = vector.shape_cast %broadcast_in_dim3A_1724 : vector<16x1xi32> to vector<16xi32>
      %gather3A_1726 = tpu.dynamic_gather %add3A_1536[%gather3A_1725] in [0] : vector<16xf32>, vector<16xi32> -> vector<16xf32>
      %mul3A_1727 = arith.mulf %select_n3A_66, %add3A_1536 : vector<16xf32>
      %add3A_1728 = arith.addf %mul3A_1727, %gather3A_1726 : vector<16xf32>
      %lt3A_1729 = arith.constant 0 : i32
      %lt3A_1730 = vector.broadcast %lt3A_1729 : i32 to vector<16xi32>
      %lt3A_1731 = arith.cmpi slt, %xor3A_27, %lt3A_1730 : vector<16xi32>
      %add3A_1732 = arith.constant 16 : i32
      %add3A_1733 = vector.broadcast %add3A_1732 : i32 to vector<16xi32>
      %add3A_1734 = arith.addi %xor3A_27, %add3A_1733 : vector<16xi32>
      %select_n3A_1735 = arith.select %lt3A_1731, %add3A_1734, %xor3A_27 : vector<16xi1>, vector<16xi32>
      %broadcast_in_dim3A_1736 = vector.shape_cast %select_n3A_1735 : vector<16xi32> to vector<16x1xi32>
      %gather3A_1737 = vector.shape_cast %broadcast_in_dim3A_1736 : vector<16x1xi32> to vector<16xi32>
      %gather3A_1738 = tpu.dynamic_gather %add3A_1548[%gather3A_1737] in [0] : vector<16xf32>, vector<16xi32> -> vector<16xf32>
      %mul3A_1739 = arith.mulf %select_n3A_66, %add3A_1548 : vector<16xf32>
      %add3A_1740 = arith.addf %mul3A_1739, %gather3A_1738 : vector<16xf32>
      %lt3A_1741 = arith.constant 0 : i32
      %lt3A_1742 = vector.broadcast %lt3A_1741 : i32 to vector<16xi32>
      %lt3A_1743 = arith.cmpi slt, %xor3A_27, %lt3A_1742 : vector<16xi32>
      %add3A_1744 = arith.constant 16 : i32
      %add3A_1745 = vector.broadcast %add3A_1744 : i32 to vector<16xi32>
      %add3A_1746 = arith.addi %xor3A_27, %add3A_1745 : vector<16xi32>
      %select_n3A_1747 = arith.select %lt3A_1743, %add3A_1746, %xor3A_27 : vector<16xi1>, vector<16xi32>
      %broadcast_in_dim3A_1748 = vector.shape_cast %select_n3A_1747 : vector<16xi32> to vector<16x1xi32>
      %gather3A_1749 = vector.shape_cast %broadcast_in_dim3A_1748 : vector<16x1xi32> to vector<16xi32>
      %gather3A_1750 = tpu.dynamic_gather %add3A_1560[%gather3A_1749] in [0] : vector<16xf32>, vector<16xi32> -> vector<16xf32>
      %mul3A_1751 = arith.mulf %select_n3A_66, %add3A_1560 : vector<16xf32>
      %add3A_1752 = arith.addf %mul3A_1751, %gather3A_1750 : vector<16xf32>
      %lt3A_1753 = arith.constant 0 : i32
      %lt3A_1754 = vector.broadcast %lt3A_1753 : i32 to vector<16xi32>
      %lt3A_1755 = arith.cmpi slt, %xor3A_27, %lt3A_1754 : vector<16xi32>
      %add3A_1756 = arith.constant 16 : i32
      %add3A_1757 = vector.broadcast %add3A_1756 : i32 to vector<16xi32>
      %add3A_1758 = arith.addi %xor3A_27, %add3A_1757 : vector<16xi32>
      %select_n3A_1759 = arith.select %lt3A_1755, %add3A_1758, %xor3A_27 : vector<16xi1>, vector<16xi32>
      %broadcast_in_dim3A_1760 = vector.shape_cast %select_n3A_1759 : vector<16xi32> to vector<16x1xi32>
      %gather3A_1761 = vector.shape_cast %broadcast_in_dim3A_1760 : vector<16x1xi32> to vector<16xi32>
      %gather3A_1762 = tpu.dynamic_gather %add3A_1572[%gather3A_1761] in [0] : vector<16xf32>, vector<16xi32> -> vector<16xf32>
      %mul3A_1763 = arith.mulf %select_n3A_66, %add3A_1572 : vector<16xf32>
      %add3A_1764 = arith.addf %mul3A_1763, %gather3A_1762 : vector<16xf32>
      %lt3A_1765 = arith.constant 0 : i32
      %lt3A_1766 = vector.broadcast %lt3A_1765 : i32 to vector<16xi32>
      %lt3A_1767 = arith.cmpi slt, %xor3A_27, %lt3A_1766 : vector<16xi32>
      %add3A_1768 = arith.constant 16 : i32
      %add3A_1769 = vector.broadcast %add3A_1768 : i32 to vector<16xi32>
      %add3A_1770 = arith.addi %xor3A_27, %add3A_1769 : vector<16xi32>
      %select_n3A_1771 = arith.select %lt3A_1767, %add3A_1770, %xor3A_27 : vector<16xi1>, vector<16xi32>
      %broadcast_in_dim3A_1772 = vector.shape_cast %select_n3A_1771 : vector<16xi32> to vector<16x1xi32>
      %gather3A_1773 = vector.shape_cast %broadcast_in_dim3A_1772 : vector<16x1xi32> to vector<16xi32>
      %gather3A_1774 = tpu.dynamic_gather %add3A_1584[%gather3A_1773] in [0] : vector<16xf32>, vector<16xi32> -> vector<16xf32>
      %mul3A_1775 = arith.mulf %select_n3A_66, %add3A_1584 : vector<16xf32>
      %add3A_1776 = arith.addf %mul3A_1775, %gather3A_1774 : vector<16xf32>
      %lt3A_1777 = arith.constant 0 : i32
      %lt3A_1778 = vector.broadcast %lt3A_1777 : i32 to vector<16xi32>
      %lt3A_1779 = arith.cmpi slt, %xor3A_27, %lt3A_1778 : vector<16xi32>
      %add3A_1780 = arith.constant 16 : i32
      %add3A_1781 = vector.broadcast %add3A_1780 : i32 to vector<16xi32>
      %add3A_1782 = arith.addi %xor3A_27, %add3A_1781 : vector<16xi32>
      %select_n3A_1783 = arith.select %lt3A_1779, %add3A_1782, %xor3A_27 : vector<16xi1>, vector<16xi32>
      %broadcast_in_dim3A_1784 = vector.shape_cast %select_n3A_1783 : vector<16xi32> to vector<16x1xi32>
      %gather3A_1785 = vector.shape_cast %broadcast_in_dim3A_1784 : vector<16x1xi32> to vector<16xi32>
      %gather3A_1786 = tpu.dynamic_gather %add3A_1596[%gather3A_1785] in [0] : vector<16xf32>, vector<16xi32> -> vector<16xf32>
      %mul3A_1787 = arith.mulf %select_n3A_66, %add3A_1596 : vector<16xf32>
      %add3A_1788 = arith.addf %mul3A_1787, %gather3A_1786 : vector<16xf32>
      %lt3A_1789 = arith.constant 0 : i32
      %lt3A_1790 = vector.broadcast %lt3A_1789 : i32 to vector<16xi32>
      %lt3A_1791 = arith.cmpi slt, %xor3A_27, %lt3A_1790 : vector<16xi32>
      %add3A_1792 = arith.constant 16 : i32
      %add3A_1793 = vector.broadcast %add3A_1792 : i32 to vector<16xi32>
      %add3A_1794 = arith.addi %xor3A_27, %add3A_1793 : vector<16xi32>
      %select_n3A_1795 = arith.select %lt3A_1791, %add3A_1794, %xor3A_27 : vector<16xi1>, vector<16xi32>
      %broadcast_in_dim3A_1796 = vector.shape_cast %select_n3A_1795 : vector<16xi32> to vector<16x1xi32>
      %gather3A_1797 = vector.shape_cast %broadcast_in_dim3A_1796 : vector<16x1xi32> to vector<16xi32>
      %gather3A_1798 = tpu.dynamic_gather %add3A_1608[%gather3A_1797] in [0] : vector<16xf32>, vector<16xi32> -> vector<16xf32>
      %mul3A_1799 = arith.mulf %select_n3A_66, %add3A_1608 : vector<16xf32>
      %add3A_1800 = arith.addf %mul3A_1799, %gather3A_1798 : vector<16xf32>
      %lt3A_1801 = arith.constant 0 : i32
      %lt3A_1802 = vector.broadcast %lt3A_1801 : i32 to vector<16xi32>
      %lt3A_1803 = arith.cmpi slt, %xor3A_27, %lt3A_1802 : vector<16xi32>
      %add3A_1804 = arith.constant 16 : i32
      %add3A_1805 = vector.broadcast %add3A_1804 : i32 to vector<16xi32>
      %add3A_1806 = arith.addi %xor3A_27, %add3A_1805 : vector<16xi32>
      %select_n3A_1807 = arith.select %lt3A_1803, %add3A_1806, %xor3A_27 : vector<16xi1>, vector<16xi32>
      %broadcast_in_dim3A_1808 = vector.shape_cast %select_n3A_1807 : vector<16xi32> to vector<16x1xi32>
      %gather3A_1809 = vector.shape_cast %broadcast_in_dim3A_1808 : vector<16x1xi32> to vector<16xi32>
      %gather3A_1810 = tpu.dynamic_gather %add3A_1620[%gather3A_1809] in [0] : vector<16xf32>, vector<16xi32> -> vector<16xf32>
      %mul3A_1811 = arith.mulf %select_n3A_66, %add3A_1620 : vector<16xf32>
      %add3A_1812 = arith.addf %mul3A_1811, %gather3A_1810 : vector<16xf32>
      %lt3A_1813 = arith.constant 0 : i32
      %lt3A_1814 = vector.broadcast %lt3A_1813 : i32 to vector<16xi32>
      %lt3A_1815 = arith.cmpi slt, %xor3A_27, %lt3A_1814 : vector<16xi32>
      %add3A_1816 = arith.constant 16 : i32
      %add3A_1817 = vector.broadcast %add3A_1816 : i32 to vector<16xi32>
      %add3A_1818 = arith.addi %xor3A_27, %add3A_1817 : vector<16xi32>
      %select_n3A_1819 = arith.select %lt3A_1815, %add3A_1818, %xor3A_27 : vector<16xi1>, vector<16xi32>
      %broadcast_in_dim3A_1820 = vector.shape_cast %select_n3A_1819 : vector<16xi32> to vector<16x1xi32>
      %gather3A_1821 = vector.shape_cast %broadcast_in_dim3A_1820 : vector<16x1xi32> to vector<16xi32>
      %gather3A_1822 = tpu.dynamic_gather %add3A_1632[%gather3A_1821] in [0] : vector<16xf32>, vector<16xi32> -> vector<16xf32>
      %mul3A_1823 = arith.mulf %select_n3A_66, %add3A_1632 : vector<16xf32>
      %add3A_1824 = arith.addf %mul3A_1823, %gather3A_1822 : vector<16xf32>
      %lt3A_1825 = arith.constant 0 : i32
      %lt3A_1826 = vector.broadcast %lt3A_1825 : i32 to vector<16xi32>
      %lt3A_1827 = arith.cmpi slt, %xor3A_27, %lt3A_1826 : vector<16xi32>
      %add3A_1828 = arith.constant 16 : i32
      %add3A_1829 = vector.broadcast %add3A_1828 : i32 to vector<16xi32>
      %add3A_1830 = arith.addi %xor3A_27, %add3A_1829 : vector<16xi32>
      %select_n3A_1831 = arith.select %lt3A_1827, %add3A_1830, %xor3A_27 : vector<16xi1>, vector<16xi32>
      %broadcast_in_dim3A_1832 = vector.shape_cast %select_n3A_1831 : vector<16xi32> to vector<16x1xi32>
      %gather3A_1833 = vector.shape_cast %broadcast_in_dim3A_1832 : vector<16x1xi32> to vector<16xi32>
      %gather3A_1834 = tpu.dynamic_gather %add3A_1644[%gather3A_1833] in [0] : vector<16xf32>, vector<16xi32> -> vector<16xf32>
      %mul3A_1835 = arith.mulf %select_n3A_66, %add3A_1644 : vector<16xf32>
      %add3A_1836 = arith.addf %mul3A_1835, %gather3A_1834 : vector<16xf32>
      %lt3A_1837 = arith.constant 0 : i32
      %lt3A_1838 = vector.broadcast %lt3A_1837 : i32 to vector<16xi32>
      %lt3A_1839 = arith.cmpi slt, %xor3A_27, %lt3A_1838 : vector<16xi32>
      %add3A_1840 = arith.constant 16 : i32
      %add3A_1841 = vector.broadcast %add3A_1840 : i32 to vector<16xi32>
      %add3A_1842 = arith.addi %xor3A_27, %add3A_1841 : vector<16xi32>
      %select_n3A_1843 = arith.select %lt3A_1839, %add3A_1842, %xor3A_27 : vector<16xi1>, vector<16xi32>
      %broadcast_in_dim3A_1844 = vector.shape_cast %select_n3A_1843 : vector<16xi32> to vector<16x1xi32>
      %gather3A_1845 = vector.shape_cast %broadcast_in_dim3A_1844 : vector<16x1xi32> to vector<16xi32>
      %gather3A_1846 = tpu.dynamic_gather %add3A_1656[%gather3A_1845] in [0] : vector<16xf32>, vector<16xi32> -> vector<16xf32>
      %mul3A_1847 = arith.mulf %select_n3A_66, %add3A_1656 : vector<16xf32>
      %add3A_1848 = arith.addf %mul3A_1847, %gather3A_1846 : vector<16xf32>
      %lt3A_1849 = arith.constant 0 : i32
      %lt3A_1850 = vector.broadcast %lt3A_1849 : i32 to vector<16xi32>
      %lt3A_1851 = arith.cmpi slt, %xor3A_27, %lt3A_1850 : vector<16xi32>
      %add3A_1852 = arith.constant 16 : i32
      %add3A_1853 = vector.broadcast %add3A_1852 : i32 to vector<16xi32>
      %add3A_1854 = arith.addi %xor3A_27, %add3A_1853 : vector<16xi32>
      %select_n3A_1855 = arith.select %lt3A_1851, %add3A_1854, %xor3A_27 : vector<16xi1>, vector<16xi32>
      %broadcast_in_dim3A_1856 = vector.shape_cast %select_n3A_1855 : vector<16xi32> to vector<16x1xi32>
      %gather3A_1857 = vector.shape_cast %broadcast_in_dim3A_1856 : vector<16x1xi32> to vector<16xi32>
      %gather3A_1858 = tpu.dynamic_gather %add3A_1668[%gather3A_1857] in [0] : vector<16xf32>, vector<16xi32> -> vector<16xf32>
      %mul3A_1859 = arith.mulf %select_n3A_66, %add3A_1668 : vector<16xf32>
      %add3A_1860 = arith.addf %mul3A_1859, %gather3A_1858 : vector<16xf32>
      %mul3A_1861 = arith.mulf %add3A_848, %add3A_1680 : vector<16xf32>
      %mul3A_1862 = arith.constant 3.906250e-03 : f32
      %mul3A_1863 = vector.broadcast %mul3A_1862 : f32 to vector<16xf32>
      %mul3A_1864 = arith.mulf %mul3A_1861, %mul3A_1863 : vector<16xf32>
      %mul3A_1865 = arith.mulf %add3A_860, %add3A_1692 : vector<16xf32>
      %mul3A_1866 = arith.constant 3.906250e-03 : f32
      %mul3A_1867 = vector.broadcast %mul3A_1866 : f32 to vector<16xf32>
      %mul3A_1868 = arith.mulf %mul3A_1865, %mul3A_1867 : vector<16xf32>
      %mul3A_1869 = arith.mulf %add3A_872, %add3A_1704 : vector<16xf32>
      %mul3A_1870 = arith.constant 3.906250e-03 : f32
      %mul3A_1871 = vector.broadcast %mul3A_1870 : f32 to vector<16xf32>
      %mul3A_1872 = arith.mulf %mul3A_1869, %mul3A_1871 : vector<16xf32>
      %mul3A_1873 = arith.mulf %add3A_884, %add3A_1716 : vector<16xf32>
      %mul3A_1874 = arith.constant 3.906250e-03 : f32
      %mul3A_1875 = vector.broadcast %mul3A_1874 : f32 to vector<16xf32>
      %mul3A_1876 = arith.mulf %mul3A_1873, %mul3A_1875 : vector<16xf32>
      %mul3A_1877 = arith.mulf %add3A_896, %add3A_1728 : vector<16xf32>
      %mul3A_1878 = arith.constant 3.906250e-03 : f32
      %mul3A_1879 = vector.broadcast %mul3A_1878 : f32 to vector<16xf32>
      %mul3A_1880 = arith.mulf %mul3A_1877, %mul3A_1879 : vector<16xf32>
      %mul3A_1881 = arith.mulf %add3A_908, %add3A_1740 : vector<16xf32>
      %mul3A_1882 = arith.constant 3.906250e-03 : f32
      %mul3A_1883 = vector.broadcast %mul3A_1882 : f32 to vector<16xf32>
      %mul3A_1884 = arith.mulf %mul3A_1881, %mul3A_1883 : vector<16xf32>
      %mul3A_1885 = arith.mulf %add3A_920, %add3A_1752 : vector<16xf32>
      %mul3A_1886 = arith.constant 3.906250e-03 : f32
      %mul3A_1887 = vector.broadcast %mul3A_1886 : f32 to vector<16xf32>
      %mul3A_1888 = arith.mulf %mul3A_1885, %mul3A_1887 : vector<16xf32>
      %mul3A_1889 = arith.mulf %add3A_932, %add3A_1764 : vector<16xf32>
      %mul3A_1890 = arith.constant 3.906250e-03 : f32
      %mul3A_1891 = vector.broadcast %mul3A_1890 : f32 to vector<16xf32>
      %mul3A_1892 = arith.mulf %mul3A_1889, %mul3A_1891 : vector<16xf32>
      %mul3A_1893 = arith.mulf %add3A_944, %add3A_1776 : vector<16xf32>
      %mul3A_1894 = arith.constant 3.906250e-03 : f32
      %mul3A_1895 = vector.broadcast %mul3A_1894 : f32 to vector<16xf32>
      %mul3A_1896 = arith.mulf %mul3A_1893, %mul3A_1895 : vector<16xf32>
      %mul3A_1897 = arith.mulf %add3A_956, %add3A_1788 : vector<16xf32>
      %mul3A_1898 = arith.constant 3.906250e-03 : f32
      %mul3A_1899 = vector.broadcast %mul3A_1898 : f32 to vector<16xf32>
      %mul3A_1900 = arith.mulf %mul3A_1897, %mul3A_1899 : vector<16xf32>
      %mul3A_1901 = arith.mulf %add3A_968, %add3A_1800 : vector<16xf32>
      %mul3A_1902 = arith.constant 3.906250e-03 : f32
      %mul3A_1903 = vector.broadcast %mul3A_1902 : f32 to vector<16xf32>
      %mul3A_1904 = arith.mulf %mul3A_1901, %mul3A_1903 : vector<16xf32>
      %mul3A_1905 = arith.mulf %add3A_980, %add3A_1812 : vector<16xf32>
      %mul3A_1906 = arith.constant 3.906250e-03 : f32
      %mul3A_1907 = vector.broadcast %mul3A_1906 : f32 to vector<16xf32>
      %mul3A_1908 = arith.mulf %mul3A_1905, %mul3A_1907 : vector<16xf32>
      %mul3A_1909 = arith.mulf %add3A_992, %add3A_1824 : vector<16xf32>
      %mul3A_1910 = arith.constant 3.906250e-03 : f32
      %mul3A_1911 = vector.broadcast %mul3A_1910 : f32 to vector<16xf32>
      %mul3A_1912 = arith.mulf %mul3A_1909, %mul3A_1911 : vector<16xf32>
      %mul3A_1913 = arith.mulf %add3A_1004, %add3A_1836 : vector<16xf32>
      %mul3A_1914 = arith.constant 3.906250e-03 : f32
      %mul3A_1915 = vector.broadcast %mul3A_1914 : f32 to vector<16xf32>
      %mul3A_1916 = arith.mulf %mul3A_1913, %mul3A_1915 : vector<16xf32>
      %mul3A_1917 = arith.mulf %add3A_1016, %add3A_1848 : vector<16xf32>
      %mul3A_1918 = arith.constant 3.906250e-03 : f32
      %mul3A_1919 = vector.broadcast %mul3A_1918 : f32 to vector<16xf32>
      %mul3A_1920 = arith.mulf %mul3A_1917, %mul3A_1919 : vector<16xf32>
      %mul3A_1921 = arith.mulf %add3A_1028, %add3A_1860 : vector<16xf32>
      %mul3A_1922 = arith.constant 3.906250e-03 : f32
      %mul3A_1923 = vector.broadcast %mul3A_1922 : f32 to vector<16xf32>
      %mul3A_1924 = arith.mulf %mul3A_1921, %mul3A_1923 : vector<16xf32>
      %add3A_1925 = arith.addf %mul3A_1864, %mul3A_1868 : vector<16xf32>
      %sub3A_1926 = arith.subf %mul3A_1864, %mul3A_1868 : vector<16xf32>
      %add3A_1927 = arith.addf %mul3A_1872, %mul3A_1876 : vector<16xf32>
      %sub3A_1928 = arith.subf %mul3A_1872, %mul3A_1876 : vector<16xf32>
      %add3A_1929 = arith.addf %mul3A_1880, %mul3A_1884 : vector<16xf32>
      %sub3A_1930 = arith.subf %mul3A_1880, %mul3A_1884 : vector<16xf32>
      %add3A_1931 = arith.addf %mul3A_1888, %mul3A_1892 : vector<16xf32>
      %sub3A_1932 = arith.subf %mul3A_1888, %mul3A_1892 : vector<16xf32>
      %add3A_1933 = arith.addf %mul3A_1896, %mul3A_1900 : vector<16xf32>
      %sub3A_1934 = arith.subf %mul3A_1896, %mul3A_1900 : vector<16xf32>
      %add3A_1935 = arith.addf %mul3A_1904, %mul3A_1908 : vector<16xf32>
      %sub3A_1936 = arith.subf %mul3A_1904, %mul3A_1908 : vector<16xf32>
      %add3A_1937 = arith.addf %mul3A_1912, %mul3A_1916 : vector<16xf32>
      %sub3A_1938 = arith.subf %mul3A_1912, %mul3A_1916 : vector<16xf32>
      %add3A_1939 = arith.addf %mul3A_1920, %mul3A_1924 : vector<16xf32>
      %sub3A_1940 = arith.subf %mul3A_1920, %mul3A_1924 : vector<16xf32>
      %add3A_1941 = arith.addf %add3A_1925, %add3A_1927 : vector<16xf32>
      %sub3A_1942 = arith.subf %add3A_1925, %add3A_1927 : vector<16xf32>
      %add3A_1943 = arith.addf %sub3A_1926, %sub3A_1928 : vector<16xf32>
      %sub3A_1944 = arith.subf %sub3A_1926, %sub3A_1928 : vector<16xf32>
      %add3A_1945 = arith.addf %add3A_1929, %add3A_1931 : vector<16xf32>
      %sub3A_1946 = arith.subf %add3A_1929, %add3A_1931 : vector<16xf32>
      %add3A_1947 = arith.addf %sub3A_1930, %sub3A_1932 : vector<16xf32>
      %sub3A_1948 = arith.subf %sub3A_1930, %sub3A_1932 : vector<16xf32>
      %add3A_1949 = arith.addf %add3A_1933, %add3A_1935 : vector<16xf32>
      %sub3A_1950 = arith.subf %add3A_1933, %add3A_1935 : vector<16xf32>
      %add3A_1951 = arith.addf %sub3A_1934, %sub3A_1936 : vector<16xf32>
      %sub3A_1952 = arith.subf %sub3A_1934, %sub3A_1936 : vector<16xf32>
      %add3A_1953 = arith.addf %add3A_1937, %add3A_1939 : vector<16xf32>
      %sub3A_1954 = arith.subf %add3A_1937, %add3A_1939 : vector<16xf32>
      %add3A_1955 = arith.addf %sub3A_1938, %sub3A_1940 : vector<16xf32>
      %sub3A_1956 = arith.subf %sub3A_1938, %sub3A_1940 : vector<16xf32>
      %add3A_1957 = arith.addf %add3A_1941, %add3A_1945 : vector<16xf32>
      %sub3A_1958 = arith.subf %add3A_1941, %add3A_1945 : vector<16xf32>
      %add3A_1959 = arith.addf %add3A_1943, %add3A_1947 : vector<16xf32>
      %sub3A_1960 = arith.subf %add3A_1943, %add3A_1947 : vector<16xf32>
      %add3A_1961 = arith.addf %sub3A_1942, %sub3A_1946 : vector<16xf32>
      %sub3A_1962 = arith.subf %sub3A_1942, %sub3A_1946 : vector<16xf32>
      %add3A_1963 = arith.addf %sub3A_1944, %sub3A_1948 : vector<16xf32>
      %sub3A_1964 = arith.subf %sub3A_1944, %sub3A_1948 : vector<16xf32>
      %add3A_1965 = arith.addf %add3A_1949, %add3A_1953 : vector<16xf32>
      %sub3A_1966 = arith.subf %add3A_1949, %add3A_1953 : vector<16xf32>
      %add3A_1967 = arith.addf %add3A_1951, %add3A_1955 : vector<16xf32>
      %sub3A_1968 = arith.subf %add3A_1951, %add3A_1955 : vector<16xf32>
      %add3A_1969 = arith.addf %sub3A_1950, %sub3A_1954 : vector<16xf32>
      %sub3A_1970 = arith.subf %sub3A_1950, %sub3A_1954 : vector<16xf32>
      %add3A_1971 = arith.addf %sub3A_1952, %sub3A_1956 : vector<16xf32>
      %sub3A_1972 = arith.subf %sub3A_1952, %sub3A_1956 : vector<16xf32>
      %add3A_1973 = arith.addf %add3A_1957, %add3A_1965 : vector<16xf32>
      %sub3A_1974 = arith.subf %add3A_1957, %add3A_1965 : vector<16xf32>
      %add3A_1975 = arith.addf %add3A_1959, %add3A_1967 : vector<16xf32>
      %sub3A_1976 = arith.subf %add3A_1959, %add3A_1967 : vector<16xf32>
      %add3A_1977 = arith.addf %add3A_1961, %add3A_1969 : vector<16xf32>
      %sub3A_1978 = arith.subf %add3A_1961, %add3A_1969 : vector<16xf32>
      %add3A_1979 = arith.addf %add3A_1963, %add3A_1971 : vector<16xf32>
      %sub3A_1980 = arith.subf %add3A_1963, %add3A_1971 : vector<16xf32>
      %add3A_1981 = arith.addf %sub3A_1958, %sub3A_1966 : vector<16xf32>
      %sub3A_1982 = arith.subf %sub3A_1958, %sub3A_1966 : vector<16xf32>
      %add3A_1983 = arith.addf %sub3A_1960, %sub3A_1968 : vector<16xf32>
      %sub3A_1984 = arith.subf %sub3A_1960, %sub3A_1968 : vector<16xf32>
      %add3A_1985 = arith.addf %sub3A_1962, %sub3A_1970 : vector<16xf32>
      %sub3A_1986 = arith.subf %sub3A_1962, %sub3A_1970 : vector<16xf32>
      %add3A_1987 = arith.addf %sub3A_1964, %sub3A_1972 : vector<16xf32>
      %sub3A_1988 = arith.subf %sub3A_1964, %sub3A_1972 : vector<16xf32>
      %lt3A_1989 = arith.constant 0 : i32
      %lt3A_1990 = vector.broadcast %lt3A_1989 : i32 to vector<16xi32>
      %lt3A_1991 = arith.cmpi slt, %xor3A_18, %lt3A_1990 : vector<16xi32>
      %add3A_1992 = arith.constant 16 : i32
      %add3A_1993 = vector.broadcast %add3A_1992 : i32 to vector<16xi32>
      %add3A_1994 = arith.addi %xor3A_18, %add3A_1993 : vector<16xi32>
      %select_n3A_1995 = arith.select %lt3A_1991, %add3A_1994, %xor3A_18 : vector<16xi1>, vector<16xi32>
      %broadcast_in_dim3A_1996 = vector.shape_cast %select_n3A_1995 : vector<16xi32> to vector<16x1xi32>
      %gather3A_1997 = vector.shape_cast %broadcast_in_dim3A_1996 : vector<16x1xi32> to vector<16xi32>
      %gather3A_1998 = tpu.dynamic_gather %add3A_1973[%gather3A_1997] in [0] : vector<16xf32>, vector<16xi32> -> vector<16xf32>
      %mul3A_1999 = arith.mulf %select_n3A, %add3A_1973 : vector<16xf32>
      %add3A_2000 = arith.addf %mul3A_1999, %gather3A_1998 : vector<16xf32>
      %lt3A_2001 = arith.constant 0 : i32
      %lt3A_2002 = vector.broadcast %lt3A_2001 : i32 to vector<16xi32>
      %lt3A_2003 = arith.cmpi slt, %xor3A_18, %lt3A_2002 : vector<16xi32>
      %add3A_2004 = arith.constant 16 : i32
      %add3A_2005 = vector.broadcast %add3A_2004 : i32 to vector<16xi32>
      %add3A_2006 = arith.addi %xor3A_18, %add3A_2005 : vector<16xi32>
      %select_n3A_2007 = arith.select %lt3A_2003, %add3A_2006, %xor3A_18 : vector<16xi1>, vector<16xi32>
      %broadcast_in_dim3A_2008 = vector.shape_cast %select_n3A_2007 : vector<16xi32> to vector<16x1xi32>
      %gather3A_2009 = vector.shape_cast %broadcast_in_dim3A_2008 : vector<16x1xi32> to vector<16xi32>
      %gather3A_2010 = tpu.dynamic_gather %add3A_1975[%gather3A_2009] in [0] : vector<16xf32>, vector<16xi32> -> vector<16xf32>
      %mul3A_2011 = arith.mulf %select_n3A, %add3A_1975 : vector<16xf32>
      %add3A_2012 = arith.addf %mul3A_2011, %gather3A_2010 : vector<16xf32>
      %lt3A_2013 = arith.constant 0 : i32
      %lt3A_2014 = vector.broadcast %lt3A_2013 : i32 to vector<16xi32>
      %lt3A_2015 = arith.cmpi slt, %xor3A_18, %lt3A_2014 : vector<16xi32>
      %add3A_2016 = arith.constant 16 : i32
      %add3A_2017 = vector.broadcast %add3A_2016 : i32 to vector<16xi32>
      %add3A_2018 = arith.addi %xor3A_18, %add3A_2017 : vector<16xi32>
      %select_n3A_2019 = arith.select %lt3A_2015, %add3A_2018, %xor3A_18 : vector<16xi1>, vector<16xi32>
      %broadcast_in_dim3A_2020 = vector.shape_cast %select_n3A_2019 : vector<16xi32> to vector<16x1xi32>
      %gather3A_2021 = vector.shape_cast %broadcast_in_dim3A_2020 : vector<16x1xi32> to vector<16xi32>
      %gather3A_2022 = tpu.dynamic_gather %add3A_1977[%gather3A_2021] in [0] : vector<16xf32>, vector<16xi32> -> vector<16xf32>
      %mul3A_2023 = arith.mulf %select_n3A, %add3A_1977 : vector<16xf32>
      %add3A_2024 = arith.addf %mul3A_2023, %gather3A_2022 : vector<16xf32>
      %lt3A_2025 = arith.constant 0 : i32
      %lt3A_2026 = vector.broadcast %lt3A_2025 : i32 to vector<16xi32>
      %lt3A_2027 = arith.cmpi slt, %xor3A_18, %lt3A_2026 : vector<16xi32>
      %add3A_2028 = arith.constant 16 : i32
      %add3A_2029 = vector.broadcast %add3A_2028 : i32 to vector<16xi32>
      %add3A_2030 = arith.addi %xor3A_18, %add3A_2029 : vector<16xi32>
      %select_n3A_2031 = arith.select %lt3A_2027, %add3A_2030, %xor3A_18 : vector<16xi1>, vector<16xi32>
      %broadcast_in_dim3A_2032 = vector.shape_cast %select_n3A_2031 : vector<16xi32> to vector<16x1xi32>
      %gather3A_2033 = vector.shape_cast %broadcast_in_dim3A_2032 : vector<16x1xi32> to vector<16xi32>
      %gather3A_2034 = tpu.dynamic_gather %add3A_1979[%gather3A_2033] in [0] : vector<16xf32>, vector<16xi32> -> vector<16xf32>
      %mul3A_2035 = arith.mulf %select_n3A, %add3A_1979 : vector<16xf32>
      %add3A_2036 = arith.addf %mul3A_2035, %gather3A_2034 : vector<16xf32>
      %lt3A_2037 = arith.constant 0 : i32
      %lt3A_2038 = vector.broadcast %lt3A_2037 : i32 to vector<16xi32>
      %lt3A_2039 = arith.cmpi slt, %xor3A_18, %lt3A_2038 : vector<16xi32>
      %add3A_2040 = arith.constant 16 : i32
      %add3A_2041 = vector.broadcast %add3A_2040 : i32 to vector<16xi32>
      %add3A_2042 = arith.addi %xor3A_18, %add3A_2041 : vector<16xi32>
      %select_n3A_2043 = arith.select %lt3A_2039, %add3A_2042, %xor3A_18 : vector<16xi1>, vector<16xi32>
      %broadcast_in_dim3A_2044 = vector.shape_cast %select_n3A_2043 : vector<16xi32> to vector<16x1xi32>
      %gather3A_2045 = vector.shape_cast %broadcast_in_dim3A_2044 : vector<16x1xi32> to vector<16xi32>
      %gather3A_2046 = tpu.dynamic_gather %add3A_1981[%gather3A_2045] in [0] : vector<16xf32>, vector<16xi32> -> vector<16xf32>
      %mul3A_2047 = arith.mulf %select_n3A, %add3A_1981 : vector<16xf32>
      %add3A_2048 = arith.addf %mul3A_2047, %gather3A_2046 : vector<16xf32>
      %lt3A_2049 = arith.constant 0 : i32
      %lt3A_2050 = vector.broadcast %lt3A_2049 : i32 to vector<16xi32>
      %lt3A_2051 = arith.cmpi slt, %xor3A_18, %lt3A_2050 : vector<16xi32>
      %add3A_2052 = arith.constant 16 : i32
      %add3A_2053 = vector.broadcast %add3A_2052 : i32 to vector<16xi32>
      %add3A_2054 = arith.addi %xor3A_18, %add3A_2053 : vector<16xi32>
      %select_n3A_2055 = arith.select %lt3A_2051, %add3A_2054, %xor3A_18 : vector<16xi1>, vector<16xi32>
      %broadcast_in_dim3A_2056 = vector.shape_cast %select_n3A_2055 : vector<16xi32> to vector<16x1xi32>
      %gather3A_2057 = vector.shape_cast %broadcast_in_dim3A_2056 : vector<16x1xi32> to vector<16xi32>
      %gather3A_2058 = tpu.dynamic_gather %add3A_1983[%gather3A_2057] in [0] : vector<16xf32>, vector<16xi32> -> vector<16xf32>
      %mul3A_2059 = arith.mulf %select_n3A, %add3A_1983 : vector<16xf32>
      %add3A_2060 = arith.addf %mul3A_2059, %gather3A_2058 : vector<16xf32>
      %lt3A_2061 = arith.constant 0 : i32
      %lt3A_2062 = vector.broadcast %lt3A_2061 : i32 to vector<16xi32>
      %lt3A_2063 = arith.cmpi slt, %xor3A_18, %lt3A_2062 : vector<16xi32>
      %add3A_2064 = arith.constant 16 : i32
      %add3A_2065 = vector.broadcast %add3A_2064 : i32 to vector<16xi32>
      %add3A_2066 = arith.addi %xor3A_18, %add3A_2065 : vector<16xi32>
      %select_n3A_2067 = arith.select %lt3A_2063, %add3A_2066, %xor3A_18 : vector<16xi1>, vector<16xi32>
      %broadcast_in_dim3A_2068 = vector.shape_cast %select_n3A_2067 : vector<16xi32> to vector<16x1xi32>
      %gather3A_2069 = vector.shape_cast %broadcast_in_dim3A_2068 : vector<16x1xi32> to vector<16xi32>
      %gather3A_2070 = tpu.dynamic_gather %add3A_1985[%gather3A_2069] in [0] : vector<16xf32>, vector<16xi32> -> vector<16xf32>
      %mul3A_2071 = arith.mulf %select_n3A, %add3A_1985 : vector<16xf32>
      %add3A_2072 = arith.addf %mul3A_2071, %gather3A_2070 : vector<16xf32>
      %lt3A_2073 = arith.constant 0 : i32
      %lt3A_2074 = vector.broadcast %lt3A_2073 : i32 to vector<16xi32>
      %lt3A_2075 = arith.cmpi slt, %xor3A_18, %lt3A_2074 : vector<16xi32>
      %add3A_2076 = arith.constant 16 : i32
      %add3A_2077 = vector.broadcast %add3A_2076 : i32 to vector<16xi32>
      %add3A_2078 = arith.addi %xor3A_18, %add3A_2077 : vector<16xi32>
      %select_n3A_2079 = arith.select %lt3A_2075, %add3A_2078, %xor3A_18 : vector<16xi1>, vector<16xi32>
      %broadcast_in_dim3A_2080 = vector.shape_cast %select_n3A_2079 : vector<16xi32> to vector<16x1xi32>
      %gather3A_2081 = vector.shape_cast %broadcast_in_dim3A_2080 : vector<16x1xi32> to vector<16xi32>
      %gather3A_2082 = tpu.dynamic_gather %add3A_1987[%gather3A_2081] in [0] : vector<16xf32>, vector<16xi32> -> vector<16xf32>
      %mul3A_2083 = arith.mulf %select_n3A, %add3A_1987 : vector<16xf32>
      %add3A_2084 = arith.addf %mul3A_2083, %gather3A_2082 : vector<16xf32>
      %lt3A_2085 = arith.constant 0 : i32
      %lt3A_2086 = vector.broadcast %lt3A_2085 : i32 to vector<16xi32>
      %lt3A_2087 = arith.cmpi slt, %xor3A_18, %lt3A_2086 : vector<16xi32>
      %add3A_2088 = arith.constant 16 : i32
      %add3A_2089 = vector.broadcast %add3A_2088 : i32 to vector<16xi32>
      %add3A_2090 = arith.addi %xor3A_18, %add3A_2089 : vector<16xi32>
      %select_n3A_2091 = arith.select %lt3A_2087, %add3A_2090, %xor3A_18 : vector<16xi1>, vector<16xi32>
      %broadcast_in_dim3A_2092 = vector.shape_cast %select_n3A_2091 : vector<16xi32> to vector<16x1xi32>
      %gather3A_2093 = vector.shape_cast %broadcast_in_dim3A_2092 : vector<16x1xi32> to vector<16xi32>
      %gather3A_2094 = tpu.dynamic_gather %sub3A_1974[%gather3A_2093] in [0] : vector<16xf32>, vector<16xi32> -> vector<16xf32>
      %mul3A_2095 = arith.mulf %select_n3A, %sub3A_1974 : vector<16xf32>
      %add3A_2096 = arith.addf %mul3A_2095, %gather3A_2094 : vector<16xf32>
      %lt3A_2097 = arith.constant 0 : i32
      %lt3A_2098 = vector.broadcast %lt3A_2097 : i32 to vector<16xi32>
      %lt3A_2099 = arith.cmpi slt, %xor3A_18, %lt3A_2098 : vector<16xi32>
      %add3A_2100 = arith.constant 16 : i32
      %add3A_2101 = vector.broadcast %add3A_2100 : i32 to vector<16xi32>
      %add3A_2102 = arith.addi %xor3A_18, %add3A_2101 : vector<16xi32>
      %select_n3A_2103 = arith.select %lt3A_2099, %add3A_2102, %xor3A_18 : vector<16xi1>, vector<16xi32>
      %broadcast_in_dim3A_2104 = vector.shape_cast %select_n3A_2103 : vector<16xi32> to vector<16x1xi32>
      %gather3A_2105 = vector.shape_cast %broadcast_in_dim3A_2104 : vector<16x1xi32> to vector<16xi32>
      %gather3A_2106 = tpu.dynamic_gather %sub3A_1976[%gather3A_2105] in [0] : vector<16xf32>, vector<16xi32> -> vector<16xf32>
      %mul3A_2107 = arith.mulf %select_n3A, %sub3A_1976 : vector<16xf32>
      %add3A_2108 = arith.addf %mul3A_2107, %gather3A_2106 : vector<16xf32>
      %lt3A_2109 = arith.constant 0 : i32
      %lt3A_2110 = vector.broadcast %lt3A_2109 : i32 to vector<16xi32>
      %lt3A_2111 = arith.cmpi slt, %xor3A_18, %lt3A_2110 : vector<16xi32>
      %add3A_2112 = arith.constant 16 : i32
      %add3A_2113 = vector.broadcast %add3A_2112 : i32 to vector<16xi32>
      %add3A_2114 = arith.addi %xor3A_18, %add3A_2113 : vector<16xi32>
      %select_n3A_2115 = arith.select %lt3A_2111, %add3A_2114, %xor3A_18 : vector<16xi1>, vector<16xi32>
      %broadcast_in_dim3A_2116 = vector.shape_cast %select_n3A_2115 : vector<16xi32> to vector<16x1xi32>
      %gather3A_2117 = vector.shape_cast %broadcast_in_dim3A_2116 : vector<16x1xi32> to vector<16xi32>
      %gather3A_2118 = tpu.dynamic_gather %sub3A_1978[%gather3A_2117] in [0] : vector<16xf32>, vector<16xi32> -> vector<16xf32>
      %mul3A_2119 = arith.mulf %select_n3A, %sub3A_1978 : vector<16xf32>
      %add3A_2120 = arith.addf %mul3A_2119, %gather3A_2118 : vector<16xf32>
      %lt3A_2121 = arith.constant 0 : i32
      %lt3A_2122 = vector.broadcast %lt3A_2121 : i32 to vector<16xi32>
      %lt3A_2123 = arith.cmpi slt, %xor3A_18, %lt3A_2122 : vector<16xi32>
      %add3A_2124 = arith.constant 16 : i32
      %add3A_2125 = vector.broadcast %add3A_2124 : i32 to vector<16xi32>
      %add3A_2126 = arith.addi %xor3A_18, %add3A_2125 : vector<16xi32>
      %select_n3A_2127 = arith.select %lt3A_2123, %add3A_2126, %xor3A_18 : vector<16xi1>, vector<16xi32>
      %broadcast_in_dim3A_2128 = vector.shape_cast %select_n3A_2127 : vector<16xi32> to vector<16x1xi32>
      %gather3A_2129 = vector.shape_cast %broadcast_in_dim3A_2128 : vector<16x1xi32> to vector<16xi32>
      %gather3A_2130 = tpu.dynamic_gather %sub3A_1980[%gather3A_2129] in [0] : vector<16xf32>, vector<16xi32> -> vector<16xf32>
      %mul3A_2131 = arith.mulf %select_n3A, %sub3A_1980 : vector<16xf32>
      %add3A_2132 = arith.addf %mul3A_2131, %gather3A_2130 : vector<16xf32>
      %lt3A_2133 = arith.constant 0 : i32
      %lt3A_2134 = vector.broadcast %lt3A_2133 : i32 to vector<16xi32>
      %lt3A_2135 = arith.cmpi slt, %xor3A_18, %lt3A_2134 : vector<16xi32>
      %add3A_2136 = arith.constant 16 : i32
      %add3A_2137 = vector.broadcast %add3A_2136 : i32 to vector<16xi32>
      %add3A_2138 = arith.addi %xor3A_18, %add3A_2137 : vector<16xi32>
      %select_n3A_2139 = arith.select %lt3A_2135, %add3A_2138, %xor3A_18 : vector<16xi1>, vector<16xi32>
      %broadcast_in_dim3A_2140 = vector.shape_cast %select_n3A_2139 : vector<16xi32> to vector<16x1xi32>
      %gather3A_2141 = vector.shape_cast %broadcast_in_dim3A_2140 : vector<16x1xi32> to vector<16xi32>
      %gather3A_2142 = tpu.dynamic_gather %sub3A_1982[%gather3A_2141] in [0] : vector<16xf32>, vector<16xi32> -> vector<16xf32>
      %mul3A_2143 = arith.mulf %select_n3A, %sub3A_1982 : vector<16xf32>
      %add3A_2144 = arith.addf %mul3A_2143, %gather3A_2142 : vector<16xf32>
      %lt3A_2145 = arith.constant 0 : i32
      %lt3A_2146 = vector.broadcast %lt3A_2145 : i32 to vector<16xi32>
      %lt3A_2147 = arith.cmpi slt, %xor3A_18, %lt3A_2146 : vector<16xi32>
      %add3A_2148 = arith.constant 16 : i32
      %add3A_2149 = vector.broadcast %add3A_2148 : i32 to vector<16xi32>
      %add3A_2150 = arith.addi %xor3A_18, %add3A_2149 : vector<16xi32>
      %select_n3A_2151 = arith.select %lt3A_2147, %add3A_2150, %xor3A_18 : vector<16xi1>, vector<16xi32>
      %broadcast_in_dim3A_2152 = vector.shape_cast %select_n3A_2151 : vector<16xi32> to vector<16x1xi32>
      %gather3A_2153 = vector.shape_cast %broadcast_in_dim3A_2152 : vector<16x1xi32> to vector<16xi32>
      %gather3A_2154 = tpu.dynamic_gather %sub3A_1984[%gather3A_2153] in [0] : vector<16xf32>, vector<16xi32> -> vector<16xf32>
      %mul3A_2155 = arith.mulf %select_n3A, %sub3A_1984 : vector<16xf32>
      %add3A_2156 = arith.addf %mul3A_2155, %gather3A_2154 : vector<16xf32>
      %lt3A_2157 = arith.constant 0 : i32
      %lt3A_2158 = vector.broadcast %lt3A_2157 : i32 to vector<16xi32>
      %lt3A_2159 = arith.cmpi slt, %xor3A_18, %lt3A_2158 : vector<16xi32>
      %add3A_2160 = arith.constant 16 : i32
      %add3A_2161 = vector.broadcast %add3A_2160 : i32 to vector<16xi32>
      %add3A_2162 = arith.addi %xor3A_18, %add3A_2161 : vector<16xi32>
      %select_n3A_2163 = arith.select %lt3A_2159, %add3A_2162, %xor3A_18 : vector<16xi1>, vector<16xi32>
      %broadcast_in_dim3A_2164 = vector.shape_cast %select_n3A_2163 : vector<16xi32> to vector<16x1xi32>
      %gather3A_2165 = vector.shape_cast %broadcast_in_dim3A_2164 : vector<16x1xi32> to vector<16xi32>
      %gather3A_2166 = tpu.dynamic_gather %sub3A_1986[%gather3A_2165] in [0] : vector<16xf32>, vector<16xi32> -> vector<16xf32>
      %mul3A_2167 = arith.mulf %select_n3A, %sub3A_1986 : vector<16xf32>
      %add3A_2168 = arith.addf %mul3A_2167, %gather3A_2166 : vector<16xf32>
      %lt3A_2169 = arith.constant 0 : i32
      %lt3A_2170 = vector.broadcast %lt3A_2169 : i32 to vector<16xi32>
      %lt3A_2171 = arith.cmpi slt, %xor3A_18, %lt3A_2170 : vector<16xi32>
      %add3A_2172 = arith.constant 16 : i32
      %add3A_2173 = vector.broadcast %add3A_2172 : i32 to vector<16xi32>
      %add3A_2174 = arith.addi %xor3A_18, %add3A_2173 : vector<16xi32>
      %select_n3A_2175 = arith.select %lt3A_2171, %add3A_2174, %xor3A_18 : vector<16xi1>, vector<16xi32>
      %broadcast_in_dim3A_2176 = vector.shape_cast %select_n3A_2175 : vector<16xi32> to vector<16x1xi32>
      %gather3A_2177 = vector.shape_cast %broadcast_in_dim3A_2176 : vector<16x1xi32> to vector<16xi32>
      %gather3A_2178 = tpu.dynamic_gather %sub3A_1988[%gather3A_2177] in [0] : vector<16xf32>, vector<16xi32> -> vector<16xf32>
      %mul3A_2179 = arith.mulf %select_n3A, %sub3A_1988 : vector<16xf32>
      %add3A_2180 = arith.addf %mul3A_2179, %gather3A_2178 : vector<16xf32>
      %lt3A_2181 = arith.constant 0 : i32
      %lt3A_2182 = vector.broadcast %lt3A_2181 : i32 to vector<16xi32>
      %lt3A_2183 = arith.cmpi slt, %xor3A_21, %lt3A_2182 : vector<16xi32>
      %add3A_2184 = arith.constant 16 : i32
      %add3A_2185 = vector.broadcast %add3A_2184 : i32 to vector<16xi32>
      %add3A_2186 = arith.addi %xor3A_21, %add3A_2185 : vector<16xi32>
      %select_n3A_2187 = arith.select %lt3A_2183, %add3A_2186, %xor3A_21 : vector<16xi1>, vector<16xi32>
      %broadcast_in_dim3A_2188 = vector.shape_cast %select_n3A_2187 : vector<16xi32> to vector<16x1xi32>
      %gather3A_2189 = vector.shape_cast %broadcast_in_dim3A_2188 : vector<16x1xi32> to vector<16xi32>
      %gather3A_2190 = tpu.dynamic_gather %add3A_2000[%gather3A_2189] in [0] : vector<16xf32>, vector<16xi32> -> vector<16xf32>
      %mul3A_2191 = arith.mulf %select_n3A_44, %add3A_2000 : vector<16xf32>
      %add3A_2192 = arith.addf %mul3A_2191, %gather3A_2190 : vector<16xf32>
      %lt3A_2193 = arith.constant 0 : i32
      %lt3A_2194 = vector.broadcast %lt3A_2193 : i32 to vector<16xi32>
      %lt3A_2195 = arith.cmpi slt, %xor3A_21, %lt3A_2194 : vector<16xi32>
      %add3A_2196 = arith.constant 16 : i32
      %add3A_2197 = vector.broadcast %add3A_2196 : i32 to vector<16xi32>
      %add3A_2198 = arith.addi %xor3A_21, %add3A_2197 : vector<16xi32>
      %select_n3A_2199 = arith.select %lt3A_2195, %add3A_2198, %xor3A_21 : vector<16xi1>, vector<16xi32>
      %broadcast_in_dim3A_2200 = vector.shape_cast %select_n3A_2199 : vector<16xi32> to vector<16x1xi32>
      %gather3A_2201 = vector.shape_cast %broadcast_in_dim3A_2200 : vector<16x1xi32> to vector<16xi32>
      %gather3A_2202 = tpu.dynamic_gather %add3A_2012[%gather3A_2201] in [0] : vector<16xf32>, vector<16xi32> -> vector<16xf32>
      %mul3A_2203 = arith.mulf %select_n3A_44, %add3A_2012 : vector<16xf32>
      %add3A_2204 = arith.addf %mul3A_2203, %gather3A_2202 : vector<16xf32>
      %lt3A_2205 = arith.constant 0 : i32
      %lt3A_2206 = vector.broadcast %lt3A_2205 : i32 to vector<16xi32>
      %lt3A_2207 = arith.cmpi slt, %xor3A_21, %lt3A_2206 : vector<16xi32>
      %add3A_2208 = arith.constant 16 : i32
      %add3A_2209 = vector.broadcast %add3A_2208 : i32 to vector<16xi32>
      %add3A_2210 = arith.addi %xor3A_21, %add3A_2209 : vector<16xi32>
      %select_n3A_2211 = arith.select %lt3A_2207, %add3A_2210, %xor3A_21 : vector<16xi1>, vector<16xi32>
      %broadcast_in_dim3A_2212 = vector.shape_cast %select_n3A_2211 : vector<16xi32> to vector<16x1xi32>
      %gather3A_2213 = vector.shape_cast %broadcast_in_dim3A_2212 : vector<16x1xi32> to vector<16xi32>
      %gather3A_2214 = tpu.dynamic_gather %add3A_2024[%gather3A_2213] in [0] : vector<16xf32>, vector<16xi32> -> vector<16xf32>
      %mul3A_2215 = arith.mulf %select_n3A_44, %add3A_2024 : vector<16xf32>
      %add3A_2216 = arith.addf %mul3A_2215, %gather3A_2214 : vector<16xf32>
      %lt3A_2217 = arith.constant 0 : i32
      %lt3A_2218 = vector.broadcast %lt3A_2217 : i32 to vector<16xi32>
      %lt3A_2219 = arith.cmpi slt, %xor3A_21, %lt3A_2218 : vector<16xi32>
      %add3A_2220 = arith.constant 16 : i32
      %add3A_2221 = vector.broadcast %add3A_2220 : i32 to vector<16xi32>
      %add3A_2222 = arith.addi %xor3A_21, %add3A_2221 : vector<16xi32>
      %select_n3A_2223 = arith.select %lt3A_2219, %add3A_2222, %xor3A_21 : vector<16xi1>, vector<16xi32>
      %broadcast_in_dim3A_2224 = vector.shape_cast %select_n3A_2223 : vector<16xi32> to vector<16x1xi32>
      %gather3A_2225 = vector.shape_cast %broadcast_in_dim3A_2224 : vector<16x1xi32> to vector<16xi32>
      %gather3A_2226 = tpu.dynamic_gather %add3A_2036[%gather3A_2225] in [0] : vector<16xf32>, vector<16xi32> -> vector<16xf32>
      %mul3A_2227 = arith.mulf %select_n3A_44, %add3A_2036 : vector<16xf32>
      %add3A_2228 = arith.addf %mul3A_2227, %gather3A_2226 : vector<16xf32>
      %lt3A_2229 = arith.constant 0 : i32
      %lt3A_2230 = vector.broadcast %lt3A_2229 : i32 to vector<16xi32>
      %lt3A_2231 = arith.cmpi slt, %xor3A_21, %lt3A_2230 : vector<16xi32>
      %add3A_2232 = arith.constant 16 : i32
      %add3A_2233 = vector.broadcast %add3A_2232 : i32 to vector<16xi32>
      %add3A_2234 = arith.addi %xor3A_21, %add3A_2233 : vector<16xi32>
      %select_n3A_2235 = arith.select %lt3A_2231, %add3A_2234, %xor3A_21 : vector<16xi1>, vector<16xi32>
      %broadcast_in_dim3A_2236 = vector.shape_cast %select_n3A_2235 : vector<16xi32> to vector<16x1xi32>
      %gather3A_2237 = vector.shape_cast %broadcast_in_dim3A_2236 : vector<16x1xi32> to vector<16xi32>
      %gather3A_2238 = tpu.dynamic_gather %add3A_2048[%gather3A_2237] in [0] : vector<16xf32>, vector<16xi32> -> vector<16xf32>
      %mul3A_2239 = arith.mulf %select_n3A_44, %add3A_2048 : vector<16xf32>
      %add3A_2240 = arith.addf %mul3A_2239, %gather3A_2238 : vector<16xf32>
      %lt3A_2241 = arith.constant 0 : i32
      %lt3A_2242 = vector.broadcast %lt3A_2241 : i32 to vector<16xi32>
      %lt3A_2243 = arith.cmpi slt, %xor3A_21, %lt3A_2242 : vector<16xi32>
      %add3A_2244 = arith.constant 16 : i32
      %add3A_2245 = vector.broadcast %add3A_2244 : i32 to vector<16xi32>
      %add3A_2246 = arith.addi %xor3A_21, %add3A_2245 : vector<16xi32>
      %select_n3A_2247 = arith.select %lt3A_2243, %add3A_2246, %xor3A_21 : vector<16xi1>, vector<16xi32>
      %broadcast_in_dim3A_2248 = vector.shape_cast %select_n3A_2247 : vector<16xi32> to vector<16x1xi32>
      %gather3A_2249 = vector.shape_cast %broadcast_in_dim3A_2248 : vector<16x1xi32> to vector<16xi32>
      %gather3A_2250 = tpu.dynamic_gather %add3A_2060[%gather3A_2249] in [0] : vector<16xf32>, vector<16xi32> -> vector<16xf32>
      %mul3A_2251 = arith.mulf %select_n3A_44, %add3A_2060 : vector<16xf32>
      %add3A_2252 = arith.addf %mul3A_2251, %gather3A_2250 : vector<16xf32>
      %lt3A_2253 = arith.constant 0 : i32
      %lt3A_2254 = vector.broadcast %lt3A_2253 : i32 to vector<16xi32>
      %lt3A_2255 = arith.cmpi slt, %xor3A_21, %lt3A_2254 : vector<16xi32>
      %add3A_2256 = arith.constant 16 : i32
      %add3A_2257 = vector.broadcast %add3A_2256 : i32 to vector<16xi32>
      %add3A_2258 = arith.addi %xor3A_21, %add3A_2257 : vector<16xi32>
      %select_n3A_2259 = arith.select %lt3A_2255, %add3A_2258, %xor3A_21 : vector<16xi1>, vector<16xi32>
      %broadcast_in_dim3A_2260 = vector.shape_cast %select_n3A_2259 : vector<16xi32> to vector<16x1xi32>
      %gather3A_2261 = vector.shape_cast %broadcast_in_dim3A_2260 : vector<16x1xi32> to vector<16xi32>
      %gather3A_2262 = tpu.dynamic_gather %add3A_2072[%gather3A_2261] in [0] : vector<16xf32>, vector<16xi32> -> vector<16xf32>
      %mul3A_2263 = arith.mulf %select_n3A_44, %add3A_2072 : vector<16xf32>
      %add3A_2264 = arith.addf %mul3A_2263, %gather3A_2262 : vector<16xf32>
      %lt3A_2265 = arith.constant 0 : i32
      %lt3A_2266 = vector.broadcast %lt3A_2265 : i32 to vector<16xi32>
      %lt3A_2267 = arith.cmpi slt, %xor3A_21, %lt3A_2266 : vector<16xi32>
      %add3A_2268 = arith.constant 16 : i32
      %add3A_2269 = vector.broadcast %add3A_2268 : i32 to vector<16xi32>
      %add3A_2270 = arith.addi %xor3A_21, %add3A_2269 : vector<16xi32>
      %select_n3A_2271 = arith.select %lt3A_2267, %add3A_2270, %xor3A_21 : vector<16xi1>, vector<16xi32>
      %broadcast_in_dim3A_2272 = vector.shape_cast %select_n3A_2271 : vector<16xi32> to vector<16x1xi32>
      %gather3A_2273 = vector.shape_cast %broadcast_in_dim3A_2272 : vector<16x1xi32> to vector<16xi32>
      %gather3A_2274 = tpu.dynamic_gather %add3A_2084[%gather3A_2273] in [0] : vector<16xf32>, vector<16xi32> -> vector<16xf32>
      %mul3A_2275 = arith.mulf %select_n3A_44, %add3A_2084 : vector<16xf32>
      %add3A_2276 = arith.addf %mul3A_2275, %gather3A_2274 : vector<16xf32>
      %lt3A_2277 = arith.constant 0 : i32
      %lt3A_2278 = vector.broadcast %lt3A_2277 : i32 to vector<16xi32>
      %lt3A_2279 = arith.cmpi slt, %xor3A_21, %lt3A_2278 : vector<16xi32>
      %add3A_2280 = arith.constant 16 : i32
      %add3A_2281 = vector.broadcast %add3A_2280 : i32 to vector<16xi32>
      %add3A_2282 = arith.addi %xor3A_21, %add3A_2281 : vector<16xi32>
      %select_n3A_2283 = arith.select %lt3A_2279, %add3A_2282, %xor3A_21 : vector<16xi1>, vector<16xi32>
      %broadcast_in_dim3A_2284 = vector.shape_cast %select_n3A_2283 : vector<16xi32> to vector<16x1xi32>
      %gather3A_2285 = vector.shape_cast %broadcast_in_dim3A_2284 : vector<16x1xi32> to vector<16xi32>
      %gather3A_2286 = tpu.dynamic_gather %add3A_2096[%gather3A_2285] in [0] : vector<16xf32>, vector<16xi32> -> vector<16xf32>
      %mul3A_2287 = arith.mulf %select_n3A_44, %add3A_2096 : vector<16xf32>
      %add3A_2288 = arith.addf %mul3A_2287, %gather3A_2286 : vector<16xf32>
      %lt3A_2289 = arith.constant 0 : i32
      %lt3A_2290 = vector.broadcast %lt3A_2289 : i32 to vector<16xi32>
      %lt3A_2291 = arith.cmpi slt, %xor3A_21, %lt3A_2290 : vector<16xi32>
      %add3A_2292 = arith.constant 16 : i32
      %add3A_2293 = vector.broadcast %add3A_2292 : i32 to vector<16xi32>
      %add3A_2294 = arith.addi %xor3A_21, %add3A_2293 : vector<16xi32>
      %select_n3A_2295 = arith.select %lt3A_2291, %add3A_2294, %xor3A_21 : vector<16xi1>, vector<16xi32>
      %broadcast_in_dim3A_2296 = vector.shape_cast %select_n3A_2295 : vector<16xi32> to vector<16x1xi32>
      %gather3A_2297 = vector.shape_cast %broadcast_in_dim3A_2296 : vector<16x1xi32> to vector<16xi32>
      %gather3A_2298 = tpu.dynamic_gather %add3A_2108[%gather3A_2297] in [0] : vector<16xf32>, vector<16xi32> -> vector<16xf32>
      %mul3A_2299 = arith.mulf %select_n3A_44, %add3A_2108 : vector<16xf32>
      %add3A_2300 = arith.addf %mul3A_2299, %gather3A_2298 : vector<16xf32>
      %lt3A_2301 = arith.constant 0 : i32
      %lt3A_2302 = vector.broadcast %lt3A_2301 : i32 to vector<16xi32>
      %lt3A_2303 = arith.cmpi slt, %xor3A_21, %lt3A_2302 : vector<16xi32>
      %add3A_2304 = arith.constant 16 : i32
      %add3A_2305 = vector.broadcast %add3A_2304 : i32 to vector<16xi32>
      %add3A_2306 = arith.addi %xor3A_21, %add3A_2305 : vector<16xi32>
      %select_n3A_2307 = arith.select %lt3A_2303, %add3A_2306, %xor3A_21 : vector<16xi1>, vector<16xi32>
      %broadcast_in_dim3A_2308 = vector.shape_cast %select_n3A_2307 : vector<16xi32> to vector<16x1xi32>
      %gather3A_2309 = vector.shape_cast %broadcast_in_dim3A_2308 : vector<16x1xi32> to vector<16xi32>
      %gather3A_2310 = tpu.dynamic_gather %add3A_2120[%gather3A_2309] in [0] : vector<16xf32>, vector<16xi32> -> vector<16xf32>
      %mul3A_2311 = arith.mulf %select_n3A_44, %add3A_2120 : vector<16xf32>
      %add3A_2312 = arith.addf %mul3A_2311, %gather3A_2310 : vector<16xf32>
      %lt3A_2313 = arith.constant 0 : i32
      %lt3A_2314 = vector.broadcast %lt3A_2313 : i32 to vector<16xi32>
      %lt3A_2315 = arith.cmpi slt, %xor3A_21, %lt3A_2314 : vector<16xi32>
      %add3A_2316 = arith.constant 16 : i32
      %add3A_2317 = vector.broadcast %add3A_2316 : i32 to vector<16xi32>
      %add3A_2318 = arith.addi %xor3A_21, %add3A_2317 : vector<16xi32>
      %select_n3A_2319 = arith.select %lt3A_2315, %add3A_2318, %xor3A_21 : vector<16xi1>, vector<16xi32>
      %broadcast_in_dim3A_2320 = vector.shape_cast %select_n3A_2319 : vector<16xi32> to vector<16x1xi32>
      %gather3A_2321 = vector.shape_cast %broadcast_in_dim3A_2320 : vector<16x1xi32> to vector<16xi32>
      %gather3A_2322 = tpu.dynamic_gather %add3A_2132[%gather3A_2321] in [0] : vector<16xf32>, vector<16xi32> -> vector<16xf32>
      %mul3A_2323 = arith.mulf %select_n3A_44, %add3A_2132 : vector<16xf32>
      %add3A_2324 = arith.addf %mul3A_2323, %gather3A_2322 : vector<16xf32>
      %lt3A_2325 = arith.constant 0 : i32
      %lt3A_2326 = vector.broadcast %lt3A_2325 : i32 to vector<16xi32>
      %lt3A_2327 = arith.cmpi slt, %xor3A_21, %lt3A_2326 : vector<16xi32>
      %add3A_2328 = arith.constant 16 : i32
      %add3A_2329 = vector.broadcast %add3A_2328 : i32 to vector<16xi32>
      %add3A_2330 = arith.addi %xor3A_21, %add3A_2329 : vector<16xi32>
      %select_n3A_2331 = arith.select %lt3A_2327, %add3A_2330, %xor3A_21 : vector<16xi1>, vector<16xi32>
      %broadcast_in_dim3A_2332 = vector.shape_cast %select_n3A_2331 : vector<16xi32> to vector<16x1xi32>
      %gather3A_2333 = vector.shape_cast %broadcast_in_dim3A_2332 : vector<16x1xi32> to vector<16xi32>
      %gather3A_2334 = tpu.dynamic_gather %add3A_2144[%gather3A_2333] in [0] : vector<16xf32>, vector<16xi32> -> vector<16xf32>
      %mul3A_2335 = arith.mulf %select_n3A_44, %add3A_2144 : vector<16xf32>
      %add3A_2336 = arith.addf %mul3A_2335, %gather3A_2334 : vector<16xf32>
      %lt3A_2337 = arith.constant 0 : i32
      %lt3A_2338 = vector.broadcast %lt3A_2337 : i32 to vector<16xi32>
      %lt3A_2339 = arith.cmpi slt, %xor3A_21, %lt3A_2338 : vector<16xi32>
      %add3A_2340 = arith.constant 16 : i32
      %add3A_2341 = vector.broadcast %add3A_2340 : i32 to vector<16xi32>
      %add3A_2342 = arith.addi %xor3A_21, %add3A_2341 : vector<16xi32>
      %select_n3A_2343 = arith.select %lt3A_2339, %add3A_2342, %xor3A_21 : vector<16xi1>, vector<16xi32>
      %broadcast_in_dim3A_2344 = vector.shape_cast %select_n3A_2343 : vector<16xi32> to vector<16x1xi32>
      %gather3A_2345 = vector.shape_cast %broadcast_in_dim3A_2344 : vector<16x1xi32> to vector<16xi32>
      %gather3A_2346 = tpu.dynamic_gather %add3A_2156[%gather3A_2345] in [0] : vector<16xf32>, vector<16xi32> -> vector<16xf32>
      %mul3A_2347 = arith.mulf %select_n3A_44, %add3A_2156 : vector<16xf32>
      %add3A_2348 = arith.addf %mul3A_2347, %gather3A_2346 : vector<16xf32>
      %lt3A_2349 = arith.constant 0 : i32
      %lt3A_2350 = vector.broadcast %lt3A_2349 : i32 to vector<16xi32>
      %lt3A_2351 = arith.cmpi slt, %xor3A_21, %lt3A_2350 : vector<16xi32>
      %add3A_2352 = arith.constant 16 : i32
      %add3A_2353 = vector.broadcast %add3A_2352 : i32 to vector<16xi32>
      %add3A_2354 = arith.addi %xor3A_21, %add3A_2353 : vector<16xi32>
      %select_n3A_2355 = arith.select %lt3A_2351, %add3A_2354, %xor3A_21 : vector<16xi1>, vector<16xi32>
      %broadcast_in_dim3A_2356 = vector.shape_cast %select_n3A_2355 : vector<16xi32> to vector<16x1xi32>
      %gather3A_2357 = vector.shape_cast %broadcast_in_dim3A_2356 : vector<16x1xi32> to vector<16xi32>
      %gather3A_2358 = tpu.dynamic_gather %add3A_2168[%gather3A_2357] in [0] : vector<16xf32>, vector<16xi32> -> vector<16xf32>
      %mul3A_2359 = arith.mulf %select_n3A_44, %add3A_2168 : vector<16xf32>
      %add3A_2360 = arith.addf %mul3A_2359, %gather3A_2358 : vector<16xf32>
      %lt3A_2361 = arith.constant 0 : i32
      %lt3A_2362 = vector.broadcast %lt3A_2361 : i32 to vector<16xi32>
      %lt3A_2363 = arith.cmpi slt, %xor3A_21, %lt3A_2362 : vector<16xi32>
      %add3A_2364 = arith.constant 16 : i32
      %add3A_2365 = vector.broadcast %add3A_2364 : i32 to vector<16xi32>
      %add3A_2366 = arith.addi %xor3A_21, %add3A_2365 : vector<16xi32>
      %select_n3A_2367 = arith.select %lt3A_2363, %add3A_2366, %xor3A_21 : vector<16xi1>, vector<16xi32>
      %broadcast_in_dim3A_2368 = vector.shape_cast %select_n3A_2367 : vector<16xi32> to vector<16x1xi32>
      %gather3A_2369 = vector.shape_cast %broadcast_in_dim3A_2368 : vector<16x1xi32> to vector<16xi32>
      %gather3A_2370 = tpu.dynamic_gather %add3A_2180[%gather3A_2369] in [0] : vector<16xf32>, vector<16xi32> -> vector<16xf32>
      %mul3A_2371 = arith.mulf %select_n3A_44, %add3A_2180 : vector<16xf32>
      %add3A_2372 = arith.addf %mul3A_2371, %gather3A_2370 : vector<16xf32>
      %lt3A_2373 = arith.constant 0 : i32
      %lt3A_2374 = vector.broadcast %lt3A_2373 : i32 to vector<16xi32>
      %lt3A_2375 = arith.cmpi slt, %xor3A_24, %lt3A_2374 : vector<16xi32>
      %add3A_2376 = arith.constant 16 : i32
      %add3A_2377 = vector.broadcast %add3A_2376 : i32 to vector<16xi32>
      %add3A_2378 = arith.addi %xor3A_24, %add3A_2377 : vector<16xi32>
      %select_n3A_2379 = arith.select %lt3A_2375, %add3A_2378, %xor3A_24 : vector<16xi1>, vector<16xi32>
      %broadcast_in_dim3A_2380 = vector.shape_cast %select_n3A_2379 : vector<16xi32> to vector<16x1xi32>
      %gather3A_2381 = vector.shape_cast %broadcast_in_dim3A_2380 : vector<16x1xi32> to vector<16xi32>
      %gather3A_2382 = tpu.dynamic_gather %add3A_2192[%gather3A_2381] in [0] : vector<16xf32>, vector<16xi32> -> vector<16xf32>
      %mul3A_2383 = arith.mulf %select_n3A_55, %add3A_2192 : vector<16xf32>
      %add3A_2384 = arith.addf %mul3A_2383, %gather3A_2382 : vector<16xf32>
      %lt3A_2385 = arith.constant 0 : i32
      %lt3A_2386 = vector.broadcast %lt3A_2385 : i32 to vector<16xi32>
      %lt3A_2387 = arith.cmpi slt, %xor3A_24, %lt3A_2386 : vector<16xi32>
      %add3A_2388 = arith.constant 16 : i32
      %add3A_2389 = vector.broadcast %add3A_2388 : i32 to vector<16xi32>
      %add3A_2390 = arith.addi %xor3A_24, %add3A_2389 : vector<16xi32>
      %select_n3A_2391 = arith.select %lt3A_2387, %add3A_2390, %xor3A_24 : vector<16xi1>, vector<16xi32>
      %broadcast_in_dim3A_2392 = vector.shape_cast %select_n3A_2391 : vector<16xi32> to vector<16x1xi32>
      %gather3A_2393 = vector.shape_cast %broadcast_in_dim3A_2392 : vector<16x1xi32> to vector<16xi32>
      %gather3A_2394 = tpu.dynamic_gather %add3A_2204[%gather3A_2393] in [0] : vector<16xf32>, vector<16xi32> -> vector<16xf32>
      %mul3A_2395 = arith.mulf %select_n3A_55, %add3A_2204 : vector<16xf32>
      %add3A_2396 = arith.addf %mul3A_2395, %gather3A_2394 : vector<16xf32>
      %lt3A_2397 = arith.constant 0 : i32
      %lt3A_2398 = vector.broadcast %lt3A_2397 : i32 to vector<16xi32>
      %lt3A_2399 = arith.cmpi slt, %xor3A_24, %lt3A_2398 : vector<16xi32>
      %add3A_2400 = arith.constant 16 : i32
      %add3A_2401 = vector.broadcast %add3A_2400 : i32 to vector<16xi32>
      %add3A_2402 = arith.addi %xor3A_24, %add3A_2401 : vector<16xi32>
      %select_n3A_2403 = arith.select %lt3A_2399, %add3A_2402, %xor3A_24 : vector<16xi1>, vector<16xi32>
      %broadcast_in_dim3A_2404 = vector.shape_cast %select_n3A_2403 : vector<16xi32> to vector<16x1xi32>
      %gather3A_2405 = vector.shape_cast %broadcast_in_dim3A_2404 : vector<16x1xi32> to vector<16xi32>
      %gather3A_2406 = tpu.dynamic_gather %add3A_2216[%gather3A_2405] in [0] : vector<16xf32>, vector<16xi32> -> vector<16xf32>
      %mul3A_2407 = arith.mulf %select_n3A_55, %add3A_2216 : vector<16xf32>
      %add3A_2408 = arith.addf %mul3A_2407, %gather3A_2406 : vector<16xf32>
      %lt3A_2409 = arith.constant 0 : i32
      %lt3A_2410 = vector.broadcast %lt3A_2409 : i32 to vector<16xi32>
      %lt3A_2411 = arith.cmpi slt, %xor3A_24, %lt3A_2410 : vector<16xi32>
      %add3A_2412 = arith.constant 16 : i32
      %add3A_2413 = vector.broadcast %add3A_2412 : i32 to vector<16xi32>
      %add3A_2414 = arith.addi %xor3A_24, %add3A_2413 : vector<16xi32>
      %select_n3A_2415 = arith.select %lt3A_2411, %add3A_2414, %xor3A_24 : vector<16xi1>, vector<16xi32>
      %broadcast_in_dim3A_2416 = vector.shape_cast %select_n3A_2415 : vector<16xi32> to vector<16x1xi32>
      %gather3A_2417 = vector.shape_cast %broadcast_in_dim3A_2416 : vector<16x1xi32> to vector<16xi32>
      %gather3A_2418 = tpu.dynamic_gather %add3A_2228[%gather3A_2417] in [0] : vector<16xf32>, vector<16xi32> -> vector<16xf32>
      %mul3A_2419 = arith.mulf %select_n3A_55, %add3A_2228 : vector<16xf32>
      %add3A_2420 = arith.addf %mul3A_2419, %gather3A_2418 : vector<16xf32>
      %lt3A_2421 = arith.constant 0 : i32
      %lt3A_2422 = vector.broadcast %lt3A_2421 : i32 to vector<16xi32>
      %lt3A_2423 = arith.cmpi slt, %xor3A_24, %lt3A_2422 : vector<16xi32>
      %add3A_2424 = arith.constant 16 : i32
      %add3A_2425 = vector.broadcast %add3A_2424 : i32 to vector<16xi32>
      %add3A_2426 = arith.addi %xor3A_24, %add3A_2425 : vector<16xi32>
      %select_n3A_2427 = arith.select %lt3A_2423, %add3A_2426, %xor3A_24 : vector<16xi1>, vector<16xi32>
      %broadcast_in_dim3A_2428 = vector.shape_cast %select_n3A_2427 : vector<16xi32> to vector<16x1xi32>
      %gather3A_2429 = vector.shape_cast %broadcast_in_dim3A_2428 : vector<16x1xi32> to vector<16xi32>
      %gather3A_2430 = tpu.dynamic_gather %add3A_2240[%gather3A_2429] in [0] : vector<16xf32>, vector<16xi32> -> vector<16xf32>
      %mul3A_2431 = arith.mulf %select_n3A_55, %add3A_2240 : vector<16xf32>
      %add3A_2432 = arith.addf %mul3A_2431, %gather3A_2430 : vector<16xf32>
      %lt3A_2433 = arith.constant 0 : i32
      %lt3A_2434 = vector.broadcast %lt3A_2433 : i32 to vector<16xi32>
      %lt3A_2435 = arith.cmpi slt, %xor3A_24, %lt3A_2434 : vector<16xi32>
      %add3A_2436 = arith.constant 16 : i32
      %add3A_2437 = vector.broadcast %add3A_2436 : i32 to vector<16xi32>
      %add3A_2438 = arith.addi %xor3A_24, %add3A_2437 : vector<16xi32>
      %select_n3A_2439 = arith.select %lt3A_2435, %add3A_2438, %xor3A_24 : vector<16xi1>, vector<16xi32>
      %broadcast_in_dim3A_2440 = vector.shape_cast %select_n3A_2439 : vector<16xi32> to vector<16x1xi32>
      %gather3A_2441 = vector.shape_cast %broadcast_in_dim3A_2440 : vector<16x1xi32> to vector<16xi32>
      %gather3A_2442 = tpu.dynamic_gather %add3A_2252[%gather3A_2441] in [0] : vector<16xf32>, vector<16xi32> -> vector<16xf32>
      %mul3A_2443 = arith.mulf %select_n3A_55, %add3A_2252 : vector<16xf32>
      %add3A_2444 = arith.addf %mul3A_2443, %gather3A_2442 : vector<16xf32>
      %lt3A_2445 = arith.constant 0 : i32
      %lt3A_2446 = vector.broadcast %lt3A_2445 : i32 to vector<16xi32>
      %lt3A_2447 = arith.cmpi slt, %xor3A_24, %lt3A_2446 : vector<16xi32>
      %add3A_2448 = arith.constant 16 : i32
      %add3A_2449 = vector.broadcast %add3A_2448 : i32 to vector<16xi32>
      %add3A_2450 = arith.addi %xor3A_24, %add3A_2449 : vector<16xi32>
      %select_n3A_2451 = arith.select %lt3A_2447, %add3A_2450, %xor3A_24 : vector<16xi1>, vector<16xi32>
      %broadcast_in_dim3A_2452 = vector.shape_cast %select_n3A_2451 : vector<16xi32> to vector<16x1xi32>
      %gather3A_2453 = vector.shape_cast %broadcast_in_dim3A_2452 : vector<16x1xi32> to vector<16xi32>
      %gather3A_2454 = tpu.dynamic_gather %add3A_2264[%gather3A_2453] in [0] : vector<16xf32>, vector<16xi32> -> vector<16xf32>
      %mul3A_2455 = arith.mulf %select_n3A_55, %add3A_2264 : vector<16xf32>
      %add3A_2456 = arith.addf %mul3A_2455, %gather3A_2454 : vector<16xf32>
      %lt3A_2457 = arith.constant 0 : i32
      %lt3A_2458 = vector.broadcast %lt3A_2457 : i32 to vector<16xi32>
      %lt3A_2459 = arith.cmpi slt, %xor3A_24, %lt3A_2458 : vector<16xi32>
      %add3A_2460 = arith.constant 16 : i32
      %add3A_2461 = vector.broadcast %add3A_2460 : i32 to vector<16xi32>
      %add3A_2462 = arith.addi %xor3A_24, %add3A_2461 : vector<16xi32>
      %select_n3A_2463 = arith.select %lt3A_2459, %add3A_2462, %xor3A_24 : vector<16xi1>, vector<16xi32>
      %broadcast_in_dim3A_2464 = vector.shape_cast %select_n3A_2463 : vector<16xi32> to vector<16x1xi32>
      %gather3A_2465 = vector.shape_cast %broadcast_in_dim3A_2464 : vector<16x1xi32> to vector<16xi32>
      %gather3A_2466 = tpu.dynamic_gather %add3A_2276[%gather3A_2465] in [0] : vector<16xf32>, vector<16xi32> -> vector<16xf32>
      %mul3A_2467 = arith.mulf %select_n3A_55, %add3A_2276 : vector<16xf32>
      %add3A_2468 = arith.addf %mul3A_2467, %gather3A_2466 : vector<16xf32>
      %lt3A_2469 = arith.constant 0 : i32
      %lt3A_2470 = vector.broadcast %lt3A_2469 : i32 to vector<16xi32>
      %lt3A_2471 = arith.cmpi slt, %xor3A_24, %lt3A_2470 : vector<16xi32>
      %add3A_2472 = arith.constant 16 : i32
      %add3A_2473 = vector.broadcast %add3A_2472 : i32 to vector<16xi32>
      %add3A_2474 = arith.addi %xor3A_24, %add3A_2473 : vector<16xi32>
      %select_n3A_2475 = arith.select %lt3A_2471, %add3A_2474, %xor3A_24 : vector<16xi1>, vector<16xi32>
      %broadcast_in_dim3A_2476 = vector.shape_cast %select_n3A_2475 : vector<16xi32> to vector<16x1xi32>
      %gather3A_2477 = vector.shape_cast %broadcast_in_dim3A_2476 : vector<16x1xi32> to vector<16xi32>
      %gather3A_2478 = tpu.dynamic_gather %add3A_2288[%gather3A_2477] in [0] : vector<16xf32>, vector<16xi32> -> vector<16xf32>
      %mul3A_2479 = arith.mulf %select_n3A_55, %add3A_2288 : vector<16xf32>
      %add3A_2480 = arith.addf %mul3A_2479, %gather3A_2478 : vector<16xf32>
      %lt3A_2481 = arith.constant 0 : i32
      %lt3A_2482 = vector.broadcast %lt3A_2481 : i32 to vector<16xi32>
      %lt3A_2483 = arith.cmpi slt, %xor3A_24, %lt3A_2482 : vector<16xi32>
      %add3A_2484 = arith.constant 16 : i32
      %add3A_2485 = vector.broadcast %add3A_2484 : i32 to vector<16xi32>
      %add3A_2486 = arith.addi %xor3A_24, %add3A_2485 : vector<16xi32>
      %select_n3A_2487 = arith.select %lt3A_2483, %add3A_2486, %xor3A_24 : vector<16xi1>, vector<16xi32>
      %broadcast_in_dim3A_2488 = vector.shape_cast %select_n3A_2487 : vector<16xi32> to vector<16x1xi32>
      %gather3A_2489 = vector.shape_cast %broadcast_in_dim3A_2488 : vector<16x1xi32> to vector<16xi32>
      %gather3A_2490 = tpu.dynamic_gather %add3A_2300[%gather3A_2489] in [0] : vector<16xf32>, vector<16xi32> -> vector<16xf32>
      %mul3A_2491 = arith.mulf %select_n3A_55, %add3A_2300 : vector<16xf32>
      %add3A_2492 = arith.addf %mul3A_2491, %gather3A_2490 : vector<16xf32>
      %lt3A_2493 = arith.constant 0 : i32
      %lt3A_2494 = vector.broadcast %lt3A_2493 : i32 to vector<16xi32>
      %lt3A_2495 = arith.cmpi slt, %xor3A_24, %lt3A_2494 : vector<16xi32>
      %add3A_2496 = arith.constant 16 : i32
      %add3A_2497 = vector.broadcast %add3A_2496 : i32 to vector<16xi32>
      %add3A_2498 = arith.addi %xor3A_24, %add3A_2497 : vector<16xi32>
      %select_n3A_2499 = arith.select %lt3A_2495, %add3A_2498, %xor3A_24 : vector<16xi1>, vector<16xi32>
      %broadcast_in_dim3A_2500 = vector.shape_cast %select_n3A_2499 : vector<16xi32> to vector<16x1xi32>
      %gather3A_2501 = vector.shape_cast %broadcast_in_dim3A_2500 : vector<16x1xi32> to vector<16xi32>
      %gather3A_2502 = tpu.dynamic_gather %add3A_2312[%gather3A_2501] in [0] : vector<16xf32>, vector<16xi32> -> vector<16xf32>
      %mul3A_2503 = arith.mulf %select_n3A_55, %add3A_2312 : vector<16xf32>
      %add3A_2504 = arith.addf %mul3A_2503, %gather3A_2502 : vector<16xf32>
      %lt3A_2505 = arith.constant 0 : i32
      %lt3A_2506 = vector.broadcast %lt3A_2505 : i32 to vector<16xi32>
      %lt3A_2507 = arith.cmpi slt, %xor3A_24, %lt3A_2506 : vector<16xi32>
      %add3A_2508 = arith.constant 16 : i32
      %add3A_2509 = vector.broadcast %add3A_2508 : i32 to vector<16xi32>
      %add3A_2510 = arith.addi %xor3A_24, %add3A_2509 : vector<16xi32>
      %select_n3A_2511 = arith.select %lt3A_2507, %add3A_2510, %xor3A_24 : vector<16xi1>, vector<16xi32>
      %broadcast_in_dim3A_2512 = vector.shape_cast %select_n3A_2511 : vector<16xi32> to vector<16x1xi32>
      %gather3A_2513 = vector.shape_cast %broadcast_in_dim3A_2512 : vector<16x1xi32> to vector<16xi32>
      %gather3A_2514 = tpu.dynamic_gather %add3A_2324[%gather3A_2513] in [0] : vector<16xf32>, vector<16xi32> -> vector<16xf32>
      %mul3A_2515 = arith.mulf %select_n3A_55, %add3A_2324 : vector<16xf32>
      %add3A_2516 = arith.addf %mul3A_2515, %gather3A_2514 : vector<16xf32>
      %lt3A_2517 = arith.constant 0 : i32
      %lt3A_2518 = vector.broadcast %lt3A_2517 : i32 to vector<16xi32>
      %lt3A_2519 = arith.cmpi slt, %xor3A_24, %lt3A_2518 : vector<16xi32>
      %add3A_2520 = arith.constant 16 : i32
      %add3A_2521 = vector.broadcast %add3A_2520 : i32 to vector<16xi32>
      %add3A_2522 = arith.addi %xor3A_24, %add3A_2521 : vector<16xi32>
      %select_n3A_2523 = arith.select %lt3A_2519, %add3A_2522, %xor3A_24 : vector<16xi1>, vector<16xi32>
      %broadcast_in_dim3A_2524 = vector.shape_cast %select_n3A_2523 : vector<16xi32> to vector<16x1xi32>
      %gather3A_2525 = vector.shape_cast %broadcast_in_dim3A_2524 : vector<16x1xi32> to vector<16xi32>
      %gather3A_2526 = tpu.dynamic_gather %add3A_2336[%gather3A_2525] in [0] : vector<16xf32>, vector<16xi32> -> vector<16xf32>
      %mul3A_2527 = arith.mulf %select_n3A_55, %add3A_2336 : vector<16xf32>
      %add3A_2528 = arith.addf %mul3A_2527, %gather3A_2526 : vector<16xf32>
      %lt3A_2529 = arith.constant 0 : i32
      %lt3A_2530 = vector.broadcast %lt3A_2529 : i32 to vector<16xi32>
      %lt3A_2531 = arith.cmpi slt, %xor3A_24, %lt3A_2530 : vector<16xi32>
      %add3A_2532 = arith.constant 16 : i32
      %add3A_2533 = vector.broadcast %add3A_2532 : i32 to vector<16xi32>
      %add3A_2534 = arith.addi %xor3A_24, %add3A_2533 : vector<16xi32>
      %select_n3A_2535 = arith.select %lt3A_2531, %add3A_2534, %xor3A_24 : vector<16xi1>, vector<16xi32>
      %broadcast_in_dim3A_2536 = vector.shape_cast %select_n3A_2535 : vector<16xi32> to vector<16x1xi32>
      %gather3A_2537 = vector.shape_cast %broadcast_in_dim3A_2536 : vector<16x1xi32> to vector<16xi32>
      %gather3A_2538 = tpu.dynamic_gather %add3A_2348[%gather3A_2537] in [0] : vector<16xf32>, vector<16xi32> -> vector<16xf32>
      %mul3A_2539 = arith.mulf %select_n3A_55, %add3A_2348 : vector<16xf32>
      %add3A_2540 = arith.addf %mul3A_2539, %gather3A_2538 : vector<16xf32>
      %lt3A_2541 = arith.constant 0 : i32
      %lt3A_2542 = vector.broadcast %lt3A_2541 : i32 to vector<16xi32>
      %lt3A_2543 = arith.cmpi slt, %xor3A_24, %lt3A_2542 : vector<16xi32>
      %add3A_2544 = arith.constant 16 : i32
      %add3A_2545 = vector.broadcast %add3A_2544 : i32 to vector<16xi32>
      %add3A_2546 = arith.addi %xor3A_24, %add3A_2545 : vector<16xi32>
      %select_n3A_2547 = arith.select %lt3A_2543, %add3A_2546, %xor3A_24 : vector<16xi1>, vector<16xi32>
      %broadcast_in_dim3A_2548 = vector.shape_cast %select_n3A_2547 : vector<16xi32> to vector<16x1xi32>
      %gather3A_2549 = vector.shape_cast %broadcast_in_dim3A_2548 : vector<16x1xi32> to vector<16xi32>
      %gather3A_2550 = tpu.dynamic_gather %add3A_2360[%gather3A_2549] in [0] : vector<16xf32>, vector<16xi32> -> vector<16xf32>
      %mul3A_2551 = arith.mulf %select_n3A_55, %add3A_2360 : vector<16xf32>
      %add3A_2552 = arith.addf %mul3A_2551, %gather3A_2550 : vector<16xf32>
      %lt3A_2553 = arith.constant 0 : i32
      %lt3A_2554 = vector.broadcast %lt3A_2553 : i32 to vector<16xi32>
      %lt3A_2555 = arith.cmpi slt, %xor3A_24, %lt3A_2554 : vector<16xi32>
      %add3A_2556 = arith.constant 16 : i32
      %add3A_2557 = vector.broadcast %add3A_2556 : i32 to vector<16xi32>
      %add3A_2558 = arith.addi %xor3A_24, %add3A_2557 : vector<16xi32>
      %select_n3A_2559 = arith.select %lt3A_2555, %add3A_2558, %xor3A_24 : vector<16xi1>, vector<16xi32>
      %broadcast_in_dim3A_2560 = vector.shape_cast %select_n3A_2559 : vector<16xi32> to vector<16x1xi32>
      %gather3A_2561 = vector.shape_cast %broadcast_in_dim3A_2560 : vector<16x1xi32> to vector<16xi32>
      %gather3A_2562 = tpu.dynamic_gather %add3A_2372[%gather3A_2561] in [0] : vector<16xf32>, vector<16xi32> -> vector<16xf32>
      %mul3A_2563 = arith.mulf %select_n3A_55, %add3A_2372 : vector<16xf32>
      %add3A_2564 = arith.addf %mul3A_2563, %gather3A_2562 : vector<16xf32>
      %lt3A_2565 = arith.constant 0 : i32
      %lt3A_2566 = vector.broadcast %lt3A_2565 : i32 to vector<16xi32>
      %lt3A_2567 = arith.cmpi slt, %xor3A_27, %lt3A_2566 : vector<16xi32>
      %add3A_2568 = arith.constant 16 : i32
      %add3A_2569 = vector.broadcast %add3A_2568 : i32 to vector<16xi32>
      %add3A_2570 = arith.addi %xor3A_27, %add3A_2569 : vector<16xi32>
      %select_n3A_2571 = arith.select %lt3A_2567, %add3A_2570, %xor3A_27 : vector<16xi1>, vector<16xi32>
      %broadcast_in_dim3A_2572 = vector.shape_cast %select_n3A_2571 : vector<16xi32> to vector<16x1xi32>
      %gather3A_2573 = vector.shape_cast %broadcast_in_dim3A_2572 : vector<16x1xi32> to vector<16xi32>
      %gather3A_2574 = tpu.dynamic_gather %add3A_2384[%gather3A_2573] in [0] : vector<16xf32>, vector<16xi32> -> vector<16xf32>
      %mul3A_2575 = arith.mulf %select_n3A_66, %add3A_2384 : vector<16xf32>
      %add3A_2576 = arith.addf %mul3A_2575, %gather3A_2574 : vector<16xf32>
      %lt3A_2577 = arith.constant 0 : i32
      %lt3A_2578 = vector.broadcast %lt3A_2577 : i32 to vector<16xi32>
      %lt3A_2579 = arith.cmpi slt, %xor3A_27, %lt3A_2578 : vector<16xi32>
      %add3A_2580 = arith.constant 16 : i32
      %add3A_2581 = vector.broadcast %add3A_2580 : i32 to vector<16xi32>
      %add3A_2582 = arith.addi %xor3A_27, %add3A_2581 : vector<16xi32>
      %select_n3A_2583 = arith.select %lt3A_2579, %add3A_2582, %xor3A_27 : vector<16xi1>, vector<16xi32>
      %broadcast_in_dim3A_2584 = vector.shape_cast %select_n3A_2583 : vector<16xi32> to vector<16x1xi32>
      %gather3A_2585 = vector.shape_cast %broadcast_in_dim3A_2584 : vector<16x1xi32> to vector<16xi32>
      %gather3A_2586 = tpu.dynamic_gather %add3A_2396[%gather3A_2585] in [0] : vector<16xf32>, vector<16xi32> -> vector<16xf32>
      %mul3A_2587 = arith.mulf %select_n3A_66, %add3A_2396 : vector<16xf32>
      %add3A_2588 = arith.addf %mul3A_2587, %gather3A_2586 : vector<16xf32>
      %lt3A_2589 = arith.constant 0 : i32
      %lt3A_2590 = vector.broadcast %lt3A_2589 : i32 to vector<16xi32>
      %lt3A_2591 = arith.cmpi slt, %xor3A_27, %lt3A_2590 : vector<16xi32>
      %add3A_2592 = arith.constant 16 : i32
      %add3A_2593 = vector.broadcast %add3A_2592 : i32 to vector<16xi32>
      %add3A_2594 = arith.addi %xor3A_27, %add3A_2593 : vector<16xi32>
      %select_n3A_2595 = arith.select %lt3A_2591, %add3A_2594, %xor3A_27 : vector<16xi1>, vector<16xi32>
      %broadcast_in_dim3A_2596 = vector.shape_cast %select_n3A_2595 : vector<16xi32> to vector<16x1xi32>
      %gather3A_2597 = vector.shape_cast %broadcast_in_dim3A_2596 : vector<16x1xi32> to vector<16xi32>
      %gather3A_2598 = tpu.dynamic_gather %add3A_2408[%gather3A_2597] in [0] : vector<16xf32>, vector<16xi32> -> vector<16xf32>
      %mul3A_2599 = arith.mulf %select_n3A_66, %add3A_2408 : vector<16xf32>
      %add3A_2600 = arith.addf %mul3A_2599, %gather3A_2598 : vector<16xf32>
      %lt3A_2601 = arith.constant 0 : i32
      %lt3A_2602 = vector.broadcast %lt3A_2601 : i32 to vector<16xi32>
      %lt3A_2603 = arith.cmpi slt, %xor3A_27, %lt3A_2602 : vector<16xi32>
      %add3A_2604 = arith.constant 16 : i32
      %add3A_2605 = vector.broadcast %add3A_2604 : i32 to vector<16xi32>
      %add3A_2606 = arith.addi %xor3A_27, %add3A_2605 : vector<16xi32>
      %select_n3A_2607 = arith.select %lt3A_2603, %add3A_2606, %xor3A_27 : vector<16xi1>, vector<16xi32>
      %broadcast_in_dim3A_2608 = vector.shape_cast %select_n3A_2607 : vector<16xi32> to vector<16x1xi32>
      %gather3A_2609 = vector.shape_cast %broadcast_in_dim3A_2608 : vector<16x1xi32> to vector<16xi32>
      %gather3A_2610 = tpu.dynamic_gather %add3A_2420[%gather3A_2609] in [0] : vector<16xf32>, vector<16xi32> -> vector<16xf32>
      %mul3A_2611 = arith.mulf %select_n3A_66, %add3A_2420 : vector<16xf32>
      %add3A_2612 = arith.addf %mul3A_2611, %gather3A_2610 : vector<16xf32>
      %lt3A_2613 = arith.constant 0 : i32
      %lt3A_2614 = vector.broadcast %lt3A_2613 : i32 to vector<16xi32>
      %lt3A_2615 = arith.cmpi slt, %xor3A_27, %lt3A_2614 : vector<16xi32>
      %add3A_2616 = arith.constant 16 : i32
      %add3A_2617 = vector.broadcast %add3A_2616 : i32 to vector<16xi32>
      %add3A_2618 = arith.addi %xor3A_27, %add3A_2617 : vector<16xi32>
      %select_n3A_2619 = arith.select %lt3A_2615, %add3A_2618, %xor3A_27 : vector<16xi1>, vector<16xi32>
      %broadcast_in_dim3A_2620 = vector.shape_cast %select_n3A_2619 : vector<16xi32> to vector<16x1xi32>
      %gather3A_2621 = vector.shape_cast %broadcast_in_dim3A_2620 : vector<16x1xi32> to vector<16xi32>
      %gather3A_2622 = tpu.dynamic_gather %add3A_2432[%gather3A_2621] in [0] : vector<16xf32>, vector<16xi32> -> vector<16xf32>
      %mul3A_2623 = arith.mulf %select_n3A_66, %add3A_2432 : vector<16xf32>
      %add3A_2624 = arith.addf %mul3A_2623, %gather3A_2622 : vector<16xf32>
      %lt3A_2625 = arith.constant 0 : i32
      %lt3A_2626 = vector.broadcast %lt3A_2625 : i32 to vector<16xi32>
      %lt3A_2627 = arith.cmpi slt, %xor3A_27, %lt3A_2626 : vector<16xi32>
      %add3A_2628 = arith.constant 16 : i32
      %add3A_2629 = vector.broadcast %add3A_2628 : i32 to vector<16xi32>
      %add3A_2630 = arith.addi %xor3A_27, %add3A_2629 : vector<16xi32>
      %select_n3A_2631 = arith.select %lt3A_2627, %add3A_2630, %xor3A_27 : vector<16xi1>, vector<16xi32>
      %broadcast_in_dim3A_2632 = vector.shape_cast %select_n3A_2631 : vector<16xi32> to vector<16x1xi32>
      %gather3A_2633 = vector.shape_cast %broadcast_in_dim3A_2632 : vector<16x1xi32> to vector<16xi32>
      %gather3A_2634 = tpu.dynamic_gather %add3A_2444[%gather3A_2633] in [0] : vector<16xf32>, vector<16xi32> -> vector<16xf32>
      %mul3A_2635 = arith.mulf %select_n3A_66, %add3A_2444 : vector<16xf32>
      %add3A_2636 = arith.addf %mul3A_2635, %gather3A_2634 : vector<16xf32>
      %lt3A_2637 = arith.constant 0 : i32
      %lt3A_2638 = vector.broadcast %lt3A_2637 : i32 to vector<16xi32>
      %lt3A_2639 = arith.cmpi slt, %xor3A_27, %lt3A_2638 : vector<16xi32>
      %add3A_2640 = arith.constant 16 : i32
      %add3A_2641 = vector.broadcast %add3A_2640 : i32 to vector<16xi32>
      %add3A_2642 = arith.addi %xor3A_27, %add3A_2641 : vector<16xi32>
      %select_n3A_2643 = arith.select %lt3A_2639, %add3A_2642, %xor3A_27 : vector<16xi1>, vector<16xi32>
      %broadcast_in_dim3A_2644 = vector.shape_cast %select_n3A_2643 : vector<16xi32> to vector<16x1xi32>
      %gather3A_2645 = vector.shape_cast %broadcast_in_dim3A_2644 : vector<16x1xi32> to vector<16xi32>
      %gather3A_2646 = tpu.dynamic_gather %add3A_2456[%gather3A_2645] in [0] : vector<16xf32>, vector<16xi32> -> vector<16xf32>
      %mul3A_2647 = arith.mulf %select_n3A_66, %add3A_2456 : vector<16xf32>
      %add3A_2648 = arith.addf %mul3A_2647, %gather3A_2646 : vector<16xf32>
      %lt3A_2649 = arith.constant 0 : i32
      %lt3A_2650 = vector.broadcast %lt3A_2649 : i32 to vector<16xi32>
      %lt3A_2651 = arith.cmpi slt, %xor3A_27, %lt3A_2650 : vector<16xi32>
      %add3A_2652 = arith.constant 16 : i32
      %add3A_2653 = vector.broadcast %add3A_2652 : i32 to vector<16xi32>
      %add3A_2654 = arith.addi %xor3A_27, %add3A_2653 : vector<16xi32>
      %select_n3A_2655 = arith.select %lt3A_2651, %add3A_2654, %xor3A_27 : vector<16xi1>, vector<16xi32>
      %broadcast_in_dim3A_2656 = vector.shape_cast %select_n3A_2655 : vector<16xi32> to vector<16x1xi32>
      %gather3A_2657 = vector.shape_cast %broadcast_in_dim3A_2656 : vector<16x1xi32> to vector<16xi32>
      %gather3A_2658 = tpu.dynamic_gather %add3A_2468[%gather3A_2657] in [0] : vector<16xf32>, vector<16xi32> -> vector<16xf32>
      %mul3A_2659 = arith.mulf %select_n3A_66, %add3A_2468 : vector<16xf32>
      %add3A_2660 = arith.addf %mul3A_2659, %gather3A_2658 : vector<16xf32>
      %lt3A_2661 = arith.constant 0 : i32
      %lt3A_2662 = vector.broadcast %lt3A_2661 : i32 to vector<16xi32>
      %lt3A_2663 = arith.cmpi slt, %xor3A_27, %lt3A_2662 : vector<16xi32>
      %add3A_2664 = arith.constant 16 : i32
      %add3A_2665 = vector.broadcast %add3A_2664 : i32 to vector<16xi32>
      %add3A_2666 = arith.addi %xor3A_27, %add3A_2665 : vector<16xi32>
      %select_n3A_2667 = arith.select %lt3A_2663, %add3A_2666, %xor3A_27 : vector<16xi1>, vector<16xi32>
      %broadcast_in_dim3A_2668 = vector.shape_cast %select_n3A_2667 : vector<16xi32> to vector<16x1xi32>
      %gather3A_2669 = vector.shape_cast %broadcast_in_dim3A_2668 : vector<16x1xi32> to vector<16xi32>
      %gather3A_2670 = tpu.dynamic_gather %add3A_2480[%gather3A_2669] in [0] : vector<16xf32>, vector<16xi32> -> vector<16xf32>
      %mul3A_2671 = arith.mulf %select_n3A_66, %add3A_2480 : vector<16xf32>
      %add3A_2672 = arith.addf %mul3A_2671, %gather3A_2670 : vector<16xf32>
      %lt3A_2673 = arith.constant 0 : i32
      %lt3A_2674 = vector.broadcast %lt3A_2673 : i32 to vector<16xi32>
      %lt3A_2675 = arith.cmpi slt, %xor3A_27, %lt3A_2674 : vector<16xi32>
      %add3A_2676 = arith.constant 16 : i32
      %add3A_2677 = vector.broadcast %add3A_2676 : i32 to vector<16xi32>
      %add3A_2678 = arith.addi %xor3A_27, %add3A_2677 : vector<16xi32>
      %select_n3A_2679 = arith.select %lt3A_2675, %add3A_2678, %xor3A_27 : vector<16xi1>, vector<16xi32>
      %broadcast_in_dim3A_2680 = vector.shape_cast %select_n3A_2679 : vector<16xi32> to vector<16x1xi32>
      %gather3A_2681 = vector.shape_cast %broadcast_in_dim3A_2680 : vector<16x1xi32> to vector<16xi32>
      %gather3A_2682 = tpu.dynamic_gather %add3A_2492[%gather3A_2681] in [0] : vector<16xf32>, vector<16xi32> -> vector<16xf32>
      %mul3A_2683 = arith.mulf %select_n3A_66, %add3A_2492 : vector<16xf32>
      %add3A_2684 = arith.addf %mul3A_2683, %gather3A_2682 : vector<16xf32>
      %lt3A_2685 = arith.constant 0 : i32
      %lt3A_2686 = vector.broadcast %lt3A_2685 : i32 to vector<16xi32>
      %lt3A_2687 = arith.cmpi slt, %xor3A_27, %lt3A_2686 : vector<16xi32>
      %add3A_2688 = arith.constant 16 : i32
      %add3A_2689 = vector.broadcast %add3A_2688 : i32 to vector<16xi32>
      %add3A_2690 = arith.addi %xor3A_27, %add3A_2689 : vector<16xi32>
      %select_n3A_2691 = arith.select %lt3A_2687, %add3A_2690, %xor3A_27 : vector<16xi1>, vector<16xi32>
      %broadcast_in_dim3A_2692 = vector.shape_cast %select_n3A_2691 : vector<16xi32> to vector<16x1xi32>
      %gather3A_2693 = vector.shape_cast %broadcast_in_dim3A_2692 : vector<16x1xi32> to vector<16xi32>
      %gather3A_2694 = tpu.dynamic_gather %add3A_2504[%gather3A_2693] in [0] : vector<16xf32>, vector<16xi32> -> vector<16xf32>
      %mul3A_2695 = arith.mulf %select_n3A_66, %add3A_2504 : vector<16xf32>
      %add3A_2696 = arith.addf %mul3A_2695, %gather3A_2694 : vector<16xf32>
      %lt3A_2697 = arith.constant 0 : i32
      %lt3A_2698 = vector.broadcast %lt3A_2697 : i32 to vector<16xi32>
      %lt3A_2699 = arith.cmpi slt, %xor3A_27, %lt3A_2698 : vector<16xi32>
      %add3A_2700 = arith.constant 16 : i32
      %add3A_2701 = vector.broadcast %add3A_2700 : i32 to vector<16xi32>
      %add3A_2702 = arith.addi %xor3A_27, %add3A_2701 : vector<16xi32>
      %select_n3A_2703 = arith.select %lt3A_2699, %add3A_2702, %xor3A_27 : vector<16xi1>, vector<16xi32>
      %broadcast_in_dim3A_2704 = vector.shape_cast %select_n3A_2703 : vector<16xi32> to vector<16x1xi32>
      %gather3A_2705 = vector.shape_cast %broadcast_in_dim3A_2704 : vector<16x1xi32> to vector<16xi32>
      %gather3A_2706 = tpu.dynamic_gather %add3A_2516[%gather3A_2705] in [0] : vector<16xf32>, vector<16xi32> -> vector<16xf32>
      %mul3A_2707 = arith.mulf %select_n3A_66, %add3A_2516 : vector<16xf32>
      %add3A_2708 = arith.addf %mul3A_2707, %gather3A_2706 : vector<16xf32>
      %lt3A_2709 = arith.constant 0 : i32
      %lt3A_2710 = vector.broadcast %lt3A_2709 : i32 to vector<16xi32>
      %lt3A_2711 = arith.cmpi slt, %xor3A_27, %lt3A_2710 : vector<16xi32>
      %add3A_2712 = arith.constant 16 : i32
      %add3A_2713 = vector.broadcast %add3A_2712 : i32 to vector<16xi32>
      %add3A_2714 = arith.addi %xor3A_27, %add3A_2713 : vector<16xi32>
      %select_n3A_2715 = arith.select %lt3A_2711, %add3A_2714, %xor3A_27 : vector<16xi1>, vector<16xi32>
      %broadcast_in_dim3A_2716 = vector.shape_cast %select_n3A_2715 : vector<16xi32> to vector<16x1xi32>
      %gather3A_2717 = vector.shape_cast %broadcast_in_dim3A_2716 : vector<16x1xi32> to vector<16xi32>
      %gather3A_2718 = tpu.dynamic_gather %add3A_2528[%gather3A_2717] in [0] : vector<16xf32>, vector<16xi32> -> vector<16xf32>
      %mul3A_2719 = arith.mulf %select_n3A_66, %add3A_2528 : vector<16xf32>
      %add3A_2720 = arith.addf %mul3A_2719, %gather3A_2718 : vector<16xf32>
      %lt3A_2721 = arith.constant 0 : i32
      %lt3A_2722 = vector.broadcast %lt3A_2721 : i32 to vector<16xi32>
      %lt3A_2723 = arith.cmpi slt, %xor3A_27, %lt3A_2722 : vector<16xi32>
      %add3A_2724 = arith.constant 16 : i32
      %add3A_2725 = vector.broadcast %add3A_2724 : i32 to vector<16xi32>
      %add3A_2726 = arith.addi %xor3A_27, %add3A_2725 : vector<16xi32>
      %select_n3A_2727 = arith.select %lt3A_2723, %add3A_2726, %xor3A_27 : vector<16xi1>, vector<16xi32>
      %broadcast_in_dim3A_2728 = vector.shape_cast %select_n3A_2727 : vector<16xi32> to vector<16x1xi32>
      %gather3A_2729 = vector.shape_cast %broadcast_in_dim3A_2728 : vector<16x1xi32> to vector<16xi32>
      %gather3A_2730 = tpu.dynamic_gather %add3A_2540[%gather3A_2729] in [0] : vector<16xf32>, vector<16xi32> -> vector<16xf32>
      %mul3A_2731 = arith.mulf %select_n3A_66, %add3A_2540 : vector<16xf32>
      %add3A_2732 = arith.addf %mul3A_2731, %gather3A_2730 : vector<16xf32>
      %lt3A_2733 = arith.constant 0 : i32
      %lt3A_2734 = vector.broadcast %lt3A_2733 : i32 to vector<16xi32>
      %lt3A_2735 = arith.cmpi slt, %xor3A_27, %lt3A_2734 : vector<16xi32>
      %add3A_2736 = arith.constant 16 : i32
      %add3A_2737 = vector.broadcast %add3A_2736 : i32 to vector<16xi32>
      %add3A_2738 = arith.addi %xor3A_27, %add3A_2737 : vector<16xi32>
      %select_n3A_2739 = arith.select %lt3A_2735, %add3A_2738, %xor3A_27 : vector<16xi1>, vector<16xi32>
      %broadcast_in_dim3A_2740 = vector.shape_cast %select_n3A_2739 : vector<16xi32> to vector<16x1xi32>
      %gather3A_2741 = vector.shape_cast %broadcast_in_dim3A_2740 : vector<16x1xi32> to vector<16xi32>
      %gather3A_2742 = tpu.dynamic_gather %add3A_2552[%gather3A_2741] in [0] : vector<16xf32>, vector<16xi32> -> vector<16xf32>
      %mul3A_2743 = arith.mulf %select_n3A_66, %add3A_2552 : vector<16xf32>
      %add3A_2744 = arith.addf %mul3A_2743, %gather3A_2742 : vector<16xf32>
      %lt3A_2745 = arith.constant 0 : i32
      %lt3A_2746 = vector.broadcast %lt3A_2745 : i32 to vector<16xi32>
      %lt3A_2747 = arith.cmpi slt, %xor3A_27, %lt3A_2746 : vector<16xi32>
      %add3A_2748 = arith.constant 16 : i32
      %add3A_2749 = vector.broadcast %add3A_2748 : i32 to vector<16xi32>
      %add3A_2750 = arith.addi %xor3A_27, %add3A_2749 : vector<16xi32>
      %select_n3A_2751 = arith.select %lt3A_2747, %add3A_2750, %xor3A_27 : vector<16xi1>, vector<16xi32>
      %broadcast_in_dim3A_2752 = vector.shape_cast %select_n3A_2751 : vector<16xi32> to vector<16x1xi32>
      %gather3A_2753 = vector.shape_cast %broadcast_in_dim3A_2752 : vector<16x1xi32> to vector<16xi32>
      %gather3A_2754 = tpu.dynamic_gather %add3A_2564[%gather3A_2753] in [0] : vector<16xf32>, vector<16xi32> -> vector<16xf32>
      %mul3A_2755 = arith.mulf %select_n3A_66, %add3A_2564 : vector<16xf32>
      %add3A_2756 = arith.addf %mul3A_2755, %gather3A_2754 : vector<16xf32>
      %swap3A = arith.index_cast %scan3A_72 : i32 to index
      %swap3A_2757 = arith.constant 0 : index
      %swap3A_2758 = tpu.vector_load %arg7[%swap3A, %swap3A_2757] {strides = array<i32>} : memref<4x256xf32, #tpu.memory_space<vmem>>, vector<1x16xf32>,
      %swap3A_2759 = vector.shape_cast %swap3A_2758 : vector<1x16xf32> to vector<16xf32>
      %swap3A_2760 = vector.shape_cast %add3A_2576 : vector<16xf32> to vector<1x16xf32>
      tpu.vector_store %arg7[%swap3A, %swap3A_2757], %swap3A_2760 {strides = array<i32>} : memref<4x256xf32, #tpu.memory_space<vmem>>, vector<1x16xf32>,
      %swap3A_2761 = arith.index_cast %scan3A_72 : i32 to index
      %swap3A_2762 = arith.constant 16 : index
      %swap3A_2763 = tpu.vector_load %arg7[%swap3A_2761, %swap3A_2762] {strides = array<i32>} : memref<4x256xf32, #tpu.memory_space<vmem>>, vector<1x16xf32>,
      %swap3A_2764 = vector.shape_cast %swap3A_2763 : vector<1x16xf32> to vector<16xf32>
      %swap3A_2765 = vector.shape_cast %add3A_2588 : vector<16xf32> to vector<1x16xf32>
      tpu.vector_store %arg7[%swap3A_2761, %swap3A_2762], %swap3A_2765 {strides = array<i32>} : memref<4x256xf32, #tpu.memory_space<vmem>>, vector<1x16xf32>,
      %swap3A_2766 = arith.index_cast %scan3A_72 : i32 to index
      %swap3A_2767 = arith.constant 32 : index
      %swap3A_2768 = tpu.vector_load %arg7[%swap3A_2766, %swap3A_2767] {strides = array<i32>} : memref<4x256xf32, #tpu.memory_space<vmem>>, vector<1x16xf32>,
      %swap3A_2769 = vector.shape_cast %swap3A_2768 : vector<1x16xf32> to vector<16xf32>
      %swap3A_2770 = vector.shape_cast %add3A_2600 : vector<16xf32> to vector<1x16xf32>
      tpu.vector_store %arg7[%swap3A_2766, %swap3A_2767], %swap3A_2770 {strides = array<i32>} : memref<4x256xf32, #tpu.memory_space<vmem>>, vector<1x16xf32>,
      %swap3A_2771 = arith.index_cast %scan3A_72 : i32 to index
      %swap3A_2772 = arith.constant 48 : index
      %swap3A_2773 = tpu.vector_load %arg7[%swap3A_2771, %swap3A_2772] {strides = array<i32>} : memref<4x256xf32, #tpu.memory_space<vmem>>, vector<1x16xf32>,
      %swap3A_2774 = vector.shape_cast %swap3A_2773 : vector<1x16xf32> to vector<16xf32>
      %swap3A_2775 = vector.shape_cast %add3A_2612 : vector<16xf32> to vector<1x16xf32>
      tpu.vector_store %arg7[%swap3A_2771, %swap3A_2772], %swap3A_2775 {strides = array<i32>} : memref<4x256xf32, #tpu.memory_space<vmem>>, vector<1x16xf32>,
      %swap3A_2776 = arith.index_cast %scan3A_72 : i32 to index
      %swap3A_2777 = arith.constant 64 : index
      %swap3A_2778 = tpu.vector_load %arg7[%swap3A_2776, %swap3A_2777] {strides = array<i32>} : memref<4x256xf32, #tpu.memory_space<vmem>>, vector<1x16xf32>,
      %swap3A_2779 = vector.shape_cast %swap3A_2778 : vector<1x16xf32> to vector<16xf32>
      %swap3A_2780 = vector.shape_cast %add3A_2624 : vector<16xf32> to vector<1x16xf32>
      tpu.vector_store %arg7[%swap3A_2776, %swap3A_2777], %swap3A_2780 {strides = array<i32>} : memref<4x256xf32, #tpu.memory_space<vmem>>, vector<1x16xf32>,
      %swap3A_2781 = arith.index_cast %scan3A_72 : i32 to index
      %swap3A_2782 = arith.constant 80 : index
      %swap3A_2783 = tpu.vector_load %arg7[%swap3A_2781, %swap3A_2782] {strides = array<i32>} : memref<4x256xf32, #tpu.memory_space<vmem>>, vector<1x16xf32>,
      %swap3A_2784 = vector.shape_cast %swap3A_2783 : vector<1x16xf32> to vector<16xf32>
      %swap3A_2785 = vector.shape_cast %add3A_2636 : vector<16xf32> to vector<1x16xf32>
      tpu.vector_store %arg7[%swap3A_2781, %swap3A_2782], %swap3A_2785 {strides = array<i32>} : memref<4x256xf32, #tpu.memory_space<vmem>>, vector<1x16xf32>,
      %swap3A_2786 = arith.index_cast %scan3A_72 : i32 to index
      %swap3A_2787 = arith.constant 96 : index
      %swap3A_2788 = tpu.vector_load %arg7[%swap3A_2786, %swap3A_2787] {strides = array<i32>} : memref<4x256xf32, #tpu.memory_space<vmem>>, vector<1x16xf32>,
      %swap3A_2789 = vector.shape_cast %swap3A_2788 : vector<1x16xf32> to vector<16xf32>
      %swap3A_2790 = vector.shape_cast %add3A_2648 : vector<16xf32> to vector<1x16xf32>
      tpu.vector_store %arg7[%swap3A_2786, %swap3A_2787], %swap3A_2790 {strides = array<i32>} : memref<4x256xf32, #tpu.memory_space<vmem>>, vector<1x16xf32>,
      %swap3A_2791 = arith.index_cast %scan3A_72 : i32 to index
      %swap3A_2792 = arith.constant 112 : index
      %swap3A_2793 = tpu.vector_load %arg7[%swap3A_2791, %swap3A_2792] {strides = array<i32>} : memref<4x256xf32, #tpu.memory_space<vmem>>, vector<1x16xf32>,
      %swap3A_2794 = vector.shape_cast %swap3A_2793 : vector<1x16xf32> to vector<16xf32>
      %swap3A_2795 = vector.shape_cast %add3A_2660 : vector<16xf32> to vector<1x16xf32>
      tpu.vector_store %arg7[%swap3A_2791, %swap3A_2792], %swap3A_2795 {strides = array<i32>} : memref<4x256xf32, #tpu.memory_space<vmem>>, vector<1x16xf32>,
      %swap3A_2796 = arith.index_cast %scan3A_72 : i32 to index
      %swap3A_2797 = arith.constant 128 : index
      %swap3A_2798 = tpu.vector_load %arg7[%swap3A_2796, %swap3A_2797] {strides = array<i32>} : memref<4x256xf32, #tpu.memory_space<vmem>>, vector<1x16xf32>,
      %swap3A_2799 = vector.shape_cast %swap3A_2798 : vector<1x16xf32> to vector<16xf32>
      %swap3A_2800 = vector.shape_cast %add3A_2672 : vector<16xf32> to vector<1x16xf32>
      tpu.vector_store %arg7[%swap3A_2796, %swap3A_2797], %swap3A_2800 {strides = array<i32>} : memref<4x256xf32, #tpu.memory_space<vmem>>, vector<1x16xf32>,
      %swap3A_2801 = arith.index_cast %scan3A_72 : i32 to index
      %swap3A_2802 = arith.constant 144 : index
      %swap3A_2803 = tpu.vector_load %arg7[%swap3A_2801, %swap3A_2802] {strides = array<i32>} : memref<4x256xf32, #tpu.memory_space<vmem>>, vector<1x16xf32>,
      %swap3A_2804 = vector.shape_cast %swap3A_2803 : vector<1x16xf32> to vector<16xf32>
      %swap3A_2805 = vector.shape_cast %add3A_2684 : vector<16xf32> to vector<1x16xf32>
      tpu.vector_store %arg7[%swap3A_2801, %swap3A_2802], %swap3A_2805 {strides = array<i32>} : memref<4x256xf32, #tpu.memory_space<vmem>>, vector<1x16xf32>,
      %swap3A_2806 = arith.index_cast %scan3A_72 : i32 to index
      %swap3A_2807 = arith.constant 160 : index
      %swap3A_2808 = tpu.vector_load %arg7[%swap3A_2806, %swap3A_2807] {strides = array<i32>} : memref<4x256xf32, #tpu.memory_space<vmem>>, vector<1x16xf32>,
      %swap3A_2809 = vector.shape_cast %swap3A_2808 : vector<1x16xf32> to vector<16xf32>
      %swap3A_2810 = vector.shape_cast %add3A_2696 : vector<16xf32> to vector<1x16xf32>
      tpu.vector_store %arg7[%swap3A_2806, %swap3A_2807], %swap3A_2810 {strides = array<i32>} : memref<4x256xf32, #tpu.memory_space<vmem>>, vector<1x16xf32>,
      %swap3A_2811 = arith.index_cast %scan3A_72 : i32 to index
      %swap3A_2812 = arith.constant 176 : index
      %swap3A_2813 = tpu.vector_load %arg7[%swap3A_2811, %swap3A_2812] {strides = array<i32>} : memref<4x256xf32, #tpu.memory_space<vmem>>, vector<1x16xf32>,
      %swap3A_2814 = vector.shape_cast %swap3A_2813 : vector<1x16xf32> to vector<16xf32>
      %swap3A_2815 = vector.shape_cast %add3A_2708 : vector<16xf32> to vector<1x16xf32>
      tpu.vector_store %arg7[%swap3A_2811, %swap3A_2812], %swap3A_2815 {strides = array<i32>} : memref<4x256xf32, #tpu.memory_space<vmem>>, vector<1x16xf32>,
      %swap3A_2816 = arith.index_cast %scan3A_72 : i32 to index
      %swap3A_2817 = arith.constant 192 : index
      %swap3A_2818 = tpu.vector_load %arg7[%swap3A_2816, %swap3A_2817] {strides = array<i32>} : memref<4x256xf32, #tpu.memory_space<vmem>>, vector<1x16xf32>,
      %swap3A_2819 = vector.shape_cast %swap3A_2818 : vector<1x16xf32> to vector<16xf32>
      %swap3A_2820 = vector.shape_cast %add3A_2720 : vector<16xf32> to vector<1x16xf32>
      tpu.vector_store %arg7[%swap3A_2816, %swap3A_2817], %swap3A_2820 {strides = array<i32>} : memref<4x256xf32, #tpu.memory_space<vmem>>, vector<1x16xf32>,
      %swap3A_2821 = arith.index_cast %scan3A_72 : i32 to index
      %swap3A_2822 = arith.constant 208 : index
      %swap3A_2823 = tpu.vector_load %arg7[%swap3A_2821, %swap3A_2822] {strides = array<i32>} : memref<4x256xf32, #tpu.memory_space<vmem>>, vector<1x16xf32>,
      %swap3A_2824 = vector.shape_cast %swap3A_2823 : vector<1x16xf32> to vector<16xf32>
      %swap3A_2825 = vector.shape_cast %add3A_2732 : vector<16xf32> to vector<1x16xf32>
      tpu.vector_store %arg7[%swap3A_2821, %swap3A_2822], %swap3A_2825 {strides = array<i32>} : memref<4x256xf32, #tpu.memory_space<vmem>>, vector<1x16xf32>,
      %swap3A_2826 = arith.index_cast %scan3A_72 : i32 to index
      %swap3A_2827 = arith.constant 224 : index
      %swap3A_2828 = tpu.vector_load %arg7[%swap3A_2826, %swap3A_2827] {strides = array<i32>} : memref<4x256xf32, #tpu.memory_space<vmem>>, vector<1x16xf32>,
      %swap3A_2829 = vector.shape_cast %swap3A_2828 : vector<1x16xf32> to vector<16xf32>
      %swap3A_2830 = vector.shape_cast %add3A_2744 : vector<16xf32> to vector<1x16xf32>
      tpu.vector_store %arg7[%swap3A_2826, %swap3A_2827], %swap3A_2830 {strides = array<i32>} : memref<4x256xf32, #tpu.memory_space<vmem>>, vector<1x16xf32>,
      %swap3A_2831 = arith.index_cast %scan3A_72 : i32 to index
      %swap3A_2832 = arith.constant 240 : index
      %swap3A_2833 = tpu.vector_load %arg7[%swap3A_2831, %swap3A_2832] {strides = array<i32>} : memref<4x256xf32, #tpu.memory_space<vmem>>, vector<1x16xf32>,
      %swap3A_2834 = vector.shape_cast %swap3A_2833 : vector<1x16xf32> to vector<16xf32>
      %swap3A_2835 = vector.shape_cast %add3A_2756 : vector<16xf32> to vector<1x16xf32>
      tpu.vector_store %arg7[%swap3A_2831, %swap3A_2832], %swap3A_2835 {strides = array<i32>} : memref<4x256xf32, #tpu.memory_space<vmem>>, vector<1x16xf32>,
    }
    %scan3A_71 = arith.constant 4 : i32
    "tpu.region"() ({
      %run_scoped3A = tpu.sem_alloc : memref<!tpu.dma_semaphore, #tpu.memory_space<semaphore_mem>>
      %dma_start3A_72 = arith.constant 0 : i32
      %dma_start3A_73 = tpu.memref_slice %arg4[%mul3A_2, %dma_start3A_72] : memref<128x256xf32, #tpu.memory_space<hbm>> -> memref<4x256xf32, #tpu.memory_space<hbm>>
      %dma_start3A_74 = arith.constant 0 : i32
      %dma_start3A_75 = tpu.memref_slice %arg4[%mul3A_2, %dma_start3A_74] : memref<128x256xf32, #tpu.memory_space<hbm>> -> memref<4x256xf32, #tpu.memory_space<hbm>>
      tpu.enqueue_dma source(%arg7 : memref<4x256xf32, #tpu.memory_space<vmem>>) target(%dma_start3A_75 : memref<4x256xf32, #tpu.memory_space<hbm>>) target_semaphore(%run_scoped3A : memref<!tpu.dma_semaphore, #tpu.memory_space<semaphore_mem>>)
      %dma_wait3A_76 = arith.constant 0 : i32
      %dma_wait3A_77 = tpu.memref_slice %arg4[%mul3A_2, %dma_wait3A_76] : memref<128x256xf32, #tpu.memory_space<hbm>> -> memref<4x256xf32, #tpu.memory_space<hbm>>
      %dma_wait3A_78 = arith.constant 0 : i32
      %dma_wait3A_79 = tpu.memref_slice %arg4[%mul3A_2, %dma_wait3A_78] : memref<128x256xf32, #tpu.memory_space<hbm>> -> memref<4x256xf32, #tpu.memory_space<hbm>>
      tpu.wait_dma2 semaphore(%run_scoped3A : memref<!tpu.dma_semaphore, #tpu.memory_space<semaphore_mem>>) src(%arg7 : memref<4x256xf32, #tpu.memory_space<vmem>>) dst(%dma_wait3A_79 : memref<4x256xf32, #tpu.memory_space<hbm>>)
      tpu.yield
    }) : () -> ()
    return
  }
}

module attributes {stable_mosaic.version = 14 : i64} {
  func.func @_tc_body(%arg0: memref<1024x256xf32, #tpu.memory_space<vmem>>, %arg1: memref<1024x256xf32, #tpu.memory_space<vmem>>, %arg2: memref<256x256xf32, #tpu.memory_space<vmem>>, %arg3: memref<1024x256xf32, #tpu.memory_space<vmem>>) attributes {dimension_semantics = [], scalar_prefetch = 0 : i64, scratch_operands = 0 : i64, tpu.core_type = #tpu.core_type<tc>} {
    %get3A = arith.constant 0 : index
    %get3A_0 = arith.constant 0 : index
    %get3A_1 = vector.load %arg2[%get3A, %get3A_0] : memref<256x256xf32, #tpu.memory_space<vmem>>, vector<256x256xf32>
    %convert_element_type3A = arith.truncf %get3A_1 : vector<256x256xf32> to vector<256x256xbf16>
    %get3A_2 = arith.constant 0 : index
    %get3A_3 = arith.constant 0 : index
    %get3A_4 = vector.load %arg0[%get3A_2, %get3A_3] : memref<1024x256xf32, #tpu.memory_space<vmem>>, vector<1024x256xf32>
    %convert_element_type3A_5 = arith.truncf %get3A_4 : vector<1024x256xf32> to vector<1024x256xbf16>
    %convert_element_type3A_6 = arith.extf %convert_element_type3A_5 : vector<1024x256xbf16> to vector<1024x256xf32>
    %sub3A = arith.subf %get3A_4, %convert_element_type3A_6 : vector<1024x256xf32>
    %convert_element_type3A_7 = arith.truncf %sub3A : vector<1024x256xf32> to vector<1024x256xbf16>
    %dot_general3A = arith.constant dense<0.000000e+00> : vector<1024x256xf32>
    %dot_general3A_8 = tpu.matmul %convert_element_type3A_5, %convert_element_type3A, %dot_general3A {dimension_numbers = #tpu.dot_dimension_numbers<[1], [0], [0], [1], [0, 0, 1, 1], [], []>, transpose_lhs_hint = false} : vector<1024x256xbf16>, vector<256x256xbf16>, vector<1024x256xf32> -> vector<1024x256xf32>
    %dot_general3A_9 = arith.constant dense<0.000000e+00> : vector<1024x256xf32>
    %dot_general3A_10 = tpu.matmul %convert_element_type3A_7, %convert_element_type3A, %dot_general3A_9 {dimension_numbers = #tpu.dot_dimension_numbers<[1], [0], [0], [1], [0, 0, 1, 1], [], []>, transpose_lhs_hint = false} : vector<1024x256xbf16>, vector<256x256xbf16>, vector<1024x256xf32> -> vector<1024x256xf32>
    %add3A = arith.addf %dot_general3A_8, %dot_general3A_10 : vector<1024x256xf32>
    %get3A_11 = arith.constant 0 : index
    %get3A_12 = arith.constant 0 : index
    %get3A_13 = vector.load %arg1[%get3A_11, %get3A_12] : memref<1024x256xf32, #tpu.memory_space<vmem>>, vector<1024x256xf32>
    %convert_element_type3A_14 = arith.truncf %get3A_13 : vector<1024x256xf32> to vector<1024x256xbf16>
    %convert_element_type3A_15 = arith.extf %convert_element_type3A_14 : vector<1024x256xbf16> to vector<1024x256xf32>
    %sub3A_16 = arith.subf %get3A_13, %convert_element_type3A_15 : vector<1024x256xf32>
    %convert_element_type3A_17 = arith.truncf %sub3A_16 : vector<1024x256xf32> to vector<1024x256xbf16>
    %dot_general3A_18 = arith.constant dense<0.000000e+00> : vector<1024x256xf32>
    %dot_general3A_19 = tpu.matmul %convert_element_type3A_14, %convert_element_type3A, %dot_general3A_18 {dimension_numbers = #tpu.dot_dimension_numbers<[1], [0], [0], [1], [0, 0, 1, 1], [], []>, transpose_lhs_hint = false} : vector<1024x256xbf16>, vector<256x256xbf16>, vector<1024x256xf32> -> vector<1024x256xf32>
    %dot_general3A_20 = arith.constant dense<0.000000e+00> : vector<1024x256xf32>
    %dot_general3A_21 = tpu.matmul %convert_element_type3A_17, %convert_element_type3A, %dot_general3A_20 {dimension_numbers = #tpu.dot_dimension_numbers<[1], [0], [0], [1], [0, 0, 1, 1], [], []>, transpose_lhs_hint = false} : vector<1024x256xbf16>, vector<256x256xbf16>, vector<1024x256xf32> -> vector<1024x256xf32>
    %add3A_22 = arith.addf %dot_general3A_19, %dot_general3A_21 : vector<1024x256xf32>
    %mul3A = arith.mulf %add3A, %add3A_22 : vector<1024x256xf32>
    %mul3A_23 = arith.constant 3.906250e-03 : f32
    %mul3A_24 = vector.broadcast %mul3A_23 : f32 to vector<1024x256xf32>
    %mul3A_25 = arith.mulf %mul3A, %mul3A_24 : vector<1024x256xf32>
    %convert_element_type3A_26 = arith.truncf %mul3A_25 : vector<1024x256xf32> to vector<1024x256xbf16>
    %convert_element_type3A_27 = arith.extf %convert_element_type3A_26 : vector<1024x256xbf16> to vector<1024x256xf32>
    %sub3A_28 = arith.subf %mul3A_25, %convert_element_type3A_27 : vector<1024x256xf32>
    %convert_element_type3A_29 = arith.truncf %sub3A_28 : vector<1024x256xf32> to vector<1024x256xbf16>
    %dot_general3A_30 = arith.constant dense<0.000000e+00> : vector<1024x256xf32>
    %dot_general3A_31 = tpu.matmul %convert_element_type3A_26, %convert_element_type3A, %dot_general3A_30 {dimension_numbers = #tpu.dot_dimension_numbers<[1], [0], [0], [1], [0, 0, 1, 1], [], []>, transpose_lhs_hint = false} : vector<1024x256xbf16>, vector<256x256xbf16>, vector<1024x256xf32> -> vector<1024x256xf32>
    %dot_general3A_32 = arith.constant dense<0.000000e+00> : vector<1024x256xf32>
    %dot_general3A_33 = tpu.matmul %convert_element_type3A_29, %convert_element_type3A, %dot_general3A_32 {dimension_numbers = #tpu.dot_dimension_numbers<[1], [0], [0], [1], [0, 0, 1, 1], [], []>, transpose_lhs_hint = false} : vector<1024x256xbf16>, vector<256x256xbf16>, vector<1024x256xf32> -> vector<1024x256xf32>
    %add3A_34 = arith.addf %dot_general3A_31, %dot_general3A_33 : vector<1024x256xf32>
    %swap3A = arith.constant 0 : index
    %swap3A_35 = arith.constant 0 : index
    %swap3A_36 = vector.load %arg3[%swap3A, %swap3A_35] : memref<1024x256xf32, #tpu.memory_space<vmem>>, vector<1024x256xf32>
    tpu.vector_store %arg3[%swap3A, %swap3A_35], %add3A_34 {strides = array<i32>} : memref<1024x256xf32, #tpu.memory_space<vmem>>, vector<1024x256xf32>,
    return
  }
}

</mosaic_0001>

<sc_bundles>
// kernel: kernel.4.cloned.1.call-start
scs
__scs_entry_jumppad:
0x0: {  	(pc) =	sbr.rel $0x88, $3  }
0x1: {  	(tag) =	ssettag $0x0;
	lr =	simm.s32 $0x1  }
0x2: {  	[smem:$0x3F9F] =	sst lr;
	_ =	strace $0xD0000000  }
0x3: {  	_ = 	snop  }
0x4: {  	_ = 	snop  }
0x5: {  	_ = 	snop  }
0x6: {  	_ = 	snop  }
0x7: {  	_ = 	snop  }
__scs_overlays_trampoline_lowered:
0x8: {  	[smem:$0x3FAE] =	sst s0  }
0x9: {  	[smem:$0x3FAF] =	sst s1  }
0xa: {  	[smem:$0x3FB0] =	sst s2  }
0xb: {  	[smem:$0x3FB1] =	sst s3  }
0xc: {  	[smem:$0x3FB2] =	sst s4  }
0xd: {  	[smem:$0x3FB3] =	sst s5  }
0xe: {  	[smem:$0x3FB4] =	sst s6  }
0xf: {  	[smem:$0x3FB5] =	sst s7  }
0x10: {  	[smem:$0x3FB6] =	sst s8  }
0x11: {  	[smem:$0x3FB7] =	sst s9;
	s0 =	simm.s32 @!p0 $0x0  }
0x12: {  	s1 =	sld [smem:$0x3F9D];
	s0 =	simm.s32 @p0 $0x1  }
0x13: {  	[smem:$0x3FB8] =	sst s0;
	s0 =	simm.s32 @!p1 $0x0  }
0x14: {  	s2 =	sld [smem:$0x3F9C];
	s0 =	simm.s32 @p1 $0x1  }
0x15: {  	[smem:$0x3FB9] =	sst s0;
	s0 =	simm.s32 @!p2 $0x0  }
0x16: {  	s3 =	sld [smem:$0x3FDB];
	s0 =	simm.s32 @p2 $0x1  }
0x17: {  	s4 =	simm.s32 $0x1BF5;
	[smem:$0x3FBB] =	sst s0  }
0x18: {  	s0 =	sld [smem:$0x3F9E];
	_ =	swait.ge [sflag:s4], $0x0  }
0x19: {  	s7 =	sld [smem:$0x3F9F]  }
0x1a: {  	s8 =	sadd.s32 $0xFFFFE003, lr  }
0x1b: {  	s9 =	sadd.s32 $0xFFFFFEF7, lr;
	s5 =	simm.s32 $0xFFFFFFFF;
	p2 =	slt.u32 s8, $0xFFFFF086  }
0x1c: {  	p1 =	slt.u32 s9, $0xF7A;
	s5 =	simm.s32 @!p2 $0x0  }
0x1d: {  	s5 =	simm.s32 @p1 $0x1;
	p0 =	seq.s32 s7, s2  }
0x1e: {  	s7 =	smul.u32 @!p0 $0xF7A, s2;
	p2 =	seq.s32 @!p0 s5, $0x0  }
0x1f: {  	s9 =	smul.u32 $0xF7A, s1;
	s8 =	simm.s32 @!p0 $0x1BF5;
	p2 =	por !p2, p0  }
0x20: {  	[sflag:s8] =	ssyncset.s32 @!p0 $0xFFFFF086;
	s6 =	sadd.s32 @!p0 s3, s7;
	s7 =	simm.s32 @!p0 $0x108  }
0x21: {  	s3 =	sadd.s32 s3, s9;
	s6 =	sadd.s32 @!p0 $0x88, s6;
	s7 =	simm.s32 @p2 $0x1082  }
0x22: {  	[simem:s7], [sflag:s8] =	dma.local @!p0 [hbm:s6], $0xF7A  }
0x23: {  	s9 =	sor.u32 $0xD0000000, s2;
	s6 =	simm.s32 $0x108;
	_ =	swait.ge @!p0 [sflag:s8], $0x0  }
0x24: {  	s3 =	sadd.s32 $0x88, s3;
	s6 =	simm.s32 @!p1 $0x1082;
	[sflag:s4] =	ssyncset.s32 $0xFFFFF086  }
0x25: {  	[simem:s6], [sflag:s4] =	dma.local [hbm:s3], $0xF7A  }
0x26: {  	[smem:$0x3F9F] =	sst s1;
	(tag) =	ssettag s2;
	_ =	strace s9  }
0x27: {  	s1 =	sld [smem:$0x3FAF]  }
0x28: {  	s2 =	sld [smem:$0x3FB0]  }
0x29: {  	s4 =	sld [smem:$0x3FB2]  }
0x2a: {  	p0 =	seq.s32 s5, $0x0;
	s5 =	sld [smem:$0x3FB3]  }
0x2b: {  	s6 =	sld [smem:$0x3FB4]  }
0x2c: {  	s7 =	sld [smem:$0x3FB5]  }
0x2d: {  	s3 =	simm.s32 $0x108;
	s8 =	sld [smem:$0x3FB6]  }
0x2e: {  	s3 =	simm.s32 @!p0 $0x1082;
	s9 =	sld [smem:$0x3FB7]  }
0x2f: {  	lr =	sadd.s32 s0, s3;
	s0 =	sld [smem:$0x3FAE]  }
0x30: {  	s3 =	sld [smem:$0x3FB1]  }
0x31: {  	[smem:$0x3FBA] =	sst s10  }
0x32: {  	s10 =	sld [smem:$0x3FB8];
	_ =	sdelay $0x3  }
0x33: {  	p0 =	seq.s32 s10, $0x1;
	s10 =	sld [smem:$0x3FBA];
	_ =	sdelay $0x3  }
0x34: {  	[smem:$0x3FBA] =	sst s10  }
0x35: {  	s10 =	sld [smem:$0x3FB9];
	_ =	sdelay $0x3  }
0x36: {  	p1 =	seq.s32 s10, $0x1;
	s10 =	sld [smem:$0x3FBA];
	_ =	sdelay $0x3  }
0x37: {  	[smem:$0x3FBA] =	sst s10  }
0x38: {  	s10 =	sld [smem:$0x3FBB]  }
0x39: {  	_ = 	snop;
	(pc) =	sbr.ind lr, $3  }
0x3a: {  	_ = 	snop  }
0x3b: {  	_ = 	snop  }
0x3c: {  	p2 =	seq.s32 s10, $0x1;
	s10 =	sld [smem:$0x3FBA]  }
0x3d: {  	_ =	shalt  }
0x3e: {  	_ =	shalt  }
0x3f: {  	_ =	shalt  }
0x40: {  	_ =	shalt  }
0x41: {  	_ =	shalt  }
0x42: {  	_ =	shalt  }
0x43: {  	_ =	shalt  }
0x44: {  	_ =	shalt  }
0x45: {  	_ =	shalt  }
0x46: {  	_ =	shalt  }
0x47: {  	_ =	shalt  }
0x48: {  	_ =	shalt  }
0x49: {  	_ =	shalt  }
0x4a: {  	_ =	shalt  }
0x4b: {  	_ =	shalt  }
0x4c: {  	_ =	shalt  }
0x4d: {  	_ =	shalt  }
0x4e: {  	_ =	shalt  }
0x4f: {  	_ =	shalt  }
0x50: {  	_ =	shalt  }
0x51: {  	_ =	shalt  }
0x52: {  	_ =	shalt  }
0x53: {  	_ =	shalt  }
0x54: {  	_ =	shalt  }
0x55: {  	_ =	shalt  }
0x56: {  	_ =	shalt  }
0x57: {  	_ =	shalt  }
0x58: {  	_ =	shalt  }
0x59: {  	_ =	shalt  }
0x5a: {  	_ =	shalt  }
0x5b: {  	_ =	shalt  }
0x5c: {  	_ =	shalt  }
0x5d: {  	_ =	shalt  }
0x5e: {  	_ =	shalt  }
0x5f: {  	_ =	shalt  }
0x60: {  	_ =	shalt  }
0x61: {  	_ =	shalt  }
0x62: {  	_ =	shalt  }
0x63: {  	_ =	shalt  }
0x64: {  	_ =	shalt  }
0x65: {  	_ =	shalt  }
0x66: {  	_ =	shalt  }
0x67: {  	_ =	shalt  }
0x68: {  	_ =	shalt  }
0x69: {  	_ =	shalt  }
0x6a: {  	_ =	shalt  }
0x6b: {  	_ =	shalt  }
0x6c: {  	_ =	shalt  }
0x6d: {  	_ =	shalt  }
0x6e: {  	_ =	shalt  }
0x6f: {  	_ =	shalt  }
0x70: {  	_ =	shalt  }
0x71: {  	_ =	shalt  }
0x72: {  	_ =	shalt  }
0x73: {  	_ =	shalt  }
0x74: {  	_ =	shalt  }
0x75: {  	_ =	shalt  }
0x76: {  	_ =	shalt  }
0x77: {  	_ =	shalt  }
0x78: {  	_ =	shalt  }
0x79: {  	_ =	shalt  }
0x7a: {  	_ =	shalt  }
0x7b: {  	_ =	shalt  }
0x7c: {  	_ =	shalt  }
0x7d: {  	_ =	shalt  }
0x7e: {  	_ =	shalt  }
0x7f: {  	_ =	shalt  }
0x80: {  	_ =	shalt  }
0x81: {  	_ =	shalt  }
0x82: {  	_ =	shalt  }
0x83: {  	_ =	shalt  }
0x84: {  	_ =	shalt  }
0x85: {  	_ =	shalt  }
0x86: {  	_ =	shalt  }
0x87: {  	_ =	shalt  }
.Lfunc_end0:
.L_simem_size_0:
called_computation_lowered:
.L_overlay_start_0:
0x88: {  	s2 =	sld [smem:$0x3FD9]  }
0x89: {  	s3 =	sld [smem:$0x3FFE];
	_ =	sdelay $0x1  }
0x8a: {  	s1 =	srdreg.scid  }
0x8b: {  	s0 =	sand.u32 $0x1, s1  }
0x8c: {  	s17 =	sshll.u32 s0, $0xA;
	s2 =	sadd.s32 s3, s2  }
0x8d: {  	s2 =	sadd.s32 s2, s17  }
0x8e: {  	[smem:$0x3FC6] =	sst s2  }
0x8f: {  	_ = 	snop  }
0x90: {  	s2 =	sld [smem:$0x3FC9]  }
0x91: {  	s18 =	sld [smem:$0x3FC8];
	(tm) =	ssettm $0x1  }
0x92: {  	s4 =	sld [smem:$0x3FFB];
	_ =	sdelay $0x3  }
0x93: {  	_ =	strace s4  }
0x94: {  	s4 =	sld [smem:$0x3FFC];
	_ =	sdelay $0x3  }
0x95: {  	_ =	strace s4  }
0x96: {  	s4 =	sld [smem:$0x3FFD];
	_ =	sdelay $0x3  }
0x97: {  	_ =	strace s4  }
0x98: {  	_ =	strace $0x8FFFFFFF  }
0x99: {  	s19 =	sld [smem:$0x3FDB];
	_ =	sdelay $0x1  }
0x9a: {  	s5 =	simm.s32 $_scs_section_size  }
0x9b: {  	s6 =	simm.s32 $_size__tile_overlayer_lowered;
	s7 =	simm.s32 $_tile_overlayer_lowered  }
0x9c: {  	s22 =	simm.s32 $0x1BFF;
	s21 =	sshll.u32 s7, $0x1;
	s4 =	sadd.s32 s5, s19  }
0x9d: {  	s8 =	simm.s32 $0x0;
	s20 =	sshll.u32 s6, $0x1;
	s6 =	sadd.s32 s21, s4  }
0x9e: {  	[timem:s8], [sflag:s22] =	dma.local [hbm:s6], s20  }
0x9f: {  	_ =	swait.ge [sflag:s22], s20  }
0xa0: {  	s5 =	ssub.s32 $0x0, s20;
	[sflag:s22] =	ssyncset.done $0x0  }
0xa1: {  	[sflag:s22] =	ssyncadd.s32 s5;
	_ =	sdelay $0x1  }
0xa2: {  	s23 =	simm.s32 $0x1B8B  }
0xa3: {  	_ =	swait.ge [sflag:s23], $0x1  }
0xa4: {  	[sflag:s23] =	ssyncset.done $0x0  }
0xa5: {  	s25 =	simm.s32 $0x1B8E;
	s24 =	sld [smem:$0x3FFE];
	[sflag:s23] =	ssyncadd.s32 $0xFFFFFFFF  }
0xa6: {  	s26 =	simm.s32 $execute0_lowered;
	[smem:$0x3FD2] =	sst s25  }
0xa7: {  	s6 =	sshll.u32 s26, $0x1;
	_ =	strace $0x80000046;
	[dreg:$0x1] =	wrdreg $0xFFFFFFFF  }
0xa8: {  	s28 =	simm.s32 $_size_execute0_lowered;
	s4 =	sadd.s32 s4, s6;
	[dreg:$0x0] =	wrdreg $0x0  }
0xa9: {  	s6 =	sshll.u32 s28, $0x1;
	[dreg:$0x2] =	wrdreg s4  }
0xaa: {  	[dreg:$0x3] =	wrdreg s6  }
0xab: {  	[dreg:$0x4] =	wrdreg $0xC0  }
0xac: {  	_ =	task [dreg:s8], $0x5FFFF  }
0xad: {  	[dreg:$0x1] =	wrdreg $0xFFFFFFFF  }
0xae: {  	[dreg:$0x0] =	wrdreg $0x60  }
0xaf: {  	[dreg:$0x2] =	wrdreg s2  }
0xb0: {  	[dreg:$0x3] =	wrdreg s18  }
0xb1: {  	[dreg:$0x4] =	wrdreg s24  }
0xb2: {  	[dreg:$0x5] =	wrdreg $0x9  }
0xb3: {  	_ =	task.clear_ibuf [dreg:s8], $0x6FFFF;
	_ =	strace $0x90000046  }
0xb4: {  	s29 =	simm.s32 $0x9;
	_ =	strace $0x80000048  }
0xb5: {  	_ =	swait.ge [sflag:s29], $0x1  }
0xb6: {  	[sflag:s29] =	ssyncadd.s32 $0xFFFFFFFF  }
0xb7: {  	_ =	strace $0x90000048  }
0xb8: {  	_ =	sfence  }
0xb9: {  	s30 =	sld [smem:$0x0];
	_ =	sdelay $0x2  }
0xba: {  	s31 =	sshll.u32 s1, $0xD;
	s1 =	sshrl.u32 s1, $0x2  }
0xbb: {  	s3 =	sand.u32 $0x4000, s31;
	s1 =	sadd.s32 s1, s30  }
0xbc: {  	s0 =	sor.u32 s3, s0;
	s1 =	sshll.u32 s1, $0x11  }
0xbd: {  	s0 =	sor.u32 s1, s0  }
0xbe: {  	s0 =	sadd.s32 $0x8F2B, s0  }
0xbf: {  	[sflag:s0] =	ssyncadd.remote.s32 $0x1  }
0xc0: {  	_ =	sfence.sel $0xFFFF  }
0xc1: {  	[dreg:$0x0] =	wrdreg $0xFFFFFFFF;
	(pc) =	sbr.abs _section_cstart, $3  }
0xc2: {  	[dreg:$0x1] =	wrdreg $0xFFFFFFFF  }
0xc3: {  	_ =	task.clear_ibuf [dreg:s8], $0x2FFFF;
	_ =	strace $0x9FFFFFFF  }
0xc4: {  	(tm) =	ssettm $0x7FFFFFFF  }
0xc5: {  	_ =	shalt  }
tec
execute0_lowered:
.L_overlay_start_1:
0x0: {  	(tag) =	ssettag $0x1  }
0x1: {  	vm0 =	vcmask $0x300;
	v0 =	vimm.f32 $-1.000000000e+00  }
0x2: {  	vm14 =	vcmask $0xB08;
	vm15 =	vcmask $0x1310;
	v2 =	vimm.s32 $0xEFCDAB89  }
0x3: {  	vm4 =	vcmask $0x1B18;
	vm5 =	vcmask $0x2320;
	v3 =	vimm.s32 $0x67452301  }
0x4: {  	vm6 =	vcmask $0x2B28;
	vm7 =	vcmask $0x3330;
	v4 =	vimm.s32 $0xDCFE98BA  }
0x5: {  	v5 =	vimm.s32 $0x54761032;
	vm8 =	vcmask $0x3B38;
	vm9 =	vcmask $0x700  }
0x6: {  	vm10 =	vcmask $0x1710;
	vm11 =	vcmask $0x2720;
	vm12 =	vcmask $0x3730  }
0x7: {  	v54 =	vimm.s32 $0xBA98FEDC;
	v55 =	vimm.s32 $0x32107654;
	v6 =	vimm.s32 $0xFEDCBA98  }
0x8: {  	v7 =	vimm.s32 $0x76543210;
	vm13 =	vcmask $0xF00;
	v1 =	vsel vm0, $0x3F800000, v0  }
0x9: {  	v2 =	vunpack.c.l.s4.s8 v2;
	v3 =	vunpack.c.l.s4.s8 v3;
	v4 =	vunpack.c.l.s4.s8 v4  }
0xa: {  	v5 =	vunpack.c.l.s4.s8 v5;
	v53 =	vsel vm9, $0x3F800000, v0;
	v6 =	vunpack.c.l.s4.s8 v6  }
0xb: {  	v57 =	vunpack.c.l.s4.s8 v7;
	v58 =	vsel vm13, $0x3F800000, v0;
	v1 =	vsel vm14, $0x3F800000, v1  }
0xc: {  	vm14 =	vcmask $0x2F20;
	v1 =	vsel vm15, $0x3F800000, v1;
	v2 =	vunpack.c.0.s8.s32 v2  }
0xd: {  	v3 =	vunpack.c.0.s8.s32 v3;
	v51 =	vunpack.c.0.s8.s32 v4;
	v52 =	vunpack.c.0.s8.s32 v5  }
0xe: {  	v4 =	vunpack.c.l.s4.s8 v54;
	v5 =	vunpack.c.l.s4.s8 v55;
	v1 =	vsel vm4, $0x3F800000, v1  }
0xf: {  	s3 =	rddreg [dreg:$0x0];
	v1 =	vsel vm5, $0x3F800000, v1;
	v3 =	vcombine.low v3, v2;
	v2 =	vsel vm10, $0x3F800000, v53  }
0x10: {  	s4 =	rddreg [dreg:$0x1];
	v6 =	vunpack.c.0.s8.s32 v6;
	v1 =	vsel vm6, $0x3F800000, v1;
	v2 =	vsel vm11, $0x3F800000, v2  }
0x11: {  	s5 =	rddreg [dreg:$0x2];
	s2 =	srdreg.scid;
	v56 =	vunpack.c.0.s8.s32 v4;
	v1 =	vsel vm7, $0x3F800000, v1;
	v2 =	vsel vm12, $0x3F800000, v2  }
0x12: {  	s0 =	rddreg [dreg:$0x3];
	s6 =	sand.u32 $0x1, s2;
	s2 =	simm.s32 $0x0;
	v5 =	vunpack.c.0.s8.s32 v5;
	v4 =	vunpack.c.0.s8.s32 v57;
	v1 =	vsel vm8, $0x3F800000, v1;
	[tilespmem:$0x1FF90] =	vst v2  }
0x13: {  	s1 =	stileid.u32;
	s9 =	simm.s32 $0x1;
	[smem:$0x7FF] =	sst s2;
	v59 =	vsel vm14, $0x3F800000, v58;
	v60 =	vand.u32 $0xF, v6;
	[tilespmem:$0x1FF80] =	vst v1  }
0x14: {  	s10 =	simm.s32 $0x2;
	s11 =	simm.s32 $0x800;
	v8 =	vcombine.low v5, v56;
	v61 =	vand.u32 $0xF, v3;
	v62 =	vcombine.low v60, v4;
	_ =	strace $0x80000047;
	[tilespmem:$0x1FFA0] =	vst v59  }
0x15: {  	s12 =	simm.s32 $0x3;
	s7 =	sshll.u32 s1, $0x8;
	s8 =	sshll.u32 s6, $0x6;
	[tilespmem:$0x1FFB0] =	vst v61  }
0x16: {  	s13 =	simm.s32 $0x0;
	s6 =	ssub.s32 $0x2, s6;
	s7 =	sor.u32 s8, s7;
	vm15 =	vcmask $0x1F00;
	v1 =	vcombine.low v52, v51;
	v63 =	vand.u32 $0xF, v8;
	[tilespmem:$0x1FFC0] =	vst v62  }
0x17: {  	s31 =	sshrl.u32 s6, $0x1;
	s8 =	simm.s32 $0x400;
	s5 =	sadd.s32 s7, s5;
	v0 =	vsel vm15, $0x3F800000, v0;
	[tilespmem:$0x1FFE0] =	vst v63  }
0x18: {  	s6 =	ssub.s32 s6, s31;
	s3 =	sadd.s32 s3, s7;
	s4 =	sadd.s32 s4, s7;
	[tilespmem:$0x1FFF0] =	vst v0;
	v1 =	vand.u32 $0xF, v1  }
0x19: {  	s7 =	simm.s32 $0x200;
	s5 =	sadd.s32 $0x800, s5;
	s6 =	smax.u32 s6, $0x1;
	[tilespmem:$0x1FFD0] =	vst v1  }
.LBB2_1:
0x1a: {  	[tilespmem:s2], [sflag:$0x1] =	stream.strided.gather [hbm4b:s3+s7], $0x400, s8, s7, $0x38;
	[tilespmem:$0xC00] =	vst v63  }
0x1b: {  	_ = 	snop  }
0x1c: {  	[tilespmem:s8], [sflag:$0x2] =	stream.strided.gather [hbm4b:s4+s7], $0x400, s8, s7, $0x38;
	[tilespmem:$0xC00] =	vst v63  }
0x1d: {  	_ =	swait.ge [sflag:s9], $0x400  }
0x1e: {  	[sflag:s9] =	ssyncset.done $0x0  }
0x1f: {  	[sflag:s9] =	ssyncadd.s32 $0xFFFFFC00  }
0x20: {  	_ =	swait.ge [sflag:s10], $0x400  }
0x21: {  	[sflag:s10] =	ssyncset.done $0x0  }
0x22: {  	s14 =	simm.s32 $0x0;
	[sflag:s10] =	ssyncadd.s32 $0xFFFFFC00  }
0x23: {  	v0 =	vld [tilespmem:s14+$0x0]  }
0x24: {  	v1 =	vld [tilespmem:s14+$0x10]  }
0x25: {  	v8 =	vld [tilespmem:s14+$0x20]  }
0x26: {  	v9 =	vld [tilespmem:s14+$0x30]  }
0x27: {  	v10 =	vld [tilespmem:s14+$0x40]  }
0x28: {  	v11 =	vld [tilespmem:s14+$0x50]  }
0x29: {  	v12 =	vld [tilespmem:s14+$0x60]  }
0x2a: {  	v13 =	vld [tilespmem:s14+$0x70]  }
0x2b: {  	v14 =	vld [tilespmem:s14+$0x200]  }
0x2c: {  	v15 =	vld [tilespmem:s14+$0x210]  }
0x2d: {  	v16 =	vld [tilespmem:s14+$0x220]  }
0x2e: {  	v17 =	vld [tilespmem:s14+$0x230]  }
0x2f: {  	v18 =	vld [tilespmem:s14+$0x240]  }
0x30: {  	v19 =	vld [tilespmem:s14+$0x250]  }
0x31: {  	v20 =	vld [tilespmem:s14+$0x260]  }
0x32: {  	v21 =	vld [tilespmem:s14+$0x270]  }
0x33: {  	v22 =	vld [tilespmem:s14+$0x400];
	v28 =	vadd.f32 v1, v0;
	v0 =	vsub.f32 v0, v1  }
0x34: {  	v23 =	vld [tilespmem:s14+$0x410];
	v29 =	vadd.f32 v9, v8;
	v8 =	vsub.f32 v8, v9  }
0x35: {  	v24 =	vld [tilespmem:s14+$0x420];
	v30 =	vadd.f32 v11, v10;
	v10 =	vsub.f32 v10, v11  }
0x36: {  	v25 =	vld [tilespmem:s14+$0x430];
	v31 =	vadd.f32 v13, v12;
	v12 =	vsub.f32 v12, v13  }
0x37: {  	v26 =	vld [tilespmem:s14+$0x440];
	v32 =	vadd.f32 v15, v14;
	v14 =	vsub.f32 v14, v15  }
0x38: {  	v27 =	vld [tilespmem:s14+$0x450];
	v33 =	vadd.f32 v17, v16;
	v16 =	vsub.f32 v16, v17  }
0x39: {  	v34 =	vadd.f32 v19, v18;
	v18 =	vsub.f32 v18, v19  }
0x3a: {  	v1 =	vld [tilespmem:s14+$0x460];
	v35 =	vadd.f32 v21, v20;
	v20 =	vsub.f32 v20, v21  }
0x3b: {  	v9 =	vld [tilespmem:s14+$0x470];
	v36 =	vadd.f32 v23, v22;
	v22 =	vsub.f32 v22, v23  }
0x3c: {  	v11 =	vld [tilespmem:s14+$0x600];
	v37 =	vadd.f32 v25, v24;
	v24 =	vsub.f32 v24, v25  }
0x3d: {  	v13 =	vld [tilespmem:s14+$0x610];
	v38 =	vadd.f32 v27, v26;
	v26 =	vsub.f32 v26, v27  }
0x3e: {  	v15 =	vld [tilespmem:s14+$0x620];
	v58 =	vadd.f32 v16, v14;
	v14 =	vsub.f32 v14, v16  }
0x3f: {  	v17 =	vld [tilespmem:s14+$0x630];
	v16 =	vadd.f32 v35, v34;
	v34 =	vsub.f32 v34, v35  }
0x40: {  	v19 =	vld [tilespmem:s14+$0x640];
	v59 =	vadd.f32 v20, v18;
	v18 =	vsub.f32 v18, v20  }
0x41: {  	v21 =	vld [tilespmem:s14+$0x650];
	v20 =	vadd.f32 v37, v36;
	v36 =	vsub.f32 v36, v37  }
0x42: {  	v23 =	vld [tilespmem:s14+$0x660];
	v60 =	vadd.f32 v24, v22;
	v22 =	vsub.f32 v22, v24  }
0x43: {  	v25 =	vld [tilespmem:s14+$0x670];
	v63 =	vadd.f32 v18, v14;
	v14 =	vsub.f32 v14, v18  }
0x44: {  	v27 =	vadd.f32 v9, v1;
	v1 =	vsub.f32 v1, v9  }
0x45: {  	v9 =	vadd.f32 v13, v11;
	v11 =	vsub.f32 v11, v13  }
0x46: {  	v13 =	vadd.f32 v17, v15;
	v15 =	vsub.f32 v15, v17  }
0x47: {  	v17 =	vadd.f32 v21, v19;
	v19 =	vsub.f32 v19, v21  }
0x48: {  	v21 =	vadd.f32 v25, v23;
	v23 =	vsub.f32 v23, v25  }
0x49: {  	v25 =	vadd.f32 v29, v28;
	v28 =	vsub.f32 v28, v29  }
0x4a: {  	v29 =	vadd.f32 v8, v0;
	v0 =	vsub.f32 v0, v8  }
0x4b: {  	v8 =	vadd.f32 v31, v30;
	v30 =	vsub.f32 v30, v31  }
0x4c: {  	v31 =	vadd.f32 v12, v10;
	v10 =	vsub.f32 v10, v12  }
0x4d: {  	v12 =	vadd.f32 v33, v32;
	v32 =	vsub.f32 v32, v33  }
0x4e: {  	v33 =	vsub.f32 v58, v59;
	v24 =	vadd.f32 v27, v38  }
0x4f: {  	v27 =	vsub.f32 v38, v27;
	v61 =	vadd.f32 v1, v26  }
0x50: {  	v1 =	vsub.f32 v26, v1;
	v26 =	vadd.f32 v13, v9  }
0x51: {  	v9 =	vsub.f32 v9, v13;
	v13 =	vadd.f32 v15, v11  }
0x52: {  	v11 =	vsub.f32 v11, v15;
	v15 =	vadd.f32 v21, v17  }
0x53: {  	v17 =	vsub.f32 v17, v21;
	v21 =	vadd.f32 v23, v19  }
0x54: {  	v19 =	vsub.f32 v19, v23;
	v23 =	vadd.f32 v8, v25  }
0x55: {  	v8 =	vsub.f32 v25, v8;
	v25 =	vadd.f32 v31, v29  }
0x56: {  	v29 =	vsub.f32 v29, v31;
	v31 =	vadd.f32 v30, v28  }
0x57: {  	v28 =	vsub.f32 v28, v30;
	v30 =	vadd.f32 v10, v0  }
0x58: {  	v0 =	vsub.f32 v0, v10;
	v10 =	vadd.f32 v16, v12  }
0x59: {  	v12 =	vsub.f32 v12, v16;
	v62 =	vadd.f32 v34, v32  }
0x5a: {  	v32 =	vsub.f32 v32, v34;
	v18 =	vadd.f32 v24, v20  }
0x5b: {  	v5 =	vld [tilespmem:$0x1FFB0];
	v20 =	vsub.f32 v20, v24;
	v24 =	vadd.f32 v61, v60  }
0x5c: {  	v6 =	vld [tilespmem:$0x1FF80];
	v37 =	vsub.f32 v60, v61;
	v38 =	vadd.f32 v27, v36  }
0x5d: {  	v27 =	vsub.f32 v36, v27;
	v36 =	vadd.f32 v1, v22  }
0x5e: {  	v44 =	vadd.f32 v12, v8;
	v46 =	vadd.f32 v33, v29  }
0x5f: {  	v48 =	vadd.f32 v32, v28;
	v8 =	vsub.f32 v8, v12  }
0x60: {  	v7 =	vld [tilespmem:$0x1FFD0];
	v50 =	vadd.f32 v14, v0;
	v29 =	vsub.f32 v29, v33  }
0x61: {  	v28 =	vsub.f32 v28, v32;
	v32 =	vperm.xlane v8, v5;
	v8 =	vmul.f32 v6, v8  }
0x62: {  	v0 =	vsub.f32 v0, v14;
	v14 =	vperm.xlane v29, v5;
	v29 =	vmul.f32 v6, v29  }
0x63: {  	v2 =	vperm.xlane v28, v5;
	v28 =	vmul.f32 v6, v28;
	v8 =	vadd.f32 v32, v8  }
0x64: {  	v41 =	vsub.f32 v22, v1;
	v22 =	vadd.f32 v15, v26  }
0x65: {  	v14 =	vadd.f32 v14, v29;
	v28 =	vadd.f32 v2, v28;
	v2 =	vperm.xlane v8, v7  }
0x66: {  	v15 =	vsub.f32 v26, v15;
	v53 =	vadd.f32 v22, v18  }
0x67: {  	v26 =	vadd.f32 v21, v13;
	v4 =	vperm.xlane v0, v5;
	[tilespmem:$0x1FBA0] =	vst v2;
	v2 =	vperm.xlane v14, v7  }
0x68: {  	v13 =	vsub.f32 v13, v21;
	v12 =	vmul.f32 v6, v0;
	v0 =	vperm.xlane v53, v5  }
0x69: {  	v39 =	vadd.f32 v19, v11;
	v11 =	vsub.f32 v11, v19;
	[tilespmem:$0x1FBB0] =	vst v2;
	v2 =	vperm.xlane v28, v7  }
0x6a: {  	v19 =	vadd.f32 v62, v31;
	v31 =	vsub.f32 v31, v62;
	[tilespmem:$0x1FB40] =	vst v0  }
0x6b: {  	v62 =	vadd.f32 v13, v37;
	v13 =	vsub.f32 v37, v13;
	[tilespmem:$0x1FBC0] =	vst v2;
	v2 =	vld [tilespmem:$0x1FB40]  }
0x6c: {  	v16 =	vadd.f32 v59, v58;
	v55 =	vadd.f32 v26, v24  }
0x6d: {  	v1 =	vadd.f32 v11, v41;
	v11 =	vsub.f32 v41, v11;
	v3 =	vperm.xlane v13, v5  }
0x6e: {  	v53 =	vmul.f32 v6, v53;
	v12 =	vadd.f32 v4, v12;
	v0 =	vperm.xlane v55, v5  }
0x6f: {  	v21 =	vadd.f32 v17, v9;
	v9 =	vsub.f32 v9, v17;
	[tilespmem:$0x1FB60] =	vst v3;
	v3 =	vperm.xlane v11, v5  }
0x70: {  	v17 =	vadd.f32 v10, v23;
	[tilespmem:$0x1FB50] =	vst v0;
	v53 =	vadd.f32 v2, v53;
	v2 =	vperm.xlane v12, v7  }
0x71: {  	v40 =	vadd.f32 v16, v25;
	[tilespmem:$0x1FB70] =	vst v3;
	v3 =	vld [tilespmem:$0x1FF90]  }
0x72: {  	v57 =	vperm.xlane v17, v5;
	[tilespmem:$0x1FBD0] =	vst v2;
	v2 =	vld [tilespmem:$0x1FB50]  }
0x73: {  	v17 =	vmul.f32 v6, v17;
	v43 =	vperm.xlane v40, v5  }
0x74: {  	v42 =	vadd.f32 v63, v30;
	v40 =	vmul.f32 v6, v40;
	v45 =	vperm.xlane v19, v5  }
0x75: {  	v19 =	vmul.f32 v6, v19;
	v55 =	vmul.f32 v6, v55  }
0x76: {  	v47 =	vperm.xlane v42, v5;
	v42 =	vmul.f32 v6, v42;
	v0 =	vadd.f32 v9, v27  }
0x77: {  	v49 =	vperm.xlane v44, v5;
	v55 =	vadd.f32 v2, v55;
	v2 =	vmul.f32 v3, v53  }
0x78: {  	v44 =	vmul.f32 v6, v44;
	v18 =	vsub.f32 v18, v22;
	v22 =	vperm.xlane v0, v5  }
0x79: {  	v0 =	vmul.f32 v6, v0;
	[tilespmem:$0x1FBE0] =	vst v2;
	v2 =	vperm.xlane v55, v7  }
0x7a: {  	v10 =	vsub.f32 v23, v10;
	v51 =	vperm.xlane v46, v5;
	v46 =	vmul.f32 v6, v46  }
0x7b: {  	v23 =	vperm.xlane v48, v5;
	v0 =	vadd.f32 v22, v0;
	[tilespmem:$0x1FBF0] =	vst v2;
	v2 =	vmul.f32 v3, v55  }
0x7c: {  	v48 =	vmul.f32 v6, v48;
	v58 =	vadd.f32 v39, v36;
	v36 =	vsub.f32 v36, v39  }
0x7d: {  	v22 =	vmul.f32 v3, v0;
	[tilespmem:$0x1FC00] =	vst v2;
	v2 =	vperm.xlane v0, v7;
	v0 =	vld [tilespmem:$0x1FB60]  }
0x7e: {  	v37 =	vperm.xlane v36, v5;
	v36 =	vmul.f32 v6, v36  }
0x7f: {  	v16 =	vsub.f32 v25, v16;
	v25 =	vperm.xlane v50, v5;
	v50 =	vmul.f32 v6, v50  }
0x80: {  	v35 =	vperm.xlane v10, v5;
	v13 =	vmul.f32 v6, v13;
	v36 =	vadd.f32 v37, v36  }
0x81: {  	v30 =	vsub.f32 v30, v63;
	v10 =	vmul.f32 v6, v10;
	v34 =	vperm.xlane v16, v5  }
0x82: {  	v16 =	vmul.f32 v6, v16;
	v13 =	vadd.f32 v0, v13;
	v0 =	vperm.xlane v36, v7  }
0x83: {  	v52 =	vperm.xlane v31, v5;
	v31 =	vmul.f32 v6, v31  }
0x84: {  	v33 =	vperm.xlane v30, v5;
	v56 =	vadd.f32 v21, v38;
	v19 =	vadd.f32 v45, v19;
	[tilespmem:$0x1FC20] =	vst v0;
	v0 =	vld [tilespmem:$0x1FB70]  }
0x85: {  	v30 =	vmul.f32 v6, v30;
	v60 =	vadd.f32 v15, v20;
	v24 =	vsub.f32 v24, v26  }
0x86: {  	v61 =	vperm.xlane v56, v5;
	v44 =	vadd.f32 v49, v44;
	v49 =	vperm.xlane v19, v7  }
0x87: {  	v21 =	vsub.f32 v38, v21;
	v56 =	vmul.f32 v6, v56;
	v11 =	vmul.f32 v6, v11  }
0x88: {  	v63 =	vperm.xlane v58, v5;
	v58 =	vmul.f32 v6, v58;
	v17 =	vadd.f32 v57, v17;
	v4 =	vld [tilespmem:$0x1FFA0];
	[tilespmem:$0x1FB80] =	vst v49  }
0x89: {  	v54 =	vperm.xlane v60, v5;
	v60 =	vmul.f32 v6, v60;
	v11 =	vadd.f32 v0, v11;
	v0 =	vld [tilespmem:$0x1FB80]  }
0x8a: {  	v42 =	vadd.f32 v47, v42;
	v45 =	vperm.xlane v17, v7;
	v17 =	vmul.f32 v3, v17  }
0x8b: {  	v59 =	vperm.xlane v62, v5;
	v62 =	vmul.f32 v6, v62;
	v46 =	vadd.f32 v51, v46  }
0x8c: {  	v51 =	vperm.xlane v42, v7;
	v19 =	vmul.f32 v3, v19;
	v17 =	vadd.f32 v45, v17  }
0x8d: {  	v15 =	vsub.f32 v20, v15;
	v26 =	vperm.xlane v1, v5;
	v1 =	vmul.f32 v6, v1  }
0x8e: {  	v38 =	vperm.xlane v18, v5;
	[tilespmem:$0x1FB90] =	vst v51;
	v19 =	vadd.f32 v0, v19;
	v0 =	vmul.f32 v4, v17  }
0x8f: {  	v18 =	vmul.f32 v6, v18;
	v39 =	vperm.xlane v24, v5;
	v40 =	vadd.f32 v43, v40;
	[tilespmem:$0x1FC10] =	vst v2;
	v2 =	vld [tilespmem:$0x1FFE0]  }
0x90: {  	v24 =	vmul.f32 v6, v24;
	v20 =	vperm.xlane v21, v5;
	v23 =	vadd.f32 v23, v48;
	[tilespmem:$0x1FC30] =	vst v0;
	v0 =	vld [tilespmem:$0x1FB90]  }
0x91: {  	v25 =	vadd.f32 v25, v50;
	v47 =	vperm.xlane v40, v7;
	v40 =	vmul.f32 v3, v40  }
0x92: {  	v21 =	vmul.f32 v6, v21;
	v10 =	vadd.f32 v35, v10;
	v16 =	vadd.f32 v34, v16  }
0x93: {  	v48 =	vperm.xlane v44, v7;
	v42 =	vmul.f32 v3, v42;
	v40 =	vadd.f32 v47, v40  }
0x94: {  	v31 =	vadd.f32 v52, v31;
	v50 =	vperm.xlane v46, v7;
	v35 =	vperm.xlane v23, v7  }
0x95: {  	v34 =	vperm.xlane v25, v7;
	v42 =	vadd.f32 v0, v42;
	v0 =	vperm.xlane v40, v2  }
0x96: {  	v30 =	vadd.f32 v33, v30;
	v52 =	vperm.xlane v10, v7;
	v33 =	vperm.xlane v16, v7  }
0x97: {  	v32 =	vperm.xlane v31, v7;
	v56 =	vadd.f32 v61, v56;
	[tilespmem:$0x1FC40] =	vst v0;
	v0 =	vmul.f32 v4, v40  }
0x98: {  	v29 =	vperm.xlane v30, v7;
	v58 =	vadd.f32 v63, v58;
	v54 =	vadd.f32 v54, v60  }
0x99: {  	v59 =	vadd.f32 v59, v62;
	v1 =	vadd.f32 v26, v1;
	[tilespmem:$0x1FC50] =	vst v0;
	v0 =	vperm.xlane v19, v2  }
0x9a: {  	v9 =	vsub.f32 v27, v9;
	v27 =	vperm.xlane v15, v5;
	v15 =	vmul.f32 v6, v15  }
0x9b: {  	v18 =	vadd.f32 v38, v18;
	v60 =	vperm.xlane v56, v7;
	[tilespmem:$0x1FC60] =	vst v0;
	v0 =	vmul.f32 v4, v19  }
0x9c: {  	v24 =	vadd.f32 v39, v24;
	v62 =	vperm.xlane v58, v7;
	v39 =	vperm.xlane v1, v7  }
0x9d: {  	v20 =	vadd.f32 v20, v21;
	v44 =	vmul.f32 v3, v44;
	[tilespmem:$0x1FC70] =	vst v0;
	v0 =	vperm.xlane v42, v2  }
0x9e: {  	v61 =	vperm.xlane v18, v7;
	v21 =	vperm.xlane v24, v7  }
0x9f: {  	v63 =	vperm.xlane v20, v7;
	v44 =	vadd.f32 v48, v44;
	[tilespmem:$0x1FC80] =	vst v0;
	v0 =	vmul.f32 v4, v42  }
0xa0: {  	v57 =	vperm.xlane v9, v5;
	v9 =	vmul.f32 v6, v9;
	v15 =	vadd.f32 v27, v15  }
0xa1: {  	v46 =	vmul.f32 v3, v46;
	[tilespmem:$0x1FC90] =	vst v0;
	v0 =	vperm.xlane v44, v2  }
0xa2: {  	v9 =	vadd.f32 v57, v9;
	v57 =	vperm.xlane v15, v7;
	v23 =	vmul.f32 v3, v23  }
0xa3: {  	v25 =	vmul.f32 v3, v25;
	v46 =	vadd.f32 v50, v46;
	[tilespmem:$0x1FCA0] =	vst v0;
	v0 =	vmul.f32 v4, v44  }
0xa4: {  	v10 =	vmul.f32 v3, v10;
	v16 =	vmul.f32 v3, v16  }
0xa5: {  	v31 =	vmul.f32 v3, v31;
	[tilespmem:$0x1FCB0] =	vst v0;
	v0 =	vperm.xlane v46, v2  }
0xa6: {  	v30 =	vmul.f32 v3, v30;
	v8 =	vmul.f32 v3, v8  }
0xa7: {  	v14 =	vmul.f32 v3, v14;
	v28 =	vmul.f32 v3, v28;
	[tilespmem:$0x1FCC0] =	vst v0;
	v0 =	vld [tilespmem:$0x1FBA0]  }
0xa8: {  	v56 =	vmul.f32 v3, v56;
	v58 =	vmul.f32 v3, v58  }
0xa9: {  	v26 =	vmul.f32 v3, v1;
	v41 =	vmul.f32 v3, v18  }
0xaa: {  	v24 =	vmul.f32 v3, v24;
	v43 =	vmul.f32 v3, v20  }
0xab: {  	v38 =	vmul.f32 v3, v15;
	v23 =	vadd.f32 v35, v23;
	v10 =	vadd.f32 v52, v10  }
0xac: {  	v45 =	vmul.f32 v3, v9;
	v25 =	vadd.f32 v34, v25;
	v8 =	vadd.f32 v0, v8;
	v0 =	vld [tilespmem:$0x1FBB0]  }
0xad: {  	v16 =	vadd.f32 v33, v16;
	v12 =	vmul.f32 v3, v12;
	v20 =	vmul.f32 v4, v10  }
0xae: {  	v31 =	vadd.f32 v32, v31;
	v51 =	vperm.xlane v53, v7;
	v53 =	vperm.xlane v54, v7  }
0xaf: {  	v29 =	vadd.f32 v29, v30;
	v54 =	vmul.f32 v3, v54;
	v55 =	vperm.xlane v59, v7  }
0xb0: {  	v56 =	vadd.f32 v60, v56;
	v59 =	vmul.f32 v3, v59;
	v36 =	vmul.f32 v3, v36  }
0xb1: {  	v15 =	vperm.xlane v13, v7;
	v49 =	vmul.f32 v3, v13;
	v14 =	vadd.f32 v0, v14;
	v0 =	vld [tilespmem:$0x1FBC0]  }
0xb2: {  	v58 =	vadd.f32 v62, v58;
	v13 =	vperm.xlane v9, v7;
	v52 =	vperm.xlane v23, v2  }
0xb3: {  	v26 =	vadd.f32 v39, v26;
	v23 =	vmul.f32 v4, v23;
	v33 =	vperm.xlane v25, v2  }
0xb4: {  	v41 =	vadd.f32 v61, v41;
	v25 =	vmul.f32 v4, v25;
	v32 =	vperm.xlane v10, v2  }
0xb5: {  	v24 =	vadd.f32 v21, v24;
	v30 =	vperm.xlane v16, v2;
	v16 =	vmul.f32 v4, v16  }
0xb6: {  	v27 =	vperm.xlane v31, v2;
	v31 =	vmul.f32 v4, v31;
	v28 =	vadd.f32 v0, v28;
	v0 =	vld [tilespmem:$0x1FBD0]  }
0xb7: {  	v43 =	vadd.f32 v63, v43;
	v34 =	vperm.xlane v29, v2;
	v29 =	vmul.f32 v4, v29  }
0xb8: {  	v53 =	vadd.f32 v53, v54;
	v54 =	vperm.xlane v56, v2;
	v56 =	vmul.f32 v4, v56  }
0xb9: {  	v55 =	vadd.f32 v55, v59;
	v59 =	vperm.xlane v58, v2;
	v58 =	vmul.f32 v4, v58  }
0xba: {  	v38 =	vadd.f32 v57, v38;
	v63 =	vperm.xlane v41, v2;
	v41 =	vmul.f32 v4, v41  }
0xbb: {  	v57 =	vperm.xlane v43, v2;
	v43 =	vmul.f32 v4, v43;
	v12 =	vadd.f32 v0, v12  }
0xbc: {  	v21 =	vperm.xlane v38, v2;
	v38 =	vmul.f32 v4, v38;
	v49 =	vadd.f32 v15, v49  }
0xbd: {  	v45 =	vadd.f32 v13, v45;
	v23 =	vadd.f32 v52, v23;
	v0 =	vld [tilespmem:$0x1FBE0];
	v1 =	vperm.xlane v12, v2  }
0xbe: {  	v25 =	vadd.f32 v33, v25;
	v44 =	vperm.xlane v8, v2;
	v18 =	vmul.f32 v4, v8;
	v8 =	vld [tilespmem:$0x1FC00]  }
0xbf: {  	v20 =	vadd.f32 v32, v20;
	v9 =	vperm.xlane v11, v7;
	v47 =	vmul.f32 v3, v11;
	[tilespmem:$0x1FCD0] =	vst v1;
	v1 =	vld [tilespmem:$0x1FBF0]  }
0xc0: {  	v39 =	vld [tilespmem:$0x1FFC0];
	v54 =	vadd.f32 v54, v56;
	v35 =	vperm.xlane v49, v2;
	v11 =	vperm.xlane v17, v2  }
0xc1: {  	v47 =	vadd.f32 v9, v47;
	v17 =	vperm.xlane v24, v2;
	v24 =	vmul.f32 v4, v24  }
0xc2: {  	v49 =	vmul.f32 v4, v49;
	v15 =	vmul.f32 v4, v45;
	v0 =	vadd.f32 v51, v0  }
0xc3: {  	v13 =	vperm.xlane v47, v2;
	v47 =	vmul.f32 v4, v47;
	v17 =	vadd.f32 v17, v24  }
0xc4: {  	v60 =	vperm.xlane v0, v2;
	v50 =	vmul.f32 v4, v0;
	v0 =	vld [tilespmem:$0x1FC10];
	v1 =	vadd.f32 v1, v8  }
0xc5: {  	v41 =	vadd.f32 v63, v41;
	v33 =	vperm.xlane v23, v39;
	v63 =	vperm.xlane v54, v39  }
0xc6: {  	v13 =	vadd.f32 v13, v47;
	v47 =	vperm.xlane v17, v39;
	v62 =	vperm.xlane v1, v2  }
0xc7: {  	v16 =	vadd.f32 v30, v16;
	v37 =	vmul.f32 v4, v1;
	v1 =	vperm.xlane v45, v2  }
0xc8: {  	v29 =	vadd.f32 v34, v29;
	v46 =	vmul.f32 v4, v46;
	v40 =	vperm.xlane v14, v2;
	v8 =	vld [tilespmem:$0x1FC50]  }
0xc9: {  	v14 =	vmul.f32 v4, v14;
	v22 =	vadd.f32 v0, v22;
	v0 =	vperm.xlane v53, v2;
	[tilespmem:$0x1FD00] =	vst v1;
	v1 =	vld [tilespmem:$0x1FC40]  }
0xca: {  	v18 =	vadd.f32 v44, v18;
	v44 =	vperm.xlane v16, v39;
	v48 =	vperm.xlane v28, v2  }
0xcb: {  	v14 =	vadd.f32 v40, v14;
	v28 =	vmul.f32 v4, v28;
	[tilespmem:$0x1FCE0] =	vst v0;
	v0 =	vperm.xlane v55, v2  }
0xcc: {  	v58 =	vadd.f32 v59, v58;
	v9 =	vld [tilespmem:$0x1FC70];
	v51 =	vperm.xlane v26, v2;
	v26 =	vmul.f32 v4, v26  }
0xcd: {  	v40 =	vperm.xlane v25, v39;
	v56 =	vperm.xlane v14, v39;
	v28 =	vadd.f32 v48, v28;
	[tilespmem:$0x1FCF0] =	vst v0;
	v0 =	vld [tilespmem:$0x1FC20]  }
0xce: {  	v48 =	vperm.xlane v20, v39;
	v26 =	vadd.f32 v51, v26;
	v1 =	vadd.f32 v1, v8;
	v8 =	vld [tilespmem:$0x1FC60]  }
0xcf: {  	v35 =	vadd.f32 v35, v49;
	v59 =	vperm.xlane v28, v39;
	v42 =	vmul.f32 v4, v12;
	v45 =	vld [tilespmem:$0x1FFF0]  }
0xd0: {  	v50 =	vadd.f32 v60, v50;
	v60 =	vperm.xlane v29, v39;
	v49 =	vperm.xlane v26, v39  }
0xd1: {  	v10 =	vld [tilespmem:$0x1FC90];
	v53 =	vmul.f32 v4, v53;
	v37 =	vadd.f32 v62, v37;
	v62 =	vperm.xlane v18, v39  }
0xd2: {  	v55 =	vmul.f32 v4, v55;
	v61 =	vperm.xlane v22, v2;
	v36 =	vadd.f32 v0, v36;
	v0 =	vld [tilespmem:$0x1FC30]  }
0xd3: {  	v22 =	vmul.f32 v4, v22;
	v51 =	vperm.xlane v37, v39;
	v8 =	vadd.f32 v8, v9;
	v9 =	vld [tilespmem:$0x1FC80]  }
0xd4: {  	v23 =	vmul.f32 v45, v23;
	v25 =	vmul.f32 v45, v25  }
0xd5: {  	v20 =	vmul.f32 v45, v20;
	v16 =	vmul.f32 v45, v16  }
0xd6: {  	v29 =	vmul.f32 v45, v29;
	v18 =	vmul.f32 v45, v18  }
0xd7: {  	v14 =	vmul.f32 v45, v14;
	v28 =	vmul.f32 v45, v28;
	v0 =	vadd.f32 v11, v0;
	v11 =	vld [tilespmem:$0x1FCB0]  }
0xd8: {  	v22 =	vadd.f32 v61, v22;
	v61 =	vperm.xlane v50, v39;
	v9 =	vadd.f32 v9, v10;
	v10 =	vld [tilespmem:$0x1FCA0]  }
0xd9: {  	v50 =	vmul.f32 v45, v50;
	v37 =	vmul.f32 v45, v37;
	v52 =	vld [tilespmem:$0x1FCF0]  }
0xda: {  	v43 =	vadd.f32 v57, v43;
	v24 =	vmul.f32 v45, v54;
	v54 =	vperm.xlane v58, v39  }
0xdb: {  	v57 =	vmul.f32 v45, v58;
	v17 =	vmul.f32 v45, v17;
	v25 =	vadd.f32 v40, v25  }
0xdc: {  	v26 =	vmul.f32 v45, v26;
	v16 =	vadd.f32 v44, v16;
	v28 =	vadd.f32 v59, v28  }
0xdd: {  	v59 =	vperm.xlane v35, v39;
	v17 =	vadd.f32 v47, v17;
	v10 =	vadd.f32 v10, v11;
	v11 =	vld [tilespmem:$0x1FCC0]  }
0xde: {  	v35 =	vmul.f32 v45, v35;
	v26 =	vadd.f32 v49, v26;
	v55 =	vadd.f32 v52, v55;
	v52 =	vld [tilespmem:$0x1FD00]  }
0xdf: {  	v24 =	vadd.f32 v63, v24;
	v63 =	vperm.xlane v13, v39;
	v16 =	vmul.f32 v17, v16  }
0xe0: {  	v13 =	vmul.f32 v45, v13;
	v25 =	vmul.f32 v26, v25  }
0xe1: {  	v21 =	vadd.f32 v21, v38;
	v16 =	vmul.f32 $3.906250000e-03, v16;
	v19 =	vperm.xlane v36, v2  }
0xe2: {  	v36 =	vmul.f32 v4, v36;
	v46 =	vadd.f32 v11, v46;
	v11 =	vperm.xlane v0, v39  }
0xe3: {  	v38 =	vmul.f32 v45, v55;
	v15 =	vadd.f32 v52, v15;
	v0 =	vmul.f32 v45, v0  }
0xe4: {  	v30 =	vperm.xlane v9, v39;
	v9 =	vmul.f32 v45, v9;
	[tilespmem:$0x1FD10] =	vst v11  }
0xe5: {  	v18 =	vadd.f32 v62, v18;
	v62 =	vperm.xlane v15, v39;
	[tilespmem:$0x1FD20] =	vst v0;
	v0 =	vperm.xlane v1, v39  }
0xe6: {  	v15 =	vmul.f32 v45, v15;
	v9 =	vadd.f32 v30, v9;
	v30 =	vperm.xlane v43, v39;
	v12 =	vld [tilespmem:$0x1FD10]  }
0xe7: {  	v27 =	vadd.f32 v27, v31;
	v32 =	vperm.xlane v10, v39;
	v11 =	vld [tilespmem:$0x1FD20];
	[tilespmem:$0x1FD30] =	vst v0;
	v0 =	vmul.f32 v45, v1  }
0xe8: {  	v20 =	vadd.f32 v48, v20;
	v10 =	vmul.f32 v45, v10;
	v34 =	vperm.xlane v46, v39  }
0xe9: {  	v37 =	vadd.f32 v51, v37;
	v31 =	vmul.f32 v45, v46;
	[tilespmem:$0x1FD40] =	vst v0;
	v0 =	vperm.xlane v8, v39  }
0xea: {  	v15 =	vadd.f32 v62, v15;
	v46 =	vperm.xlane v41, v39;
	v41 =	vmul.f32 v45, v41;
	v52 =	vld [tilespmem:$0x1FD40]  }
0xeb: {  	v10 =	vadd.f32 v32, v10;
	v1 =	vperm.xlane v27, v39;
	v27 =	vmul.f32 v45, v27;
	[tilespmem:$0x1FD50] =	vst v0;
	v0 =	vld [tilespmem:$0x1FCD0]  }
0xec: {  	v32 =	vmul.f32 v45, v43;
	v41 =	vadd.f32 v46, v41;
	v12 =	vadd.f32 v12, v11;
	v11 =	vld [tilespmem:$0x1FD30]  }
0xed: {  	v1 =	vadd.f32 v1, v27;
	v27 =	vadd.f32 v60, v29;
	v29 =	vperm.xlane v21, v39  }
0xee: {  	v21 =	vmul.f32 v45, v21;
	v60 =	vadd.f32 v61, v50;
	v61 =	vadd.f32 v54, v57  }
0xef: {  	v15 =	vmul.f32 v15, v28;
	v30 =	vadd.f32 v30, v32;
	v8 =	vmul.f32 v45, v8  }
0xf0: {  	v20 =	vmul.f32 v41, v20;
	v9 =	vmul.f32 v61, v9;
	v21 =	vadd.f32 v29, v21  }
0xf1: {  	v1 =	vmul.f32 v30, v1;
	v42 =	vadd.f32 v0, v42;
	v0 =	vld [tilespmem:$0x1FCE0];
	v11 =	vadd.f32 v11, v52  }
0xf2: {  	v23 =	vadd.f32 v33, v23;
	v20 =	vmul.f32 $3.906250000e-03, v20;
	v12 =	vmul.f32 v60, v12;
	v52 =	vld [tilespmem:$0x1FD50]  }
0xf3: {  	v14 =	vadd.f32 v56, v14;
	v18 =	vmul.f32 v21, v18;
	v11 =	vmul.f32 v37, v11  }
0xf4: {  	v13 =	vadd.f32 v63, v13;
	v9 =	vmul.f32 $3.906250000e-03, v9;
	v1 =	vmul.f32 $3.906250000e-03, v1  }
0xf5: {  	v19 =	vadd.f32 v19, v36;
	v12 =	vmul.f32 $3.906250000e-03, v12;
	v11 =	vmul.f32 $3.906250000e-03, v11  }
0xf6: {  	v53 =	vadd.f32 v0, v53;
	v0 =	vperm.xlane v42, v39;
	v42 =	vmul.f32 v45, v42  }
0xf7: {  	v8 =	vadd.f32 v52, v8;
	v52 =	vperm.xlane v19, v39;
	v19 =	vmul.f32 v45, v19  }
0xf8: {  	v31 =	vadd.f32 v34, v31;
	v58 =	vperm.xlane v53, v39;
	v36 =	vmul.f32 v45, v53  }
0xf9: {  	v53 =	vperm.xlane v55, v39;
	v55 =	vperm.xlane v22, v39;
	v19 =	vadd.f32 v52, v19  }
0xfa: {  	v22 =	vmul.f32 v45, v22;
	v0 =	vadd.f32 v0, v42;
	v8 =	vmul.f32 v24, v8  }
0xfb: {  	v36 =	vadd.f32 v58, v36;
	v38 =	vadd.f32 v53, v38;
	v17 =	vmul.f32 v19, v27  }
0xfc: {  	v22 =	vadd.f32 v55, v22;
	v0 =	vmul.f32 v13, v0;
	v8 =	vmul.f32 $3.906250000e-03, v8  }
0xfd: {  	v19 =	vadd.f32 v11, v12;
	v11 =	vsub.f32 v12, v11;
	v12 =	vmul.f32 $3.906250000e-03, v15  }
0xfe: {  	v10 =	vmul.f32 v36, v10;
	v22 =	vmul.f32 v22, v23;
	v23 =	vadd.f32 v59, v35  }
0xff: {  	v24 =	vmul.f32 v38, v31;
	v17 =	vmul.f32 $3.906250000e-03, v17  }
0x100: {  	v26 =	vadd.f32 v16, v20;
	v14 =	vmul.f32 v23, v14;
	v10 =	vmul.f32 $3.906250000e-03, v10  }
0x101: {  	v13 =	vmul.f32 $3.906250000e-03, v24;
	v21 =	vmul.f32 $3.906250000e-03, v22;
	v23 =	vadd.f32 v9, v8  }
0x102: {  	v22 =	vmul.f32 $3.906250000e-03, v25;
	v8 =	vsub.f32 v8, v9;
	v15 =	vsub.f32 v1, v17  }
0x103: {  	v1 =	vadd.f32 v17, v1;
	v24 =	vadd.f32 v13, v10  }
0x104: {  	v0 =	vmul.f32 $3.906250000e-03, v0;
	v25 =	vadd.f32 v22, v21;
	v9 =	vsub.f32 v10, v13  }
0x105: {  	v18 =	vmul.f32 $3.906250000e-03, v18;
	v10 =	vsub.f32 v21, v22;
	v13 =	vsub.f32 v20, v16  }
0x106: {  	v14 =	vmul.f32 $3.906250000e-03, v14;
	v20 =	vsub.f32 v12, v0;
	v21 =	vsub.f32 v11, v8  }
0x107: {  	v0 =	vadd.f32 v0, v12;
	v12 =	vadd.f32 v23, v19  }
0x108: {  	v19 =	vsub.f32 v19, v23;
	v16 =	vsub.f32 v18, v14  }
0x109: {  	v8 =	vadd.f32 v8, v11;
	v22 =	vsub.f32 v9, v10  }
0x10a: {  	v27 =	vsub.f32 v13, v15;
	v28 =	vsub.f32 v16, v20  }
0x10b: {  	v14 =	vadd.f32 v14, v18;
	v11 =	vadd.f32 v25, v24  }
0x10c: {  	v17 =	vsub.f32 v21, v22;
	v18 =	vsub.f32 v27, v28  }
0x10d: {  	v24 =	vsub.f32 v24, v25;
	v9 =	vadd.f32 v10, v9  }
0x10e: {  	v10 =	vadd.f32 v1, v26;
	v23 =	vsub.f32 v17, v18  }
0x10f: {  	v1 =	vsub.f32 v26, v1;
	v13 =	vadd.f32 v15, v13  }
0x110: {  	v15 =	vadd.f32 v0, v14;
	v25 =	vperm.xlane v23, v5;
	v23 =	vmul.f32 v6, v23  }
0x111: {  	v0 =	vsub.f32 v14, v0;
	v16 =	vadd.f32 v20, v16  }
0x112: {  	v20 =	vadd.f32 v11, v12;
	v23 =	vadd.f32 v25, v23  }
0x113: {  	v11 =	vsub.f32 v12, v11;
	v21 =	vadd.f32 v22, v21  }
0x114: {  	v22 =	vadd.f32 v15, v10;
	v14 =	vperm.xlane v23, v7;
	v23 =	vmul.f32 v3, v23  }
0x115: {  	v10 =	vsub.f32 v10, v15;
	v15 =	vadd.f32 v16, v13  }
0x116: {  	v13 =	vsub.f32 v13, v16;
	v12 =	vadd.f32 v14, v23  }
0x117: {  	v17 =	vadd.f32 v18, v17;
	v14 =	vadd.f32 v9, v8  }
0x118: {  	v8 =	vsub.f32 v8, v9;
	v23 =	vperm.xlane v12, v2;
	v12 =	vmul.f32 v4, v12  }
0x119: {  	v9 =	vadd.f32 v24, v19;
	v19 =	vsub.f32 v19, v24  }
0x11a: {  	v12 =	vadd.f32 v23, v12;
	v23 =	vadd.f32 v0, v1  }
0x11b: {  	v0 =	vsub.f32 v1, v0;
	v1 =	vadd.f32 v28, v27  }
0x11c: {  	v25 =	vadd.f32 v13, v8;
	v8 =	vsub.f32 v8, v13  }
0x11d: {  	v16 =	vperm.xlane v12, v39;
	v12 =	vmul.f32 v45, v12;
	v24 =	vadd.f32 v1, v21  }
0x11e: {  	v1 =	vsub.f32 v21, v1;
	v21 =	vadd.f32 v10, v11  }
0x11f: {  	v12 =	vadd.f32 v16, v12;
	v16 =	vadd.f32 v22, v20  }
0x120: {  	v20 =	vsub.f32 v20, v22;
	v22 =	vadd.f32 v15, v14  }
0x121: {  	v14 =	vsub.f32 v14, v15;
	v15 =	vadd.f32 v23, v9;
	v18 =	vperm.xlane v24, v5  }
0x122: {  	v9 =	vsub.f32 v9, v23;
	v24 =	vmul.f32 v6, v24;
	v23 =	vperm.xlane v16, v5  }
0x123: {  	v10 =	vsub.f32 v11, v10;
	v16 =	vmul.f32 v6, v16;
	v11 =	vperm.xlane v22, v5  }
0x124: {  	v13 =	vmul.f32 v6, v22;
	v22 =	vadd.f32 v0, v19;
	v0 =	vsub.f32 v19, v0  }
0x125: {  	v19 =	vperm.xlane v15, v5;
	v15 =	vmul.f32 v6, v15;
	v18 =	vadd.f32 v24, v18  }
0x126: {  	v24 =	vperm.xlane v17, v5;
	v17 =	vmul.f32 v6, v17;
	v16 =	vadd.f32 v16, v23  }
0x127: {  	v23 =	vperm.xlane v21, v5;
	v21 =	vmul.f32 v6, v21;
	v11 =	vadd.f32 v13, v11  }
0x128: {  	v13 =	vperm.xlane v25, v5;
	v25 =	vmul.f32 v6, v25;
	v15 =	vadd.f32 v15, v19  }
0x129: {  	v19 =	vperm.xlane v22, v5;
	v22 =	vmul.f32 v6, v22;
	v17 =	vadd.f32 v24, v17  }
0x12a: {  	v24 =	vperm.xlane v1, v5;
	v1 =	vmul.f32 v6, v1;
	v21 =	vadd.f32 v21, v23  }
0x12b: {  	v23 =	vperm.xlane v20, v5;
	v20 =	vmul.f32 v6, v20;
	v13 =	vadd.f32 v25, v13  }
0x12c: {  	v25 =	vperm.xlane v14, v5;
	v14 =	vmul.f32 v6, v14;
	v19 =	vadd.f32 v22, v19  }
0x12d: {  	v22 =	vperm.xlane v9, v5;
	v9 =	vmul.f32 v6, v9;
	v1 =	vadd.f32 v24, v1  }
0x12e: {  	v24 =	vperm.xlane v16, v7;
	v16 =	vmul.f32 v3, v16;
	v20 =	vadd.f32 v23, v20  }
0x12f: {  	v23 =	vperm.xlane v10, v5;
	v10 =	vmul.f32 v6, v10;
	v14 =	vadd.f32 v25, v14  }
0x130: {  	v25 =	vperm.xlane v8, v5;
	v8 =	vmul.f32 v6, v8;
	v9 =	vadd.f32 v22, v9  }
0x131: {  	v22 =	vperm.xlane v0, v5;
	v0 =	vmul.f32 v6, v0;
	v16 =	vadd.f32 v24, v16  }
0x132: {  	v24 =	vperm.xlane v21, v7;
	v21 =	vmul.f32 v3, v21;
	v10 =	vadd.f32 v23, v10  }
0x133: {  	v23 =	vperm.xlane v11, v7;
	v11 =	vmul.f32 v3, v11;
	v8 =	vadd.f32 v25, v8  }
0x134: {  	v25 =	vperm.xlane v15, v7;
	v15 =	vmul.f32 v3, v15;
	v0 =	vadd.f32 v22, v0  }
0x135: {  	v22 =	vperm.xlane v18, v7;
	v18 =	vmul.f32 v3, v18;
	v21 =	vadd.f32 v24, v21  }
0x136: {  	v24 =	vperm.xlane v20, v7;
	v20 =	vmul.f32 v3, v20;
	v11 =	vadd.f32 v23, v11  }
0x137: {  	v23 =	vperm.xlane v13, v7;
	v13 =	vmul.f32 v3, v13;
	v15 =	vadd.f32 v25, v15  }
0x138: {  	v25 =	vperm.xlane v19, v7;
	v19 =	vmul.f32 v3, v19;
	v18 =	vadd.f32 v22, v18  }
0x139: {  	v22 =	vperm.xlane v17, v7;
	v17 =	vmul.f32 v3, v17;
	v20 =	vadd.f32 v24, v20  }
0x13a: {  	v24 =	vperm.xlane v10, v7;
	v10 =	vmul.f32 v3, v10;
	v13 =	vadd.f32 v23, v13  }
0x13b: {  	[tilespmem:s14+$0xA70] =	vst v12;
	v23 =	vperm.xlane v14, v7;
	v14 =	vmul.f32 v3, v14;
	v12 =	vadd.f32 v25, v19  }
0x13c: {  	v19 =	vperm.xlane v9, v7;
	v9 =	vmul.f32 v3, v9;
	v17 =	vadd.f32 v22, v17  }
0x13d: {  	v22 =	vperm.xlane v1, v7;
	v1 =	vmul.f32 v3, v1;
	v10 =	vadd.f32 v24, v10  }
0x13e: {  	s15 =	simm.s32 $0x80;
	v24 =	vperm.xlane v11, v2;
	v11 =	vmul.f32 v4, v11;
	v14 =	vadd.f32 v23, v14  }
0x13f: {  	v26 =	vld [tilespmem:s15+$0x10];
	v23 =	vperm.xlane v8, v7;
	v8 =	vmul.f32 v3, v8;
	v9 =	vadd.f32 v19, v9  }
0x140: {  	v47 =	vld [tilespmem:s15+$0x200];
	v19 =	vperm.xlane v0, v7;
	v0 =	vmul.f32 v3, v0;
	v1 =	vadd.f32 v22, v1  }
0x141: {  	v48 =	vld [tilespmem:s15+$0x210];
	v22 =	vperm.xlane v16, v2;
	v16 =	vmul.f32 v4, v16;
	v11 =	vadd.f32 v24, v11  }
0x142: {  	v27 =	vld [tilespmem:s15+$0x20];
	v8 =	vadd.f32 v23, v8;
	v23 =	vperm.xlane v15, v2;
	v15 =	vmul.f32 v4, v15  }
0x143: {  	v28 =	vld [tilespmem:s15+$0x30];
	v16 =	vadd.f32 v22, v16;
	v22 =	vperm.xlane v18, v2;
	v18 =	vmul.f32 v4, v18  }
0x144: {  	v29 =	vld [tilespmem:s15+$0x40];
	v0 =	vadd.f32 v19, v0;
	v19 =	vperm.xlane v21, v2;
	v21 =	vmul.f32 v4, v21  }
0x145: {  	v30 =	vld [tilespmem:s15+$0x50];
	v50 =	vperm.xlane v11, v39;
	v11 =	vmul.f32 v45, v11  }
0x146: {  	v31 =	vld [tilespmem:s15+$0x60];
	v61 =	vadd.f32 v48, v47;
	v24 =	vperm.xlane v16, v39;
	v16 =	vmul.f32 v45, v16  }
0x147: {  	v46 =	vld [tilespmem:s15+$0x70];
	v15 =	vadd.f32 v23, v15;
	v23 =	vperm.xlane v13, v2;
	v13 =	vmul.f32 v4, v13  }
0x148: {  	v49 =	vld [tilespmem:s15+$0x220];
	v18 =	vadd.f32 v22, v18;
	v22 =	vperm.xlane v12, v2;
	v12 =	vmul.f32 v4, v12  }
0x149: {  	v51 =	vld [tilespmem:s15+$0x240];
	v11 =	vadd.f32 v50, v11;
	v16 =	vadd.f32 v24, v16;
	v52 =	vperm.xlane v15, v39  }
0x14a: {  	v25 =	vld [tilespmem:s15+$0x0];
	v15 =	vmul.f32 v45, v15;
	v53 =	vperm.xlane v18, v39;
	v12 =	vadd.f32 v22, v12  }
0x14b: {  	v24 =	vld [tilespmem:s15+$0x230];
	v18 =	vmul.f32 v45, v18;
	[tilespmem:s14+$0x800] =	vst v16;
	v16 =	vadd.f32 v19, v21;
	v19 =	vperm.xlane v17, v2  }
0x14c: {  	v17 =	vmul.f32 v4, v17;
	v15 =	vadd.f32 v52, v15;
	v56 =	vperm.xlane v12, v39  }
0x14d: {  	v12 =	vmul.f32 v45, v12;
	v21 =	vld [tilespmem:s15+$0x250];
	[tilespmem:s14+$0x810] =	vst v11;
	v11 =	vadd.f32 v23, v13;
	v13 =	vperm.xlane v20, v2  }
0x14e: {  	v33 =	vsub.f32 v47, v48;
	v20 =	vmul.f32 v4, v20;
	v54 =	vperm.xlane v16, v39  }
0x14f: {  	v18 =	vadd.f32 v53, v18;
	v23 =	vld [tilespmem:s15+$0x260];
	v16 =	vmul.f32 v45, v16;
	[tilespmem:s14+$0x820] =	vst v15;
	v15 =	vperm.xlane v14, v2  }
0x150: {  	v14 =	vmul.f32 v4, v14;
	v17 =	vadd.f32 v19, v17;
	v55 =	vperm.xlane v11, v39  }
0x151: {  	v12 =	vadd.f32 v56, v12;
	v22 =	vld [tilespmem:s15+$0x270];
	v11 =	vmul.f32 v45, v11;
	[tilespmem:s14+$0x830] =	vst v18;
	v18 =	vperm.xlane v9, v2  }
0x152: {  	v9 =	vmul.f32 v4, v9;
	v13 =	vadd.f32 v13, v20;
	v63 =	vadd.f32 v24, v49  }
0x153: {  	v24 =	vsub.f32 v49, v24;
	v16 =	vadd.f32 v54, v16;
	v57 =	vperm.xlane v17, v39  }
0x154: {  	v17 =	vmul.f32 v45, v17;
	v11 =	vadd.f32 v55, v11;
	v58 =	vperm.xlane v13, v39  }
0x155: {  	v13 =	vmul.f32 v45, v13;
	v9 =	vadd.f32 v18, v9;
	v32 =	vsub.f32 v61, v63  }
0x156: {  	v19 =	vld [tilespmem:s15+$0x400];
	v55 =	vadd.f32 v24, v33;
	v24 =	vsub.f32 v33, v24;
	[tilespmem:s14+$0x840] =	vst v16;
	v16 =	vperm.xlane v1, v2  }
0x157: {  	v1 =	vmul.f32 v4, v1;
	v17 =	vadd.f32 v57, v17;
	v47 =	vadd.f32 v21, v51  }
0x158: {  	v20 =	vld [tilespmem:s15+$0x410];
	[tilespmem:s14+$0x850] =	vst v11;
	v11 =	vadd.f32 v15, v14;
	v14 =	vperm.xlane v10, v2;
	v10 =	vmul.f32 v4, v10  }
0x159: {  	v21 =	vsub.f32 v51, v21;
	v60 =	vperm.xlane v9, v39;
	v9 =	vmul.f32 v45, v9  }
0x15a: {  	v13 =	vadd.f32 v58, v13;
	v15 =	vld [tilespmem:s15+$0x420];
	[tilespmem:s14+$0x860] =	vst v12;
	v12 =	vperm.xlane v8, v2;
	v8 =	vmul.f32 v4, v8  }
0x15b: {  	v1 =	vadd.f32 v16, v1;
	v16 =	vperm.xlane v0, v2;
	v49 =	vadd.f32 v22, v23  }
0x15c: {  	v22 =	vsub.f32 v23, v22;
	v59 =	vperm.xlane v11, v39;
	v11 =	vmul.f32 v45, v11  }
0x15d: {  	v0 =	vmul.f32 v4, v0;
	v10 =	vadd.f32 v14, v10;
	v9 =	vadd.f32 v60, v9  }
0x15e: {  	v18 =	vld [tilespmem:s15+$0x430];
	[tilespmem:s14+$0x870] =	vst v17;
	v8 =	vadd.f32 v12, v8;
	v11 =	vadd.f32 v59, v11  }
0x15f: {  	v17 =	vld [tilespmem:s15+$0x440];
	[tilespmem:s14+$0xA00] =	vst v13;
	v0 =	vadd.f32 v16, v0;
	v13 =	vsub.f32 v25, v26  }
0x160: {  	v16 =	vadd.f32 v28, v27;
	v56 =	vadd.f32 v49, v47;
	v12 =	vld [tilespmem:s15+$0x450];
	[tilespmem:s14+$0xA10] =	vst v11  }
0x161: {  	v38 =	vsub.f32 v47, v49;
	v57 =	vadd.f32 v22, v21;
	v14 =	vld [tilespmem:s15+$0x460];
	[tilespmem:s14+$0xA20] =	vst v9  }
0x162: {  	v11 =	vadd.f32 v26, v25;
	v25 =	vsub.f32 v27, v28;
	v9 =	vld [tilespmem:s15+$0x470]  }
0x163: {  	v26 =	vadd.f32 v30, v29;
	v27 =	vsub.f32 v29, v30;
	v28 =	vld [tilespmem:s15+$0x600]  }
0x164: {  	v29 =	vadd.f32 v46, v31;
	v30 =	vsub.f32 v31, v46;
	v31 =	vld [tilespmem:s15+$0x610]  }
0x165: {  	v21 =	vsub.f32 v21, v22;
	v50 =	vadd.f32 v20, v19;
	v62 =	vld [tilespmem:s15+$0x620]  }
0x166: {  	v19 =	vsub.f32 v19, v20;
	v33 =	vadd.f32 v57, v55;
	v46 =	vld [tilespmem:s15+$0x630]  }
0x167: {  	v36 =	vsub.f32 v55, v57;
	v51 =	vadd.f32 v18, v15;
	v48 =	vld [tilespmem:s15+$0x640]  }
0x168: {  	v15 =	vsub.f32 v15, v18;
	v23 =	vld [tilespmem:s15+$0x650];
	v52 =	vadd.f32 v12, v17  }
0x169: {  	v20 =	vld [tilespmem:s15+$0x660];
	v12 =	vsub.f32 v17, v12;
	v22 =	vadd.f32 v51, v50  }
0x16a: {  	v18 =	vld [tilespmem:s15+$0x670];
	v40 =	vsub.f32 v50, v51;
	v58 =	vadd.f32 v15, v19  }
0x16b: {  	v15 =	vsub.f32 v19, v15;
	v17 =	vadd.f32 v9, v14  }
0x16c: {  	v9 =	vsub.f32 v14, v9;
	v14 =	vadd.f32 v31, v28  }
0x16d: {  	v28 =	vsub.f32 v28, v31;
	v31 =	vadd.f32 v46, v62  }
0x16e: {  	v34 =	vsub.f32 v62, v46;
	v53 =	vadd.f32 v23, v48  }
0x16f: {  	v23 =	vsub.f32 v48, v23;
	v54 =	vadd.f32 v18, v20  }
0x170: {  	v18 =	vsub.f32 v20, v18;
	v20 =	vadd.f32 v16, v11  }
0x171: {  	v11 =	vsub.f32 v11, v16;
	v16 =	vadd.f32 v25, v13  }
0x172: {  	v13 =	vsub.f32 v13, v25;
	v25 =	vadd.f32 v29, v26  }
0x173: {  	v26 =	vsub.f32 v26, v29;
	v29 =	vadd.f32 v30, v27  }
0x174: {  	v27 =	vsub.f32 v27, v30;
	v30 =	vadd.f32 v63, v61  }
0x175: {  	v62 =	vadd.f32 v38, v32;
	v32 =	vsub.f32 v32, v38  }
0x176: {  	v63 =	vadd.f32 v21, v24;
	v21 =	vsub.f32 v24, v21  }
0x177: {  	v19 =	vadd.f32 v17, v52;
	v17 =	vsub.f32 v52, v17  }
0x178: {  	v59 =	vadd.f32 v9, v12;
	v9 =	vsub.f32 v12, v9  }
0x179: {  	v12 =	vadd.f32 v31, v14;
	v14 =	vsub.f32 v14, v31  }
0x17a: {  	v31 =	vadd.f32 v34, v28;
	v28 =	vsub.f32 v28, v34  }
0x17b: {  	v60 =	vadd.f32 v54, v53;
	v35 =	vsub.f32 v53, v54  }
0x17c: {  	v61 =	vadd.f32 v18, v23;
	v18 =	vsub.f32 v23, v18  }
0x17d: {  	v23 =	vadd.f32 v25, v20;
	v20 =	vsub.f32 v20, v25  }
0x17e: {  	v25 =	vadd.f32 v29, v16;
	v16 =	vsub.f32 v16, v29  }
0x17f: {  	v29 =	vadd.f32 v26, v11;
	v11 =	vsub.f32 v11, v26  }
0x180: {  	v26 =	vadd.f32 v27, v13;
	v13 =	vsub.f32 v13, v27  }
0x181: {  	v55 =	vperm.xlane v0, v39;
	v27 =	vadd.f32 v56, v30;
	v30 =	vsub.f32 v30, v56  }
0x182: {  	v54 =	vperm.xlane v10, v39;
	v10 =	vmul.f32 v45, v10;
	v24 =	vadd.f32 v19, v22  }
0x183: {  	v0 =	vmul.f32 v45, v0;
	v19 =	vsub.f32 v22, v19;
	v41 =	vsub.f32 v58, v59  }
0x184: {  	[tilespmem:$0x1FD90] =	vst v10;
	v10 =	vadd.f32 v60, v12;
	v12 =	vsub.f32 v12, v60  }
0x185: {  	[tilespmem:$0x1FDD0] =	vst v0;
	v22 =	vperm.xlane v1, v39;
	v56 =	vadd.f32 v27, v23;
	v0 =	vadd.f32 v33, v25  }
0x186: {  	v1 =	vmul.f32 v45, v1;
	v57 =	vadd.f32 v63, v26;
	v60 =	vadd.f32 v32, v11  }
0x187: {  	v23 =	vsub.f32 v23, v27;
	v25 =	vsub.f32 v25, v33  }
0x188: {  	v26 =	vsub.f32 v26, v63;
	[tilespmem:$0x1FD70] =	vst v1;
	v1 =	vadd.f32 v17, v40  }
0x189: {  	v17 =	vsub.f32 v40, v17;
	v40 =	vadd.f32 v9, v15  }
0x18a: {  	v9 =	vsub.f32 v15, v9;
	v15 =	vperm.xlane v8, v39;
	v8 =	vmul.f32 v45, v8  }
0x18b: {  	v11 =	vsub.f32 v11, v32;
	v37 =	vperm.xlane v56, v5;
	v34 =	vmul.f32 v6, v56  }
0x18c: {  	[tilespmem:$0x1FD60] =	vst v22;
	v22 =	vadd.f32 v59, v58;
	v43 =	vperm.xlane v0, v5;
	v0 =	vmul.f32 v6, v0  }
0x18d: {  	v58 =	vadd.f32 v30, v20;
	v47 =	vperm.xlane v57, v5;
	v42 =	vmul.f32 v6, v57  }
0x18e: {  	v59 =	vadd.f32 v36, v16;
	v27 =	vperm.xlane v60, v5;
	v48 =	vmul.f32 v6, v60  }
0x18f: {  	v52 =	vperm.xlane v23, v5;
	v23 =	vmul.f32 v6, v23;
	v20 =	vsub.f32 v20, v30  }
0x190: {  	v38 =	vperm.xlane v25, v5;
	v16 =	vsub.f32 v16, v36;
	v63 =	vadd.f32 v10, v24  }
0x191: {  	v25 =	vmul.f32 v6, v25;
	v10 =	vsub.f32 v24, v10;
	[tilespmem:$0x1FDA0] =	vst v15;
	v15 =	vadd.f32 v61, v31  }
0x192: {  	v36 =	vperm.xlane v26, v5;
	v31 =	vsub.f32 v31, v61;
	[tilespmem:$0x1FDB0] =	vst v8;
	v8 =	vadd.f32 v35, v14  }
0x193: {  	v26 =	vmul.f32 v6, v26;
	v14 =	vsub.f32 v14, v35;
	v35 =	vadd.f32 v18, v28  }
0x194: {  	v18 =	vsub.f32 v28, v18;
	v49 =	vperm.xlane v58, v5;
	v44 =	vmul.f32 v6, v58  }
0x195: {  	v28 =	vadd.f32 v62, v29;
	v51 =	vperm.xlane v59, v5;
	v46 =	vmul.f32 v6, v59  }
0x196: {  	v61 =	vadd.f32 v21, v13;
	v32 =	vperm.xlane v20, v5;
	v20 =	vmul.f32 v6, v20  }
0x197: {  	v13 =	vsub.f32 v13, v21;
	v21 =	vperm.xlane v16, v5;
	v16 =	vmul.f32 v6, v16  }
0x198: {  	v29 =	vsub.f32 v29, v62;
	v62 =	vperm.xlane v11, v5;
	v11 =	vmul.f32 v6, v11  }
0x199: {  	v57 =	vperm.xlane v63, v5;
	v53 =	vmul.f32 v6, v63;
	v34 =	vadd.f32 v37, v34  }
0x19a: {  	[tilespmem:$0x1FD80] =	vst v54;
	v42 =	vadd.f32 v47, v42;
	v27 =	vadd.f32 v27, v48;
	v54 =	vperm.xlane v28, v5  }
0x19b: {  	v23 =	vadd.f32 v52, v23;
	v28 =	vmul.f32 v6, v28;
	v33 =	vperm.xlane v61, v5  }
0x19c: {  	v25 =	vadd.f32 v38, v25;
	v50 =	vmul.f32 v6, v61;
	v30 =	vperm.xlane v29, v5  }
0x19d: {  	v29 =	vmul.f32 v6, v29;
	v59 =	vperm.xlane v13, v5;
	v60 =	vadd.f32 v15, v22  }
0x19e: {  	v13 =	vmul.f32 v6, v13;
	v56 =	vadd.f32 v8, v1;
	v58 =	vadd.f32 v35, v40  }
0x19f: {  	v15 =	vsub.f32 v22, v15;
	v1 =	vsub.f32 v1, v8;
	v48 =	vperm.xlane v34, v7  }
0x1a0: {  	v8 =	vadd.f32 v14, v17;
	v34 =	vmul.f32 v3, v34;
	v38 =	vperm.xlane v42, v7  }
0x1a1: {  	[tilespmem:$0x1FDC0] =	vst v55;
	v16 =	vadd.f32 v21, v16;
	v21 =	vmul.f32 v3, v27;
	v52 =	vperm.xlane v23, v7  }
0x1a2: {  	v35 =	vsub.f32 v40, v35;
	v23 =	vmul.f32 v3, v23;
	[tilespmem:$0x1FDF0] =	vst v59;
	v59 =	vperm.xlane v60, v5  }
0x1a3: {  	[tilespmem:$0x1FDE0] =	vst v62;
	v62 =	vadd.f32 v18, v9;
	v55 =	vmul.f32 v6, v60;
	v61 =	vperm.xlane v56, v5  }
0x1a4: {  	v24 =	vmul.f32 v6, v56;
	v56 =	vadd.f32 v31, v41;
	v22 =	vperm.xlane v58, v5  }
0x1a5: {  	v58 =	vmul.f32 v6, v58;
	v31 =	vsub.f32 v41, v31;
	v41 =	vperm.xlane v62, v5  }
0x1a6: {  	v14 =	vsub.f32 v17, v14;
	v17 =	vmul.f32 v6, v62;
	v62 =	vperm.xlane v10, v5  }
0x1a7: {  	v9 =	vsub.f32 v9, v18;
	v10 =	vmul.f32 v6, v10;
	v18 =	vperm.xlane v15, v5  }
0x1a8: {  	v0 =	vadd.f32 v43, v0;
	v15 =	vmul.f32 v6, v15;
	v37 =	vperm.xlane v1, v5  }
0x1a9: {  	v26 =	vadd.f32 v36, v26;
	v1 =	vmul.f32 v6, v1;
	v43 =	vperm.xlane v35, v5  }
0x1aa: {  	v44 =	vadd.f32 v49, v44;
	v35 =	vmul.f32 v6, v35;
	v49 =	vperm.xlane v14, v5  }
0x1ab: {  	v46 =	vadd.f32 v51, v46;
	v14 =	vmul.f32 v6, v14;
	v51 =	vperm.xlane v9, v5  }
0x1ac: {  	v9 =	vmul.f32 v6, v9;
	v33 =	vadd.f32 v33, v50;
	v50 =	vperm.xlane v0, v7  }
0x1ad: {  	v0 =	vmul.f32 v3, v0;
	v29 =	vadd.f32 v30, v29;
	v30 =	vmul.f32 v3, v42  }
0x1ae: {  	v60 =	vadd.f32 v12, v19;
	v42 =	vperm.xlane v44, v7;
	v36 =	vmul.f32 v3, v44  }
0x1af: {  	v20 =	vadd.f32 v32, v20;
	v44 =	vperm.xlane v46, v7;
	v32 =	vmul.f32 v3, v46  }
0x1b0: {  	v46 =	vperm.xlane v27, v7;
	v40 =	vperm.xlane v60, v5  }
0x1b1: {  	v12 =	vsub.f32 v19, v12;
	v60 =	vmul.f32 v6, v60;
	v63 =	vperm.xlane v56, v5  }
0x1b2: {  	v19 =	vmul.f32 v6, v56;
	v56 =	vperm.xlane v8, v5  }
0x1b3: {  	v28 =	vadd.f32 v54, v28;
	v8 =	vmul.f32 v6, v8;
	v54 =	vperm.xlane v12, v5  }
0x1b4: {  	v12 =	vmul.f32 v6, v12;
	v47 =	vperm.xlane v31, v5  }
0x1b5: {  	v53 =	vadd.f32 v57, v53;
	v31 =	vmul.f32 v6, v31;
	v5 =	vperm.xlane v28, v7  }
0x1b6: {  	v34 =	vadd.f32 v48, v34;
	v28 =	vmul.f32 v3, v28;
	v27 =	vperm.xlane v33, v7  }
0x1b7: {  	v33 =	vmul.f32 v3, v33;
	v57 =	vperm.xlane v29, v7;
	v55 =	vadd.f32 v59, v55  }
0x1b8: {  	v29 =	vmul.f32 v3, v29;
	v59 =	vperm.xlane v26, v7;
	v24 =	vadd.f32 v61, v24  }
0x1b9: {  	v26 =	vmul.f32 v3, v26;
	v61 =	vperm.xlane v20, v7;
	v22 =	vadd.f32 v22, v58  }
0x1ba: {  	v20 =	vmul.f32 v3, v20;
	v58 =	vperm.xlane v16, v7;
	v17 =	vadd.f32 v41, v17  }
0x1bb: {  	v16 =	vmul.f32 v3, v16;
	v10 =	vadd.f32 v62, v10;
	v15 =	vadd.f32 v18, v15  }
0x1bc: {  	v41 =	vmul.f32 v3, v53;
	v1 =	vadd.f32 v37, v1;
	v35 =	vadd.f32 v43, v35  }
0x1bd: {  	v6 =	vld [tilespmem:$0x1FDE0];
	v14 =	vadd.f32 v49, v14;
	[tilespmem:$0x1FE00] =	vst v54;
	v54 =	vperm.xlane v25, v7;
	v25 =	vmul.f32 v3, v25  }
0x1be: {  	v8 =	vadd.f32 v56, v8;
	v56 =	vperm.xlane v53, v7;
	v53 =	vperm.xlane v55, v7  }
0x1bf: {  	v9 =	vadd.f32 v51, v9;
	v55 =	vmul.f32 v3, v55;
	v62 =	vperm.xlane v24, v7  }
0x1c0: {  	v0 =	vadd.f32 v50, v0;
	v18 =	vmul.f32 v3, v24;
	v24 =	vperm.xlane v22, v7  }
0x1c1: {  	v22 =	vmul.f32 v3, v22;
	v31 =	vadd.f32 v47, v31;
	v47 =	vperm.xlane v17, v7  }
0x1c2: {  	v17 =	vmul.f32 v3, v17;
	v49 =	vperm.xlane v10, v7;
	v11 =	vadd.f32 v6, v11;
	v6 =	vld [tilespmem:$0x1FDF0]  }
0x1c3: {  	v36 =	vadd.f32 v42, v36;
	v10 =	vmul.f32 v3, v10;
	v51 =	vperm.xlane v15, v7  }
0x1c4: {  	v32 =	vadd.f32 v44, v32;
	v15 =	vmul.f32 v3, v15;
	v48 =	vperm.xlane v1, v7  }
0x1c5: {  	v40 =	vadd.f32 v40, v60;
	v1 =	vmul.f32 v3, v1;
	v50 =	vperm.xlane v35, v7  }
0x1c6: {  	v19 =	vadd.f32 v63, v19;
	v35 =	vmul.f32 v3, v35;
	v42 =	vperm.xlane v14, v7  }
0x1c7: {  	v14 =	vmul.f32 v3, v14;
	v44 =	vperm.xlane v9, v7;
	v13 =	vadd.f32 v6, v13;
	v6 =	vld [tilespmem:$0x1FE00]  }
0x1c8: {  	v9 =	vmul.f32 v3, v9;
	v37 =	vperm.xlane v40, v7  }
0x1c9: {  	v40 =	vmul.f32 v3, v40;
	v43 =	vperm.xlane v19, v7  }
0x1ca: {  	v30 =	vadd.f32 v38, v30;
	v19 =	vmul.f32 v3, v19;
	v38 =	vperm.xlane v31, v7  }
0x1cb: {  	v31 =	vmul.f32 v3, v31;
	v60 =	vperm.xlane v11, v7  }
0x1cc: {  	v11 =	vmul.f32 v3, v11;
	v63 =	vperm.xlane v13, v7;
	v12 =	vadd.f32 v6, v12  }
0x1cd: {  	v13 =	vmul.f32 v3, v13;
	v6 =	vperm.xlane v8, v7  }
0x1ce: {  	v28 =	vadd.f32 v5, v28;
	v8 =	vmul.f32 v3, v8;
	v5 =	vperm.xlane v12, v7  }
0x1cf: {  	v23 =	vadd.f32 v52, v23;
	v12 =	vmul.f32 v3, v12;
	v3 =	vperm.xlane v36, v2;
	_ =	sdelay $0x1  }
0x1d0: {  	v29 =	vadd.f32 v57, v29;
	[tilespmem:$0x1FE20] =	vst v3;
	v3 =	vperm.xlane v23, v2;
	_ =	sdelay $0x1  }
0x1d1: {  	v26 =	vadd.f32 v59, v26;
	[tilespmem:$0x1FE30] =	vst v3;
	v3 =	vperm.xlane v29, v2;
	_ =	sdelay $0x1  }
0x1d2: {  	v20 =	vadd.f32 v61, v20;
	[tilespmem:$0x1FE40] =	vst v3;
	v3 =	vperm.xlane v26, v2  }
0x1d3: {  	v21 =	vadd.f32 v46, v21;
	v46 =	vperm.xlane v34, v2  }
0x1d4: {  	v27 =	vadd.f32 v27, v33;
	v16 =	vadd.f32 v58, v16;
	[tilespmem:$0x1FE50] =	vst v3;
	v3 =	vperm.xlane v20, v2  }
0x1d5: {  	v33 =	vmul.f32 v4, v34;
	v34 =	vmul.f32 v4, v20;
	v20 =	vadd.f32 v37, v40  }
0x1d6: {  	v37 =	vmul.f32 v4, v16;
	[tilespmem:$0x1FE60] =	vst v3;
	v3 =	vperm.xlane v16, v2;
	v16 =	vadd.f32 v43, v19;
	_ =	sdelay $0x1  }
0x1d7: {  	v8 =	vadd.f32 v6, v8;
	v6 =	vperm.xlane v16, v2  }
0x1d8: {  	[tilespmem:$0x1FE10] =	vst v5  }
0x1d9: {  	[tilespmem:$0x1FED0] =	vst v6;
	v6 =	vld [tilespmem:$0x1FE10];
	_ =	sdelay $0x3  }
0x1da: {  	v59 =	vperm.xlane v32, v2  }
0x1db: {  	v17 =	vadd.f32 v47, v17;
	v12 =	vadd.f32 v6, v12;
	v6 =	vperm.xlane v8, v2  }
0x1dc: {  	v61 =	vperm.xlane v21, v2;
	v21 =	vmul.f32 v4, v21  }
0x1dd: {  	v52 =	vperm.xlane v28, v2;
	v10 =	vadd.f32 v49, v10;
	[tilespmem:$0x1FEE0] =	vst v6;
	v6 =	vperm.xlane v17, v2  }
0x1de: {  	v25 =	vadd.f32 v54, v25;
	v28 =	vmul.f32 v4, v28;
	v54 =	vperm.xlane v30, v2  }
0x1df: {  	v30 =	vmul.f32 v4, v30;
	v15 =	vadd.f32 v51, v15;
	[tilespmem:$0x1FEF0] =	vst v6;
	v6 =	vperm.xlane v10, v2  }
0x1e0: {  	v58 =	vperm.xlane v27, v2;
	v27 =	vmul.f32 v4, v27;
	v41 =	vadd.f32 v56, v41  }
0x1e1: {  	v53 =	vadd.f32 v53, v55;
	v1 =	vadd.f32 v48, v1;
	[tilespmem:$0x1FF00] =	vst v6;
	v6 =	vperm.xlane v15, v2  }
0x1e2: {  	v18 =	vadd.f32 v62, v18;
	v22 =	vadd.f32 v24, v22;
	v47 =	vmul.f32 v4, v41  }
0x1e3: {  	v49 =	vmul.f32 v4, v53;
	[tilespmem:$0x1FF10] =	vst v6;
	v6 =	vperm.xlane v1, v2  }
0x1e4: {  	v51 =	vmul.f32 v4, v18;
	v48 =	vmul.f32 v4, v22;
	v13 =	vadd.f32 v63, v13  }
0x1e5: {  	v56 =	vmul.f32 v4, v10;
	[tilespmem:$0x1FF20] =	vst v6;
	v6 =	vperm.xlane v12, v2  }
0x1e6: {  	v55 =	vmul.f32 v4, v1;
	[tilespmem:$0x1FE70] =	vst v3;
	v3 =	vperm.xlane v13, v2  }
0x1e7: {  	v43 =	vmul.f32 v4, v16;
	v16 =	vadd.f32 v38, v31;
	[tilespmem:$0x1FF40] =	vst v6;
	v6 =	vmul.f32 v4, v12  }
0x1e8: {  	v63 =	vperm.xlane v25, v2;
	[tilespmem:$0x1FE80] =	vst v3;
	v3 =	vperm.xlane v53, v2  }
0x1e9: {  	v25 =	vmul.f32 v4, v25;
	[tilespmem:$0x1FF50] =	vst v6;
	v6 =	vperm.xlane v16, v2  }
0x1ea: {  	v9 =	vadd.f32 v44, v9;
	v7 =	vperm.xlane v0, v2;
	v0 =	vmul.f32 v4, v0;
	[tilespmem:$0x1FE90] =	vst v3  }
0x1eb: {  	v36 =	vmul.f32 v4, v36;
	v3 =	vperm.xlane v18, v2;
	v18 =	vadd.f32 v50, v35;
	[tilespmem:$0x1FF60] =	vst v6;
	v6 =	vld [tilespmem:$0x1FE20]  }
0x1ec: {  	v23 =	vmul.f32 v4, v23;
	v5 =	vperm.xlane v41, v2;
	v10 =	vld [tilespmem:$0x1FE60]  }
0x1ed: {  	v0 =	vadd.f32 v7, v0;
	v19 =	vmul.f32 v4, v9;
	v1 =	vperm.xlane v18, v2  }
0x1ee: {  	[tilespmem:$0x1FEA0] =	vst v3;
	v3 =	vperm.xlane v22, v2;
	v22 =	vadd.f32 v46, v33;
	v57 =	vmul.f32 v4, v18  }
0x1ef: {  	v18 =	vperm.xlane v9, v2;
	v9 =	vadd.f32 v58, v27;
	[tilespmem:$0x1FF30] =	vst v1;
	v1 =	vadd.f32 v52, v28  }
0x1f0: {  	v28 =	vadd.f32 v54, v30;
	v30 =	vadd.f32 v6, v36;
	v6 =	vmul.f32 v4, v16  }
0x1f1: {  	[tilespmem:$0x1FEB0] =	vst v3;
	v46 =	vadd.f32 v10, v34;
	v34 =	vperm.xlane v9, v39;
	v38 =	vmul.f32 v45, v9;
	v9 =	vld [tilespmem:$0x1FE80]  }
0x1f2: {  	v14 =	vadd.f32 v42, v14;
	v24 =	vmul.f32 v45, v0;
	v3 =	vperm.xlane v20, v2;
	[tilespmem:$0x1FF70] =	vst v6;
	v6 =	vld [tilespmem:$0x1FE30]  }
0x1f3: {  	v13 =	vmul.f32 v4, v13;
	v53 =	vmul.f32 v4, v17  }
0x1f4: {  	v17 =	vmul.f32 v4, v14;
	[tilespmem:$0x1FEC0] =	vst v3;
	v3 =	vmul.f32 v4, v20  }
0x1f5: {  	v20 =	vperm.xlane v22, v39;
	v16 =	vperm.xlane v14, v2;
	v14 =	vadd.f32 v61, v21  }
0x1f6: {  	v21 =	vmul.f32 v45, v22;
	v22 =	vperm.xlane v0, v39;
	v0 =	vadd.f32 v63, v25  }
0x1f7: {  	v32 =	vmul.f32 v4, v32;
	v9 =	vadd.f32 v9, v13;
	v61 =	vadd.f32 v6, v23;
	v6 =	vld [tilespmem:$0x1FE50]  }
0x1f8: {  	v13 =	vadd.f32 v5, v47;
	v42 =	vperm.xlane v0, v39;
	v47 =	vmul.f32 v45, v0;
	v0 =	vld [tilespmem:$0x1FE90];
	_ =	sdelay $0x1  }
0x1f9: {  	v62 =	vmul.f32 v4, v26;
	v31 =	vadd.f32 v59, v32;
	_ =	sdelay $0x1  }
0x1fa: {  	v32 =	vmul.f32 v45, v31;
	v33 =	vmul.f32 v45, v14;
	v63 =	vadd.f32 v6, v62  }
0x1fb: {  	v6 =	vperm.xlane v31, v39;
	v31 =	vperm.xlane v14, v39;
	v14 =	vadd.f32 v0, v49;
	v0 =	vld [tilespmem:$0x1FEA0];
	_ =	sdelay $0x4  }
0x1fc: {  	v59 =	vadd.f32 v0, v51;
	v0 =	vld [tilespmem:$0x1FEB0];
	_ =	sdelay $0x3  }
0x1fd: {  	v10 =	vld [tilespmem:$0x1FE70]  }
0x1fe: {  	v36 =	vperm.xlane v61, v39;
	v41 =	vmul.f32 v45, v61;
	v61 =	vadd.f32 v0, v48;
	v0 =	vld [tilespmem:$0x1FEC0]  }
0x1ff: {  	v11 =	vadd.f32 v60, v11;
	v60 =	vmul.f32 v4, v15  }
0x200: {  	v25 =	vmul.f32 v45, v1;
	v23 =	vperm.xlane v1, v39;
	v1 =	vld [tilespmem:$0x1FE40]  }
0x201: {  	v29 =	vmul.f32 v4, v29;
	v40 =	vperm.xlane v11, v2  }
0x202: {  	v11 =	vmul.f32 v4, v11;
	v8 =	vmul.f32 v4, v8  }
0x203: {  	v35 =	vperm.xlane v46, v39;
	v52 =	vadd.f32 v10, v37;
	v10 =	vadd.f32 v0, v3;
	v3 =	vld [tilespmem:$0x1FF10]  }
0x204: {  	v11 =	vadd.f32 v40, v11;
	v26 =	vperm.xlane v28, v39;
	v7 =	vmul.f32 v45, v28;
	v4 =	vmovc v45  }
0x205: {  	v28 =	vperm.xlane v52, v39;
	v40 =	vmul.f32 v4, v46;
	v1 =	vadd.f32 v1, v29  }
0x206: {  	v46 =	vmul.f32 v4, v11;
	v27 =	vperm.xlane v30, v39  }
0x207: {  	v29 =	vmul.f32 v45, v30;
	v45 =	vperm.xlane v1, v39;
	v0 =	vld [tilespmem:$0x1FED0]  }
0x208: {  	v2 =	vmovc v39;
	v50 =	vperm.xlane v63, v39;
	v39 =	vperm.xlane v11, v39;
	v11 =	vadd.f32 v3, v60;
	v3 =	vld [tilespmem:$0x1FF20];
	_ =	sdelay $0x3  }
0x209: {  	v12 =	vadd.f32 v0, v43;
	v0 =	vld [tilespmem:$0x1FEE0]  }
0x20a: {  	v51 =	vmul.f32 v4, v63;
	v63 =	vadd.f32 v3, v55;
	v3 =	vld [tilespmem:$0x1FF30];
	_ =	sdelay $0x3  }
0x20b: {  	v5 =	vld [tilespmem:$0x1FF50];
	v60 =	vperm.xlane v61, v2  }
0x20c: {  	v15 =	vadd.f32 v0, v8;
	v8 =	vmul.f32 v4, v61;
	v61 =	vadd.f32 v3, v57;
	v3 =	vld [tilespmem:$0x1FF40]  }
0x20d: {  	v49 =	vmul.f32 v4, v1;
	v1 =	vld [tilespmem:$0x1FF00];
	_ =	sdelay $0x2  }
0x20e: {  	v44 =	vmul.f32 v4, v52;
	v52 =	vperm.xlane v13, v2;
	v0 =	vld [tilespmem:$0x1FEF0]  }
0x20f: {  	v54 =	vperm.xlane v14, v2;
	v58 =	vmul.f32 v4, v14;
	v57 =	vadd.f32 v3, v5;
	v3 =	vld [tilespmem:$0x1FF60]  }
0x210: {  	v1 =	vadd.f32 v1, v56;
	v56 =	vperm.xlane v59, v2;
	v59 =	vmul.f32 v4, v59;
	v5 =	vld [tilespmem:$0x1FF70]  }
0x211: {  	v48 =	vmul.f32 v4, v9;
	v62 =	vperm.xlane v10, v2  }
0x212: {  	v43 =	vperm.xlane v9, v2;
	v9 =	vmul.f32 v4, v10  }
0x213: {  	v10 =	vperm.xlane v12, v2;
	v0 =	vadd.f32 v0, v53;
	v53 =	vmul.f32 v4, v13  }
0x214: {  	v13 =	vmul.f32 v4, v12;
	v12 =	vperm.xlane v15, v2  }
0x215: {  	s16 =	simm.s32 $0x400;
	v15 =	vmul.f32 v4, v15;
	v14 =	vperm.xlane v0, v2;
	v55 =	vadd.f32 v3, v5  }
.LBB2_2:
0x216: {  	v37 =	vld [tilespmem:$0x1FFF0];
	v2 =	vadd.f32 v31, v33;
	v31 =	vadd.f32 v36, v41  }
0x217: {  	v30 =	vld [tilespmem:$0x1FFC0];
	v36 =	vadd.f32 v50, v51;
	v35 =	vadd.f32 v35, v40  }
0x218: {  	v4 =	vadd.f32 v28, v44;
	v53 =	vadd.f32 v52, v53  }
0x219: {  	v16 =	vadd.f32 v16, v17;
	v12 =	vadd.f32 v12, v15  }
0x21a: {  	v18 =	vadd.f32 v18, v19;
	v20 =	vadd.f32 v20, v21  }
0x21b: {  	v21 =	vadd.f32 v22, v24;
	v12 =	vmul.f32 v12, v2;
	v0 =	vmul.f32 v37, v0  }
0x21c: {  	v22 =	vadd.f32 v23, v25;
	v17 =	vperm.xlane v1, v30;
	v1 =	vmul.f32 v37, v1  }
0x21d: {  	v25 =	vadd.f32 v27, v29;
	v19 =	vperm.xlane v11, v30;
	v11 =	vmul.f32 v37, v11  }
0x21e: {  	v29 =	vadd.f32 v34, v38;
	v24 =	vperm.xlane v63, v30;
	v27 =	vmul.f32 v37, v63  }
0x21f: {  	v34 =	vadd.f32 v45, v49;
	v3 =	vperm.xlane v61, v30;
	v33 =	vmul.f32 v37, v61  }
0x220: {  	v10 =	vadd.f32 v10, v13;
	v38 =	vperm.xlane v57, v30;
	v49 =	vmul.f32 v37, v57  }
0x221: {  	v51 =	vperm.xlane v55, v30;
	v57 =	vadd.f32 v54, v58;
	v58 =	vmul.f32 v37, v55  }
0x222: {  	v2 =	vld [tilespmem:$0x1FD60];
	v61 =	vadd.f32 v56, v59;
	v63 =	vperm.xlane v16, v30;
	v13 =	vmul.f32 v37, v16  }
0x223: {  	v15 =	vmul.f32 v37, v18;
	v11 =	vadd.f32 v19, v11;
	v19 =	vadd.f32 v3, v33;
	v3 =	vld [tilespmem:$0x1FD70]  }
0x224: {  	v0 =	vadd.f32 v14, v0;
	v14 =	vperm.xlane v18, v30;
	v1 =	vadd.f32 v17, v1  }
0x225: {  	v16 =	vadd.f32 v24, v27;
	v17 =	vmul.f32 v53, v20;
	v18 =	vmul.f32 v57, v21  }
0x226: {  	v20 =	vmul.f32 v61, v22;
	v21 =	vadd.f32 v38, v49;
	v22 =	vadd.f32 v51, v58  }
0x227: {  	v14 =	vadd.f32 v14, v15;
	v15 =	vmul.f32 v16, v34;
	v16 =	vmul.f32 v19, v36  }
0x228: {  	v19 =	vmul.f32 v21, v35;
	v21 =	vmul.f32 v22, v4;
	v22 =	vadd.f32 v2, v3;
	v2 =	vld [tilespmem:$0x1FD80]  }
0x229: {  	v3 =	vld [tilespmem:$0x1FD90]  }
0x22a: {  	v8 =	vadd.f32 v60, v8;
	v23 =	vadd.f32 v26, v7  }
0x22b: {  	v9 =	vadd.f32 v62, v9  }
0x22c: {  	v26 =	vadd.f32 v6, v32;
	v8 =	vmul.f32 v8, v23  }
0x22d: {  	v32 =	vadd.f32 v42, v47;
	v39 =	vadd.f32 v39, v46;
	v9 =	vmul.f32 v9, v25  }
0x22e: {  	v10 =	vmul.f32 v10, v26;
	v8 =	vmul.f32 $3.906250000e-03, v8;
	v23 =	vadd.f32 v2, v3;
	v2 =	vld [tilespmem:$0x1FDA0]  }
0x22f: {  	v9 =	vmul.f32 $3.906250000e-03, v9;
	v12 =	vmul.f32 $3.906250000e-03, v12;
	v13 =	vadd.f32 v63, v13;
	v3 =	vld [tilespmem:$0x1FDB0]  }
0x230: {  	v0 =	vmul.f32 v0, v29;
	v1 =	vmul.f32 v1, v31  }
0x231: {  	v11 =	vmul.f32 v11, v32;
	v13 =	vmul.f32 v13, v39  }
0x232: {  	v17 =	vmul.f32 $3.906250000e-03, v17;
	v18 =	vmul.f32 $3.906250000e-03, v18  }
0x233: {  	v50 =	vadd.f32 v43, v48;
	v20 =	vmul.f32 $3.906250000e-03, v20;
	v0 =	vmul.f32 $3.906250000e-03, v0  }
0x234: {  	v1 =	vmul.f32 $3.906250000e-03, v1;
	v11 =	vmul.f32 $3.906250000e-03, v11;
	v24 =	vadd.f32 v2, v3;
	v2 =	vld [tilespmem:$0x1FDC0]  }
0x235: {  	v19 =	vmul.f32 $3.906250000e-03, v19;
	v21 =	vmul.f32 $3.906250000e-03, v21;
	v25 =	vadd.f32 v0, v12;
	v3 =	vld [tilespmem:$0x1FDD0]  }
0x236: {  	v14 =	vmul.f32 v14, v50;
	v26 =	vadd.f32 v11, v1;
	v0 =	vsub.f32 v12, v0  }
0x237: {  	v13 =	vmul.f32 $3.906250000e-03, v13;
	v1 =	vsub.f32 v1, v11;
	v11 =	vsub.f32 v19, v21  }
0x238: {  	v14 =	vmul.f32 $3.906250000e-03, v14;
	[tilespmem:s14+$0xA40] =	vst v23;
	v23 =	vadd.f32 v18, v17;
	v17 =	vsub.f32 v17, v18  }
0x239: {  	v10 =	vmul.f32 $3.906250000e-03, v10;
	[tilespmem:s14+$0xA50] =	vst v24;
	v24 =	vadd.f32 v8, v20;
	v8 =	vsub.f32 v20, v8  }
0x23a: {  	v15 =	vmul.f32 $3.906250000e-03, v15;
	[tilespmem:s14+$0xA30] =	vst v22;
	v12 =	vsub.f32 v13, v14;
	v22 =	vadd.f32 v2, v3  }
0x23b: {  	v16 =	vmul.f32 $3.906250000e-03, v16;
	v13 =	vadd.f32 v14, v13;
	v18 =	vsub.f32 v17, v8  }
0x23c: {  	v14 =	vadd.f32 v24, v23;
	[tilespmem:s14+$0xA60] =	vst v22;
	v22 =	vadd.f32 v10, v9  }
0x23d: {  	v9 =	vsub.f32 v9, v10;
	v10 =	vsub.f32 v15, v16  }
0x23e: {  	v23 =	vsub.f32 v23, v24;
	v2 =	vsub.f32 v11, v12  }
0x23f: {  	v7 =	vld [tilespmem:$0x1FFB0];
	v20 =	vsub.f32 v9, v0;
	v3 =	vsub.f32 v1, v10  }
0x240: {  	v4 =	vld [tilespmem:$0x1FF80];
	v15 =	vadd.f32 v16, v15;
	v16 =	vadd.f32 v21, v19  }
0x241: {  	v19 =	vsub.f32 v18, v20;
	v21 =	vsub.f32 v3, v2  }
0x242: {  	v8 =	vadd.f32 v8, v17;
	v11 =	vadd.f32 v12, v11  }
0x243: {  	v5 =	vld [tilespmem:$0x1FF90];
	v17 =	vadd.f32 v25, v22;
	v24 =	vsub.f32 v19, v21  }
0x244: {  	v6 =	vld [tilespmem:$0x1FFD0];
	v22 =	vsub.f32 v22, v25;
	v0 =	vadd.f32 v0, v9  }
0x245: {  	v9 =	vadd.f32 v15, v26;
	v25 =	vperm.xlane v24, v7;
	v24 =	vmul.f32 v4, v24  }
0x246: {  	v15 =	vsub.f32 v26, v15;
	v1 =	vadd.f32 v10, v1  }
0x247: {  	v28 =	vld [tilespmem:$0x1FFA0];
	v10 =	vadd.f32 v13, v16;
	v24 =	vadd.f32 v25, v24  }
0x248: {  	v27 =	vld [tilespmem:$0x1FFE0];
	v13 =	vsub.f32 v16, v13;
	v12 =	vadd.f32 v17, v14  }
0x249: {  	v14 =	vsub.f32 v14, v17;
	v16 =	vperm.xlane v24, v6;
	v24 =	vmul.f32 v5, v24  }
0x24a: {  	v17 =	vadd.f32 v0, v8;
	v0 =	vsub.f32 v8, v0  }
0x24b: {  	v8 =	vadd.f32 v22, v23;
	v16 =	vadd.f32 v16, v24  }
0x24c: {  	v22 =	vsub.f32 v23, v22;
	v18 =	vadd.f32 v20, v18  }
0x24d: {  	v20 =	vadd.f32 v10, v9;
	v24 =	vperm.xlane v16, v27;
	v16 =	vmul.f32 v28, v16  }
0x24e: {  	v9 =	vsub.f32 v9, v10;
	v10 =	vadd.f32 v11, v1  }
0x24f: {  	v1 =	vsub.f32 v1, v11;
	v16 =	vadd.f32 v24, v16  }
0x250: {  	v23 =	vadd.f32 v13, v15;
	v13 =	vsub.f32 v15, v13  }
0x251: {  	v15 =	vadd.f32 v2, v3;
	v11 =	vperm.xlane v16, v30;
	v16 =	vmul.f32 v37, v16  }
0x252: {  	v24 =	vadd.f32 v1, v0;
	v0 =	vsub.f32 v0, v1  }
0x253: {  	v11 =	vadd.f32 v11, v16;
	v16 =	vadd.f32 v20, v12  }
0x254: {  	s14 =	smov.u32 s15;
	v12 =	vsub.f32 v12, v20;
	v20 =	vadd.f32 v10, v17  }
0x255: {  	v10 =	vsub.f32 v17, v10;
	[tilespmem:s14+$0xA70] =	vst v11;
	v11 =	vadd.f32 v23, v8  }
0x256: {  	v8 =	vsub.f32 v8, v23;
	v17 =	vperm.xlane v16, v7;
	v23 =	vadd.f32 v15, v18  }
0x257: {  	v15 =	vsub.f32 v18, v15;
	v16 =	vmul.f32 v4, v16;
	v18 =	vadd.f32 v9, v14  }
0x258: {  	v9 =	vsub.f32 v14, v9;
	v14 =	vperm.xlane v20, v7;
	v1 =	vmul.f32 v4, v20  }
0x259: {  	v20 =	vadd.f32 v13, v22;
	v13 =	vsub.f32 v22, v13;
	v22 =	vperm.xlane v11, v7  }
0x25a: {  	v19 =	vadd.f32 v21, v19;
	v11 =	vmul.f32 v4, v11;
	v21 =	vperm.xlane v23, v7  }
0x25b: {  	v16 =	vadd.f32 v16, v17;
	v17 =	vmul.f32 v4, v23;
	v23 =	vperm.xlane v18, v7  }
0x25c: {  	v1 =	vadd.f32 v1, v14;
	v14 =	vmul.f32 v4, v18;
	v18 =	vperm.xlane v24, v7  }
0x25d: {  	v11 =	vadd.f32 v11, v22;
	v22 =	vmul.f32 v4, v24;
	v24 =	vperm.xlane v20, v7  }
0x25e: {  	v17 =	vadd.f32 v17, v21;
	v20 =	vmul.f32 v4, v20;
	v21 =	vperm.xlane v19, v7  }
0x25f: {  	v14 =	vadd.f32 v14, v23;
	v19 =	vmul.f32 v4, v19;
	v23 =	vperm.xlane v12, v7  }
0x260: {  	v12 =	vmul.f32 v4, v12;
	v18 =	vadd.f32 v22, v18;
	v22 =	vperm.xlane v10, v7  }
0x261: {  	v20 =	vadd.f32 v20, v24;
	v10 =	vmul.f32 v4, v10;
	v24 =	vperm.xlane v8, v7  }
0x262: {  	v19 =	vadd.f32 v21, v19;
	v8 =	vmul.f32 v4, v8;
	v21 =	vperm.xlane v15, v7  }
0x263: {  	v12 =	vadd.f32 v23, v12;
	v15 =	vmul.f32 v4, v15;
	v23 =	vperm.xlane v9, v7  }
0x264: {  	v9 =	vmul.f32 v4, v9;
	v10 =	vadd.f32 v22, v10;
	v22 =	vperm.xlane v0, v7  }
0x265: {  	v8 =	vadd.f32 v24, v8;
	v0 =	vmul.f32 v4, v0;
	v24 =	vperm.xlane v13, v7  }
0x266: {  	v15 =	vadd.f32 v21, v15;
	v9 =	vadd.f32 v23, v9;
	v13 =	vmul.f32 v4, v13  }
0x267: {  	v21 =	vperm.xlane v16, v6;
	v16 =	vmul.f32 v5, v16;
	v0 =	vadd.f32 v22, v0  }
0x268: {  	v13 =	vadd.f32 v24, v13;
	v22 =	vperm.xlane v1, v6;
	v1 =	vmul.f32 v5, v1  }
0x269: {  	v16 =	vadd.f32 v21, v16;
	v21 =	vperm.xlane v11, v6;
	v11 =	vmul.f32 v5, v11  }
0x26a: {  	v1 =	vadd.f32 v22, v1;
	v22 =	vperm.xlane v17, v6;
	v17 =	vmul.f32 v5, v17  }
0x26b: {  	v11 =	vadd.f32 v21, v11;
	v21 =	vperm.xlane v14, v6;
	v14 =	vmul.f32 v5, v14  }
0x26c: {  	v17 =	vadd.f32 v22, v17;
	v22 =	vperm.xlane v18, v6;
	v18 =	vmul.f32 v5, v18  }
0x26d: {  	v14 =	vadd.f32 v21, v14;
	v21 =	vperm.xlane v20, v6;
	v20 =	vmul.f32 v5, v20  }
0x26e: {  	v18 =	vadd.f32 v22, v18;
	v22 =	vperm.xlane v19, v6;
	v19 =	vmul.f32 v5, v19  }
0x26f: {  	v20 =	vadd.f32 v21, v20;
	v21 =	vperm.xlane v12, v6;
	v12 =	vmul.f32 v5, v12  }
0x270: {  	v19 =	vadd.f32 v22, v19;
	v22 =	vperm.xlane v10, v6;
	v10 =	vmul.f32 v5, v10  }
0x271: {  	v12 =	vadd.f32 v21, v12;
	v21 =	vperm.xlane v8, v6;
	v8 =	vmul.f32 v5, v8  }
0x272: {  	v10 =	vadd.f32 v22, v10;
	v22 =	vperm.xlane v15, v6;
	v15 =	vmul.f32 v5, v15  }
0x273: {  	v8 =	vadd.f32 v21, v8;
	v21 =	vperm.xlane v9, v6;
	v9 =	vmul.f32 v5, v9  }
0x274: {  	v15 =	vadd.f32 v22, v15;
	v22 =	vperm.xlane v0, v6;
	v0 =	vmul.f32 v5, v0  }
0x275: {  	v9 =	vadd.f32 v21, v9;
	v21 =	vperm.xlane v13, v6;
	v13 =	vmul.f32 v5, v13  }
0x276: {  	v0 =	vadd.f32 v22, v0;
	v22 =	vperm.xlane v16, v27;
	v16 =	vmul.f32 v28, v16  }
0x277: {  	v13 =	vadd.f32 v21, v13;
	v21 =	vperm.xlane v1, v27;
	v1 =	vmul.f32 v28, v1  }
0x278: {  	v16 =	vadd.f32 v22, v16;
	v22 =	vperm.xlane v11, v27;
	v11 =	vmul.f32 v28, v11  }
0x279: {  	v1 =	vadd.f32 v21, v1;
	v21 =	vperm.xlane v17, v27;
	v17 =	vmul.f32 v28, v17  }
0x27a: {  	v11 =	vadd.f32 v22, v11;
	v22 =	vperm.xlane v14, v27;
	v14 =	vmul.f32 v28, v14  }
0x27b: {  	v17 =	vadd.f32 v21, v17;
	v21 =	vperm.xlane v18, v27;
	v18 =	vmul.f32 v28, v18  }
0x27c: {  	v14 =	vadd.f32 v22, v14;
	v22 =	vperm.xlane v20, v27;
	v20 =	vmul.f32 v28, v20  }
0x27d: {  	s15 =	sshra.s32 s16, $0x2;
	v18 =	vadd.f32 v21, v18;
	v21 =	vperm.xlane v19, v27;
	v19 =	vmul.f32 v28, v19  }
0x27e: {  	v25 =	vld [tilespmem:s15+$0x20];
	v20 =	vadd.f32 v22, v20;
	v22 =	vperm.xlane v12, v27;
	v12 =	vmul.f32 v28, v12  }
0x27f: {  	v26 =	vld [tilespmem:s15+$0x30];
	v19 =	vadd.f32 v21, v19;
	v21 =	vperm.xlane v10, v27;
	v10 =	vmul.f32 v28, v10  }
0x280: {  	v3 =	vld [tilespmem:s15+$0x40];
	v12 =	vadd.f32 v22, v12;
	v22 =	vperm.xlane v8, v27;
	v8 =	vmul.f32 v28, v8  }
0x281: {  	v2 =	vld [tilespmem:s15+$0x50];
	v10 =	vadd.f32 v21, v10;
	v21 =	vperm.xlane v15, v27;
	v15 =	vmul.f32 v28, v15  }
0x282: {  	v29 =	vld [tilespmem:s15+$0x60];
	v8 =	vadd.f32 v22, v8;
	v22 =	vperm.xlane v9, v27;
	v9 =	vmul.f32 v28, v9  }
0x283: {  	v42 =	vld [tilespmem:s15+$0x70];
	v15 =	vadd.f32 v21, v15;
	v21 =	vperm.xlane v0, v27;
	v0 =	vmul.f32 v28, v0  }
0x284: {  	v31 =	vld [tilespmem:s15+$0x200];
	v9 =	vadd.f32 v22, v9;
	v22 =	vperm.xlane v13, v27;
	v13 =	vmul.f32 v28, v13  }
0x285: {  	v43 =	vld [tilespmem:s15+$0x210];
	v0 =	vadd.f32 v21, v0;
	v21 =	vperm.xlane v16, v30;
	v16 =	vmul.f32 v37, v16  }
0x286: {  	v44 =	vld [tilespmem:s15+$0x220];
	v13 =	vadd.f32 v22, v13;
	v22 =	vperm.xlane v1, v30;
	v1 =	vmul.f32 v37, v1  }
0x287: {  	v45 =	vld [tilespmem:s15+$0x230];
	v16 =	vadd.f32 v21, v16;
	v21 =	vperm.xlane v11, v30;
	v11 =	vmul.f32 v37, v11  }
0x288: {  	v46 =	vld [tilespmem:s15+$0x240];
	v1 =	vadd.f32 v22, v1;
	v22 =	vperm.xlane v17, v30;
	v17 =	vmul.f32 v37, v17  }
0x289: {  	v23 =	vld [tilespmem:s15+$0x0];
	v11 =	vadd.f32 v21, v11;
	v21 =	vperm.xlane v14, v30;
	v14 =	vmul.f32 v37, v14  }
0x28a: {  	v24 =	vld [tilespmem:s15+$0x10];
	[tilespmem:s14+$0x800] =	vst v16;
	v17 =	vadd.f32 v22, v17;
	v22 =	vperm.xlane v18, v30;
	v18 =	vmul.f32 v37, v18  }
0x28b: {  	v16 =	vld [tilespmem:s15+$0x250];
	[tilespmem:s14+$0x810] =	vst v1;
	v14 =	vadd.f32 v21, v14;
	v21 =	vperm.xlane v20, v30;
	v20 =	vmul.f32 v37, v20  }
0x28c: {  	v1 =	vld [tilespmem:s15+$0x260];
	[tilespmem:s14+$0x820] =	vst v11;
	v18 =	vadd.f32 v22, v18;
	v22 =	vperm.xlane v19, v30;
	v19 =	vmul.f32 v37, v19  }
0x28d: {  	v11 =	vld [tilespmem:s15+$0x270];
	[tilespmem:s14+$0x830] =	vst v17;
	v20 =	vadd.f32 v21, v20;
	v21 =	vperm.xlane v12, v30;
	v12 =	vmul.f32 v37, v12  }
0x28e: {  	v17 =	vld [tilespmem:s15+$0x400];
	[tilespmem:s14+$0x840] =	vst v14;
	v19 =	vadd.f32 v22, v19;
	v22 =	vperm.xlane v10, v30;
	v10 =	vmul.f32 v37, v10  }
0x28f: {  	v14 =	vld [tilespmem:s15+$0x410];
	[tilespmem:s14+$0x850] =	vst v18;
	v12 =	vadd.f32 v21, v12  }
0x290: {  	v21 =	vperm.xlane v8, v30;
	v18 =	vld [tilespmem:s15+$0x420];
	[tilespmem:s14+$0x860] =	vst v20;
	v10 =	vadd.f32 v22, v10;
	v22 =	vperm.xlane v15, v30  }
0x291: {  	v8 =	vmul.f32 v37, v8;
	v20 =	vld [tilespmem:s15+$0x430];
	v15 =	vmul.f32 v37, v15;
	[tilespmem:s14+$0x870] =	vst v19  }
0x292: {  	v47 =	vadd.f32 v45, v44;
	v49 =	vadd.f32 v16, v46;
	v19 =	vperm.xlane v9, v30;
	[tilespmem:$0x1FD60] =	vst v22  }
0x293: {  	v16 =	vsub.f32 v46, v16;
	v8 =	vadd.f32 v21, v8;
	[tilespmem:$0x1FD70] =	vst v15  }
0x294: {  	v21 =	vperm.xlane v0, v30;
	v51 =	vadd.f32 v11, v1;
	v1 =	vsub.f32 v1, v11;
	[tilespmem:$0x1FD80] =	vst v19  }
0x295: {  	v9 =	vmul.f32 v37, v9;
	v15 =	vld [tilespmem:s15+$0x440];
	[tilespmem:s14+$0xA00] =	vst v12;
	v12 =	vadd.f32 v24, v23;
	v19 =	vsub.f32 v23, v24  }
0x296: {  	[tilespmem:$0x1FDA0] =	vst v21;
	v21 =	vadd.f32 v26, v25;
	v22 =	vsub.f32 v25, v26  }
0x297: {  	[tilespmem:$0x1FD90] =	vst v9;
	v23 =	vsub.f32 v3, v2;
	v25 =	vadd.f32 v42, v29  }
0x298: {  	v0 =	vmul.f32 v37, v0;
	v26 =	vsub.f32 v29, v42;
	v9 =	vld [tilespmem:s15+$0x450];
	[tilespmem:s14+$0xA10] =	vst v10;
	v52 =	vadd.f32 v14, v17  }
0x299: {  	v14 =	vsub.f32 v17, v14;
	v33 =	vsub.f32 v49, v51;
	v10 =	vld [tilespmem:s15+$0x460];
	[tilespmem:s14+$0xA20] =	vst v8  }
0x29a: {  	[tilespmem:$0x1FDB0] =	vst v0;
	v58 =	vadd.f32 v1, v16;
	v1 =	vsub.f32 v16, v1;
	v0 =	vld [tilespmem:s15+$0x470]  }
0x29b: {  	v8 =	vadd.f32 v2, v3;
	v2 =	vperm.xlane v13, v30;
	v50 =	vld [tilespmem:s15+$0x640];
	v53 =	vadd.f32 v20, v18  }
0x29c: {  	v3 =	vadd.f32 v43, v31;
	v11 =	vld [tilespmem:s15+$0x650];
	v18 =	vsub.f32 v18, v20  }
0x29d: {  	v17 =	vld [tilespmem:s15+$0x660];
	[tilespmem:$0x1FDC0] =	vst v2;
	v2 =	vmul.f32 v37, v13;
	v16 =	vadd.f32 v53, v52;
	v36 =	vsub.f32 v52, v53  }
0x29e: {  	v20 =	vld [tilespmem:s15+$0x670];
	v59 =	vadd.f32 v18, v14;
	v14 =	vsub.f32 v14, v18  }
0x29f: {  	[tilespmem:$0x1FDD0] =	vst v2;
	v2 =	vsub.f32 v31, v43;
	v31 =	vsub.f32 v44, v45  }
0x2a0: {  	v54 =	vadd.f32 v9, v15;
	v9 =	vsub.f32 v15, v9  }
0x2a1: {  	v15 =	vadd.f32 v0, v10;
	v0 =	vsub.f32 v10, v0  }
0x2a2: {  	v55 =	vadd.f32 v11, v50;
	v11 =	vsub.f32 v50, v11  }
0x2a3: {  	v24 =	vld [tilespmem:s15+$0x600];
	v56 =	vadd.f32 v20, v17;
	v17 =	vsub.f32 v17, v20  }
0x2a4: {  	v29 =	vld [tilespmem:s15+$0x620];
	v20 =	vadd.f32 v21, v12;
	v12 =	vsub.f32 v12, v21  }
0x2a5: {  	v13 =	vld [tilespmem:s15+$0x610];
	v21 =	vadd.f32 v22, v19;
	v19 =	vsub.f32 v19, v22  }
0x2a6: {  	v48 =	vld [tilespmem:s15+$0x630];
	v22 =	vadd.f32 v25, v8;
	v8 =	vsub.f32 v8, v25  }
0x2a7: {  	v25 =	vadd.f32 v26, v23;
	v23 =	vsub.f32 v23, v26  }
0x2a8: {  	v26 =	vadd.f32 v47, v3;
	v3 =	vsub.f32 v3, v47  }
0x2a9: {  	v57 =	vadd.f32 v31, v2;
	v2 =	vsub.f32 v2, v31  }
0x2aa: {  	v31 =	vadd.f32 v51, v49;
	v10 =	vadd.f32 v13, v24  }
0x2ab: {  	v13 =	vsub.f32 v24, v13;
	v24 =	vadd.f32 v48, v29  }
0x2ac: {  	v29 =	vsub.f32 v29, v48;
	v18 =	vadd.f32 v15, v54  }
0x2ad: {  	v15 =	vsub.f32 v54, v15;
	v60 =	vadd.f32 v0, v9  }
0x2ae: {  	v0 =	vsub.f32 v9, v0;
	v61 =	vadd.f32 v17, v11  }
0x2af: {  	v11 =	vsub.f32 v11, v17;
	v39 =	vadd.f32 v22, v20  }
0x2b0: {  	v20 =	vsub.f32 v20, v22;
	v22 =	vadd.f32 v25, v21  }
0x2b1: {  	v21 =	vsub.f32 v21, v25;
	v25 =	vadd.f32 v8, v12  }
0x2b2: {  	v8 =	vsub.f32 v12, v8;
	v12 =	vadd.f32 v23, v19  }
0x2b3: {  	v23 =	vsub.f32 v19, v23;
	v40 =	vadd.f32 v31, v26  }
0x2b4: {  	v26 =	vsub.f32 v26, v31;
	v31 =	vadd.f32 v58, v57  }
0x2b5: {  	v52 =	vsub.f32 v57, v58;
	v62 =	vadd.f32 v33, v3  }
0x2b6: {  	v3 =	vsub.f32 v3, v33;
	v63 =	vadd.f32 v1, v2  }
0x2b7: {  	v1 =	vsub.f32 v2, v1;
	v9 =	vadd.f32 v24, v10  }
0x2b8: {  	v10 =	vsub.f32 v10, v24;
	v24 =	vadd.f32 v29, v13  }
0x2b9: {  	v17 =	vadd.f32 v18, v16;
	v19 =	vsub.f32 v16, v18  }
0x2ba: {  	v41 =	vadd.f32 v60, v59;
	v18 =	vsub.f32 v59, v60  }
0x2bb: {  	v16 =	vadd.f32 v15, v36;
	v38 =	vsub.f32 v36, v15  }
0x2bc: {  	v15 =	vadd.f32 v0, v14;
	v43 =	vsub.f32 v14, v0  }
0x2bd: {  	v51 =	vadd.f32 v31, v22;
	v57 =	vadd.f32 v63, v12  }
0x2be: {  	v59 =	vadd.f32 v52, v21;
	v60 =	vadd.f32 v3, v8  }
0x2bf: {  	v12 =	vsub.f32 v12, v63;
	v21 =	vsub.f32 v21, v52  }
0x2c0: {  	v8 =	vsub.f32 v8, v3;
	v2 =	vperm.xlane v51, v7;
	v36 =	vmul.f32 v4, v51  }
0x2c1: {  	v14 =	vadd.f32 v61, v24;
	v51 =	vperm.xlane v59, v7;
	v46 =	vmul.f32 v4, v59  }
0x2c2: {  	v24 =	vsub.f32 v24, v61;
	v59 =	vperm.xlane v12, v7;
	v12 =	vmul.f32 v4, v12  }
0x2c3: {  	v61 =	vadd.f32 v1, v23;
	v1 =	vsub.f32 v23, v1  }
0x2c4: {  	v23 =	vperm.xlane v21, v7;
	v21 =	vmul.f32 v4, v21;
	v12 =	vadd.f32 v59, v12  }
0x2c5: {  	[tilespmem:$0x1F8E0] =	vst v2;
	v2 =	vperm.xlane v8, v7  }
0x2c6: {  	v21 =	vadd.f32 v23, v21;
	v23 =	vperm.xlane v12, v6  }
0x2c7: {  	[tilespmem:$0x1F8F0] =	vst v2  }
0x2c8: {  	v13 =	vsub.f32 v13, v29;
	v29 =	vadd.f32 v56, v55;
	[tilespmem:$0x1F990] =	vst v23;
	v23 =	vld [tilespmem:$0x1F8F0];
	_ =	sdelay $0x1  }
0x2c9: {  	v0 =	vadd.f32 v29, v9;
	v2 =	vperm.xlane v1, v7  }
0x2ca: {  	v34 =	vadd.f32 v11, v13;
	v11 =	vsub.f32 v13, v11;
	v8 =	vmul.f32 v4, v8  }
0x2cb: {  	v13 =	vadd.f32 v62, v25;
	v25 =	vsub.f32 v25, v62;
	[tilespmem:$0x1F900] =	vst v2  }
0x2cc: {  	v62 =	vadd.f32 v0, v17;
	v8 =	vadd.f32 v23, v8;
	v23 =	vld [tilespmem:$0x1F900];
	_ =	sdelay $0x1  }
0x2cd: {  	v2 =	vperm.xlane v62, v7  }
0x2ce: {  	v1 =	vmul.f32 v4, v1  }
0x2cf: {  	[tilespmem:$0x1F910] =	vst v2;
	v2 =	vmul.f32 v4, v62  }
0x2d0: {  	v1 =	vadd.f32 v23, v1;
	v23 =	vperm.xlane v8, v6;
	v8 =	vmul.f32 v5, v8  }
0x2d1: {  	[tilespmem:$0x1F920] =	vst v2  }
0x2d2: {  	[tilespmem:$0x1F9B0] =	vst v8;
	v8 =	vld [tilespmem:$0x1F910]  }
0x2d3: {  	[tilespmem:$0x1F9A0] =	vst v23;
	v23 =	vld [tilespmem:$0x1F920];
	_ =	sdelay $0x1  }
0x2d4: {  	v63 =	vadd.f32 v14, v41;
	_ =	sdelay $0x1  }
0x2d5: {  	v46 =	vadd.f32 v51, v46;
	v2 =	vperm.xlane v63, v7  }
0x2d6: {  	v51 =	vadd.f32 v8, v23;
	v8 =	vperm.xlane v1, v6;
	v1 =	vmul.f32 v5, v1  }
0x2d7: {  	[tilespmem:$0x1F930] =	vst v2  }
0x2d8: {  	[tilespmem:$0x1F9D0] =	vst v1;
	v1 =	vld [tilespmem:$0x1F930];
	_ =	sdelay $0x1  }
0x2d9: {  	v62 =	vadd.f32 v24, v18  }
0x2da: {  	v32 =	vsub.f32 v55, v56;
	v55 =	vmul.f32 v4, v63  }
0x2db: {  	v50 =	vadd.f32 v40, v39;
	v9 =	vsub.f32 v9, v29;
	v53 =	vperm.xlane v62, v7  }
0x2dc: {  	v62 =	vmul.f32 v4, v62;
	v55 =	vadd.f32 v1, v55;
	v1 =	vmul.f32 v5, v51  }
0x2dd: {  	v29 =	vadd.f32 v32, v10;
	v0 =	vsub.f32 v17, v0  }
0x2de: {  	v10 =	vsub.f32 v10, v32;
	v53 =	vadd.f32 v53, v62;
	[tilespmem:$0x1F9E0] =	vst v1;
	v1 =	vmul.f32 v5, v55  }
0x2df: {  	v56 =	vadd.f32 v29, v16;
	v29 =	vsub.f32 v16, v29;
	v16 =	vperm.xlane v0, v7  }
0x2e0: {  	v58 =	vadd.f32 v26, v20;
	[tilespmem:$0x1F9F0] =	vst v1;
	v1 =	vperm.xlane v53, v6  }
0x2e1: {  	v54 =	vperm.xlane v50, v7;
	v32 =	vmul.f32 v4, v50;
	[tilespmem:$0x1F940] =	vst v16;
	v2 =	vadd.f32 v10, v38  }
0x2e2: {  	v49 =	vperm.xlane v58, v7;
	v44 =	vmul.f32 v4, v58;
	v3 =	vadd.f32 v11, v43;
	[tilespmem:$0x1FA00] =	vst v1;
	v1 =	vld [tilespmem:$0x1F940]  }
0x2e3: {  	v22 =	vsub.f32 v22, v31;
	v17 =	vperm.xlane v2, v7;
	v2 =	vmul.f32 v4, v2  }
0x2e4: {  	v31 =	vperm.xlane v61, v7;
	v14 =	vsub.f32 v41, v14;
	v41 =	vperm.xlane v3, v7  }
0x2e5: {  	v3 =	vmul.f32 v4, v3;
	v0 =	vmul.f32 v4, v0;
	v2 =	vadd.f32 v17, v2  }
0x2e6: {  	v50 =	vmul.f32 v4, v61;
	v58 =	vadd.f32 v34, v15;
	v15 =	vsub.f32 v15, v34  }
0x2e7: {  	v3 =	vadd.f32 v41, v3;
	v0 =	vadd.f32 v1, v0;
	v1 =	vperm.xlane v2, v6  }
0x2e8: {  	v61 =	vperm.xlane v56, v7;
	v16 =	vperm.xlane v15, v7  }
0x2e9: {  	v56 =	vmul.f32 v4, v56;
	[tilespmem:$0x1FA10] =	vst v1;
	v1 =	vperm.xlane v3, v6  }
0x2ea: {  	v39 =	vsub.f32 v39, v40;
	v40 =	vperm.xlane v60, v7;
	[tilespmem:$0x1F950] =	vst v16  }
0x2eb: {  	v56 =	vadd.f32 v61, v56;
	v61 =	vmul.f32 v5, v0;
	[tilespmem:$0x1FA20] =	vst v1;
	v1 =	vperm.xlane v0, v6;
	v0 =	vld [tilespmem:$0x1F950]  }
0x2ec: {  	v34 =	vperm.xlane v14, v7;
	v14 =	vmul.f32 v4, v14  }
0x2ed: {  	v48 =	vmul.f32 v4, v60;
	v60 =	vadd.f32 v9, v19;
	v9 =	vsub.f32 v19, v9  }
0x2ee: {  	v15 =	vmul.f32 v4, v15;
	v14 =	vadd.f32 v34, v14  }
0x2ef: {  	v47 =	vperm.xlane v57, v7;
	v16 =	vperm.xlane v9, v7  }
0x2f0: {  	v42 =	vmul.f32 v4, v57;
	v15 =	vadd.f32 v0, v15;
	v0 =	vperm.xlane v14, v6  }
0x2f1: {  	v35 =	vperm.xlane v39, v7;
	v39 =	vmul.f32 v4, v39;
	[tilespmem:$0x1F960] =	vst v16  }
0x2f2: {  	v20 =	vsub.f32 v20, v26;
	v33 =	vperm.xlane v22, v7;
	v22 =	vmul.f32 v4, v22;
	[tilespmem:$0x1FA40] =	vst v0;
	v0 =	vld [tilespmem:$0x1F960]  }
0x2f3: {  	v19 =	vperm.xlane v29, v7;
	v29 =	vmul.f32 v4, v29  }
0x2f4: {  	v57 =	vperm.xlane v20, v7;
	v20 =	vmul.f32 v4, v20  }
0x2f5: {  	v45 =	vperm.xlane v13, v7;
	v19 =	vadd.f32 v19, v29;
	v9 =	vmul.f32 v4, v9  }
0x2f6: {  	v13 =	vmul.f32 v4, v13;
	v26 =	vperm.xlane v25, v7;
	v18 =	vsub.f32 v18, v24  }
0x2f7: {  	v25 =	vmul.f32 v4, v25;
	v24 =	vld [tilespmem:$0x1F8E0];
	v9 =	vadd.f32 v0, v9;
	v0 =	vperm.xlane v19, v6  }
0x2f8: {  	v52 =	vperm.xlane v60, v7;
	v16 =	vperm.xlane v18, v7;
	v10 =	vsub.f32 v38, v10  }
0x2f9: {  	v18 =	vmul.f32 v4, v18;
	[tilespmem:$0x1FA50] =	vst v0;
	v0 =	vperm.xlane v15, v6  }
0x2fa: {  	v11 =	vsub.f32 v43, v11;
	v60 =	vmul.f32 v4, v60;
	v38 =	vperm.xlane v10, v7  }
0x2fb: {  	v16 =	vadd.f32 v16, v18;
	v10 =	vmul.f32 v4, v10;
	[tilespmem:$0x1FA60] =	vst v0;
	v0 =	vperm.xlane v9, v6  }
0x2fc: {  	v43 =	vperm.xlane v11, v7;
	v11 =	vmul.f32 v4, v11;
	v36 =	vadd.f32 v24, v36  }
0x2fd: {  	v63 =	vperm.xlane v58, v7;
	v10 =	vadd.f32 v38, v10;
	[tilespmem:$0x1FA70] =	vst v0;
	v0 =	vperm.xlane v16, v6  }
0x2fe: {  	v58 =	vmul.f32 v4, v58;
	v4 =	vperm.xlane v36, v6  }
0x2ff: {  	[tilespmem:$0x1FA80] =	vst v0;
	v0 =	vperm.xlane v10, v6  }
0x300: {  	[tilespmem:$0x1F970] =	vst v4  }
0x301: {  	v32 =	vadd.f32 v54, v32;
	[tilespmem:$0x1FA90] =	vst v0;
	v0 =	vld [tilespmem:$0x1F970];
	_ =	sdelay $0x1  }
0x302: {  	v24 =	vperm.xlane v32, v6  }
0x303: {  	v11 =	vadd.f32 v43, v11;
	v32 =	vmul.f32 v5, v32;
	v36 =	vmul.f32 v5, v36;
	_ =	sdelay $0x1  }
0x304: {  	v32 =	vadd.f32 v24, v32;
	v36 =	vadd.f32 v0, v36;
	v0 =	vperm.xlane v11, v6  }
0x305: {  	v42 =	vadd.f32 v47, v42  }
0x306: {  	[tilespmem:$0x1FAA0] =	vst v0;
	v0 =	vperm.xlane v32, v27  }
0x307: {  	v4 =	vperm.xlane v42, v6  }
0x308: {  	[tilespmem:$0x1FAB0] =	vst v0;
	v0 =	vmul.f32 v28, v32  }
0x309: {  	[tilespmem:$0x1F980] =	vst v4  }
0x30a: {  	[tilespmem:$0x1FAC0] =	vst v0;
	v0 =	vld [tilespmem:$0x1F980];
	_ =	sdelay $0x2  }
0x30b: {  	v42 =	vmul.f32 v5, v42  }
0x30c: {  	v22 =	vadd.f32 v33, v22;
	v13 =	vadd.f32 v45, v13;
	v17 =	vmul.f32 v5, v2  }
0x30d: {  	v45 =	vperm.xlane v51, v6;
	v2 =	vld [tilespmem:$0x1F9A0];
	v42 =	vadd.f32 v0, v42;
	v0 =	vperm.xlane v36, v27  }
0x30e: {  	v51 =	vperm.xlane v55, v6;
	v55 =	vmul.f32 v5, v3;
	v3 =	vld [tilespmem:$0x1F9B0]  }
0x30f: {  	v25 =	vadd.f32 v26, v25;
	v7 =	vperm.xlane v22, v6;
	v22 =	vmul.f32 v5, v22;
	[tilespmem:$0x1FAD0] =	vst v0;
	v0 =	vld [tilespmem:$0x1F990];
	_ =	sdelay $0x1  }
0x310: {  	v22 =	vadd.f32 v7, v22;
	v4 =	vperm.xlane v25, v6;
	v25 =	vmul.f32 v5, v25  }
0x311: {  	v12 =	vmul.f32 v5, v12  }
0x312: {  	v20 =	vadd.f32 v57, v20;
	v25 =	vadd.f32 v4, v25;
	v4 =	vperm.xlane v22, v27;
	[tilespmem:$0x1F9C0] =	vst v8;
	v7 =	vld [tilespmem:$0x1F9D0]  }
0x313: {  	v12 =	vadd.f32 v0, v12;
	v0 =	vmul.f32 v28, v22;
	v22 =	vadd.f32 v2, v3;
	v3 =	vld [tilespmem:$0x1F9C0]  }
0x314: {  	v57 =	vperm.xlane v20, v6;
	v20 =	vmul.f32 v5, v20;
	_ =	sdelay $0x1  }
0x315: {  	v20 =	vadd.f32 v57, v20;
	_ =	sdelay $0x1  }
0x316: {  	v32 =	vperm.xlane v20, v27;
	v2 =	vmul.f32 v28, v20;
	v20 =	vadd.f32 v3, v7;
	v7 =	vld [tilespmem:$0x1F9E0]  }
0x317: {  	v54 =	vperm.xlane v21, v6;
	v21 =	vmul.f32 v5, v21;
	_ =	sdelay $0x1  }
0x318: {  	v21 =	vadd.f32 v54, v21  }
0x319: {  	v44 =	vadd.f32 v49, v44;
	v49 =	vperm.xlane v13, v6;
	v13 =	vmul.f32 v5, v13  }
0x31a: {  	v34 =	vperm.xlane v21, v27;
	v3 =	vmul.f32 v28, v21;
	v21 =	vadd.f32 v45, v7;
	v7 =	vld [tilespmem:$0x1F9F0]  }
0x31b: {  	v52 =	vadd.f32 v52, v60;
	v60 =	vperm.xlane v56, v6;
	v56 =	vmul.f32 v5, v56  }
0x31c: {  	v29 =	vmul.f32 v5, v11;
	v13 =	vadd.f32 v49, v13;
	v49 =	vmul.f32 v28, v36  }
0x31d: {  	v36 =	vperm.xlane v22, v27;
	v11 =	vmul.f32 v28, v22;
	v22 =	vadd.f32 v60, v56  }
0x31e: {  	v40 =	vadd.f32 v40, v48;
	v41 =	vperm.xlane v20, v27  }
0x31f: {  	v45 =	vmul.f32 v28, v20;
	v20 =	vadd.f32 v51, v7;
	v7 =	vperm.xlane v22, v27  }
0x320: {  	v35 =	vadd.f32 v35, v39;
	v39 =	vperm.xlane v40, v6;
	v58 =	vadd.f32 v63, v58  }
0x321: {  	v40 =	vmul.f32 v5, v40;
	v63 =	vperm.xlane v52, v6;
	[tilespmem:$0x1FAE0] =	vst v7;
	v7 =	vld [tilespmem:$0x1FA00]  }
0x322: {  	v52 =	vmul.f32 v5, v52;
	v62 =	vperm.xlane v58, v6  }
0x323: {  	v58 =	vmul.f32 v5, v58;
	v53 =	vmul.f32 v5, v53  }
0x324: {  	v39 =	vadd.f32 v39, v40;
	v60 =	vmul.f32 v28, v21;
	v51 =	vperm.xlane v21, v27  }
0x325: {  	v21 =	vadd.f32 v62, v58;
	v40 =	vperm.xlane v20, v27;
	v62 =	vmul.f32 v28, v20  }
0x326: {  	v20 =	vadd.f32 v63, v52;
	v63 =	vmul.f32 v28, v22;
	v22 =	vadd.f32 v7, v53;
	v7 =	vld [tilespmem:$0x1FA10];
	_ =	sdelay $0x4  }
0x327: {  	v17 =	vadd.f32 v7, v17;
	v7 =	vperm.xlane v20, v27;
	_ =	sdelay $0x1  }
0x328: {  	v31 =	vadd.f32 v31, v50;
	v50 =	vperm.xlane v46, v6;
	v46 =	vmul.f32 v5, v46;
	[tilespmem:$0x1FAF0] =	vst v7;
	v7 =	vld [tilespmem:$0x1FA20];
	_ =	sdelay $0x1  }
0x329: {  	v33 =	vperm.xlane v31, v6;
	v31 =	vmul.f32 v5, v31;
	v46 =	vadd.f32 v50, v46;
	_ =	sdelay $0x1  }
0x32a: {  	v31 =	vadd.f32 v33, v31;
	v33 =	vperm.xlane v46, v27;
	v23 =	vmul.f32 v28, v46  }
0x32b: {  	v46 =	vmul.f32 v28, v20;
	v20 =	vadd.f32 v7, v55;
	v7 =	vperm.xlane v22, v27  }
0x32c: {  	[tilespmem:$0x1FA30] =	vst v1  }
0x32d: {  	v48 =	vperm.xlane v44, v6;
	v44 =	vmul.f32 v5, v44;
	[tilespmem:$0x1FB00] =	vst v7;
	v7 =	vld [tilespmem:$0x1FA30];
	_ =	sdelay $0x1  }
0x32e: {  	v44 =	vadd.f32 v48, v44;
	_ =	sdelay $0x1  }
0x32f: {  	v24 =	vmul.f32 v28, v44;
	v38 =	vperm.xlane v44, v27  }
0x330: {  	v44 =	vperm.xlane v21, v27;
	v43 =	vmul.f32 v28, v21;
	v21 =	vadd.f32 v7, v61;
	v7 =	vld [tilespmem:$0x1FA40];
	_ =	sdelay $0x2  }
0x331: {  	v8 =	vmul.f32 v5, v14;
	_ =	sdelay $0x1  }
0x332: {  	v58 =	vperm.xlane v17, v27;
	v52 =	vmul.f32 v28, v17;
	v17 =	vadd.f32 v7, v8;
	v7 =	vld [tilespmem:$0x1FA50];
	_ =	sdelay $0x2  }
0x333: {  	v59 =	vmul.f32 v5, v19;
	_ =	sdelay $0x1  }
0x334: {  	v53 =	vperm.xlane v20, v27;
	v8 =	vmul.f32 v28, v20;
	v20 =	vadd.f32 v7, v59;
	v7 =	vld [tilespmem:$0x1FA60];
	_ =	sdelay $0x2  }
0x335: {  	v47 =	vmul.f32 v5, v15  }
0x336: {  	v14 =	vmul.f32 v5, v9  }
0x337: {  	v56 =	vperm.xlane v21, v27;
	v9 =	vmul.f32 v28, v21;
	v21 =	vadd.f32 v7, v47;
	v7 =	vld [tilespmem:$0x1FA70];
	_ =	sdelay $0x3  }
0x338: {  	v15 =	vmul.f32 v5, v10  }
0x339: {  	v10 =	vmul.f32 v28, v17;
	v59 =	vperm.xlane v17, v27;
	v17 =	vadd.f32 v7, v14;
	v7 =	vld [tilespmem:$0x1FA80];
	_ =	sdelay $0x2  }
0x33a: {  	v16 =	vmul.f32 v5, v16;
	_ =	sdelay $0x1  }
0x33b: {  	v16 =	vadd.f32 v7, v16;
	v7 =	vperm.xlane v21, v27;
	_ =	sdelay $0x1  }
0x33c: {  	[tilespmem:$0x1FB10] =	vst v7;
	v7 =	vld [tilespmem:$0x1FA90];
	_ =	sdelay $0x2  }
0x33d: {  	v18 =	vmul.f32 v28, v13  }
0x33e: {  	v19 =	vperm.xlane v13, v27;
	v61 =	vperm.xlane v20, v27  }
0x33f: {  	v13 =	vmul.f32 v28, v20;
	v20 =	vadd.f32 v7, v15;
	v7 =	vperm.xlane v17, v27;
	_ =	sdelay $0x1  }
0x340: {  	[tilespmem:$0x1FB20] =	vst v7;
	v7 =	vld [tilespmem:$0x1FAA0];
	_ =	sdelay $0x4  }
0x341: {  	v14 =	vmul.f32 v28, v21;
	v21 =	vadd.f32 v7, v29;
	v7 =	vperm.xlane v16, v27  }
0x342: {  	v55 =	vmul.f32 v28, v16;
	v16 =	vld [tilespmem:$0x1FAC0]  }
0x343: {  	v26 =	vperm.xlane v35, v6;
	v35 =	vmul.f32 v5, v35;
	[tilespmem:$0x1FB30] =	vst v7;
	v7 =	vld [tilespmem:$0x1FAB0];
	_ =	sdelay $0x1  }
0x344: {  	v26 =	vadd.f32 v26, v35;
	v35 =	vperm.xlane v39, v27  }
0x345: {  	v39 =	vmul.f32 v28, v39;
	v57 =	vperm.xlane v25, v27  }
0x346: {  	v50 =	vperm.xlane v42, v27;
	v42 =	vmul.f32 v28, v42  }
0x347: {  	v33 =	vadd.f32 v33, v23;
	v48 =	vmul.f32 v28, v22;
	v22 =	vadd.f32 v7, v16;
	v7 =	vld [tilespmem:$0x1FAD0]  }
0x348: {  	v5 =	vperm.xlane v26, v27;
	v26 =	vmul.f32 v28, v26;
	v42 =	vadd.f32 v50, v42  }
0x349: {  	v1 =	vmul.f32 v28, v25;
	v6 =	vperm.xlane v31, v27;
	v0 =	vadd.f32 v4, v0  }
0x34a: {  	v50 =	vadd.f32 v5, v26;
	v26 =	vperm.xlane v42, v30;
	v54 =	vperm.xlane v12, v27  }
0x34b: {  	v1 =	vadd.f32 v57, v1;
	v12 =	vmul.f32 v28, v12;
	v47 =	vmul.f32 v37, v0  }
0x34c: {  	v25 =	vadd.f32 v7, v49;
	v7 =	vmul.f32 v37, v42;
	v42 =	vperm.xlane v0, v30;
	v0 =	vld [tilespmem:$0x1FAE0]  }
0x34d: {  	v31 =	vmul.f32 v28, v31;
	v2 =	vadd.f32 v32, v2;
	v32 =	vmul.f32 v37, v33  }
0x34e: {  	v12 =	vadd.f32 v54, v12;
	v11 =	vadd.f32 v36, v11;
	v36 =	vperm.xlane v50, v30  }
0x34f: {  	v3 =	vadd.f32 v34, v3;
	v54 =	vadd.f32 v41, v45;
	v41 =	vmul.f32 v37, v50  }
0x350: {  	v50 =	vperm.xlane v12, v30;
	v57 =	vadd.f32 v51, v60;
	v51 =	vmul.f32 v37, v12  }
0x351: {  	v60 =	vadd.f32 v40, v62;
	v40 =	vmul.f32 v37, v2;
	v12 =	vadd.f32 v0, v63;
	v0 =	vld [tilespmem:$0x1FAF0]  }
0x352: {  	v35 =	vadd.f32 v35, v39;
	v15 =	vmul.f32 v28, v17;
	v17 =	vmul.f32 v28, v20  }
0x353: {  	v29 =	vadd.f32 v19, v18;
	v19 =	vmul.f32 v28, v21;
	v28 =	vperm.xlane v3, v30  }
0x354: {  	v49 =	vadd.f32 v6, v31;
	v6 =	vperm.xlane v33, v30;
	v31 =	vperm.xlane v35, v30  }
0x355: {  	v33 =	vmul.f32 v37, v35;
	v35 =	vperm.xlane v2, v30  }
0x356: {  	v2 =	vadd.f32 v44, v43;
	v44 =	vmul.f32 v37, v3;
	v3 =	vadd.f32 v0, v46;
	v0 =	vld [tilespmem:$0x1FB00];
	_ =	sdelay $0x3  }
0x357: {  	v5 =	vadd.f32 v58, v52;
	v58 =	vmul.f32 v37, v60;
	v43 =	vperm.xlane v54, v30  }
0x358: {  	v4 =	vadd.f32 v0, v48;
	v48 =	vmul.f32 v37, v54;
	v54 =	vperm.xlane v60, v30  }
0x359: {  	v0 =	vadd.f32 v53, v8;
	v60 =	vperm.xlane v2, v30;
	v8 =	vmul.f32 v37, v2;
	v2 =	vld [tilespmem:$0x1FB10];
	_ =	sdelay $0x1  }
0x35a: {  	v39 =	vperm.xlane v11, v30;
	v45 =	vperm.xlane v1, v30  }
0x35b: {  	v38 =	vadd.f32 v38, v24;
	v52 =	vperm.xlane v57, v30;
	v18 =	vperm.xlane v21, v27  }
0x35c: {  	v23 =	vperm.xlane v29, v30;
	v16 =	vperm.xlane v20, v27  }
0x35d: {  	v27 =	vperm.xlane v38, v30;
	v63 =	vadd.f32 v61, v13;
	v61 =	vadd.f32 v2, v14;
	v2 =	vld [tilespmem:$0x1FB20]  }
0x35e: {  	v20 =	vperm.xlane v22, v30;
	v21 =	vmul.f32 v37, v22  }
0x35f: {  	v22 =	vperm.xlane v25, v30;
	v24 =	vmul.f32 v37, v25  }
0x360: {  	v25 =	vmul.f32 v37, v29;
	v29 =	vmul.f32 v37, v38  }
0x361: {  	v34 =	vperm.xlane v49, v30;
	v38 =	vmul.f32 v37, v49  }
0x362: {  	p0 =	sne.s32 s16, $0x600;
	v49 =	vmul.f32 v37, v1;
	v53 =	vmul.f32 v37, v57;
	v57 =	vadd.f32 v2, v15;
	v2 =	vld [tilespmem:$0x1FB30]  }
.Ltmp0:
0x363: {  	v1 =	vadd.f32 v56, v9;
	v56 =	vperm.xlane v12, v30;
	v46 =	vmul.f32 v37, v11;
	(pc) =	sbr.rel @p0 .LBB2_2-.Ltmp0, $4  }
0x364: {  	v11 =	vadd.f32 v59, v10;
	v59 =	vmul.f32 v37, v12;
	v12 =	vperm.xlane v5, v30  }
0x365: {  	v62 =	vperm.xlane v3, v30;
	v9 =	vmul.f32 v37, v3  }
0x366: {  	v10 =	vperm.xlane v4, v30;
	v13 =	vmul.f32 v37, v4  }
0x367: {  	s16 =	sadd.s32 $0x200, s16;
	v14 =	vperm.xlane v0, v30;
	v15 =	vmul.f32 v37, v5;
	v55 =	vadd.f32 v2, v55  }
0x368: {  	v2 =	vadd.f32 v16, v17;
	v3 =	vadd.f32 v18, v19  }
0x369: {  	v4 =	vadd.f32 v20, v21;
	v5 =	vadd.f32 v22, v24  }
0x36a: {  	v16 =	vadd.f32 v23, v25;
	v17 =	vadd.f32 v26, v7  }
0x36b: {  	v18 =	vadd.f32 v27, v29;
	v19 =	vadd.f32 v6, v32  }
0x36c: {  	v37 =	vadd.f32 v31, v33;
	v53 =	vadd.f32 v52, v53  }
0x36d: {  	v54 =	vadd.f32 v54, v58;
	v58 =	vadd.f32 v56, v59  }
0x36e: {  	v8 =	vadd.f32 v60, v8;
	v9 =	vadd.f32 v62, v9  }
0x36f: {  	v10 =	vadd.f32 v10, v13;
	v31 =	vld [tilespmem:$0x1FFF0];
	v4 =	vmul.f32 v53, v4;
	v5 =	vmul.f32 v54, v5  }
0x370: {  	v30 =	vld [tilespmem:$0x1FFC0];
	v12 =	vadd.f32 v12, v15;
	v62 =	vmul.f32 v58, v16;
	v8 =	vmul.f32 v8, v17  }
0x371: {  	v29 =	vmul.f32 v9, v18;
	v33 =	vmul.f32 v10, v19  }
0x372: {  	v38 =	vadd.f32 v34, v38;
	v12 =	vmul.f32 v12, v37;
	v4 =	vmul.f32 $3.906250000e-03, v4  }
0x373: {  	v41 =	vadd.f32 v36, v41;
	v5 =	vmul.f32 $3.906250000e-03, v5;
	v56 =	vmul.f32 $3.906250000e-03, v8  }
0x374: {  	v23 =	vadd.f32 v42, v47;
	v13 =	vmul.f32 $3.906250000e-03, v29;
	v15 =	vmul.f32 $3.906250000e-03, v33  }
0x375: {  	v49 =	vadd.f32 v45, v49;
	v0 =	vmul.f32 v31, v0;
	v59 =	vperm.xlane v1, v30  }
0x376: {  	v32 =	vadd.f32 v35, v40;
	v60 =	vmul.f32 v31, v1;
	v36 =	vperm.xlane v11, v30  }
0x377: {  	v35 =	vadd.f32 v39, v46;
	v52 =	vld [tilespmem:$0x1FD80];
	v37 =	vmul.f32 v31, v11;
	v39 =	vperm.xlane v63, v30  }
0x378: {  	v51 =	vadd.f32 v50, v51;
	v53 =	vld [tilespmem:$0x1FD90];
	v40 =	vmul.f32 v31, v63;
	v42 =	vmul.f32 v31, v61  }
0x379: {  	v34 =	vadd.f32 v28, v44;
	v44 =	vmul.f32 v31, v57;
	v45 =	vperm.xlane v55, v30  }
0x37a: {  	v46 =	vmul.f32 v31, v55;
	v47 =	vperm.xlane v2, v30;
	v0 =	vadd.f32 v14, v0  }
0x37b: {  	v2 =	vmul.f32 v31, v2;
	v1 =	vadd.f32 v59, v60;
	v11 =	vadd.f32 v36, v37  }
0x37c: {  	v12 =	vmul.f32 $3.906250000e-03, v12;
	v19 =	vadd.f32 v39, v40;
	v21 =	vadd.f32 v45, v46  }
0x37d: {  	v54 =	vld [tilespmem:$0x1FDA0];
	v2 =	vadd.f32 v47, v2;
	v10 =	vadd.f32 v52, v53;
	v14 =	vmul.f32 $3.906250000e-03, v62  }
0x37e: {  	v55 =	vld [tilespmem:$0x1FDB0];
	v59 =	vadd.f32 v5, v4;
	v0 =	vmul.f32 v0, v38;
	v1 =	vmul.f32 v1, v41  }
0x37f: {  	v38 =	vadd.f32 v43, v48;
	v41 =	vperm.xlane v61, v30;
	v43 =	vperm.xlane v57, v30  }
0x380: {  	v4 =	vsub.f32 v4, v5;
	v48 =	vperm.xlane v3, v30;
	v3 =	vmul.f32 v31, v3  }
0x381: {  	v11 =	vmul.f32 v11, v23;
	v19 =	vmul.f32 v19, v49;
	v60 =	vadd.f32 v56, v14  }
0x382: {  	v21 =	vmul.f32 v21, v34;
	v61 =	vadd.f32 v15, v13;
	v13 =	vsub.f32 v13, v15  }
0x383: {  	v2 =	vmul.f32 v2, v35;
	v9 =	vadd.f32 v54, v55;
	v16 =	vadd.f32 v41, v42  }
0x384: {  	v58 =	vld [tilespmem:$0x1FDD0];
	v20 =	vadd.f32 v43, v44;
	v0 =	vmul.f32 $3.906250000e-03, v0;
	v1 =	vmul.f32 $3.906250000e-03, v1  }
0x385: {  	v57 =	vld [tilespmem:$0x1FDC0];
	v3 =	vadd.f32 v48, v3;
	v11 =	vmul.f32 $3.906250000e-03, v11;
	v19 =	vmul.f32 $3.906250000e-03, v19  }
0x386: {  	v21 =	vmul.f32 $3.906250000e-03, v21;
	v2 =	vmul.f32 $3.906250000e-03, v2;
	v42 =	vadd.f32 v60, v59  }
0x387: {  	v18 =	vsub.f32 v59, v60;
	v49 =	vmul.f32 v16, v51;
	v62 =	vadd.f32 v0, v12  }
0x388: {  	v20 =	vmul.f32 v20, v32;
	v63 =	vadd.f32 v11, v1;
	v32 =	vsub.f32 v14, v56  }
0x389: {  	v3 =	vmul.f32 v3, v38;
	v0 =	vsub.f32 v12, v0;
	v1 =	vsub.f32 v1, v11  }
0x38a: {  	v8 =	vadd.f32 v57, v58;
	v22 =	vmul.f32 $3.906250000e-03, v49;
	v36 =	vsub.f32 v4, v32  }
0x38b: {  	v20 =	vmul.f32 $3.906250000e-03, v20;
	v37 =	vsub.f32 v13, v0;
	v4 =	vadd.f32 v32, v4  }
0x38c: {  	v3 =	vmul.f32 $3.906250000e-03, v3;
	v44 =	vadd.f32 v62, v61;
	v24 =	vsub.f32 v61, v62  }
0x38d: {  	v50 =	vld [tilespmem:$0x1FD60];
	v0 =	vadd.f32 v0, v13;
	v33 =	vsub.f32 v19, v22  }
0x38e: {  	v51 =	vld [tilespmem:$0x1FD70];
	v34 =	vsub.f32 v20, v21;
	v35 =	vsub.f32 v2, v3  }
0x38f: {  	v19 =	vadd.f32 v22, v19;
	v20 =	vadd.f32 v21, v20  }
0x390: {  	v40 =	vsub.f32 v36, v37;
	v2 =	vadd.f32 v3, v2  }
0x391: {  	v49 =	vadd.f32 v44, v42;
	v3 =	vsub.f32 v42, v44  }
0x392: {  	v52 =	vadd.f32 v24, v18;
	v18 =	vsub.f32 v18, v24  }
0x393: {  	v15 =	vadd.f32 v37, v36;
	v16 =	vadd.f32 v50, v51  }
0x394: {  	v51 =	vadd.f32 v0, v4;
	v0 =	vsub.f32 v4, v0  }
0x395: {  	v38 =	vsub.f32 v1, v33;
	v39 =	vsub.f32 v34, v35  }
0x396: {  	v46 =	vadd.f32 v19, v63;
	v19 =	vsub.f32 v63, v19  }
0x397: {  	v1 =	vadd.f32 v33, v1;
	v47 =	vadd.f32 v2, v20  }
0x398: {  	v2 =	vsub.f32 v20, v2;
	v12 =	vadd.f32 v35, v34  }
0x399: {  	v41 =	vsub.f32 v38, v39;
	v53 =	vadd.f32 v47, v46  }
0x39a: {  	v7 =	vld [tilespmem:$0x1FFB0];
	v13 =	vsub.f32 v46, v47;
	v54 =	vadd.f32 v12, v1  }
0x39b: {  	v29 =	vld [tilespmem:$0x1FF80];
	v1 =	vsub.f32 v1, v12;
	v56 =	vadd.f32 v2, v19  }
0x39c: {  	v2 =	vsub.f32 v19, v2;
	v57 =	vadd.f32 v39, v38  }
0x39d: {  	v43 =	vsub.f32 v40, v41;
	v58 =	vadd.f32 v53, v49  }
0x39e: {  	v14 =	vsub.f32 v49, v53;
	v59 =	vadd.f32 v54, v51  }
0x39f: {  	v20 =	vsub.f32 v51, v54;
	v60 =	vadd.f32 v56, v52;
	v45 =	vperm.xlane v43, v7  }
0x3a0: {  	v61 =	vadd.f32 v57, v15;
	v23 =	vmul.f32 v29, v43;
	v28 =	vperm.xlane v58, v7  }
0x3a1: {  	v62 =	vadd.f32 v13, v3;
	v32 =	vperm.xlane v59, v7;
	v17 =	vmul.f32 v29, v59  }
0x3a2: {  	v63 =	vadd.f32 v1, v0;
	v33 =	vperm.xlane v60, v7;
	v34 =	vperm.xlane v61, v7  }
0x3a3: {  	v27 =	vadd.f32 v2, v18;
	v12 =	vmul.f32 v29, v61;
	v35 =	vperm.xlane v62, v7  }
0x3a4: {  	v21 =	vadd.f32 v41, v40;
	v19 =	vmul.f32 v29, v62;
	v36 =	vperm.xlane v63, v7  }
0x3a5: {  	v3 =	vsub.f32 v3, v13;
	v13 =	vmul.f32 v29, v63;
	v37 =	vperm.xlane v27, v7  }
0x3a6: {  	v0 =	vsub.f32 v0, v1;
	v1 =	vmul.f32 v29, v27;
	v38 =	vperm.xlane v21, v7  }
0x3a7: {  	v4 =	vsub.f32 v52, v56;
	v21 =	vmul.f32 v29, v21;
	v39 =	vperm.xlane v14, v7  }
0x3a8: {  	v15 =	vsub.f32 v15, v57;
	v14 =	vmul.f32 v29, v14;
	v40 =	vperm.xlane v20, v7  }
0x3a9: {  	v20 =	vmul.f32 v29, v20;
	v41 =	vperm.xlane v4, v7  }
0x3aa: {  	v26 =	vld [tilespmem:$0x1FFD0];
	v4 =	vmul.f32 v29, v4;
	v42 =	vperm.xlane v15, v7  }
0x3ab: {  	v25 =	vld [tilespmem:$0x1FF90];
	v2 =	vsub.f32 v18, v2;
	v15 =	vmul.f32 v29, v15;
	v43 =	vperm.xlane v3, v7  }
0x3ac: {  	v3 =	vmul.f32 v29, v3;
	v44 =	vperm.xlane v0, v7;
	v23 =	vadd.f32 v45, v23  }
0x3ad: {  	v0 =	vmul.f32 v29, v0;
	v17 =	vadd.f32 v17, v32;
	v12 =	vadd.f32 v12, v34  }
0x3ae: {  	v19 =	vadd.f32 v19, v35;
	v13 =	vadd.f32 v13, v36;
	v45 =	vperm.xlane v2, v7  }
0x3af: {  	v1 =	vadd.f32 v1, v37;
	v2 =	vmul.f32 v29, v2;
	v48 =	vperm.xlane v23, v26  }
0x3b0: {  	v21 =	vadd.f32 v38, v21;
	v23 =	vmul.f32 v25, v23;
	v47 =	vperm.xlane v17, v26  }
0x3b1: {  	v14 =	vadd.f32 v39, v14;
	v17 =	vmul.f32 v25, v17;
	v49 =	vperm.xlane v12, v26  }
0x3b2: {  	v20 =	vadd.f32 v40, v20;
	v12 =	vmul.f32 v25, v12;
	v51 =	vperm.xlane v13, v26  }
0x3b3: {  	v4 =	vadd.f32 v41, v4;
	v13 =	vmul.f32 v25, v13;
	v52 =	vperm.xlane v1, v26  }
0x3b4: {  	v24 =	vld [tilespmem:$0x1FFE0];
	v15 =	vadd.f32 v42, v15;
	v1 =	vmul.f32 v25, v1;
	v53 =	vperm.xlane v21, v26  }
0x3b5: {  	v6 =	vld [tilespmem:$0x1FFA0];
	v3 =	vadd.f32 v43, v3;
	v21 =	vmul.f32 v25, v21;
	v54 =	vperm.xlane v14, v26  }
0x3b6: {  	v0 =	vadd.f32 v44, v0;
	v14 =	vmul.f32 v25, v14;
	v56 =	vperm.xlane v4, v26  }
0x3b7: {  	v4 =	vmul.f32 v25, v4;
	v57 =	vperm.xlane v15, v26;
	v50 =	vadd.f32 v48, v23  }
0x3b8: {  	v2 =	vadd.f32 v45, v2;
	v15 =	vmul.f32 v25, v15;
	v59 =	vperm.xlane v0, v26  }
0x3b9: {  	v0 =	vmul.f32 v25, v0;
	v17 =	vadd.f32 v47, v17;
	v23 =	vperm.xlane v50, v24  }
0x3ba: {  	v12 =	vadd.f32 v49, v12;
	v5 =	vmul.f32 v6, v50;
	v50 =	vperm.xlane v19, v26  }
0x3bb: {  	v1 =	vadd.f32 v52, v1;
	v19 =	vmul.f32 v25, v19;
	v62 =	vperm.xlane v17, v24  }
0x3bc: {  	v15 =	vadd.f32 v57, v15;
	v17 =	vmul.f32 v6, v17;
	v7 =	vperm.xlane v12, v24  }
0x3bd: {  	v0 =	vadd.f32 v59, v0;
	v12 =	vmul.f32 v6, v12;
	v27 =	vperm.xlane v1, v24  }
0x3be: {  	v13 =	vadd.f32 v51, v13;
	v1 =	vmul.f32 v6, v1;
	v34 =	vperm.xlane v15, v24  }
0x3bf: {  	v21 =	vadd.f32 v53, v21;
	v15 =	vmul.f32 v6, v15;
	v36 =	vperm.xlane v0, v24  }
0x3c0: {  	v0 =	vmul.f32 v6, v0;
	v5 =	vadd.f32 v23, v5;
	v23 =	vmul.f32 v29, v60  }
0x3c1: {  	v4 =	vadd.f32 v56, v4;
	v60 =	vperm.xlane v2, v26;
	v2 =	vmul.f32 v25, v2  }
0x3c2: {  	v17 =	vadd.f32 v62, v17;
	v12 =	vadd.f32 v7, v12;
	v55 =	vperm.xlane v5, v30  }
0x3c3: {  	v5 =	vmul.f32 v31, v5;
	v18 =	vadd.f32 v23, v33;
	v33 =	vperm.xlane v4, v24  }
0x3c4: {  	v15 =	vadd.f32 v34, v15;
	v4 =	vmul.f32 v6, v4;
	v39 =	vperm.xlane v17, v30  }
0x3c5: {  	v14 =	vadd.f32 v54, v14;
	v40 =	vmul.f32 v31, v17;
	v43 =	vperm.xlane v12, v30  }
0x3c6: {  	v19 =	vadd.f32 v50, v19;
	v12 =	vmul.f32 v31, v12;
	v57 =	vperm.xlane v15, v30  }
0x3c7: {  	v11 =	vadd.f32 v55, v5;
	v5 =	vmul.f32 v29, v58;
	v48 =	vperm.xlane v18, v26  }
0x3c8: {  	v1 =	vadd.f32 v27, v1;
	v18 =	vmul.f32 v25, v18;
	v55 =	vperm.xlane v20, v26  }
0x3c9: {  	v2 =	vadd.f32 v60, v2;
	v20 =	vmul.f32 v25, v20;
	v58 =	vperm.xlane v3, v26  }
0x3ca: {  	v0 =	vadd.f32 v36, v0;
	v3 =	vmul.f32 v25, v3;
	v29 =	vperm.xlane v14, v24  }
0x3cb: {  	v14 =	vmul.f32 v6, v14;
	v4 =	vadd.f32 v33, v4;
	v37 =	vperm.xlane v2, v24  }
0x3cc: {  	v2 =	vmul.f32 v6, v2;
	v5 =	vadd.f32 v5, v28;
	v28 =	vperm.xlane v21, v24  }
0x3cd: {  	v18 =	vadd.f32 v48, v18;
	v21 =	vmul.f32 v6, v21;
	v48 =	vperm.xlane v1, v30  }
0x3ce: {  	v20 =	vadd.f32 v55, v20;
	v1 =	vmul.f32 v31, v1;
	v55 =	vperm.xlane v4, v30  }
0x3cf: {  	[tilespmem:s14+$0xA40] =	vst v10;
	v3 =	vadd.f32 v58, v3;
	v4 =	vmul.f32 v31, v4;
	v58 =	vmul.f32 v31, v15  }
0x3d0: {  	[tilespmem:s14+$0xA50] =	vst v9;
	v9 =	vadd.f32 v39, v40;
	v46 =	vperm.xlane v5, v26;
	v5 =	vmul.f32 v25, v5  }
0x3d1: {  	[tilespmem:s14+$0xA60] =	vst v8;
	v14 =	vadd.f32 v29, v14;
	v63 =	vperm.xlane v18, v24;
	v18 =	vmul.f32 v6, v18  }
0x3d2: {  	[tilespmem:s14+$0xA30] =	vst v16;
	v2 =	vadd.f32 v37, v2;
	v25 =	vperm.xlane v19, v24;
	v19 =	vmul.f32 v6, v19  }
0x3d3: {  	[tilespmem:s15+$0xA70] =	vst v11;
	v11 =	vadd.f32 v43, v12;
	v26 =	vperm.xlane v13, v24;
	v13 =	vmul.f32 v6, v13  }
0x3d4: {  	v21 =	vadd.f32 v28, v21;
	v32 =	vperm.xlane v20, v24;
	v20 =	vmul.f32 v6, v20  }
0x3d5: {  	v35 =	vperm.xlane v3, v24;
	v1 =	vadd.f32 v48, v1;
	v60 =	vadd.f32 v57, v58  }
0x3d6: {  	v3 =	vmul.f32 v6, v3;
	v5 =	vadd.f32 v46, v5;
	v18 =	vadd.f32 v63, v18  }
0x3d7: {  	v19 =	vadd.f32 v25, v19;
	v13 =	vadd.f32 v26, v13;
	v49 =	vperm.xlane v21, v30  }
0x3d8: {  	[tilespmem:s15+$0x810] =	vst v9;
	v20 =	vadd.f32 v32, v20;
	v50 =	vmul.f32 v31, v21;
	v63 =	vperm.xlane v2, v30  }
0x3d9: {  	[tilespmem:s15+$0x830] =	vst v11;
	v3 =	vadd.f32 v35, v3;
	v2 =	vmul.f32 v31, v2;
	v61 =	vperm.xlane v5, v24  }
0x3da: {  	[tilespmem:s15+$0x860] =	vst v1;
	v1 =	vadd.f32 v55, v4;
	v5 =	vmul.f32 v6, v5;
	v41 =	vperm.xlane v18, v30  }
0x3db: {  	[tilespmem:s15+$0xA30] =	vst v60;
	v42 =	vmul.f32 v31, v18;
	v46 =	vperm.xlane v13, v30;
	v10 =	vadd.f32 v49, v50  }
0x3dc: {  	v47 =	vmul.f32 v31, v13;
	[tilespmem:s15+$0xA20] =	vst v1;
	v2 =	vadd.f32 v63, v2;
	v5 =	vadd.f32 v61, v5  }
0x3dd: {  	v53 =	vperm.xlane v20, v30;
	v54 =	vmul.f32 v31, v20;
	v8 =	vadd.f32 v41, v42;
	[tilespmem:s15+$0x870] =	vst v10  }
0x3de: {  	v9 =	vadd.f32 v46, v47;
	[tilespmem:s15+$0xA60] =	vst v2;
	v38 =	vperm.xlane v5, v30;
	v5 =	vmul.f32 v31, v5  }
0x3df: {  	v59 =	vperm.xlane v3, v30;
	v3 =	vmul.f32 v31, v3;
	v56 =	vadd.f32 v53, v54;
	[tilespmem:s15+$0x820] =	vst v8  }
0x3e0: {  	v44 =	vperm.xlane v19, v30;
	v45 =	vmul.f32 v31, v19;
	[tilespmem:s15+$0x850] =	vst v9;
	v5 =	vadd.f32 v38, v5  }
0x3e1: {  	v61 =	vperm.xlane v0, v30;
	v0 =	vmul.f32 v31, v0;
	v62 =	vadd.f32 v59, v3;
	[tilespmem:s15+$0xA10] =	vst v56  }
0x3e2: {  	v51 =	vperm.xlane v14, v30;
	v52 =	vmul.f32 v31, v14;
	[tilespmem:s15+$0x800] =	vst v5;
	v5 =	vadd.f32 v44, v45  }
0x3e3: {  	v0 =	vadd.f32 v61, v0;
	[tilespmem:s15+$0xA40] =	vst v62  }
0x3e4: {  	s13 =	sadd.s32 $0x1, s13;
	[tilespmem:s15+$0x840] =	vst v5;
	v5 =	vadd.f32 v51, v52  }
0x3e5: {  	p0 =	sne.s32 s13, s6;
	[tilespmem:s15+$0xA50] =	vst v0  }
.Ltmp1:
0x3e6: {  	[tilespmem:s15+$0xA00] =	vst v5;
	(pc) =	sbr.rel @p0 .LBB2_1-.Ltmp1, $4  }
0x3e7: {  	[hbm4b:s5+s7] =	stream.strided.scatter [tilespmem:s11], [sflag:$0x3], $0x400, s8, s7, $0x38;
	[tilespmem:$0xC00] =	vst v63  }
0x3e8: {  	_ =	swait.ge [sflag:s12], $0x400  }
0x3e9: {  	[sflag:s12] =	ssyncset.done $0x0  }
0x3ea: {  	[sflag:s12] =	ssyncadd.s32 $0xFFFFFC00  }
0x3eb: {  	_ =	sfence.sel $0x180000  }
0x3ec: {  	[bflag:$0x0] =	sbarrier.arrive $0xFFFF  }
0x3ed: {  	p0 =	sne.s32 s1, $0x0;
	_ =	strace $0x90000047  }
0x3ee: {  	s0 =	sadd.s32 @!p0 $0x100000, s0;
	[bflag:$0x2] =	sbarrier.arrive $0xFFFF  }
0x3ef: {  	[sflag:s0] =	ssyncadd.tile.s32 @!p0 $0x1;
	_ =	shalt  }
.Lfunc_end2:
_tile_overlayer_lowered:
.L_overlay_start_2:
0x3f0: {  	(tag) =	ssettag $0x2  }
0x3f1: {  	s0 =	rddreg [dreg:$0x0];
	s2 =	stileid.u32  }
0x3f2: {  	s1 =	rddreg [dreg:$0x1];
	p0 =	sne.s32 s2, $0x0  }
0x3f3: {  	s3 =	rddreg [dreg:$0x2];
	[bflag:$0x3] =	sbarrier.arrive $0xFFFF;
	s2 =	simm.s32 @!p0 $0x1C03  }
0x3f4: {  	[timem:s3], [sflag:s2] =	dma.local @!p0 [hbm:s0], s1  }
0x3f5: {  	s0 =	simm.s32 @!p0 $0x3  }
0x3f6: {  	_ =	swait.ge @!p0 [sflag:s0], s1  }
0x3f7: {  	s1 =	ssub.s32 @!p0 $0x0, s1;
	[sflag:s0] =	ssyncset.done @!p0 $0x0  }
0x3f8: {  	[sflag:s0] =	ssyncadd.s32 @!p0 s1  }
0x3f9: {  	[bflag:$0x3] =	sbarrier.arrive $0xFFFF  }
0x3fa: {  	_ =	shalt  }

</sc_bundles>
